<compile_context>
chip_gen: v7x
topology: tpu7x:2x2x1
jax: 0.10.2.dev20260603
libtpu: 0.0.44.dev20260713+nightly
codegen_flags: <defaults>
</compile_context>

<pallas_src>
import functools

import jax
import jax.numpy as jnp
from jax import lax
from jax.experimental import pallas as pl
from jax.experimental.pallas import tpu as pltpu
from jax.experimental.pallas import tpu_sc as plsc


def _gather_kernel(nw, b_dim, h_dim, d, bblk):
    mesh = plsc.VectorSubcoreMesh(core_axis_name="c", subcore_axis_name="s")
    nbt = b_dim // bblk

    @functools.partial(
        pl.kernel,
        mesh=mesh,
        out_type=jax.ShapeDtypeStruct((h_dim, d // 8, nbt, 8, bblk), jnp.float32),
        compiler_params=pltpu.CompilerParams(
            use_tc_tiling_on_sc=False, needs_layout_passes=False),
        scratch_types=[
            pltpu.VMEM((h_dim, bblk), jnp.int32),
            *[pltpu.VMEM((bblk, d), jnp.float32) for _ in range(4)],
            *[pltpu.VMEM((d // 8, 8, bblk + 1), jnp.float32) for _ in range(4)],
            *[pltpu.SemaphoreType.DMA for _ in range(8)],
        ],
    )
    def k(x_hbm, table_hbm, out_hbm, idx_v, *bufs_and_sems):
        gbuf = bufs_and_sems[0:4]
        tbuf = bufs_and_sems[4:8]
        gsem = bufs_and_sems[8:12]
        wsem = bufs_and_sems[12:16]
        wid = lax.axis_index("s") * 2 + lax.axis_index("c")
        pltpu.sync_copy(x_hbm.at[wid], idx_v)

        def start_gather(h, b):
            pltpu.async_copy(table_hbm.at[idx_v.at[h]], gbuf[b], gsem[b])

        def wait_gather(h, b):
            pltpu.make_async_copy(
                table_hbm.at[idx_v.at[h]], gbuf[b], gsem[b]).wait()

        def transpose(b):
            @plsc.parallel_loop(0, bblk, unroll=2)
            def _t(r):
                lanes = lax.iota(jnp.int32, 16)
                half = lanes >> 3
                i1 = lanes & 7
                i2 = jnp.full((16,), r, jnp.int32)
                for k in range(d // 16):
                    vals = gbuf[b][r, pl.ds(16 * k, 16)]
                    plsc.store_scatter(
                        tbuf[b], [half + (2 * k), i1, i2], vals)

        def start_write(h, b):
            pltpu.async_copy(
                tbuf[b].at[:, :, pl.ds(0, bblk)], out_hbm.at[h, :, wid],
                wsem[b])

        def wait_write(h, b):
            pltpu.make_async_copy(
                tbuf[b].at[:, :, pl.ds(0, bblk)], out_hbm.at[h, :, wid],
                wsem[b]).wait()

        nbuf = 4
        for b in range(nbuf):
            start_gather(b, b)
        for b in range(nbuf):
            wait_gather(b, b)
            transpose(b)
            start_write(b, b)
            start_gather(b + nbuf, b)

        def body(g, carry):
            for b in range(nbuf):
                h = nbuf * g + b
                wait_gather(h, b)
                wait_write(h - nbuf, b)
                transpose(b)
                start_write(h, b)
                start_gather(h + nbuf, b)
            return carry

        lax.fori_loop(1, h_dim // nbuf - 1, body, 0)

        last = h_dim - nbuf
        for b in range(nbuf):
            h = last + b
            wait_gather(h, b)
            wait_write(h - nbuf, b)
            transpose(b)
            start_write(h, b)
        for b in range(nbuf):
            wait_write(last + b, b)

    return k


def kernel(x, table):
    b, h = x.shape
    v, d = table.shape
    nw = 32
    bblk = b // nw
    xr = x.reshape(nw, bblk, h).transpose(0, 2, 1).astype(jnp.int32)
    out5 = _gather_kernel(nw, b, h, d, bblk)(xr, table)
    return out5.transpose(2, 4, 0, 1, 3).reshape(b, h, d)

# --- scband reference (transcript-rebuilt; emitter-appended) ---
"""Pipeline reference for scband-sentence-embedding-14121852469283 (READ-ONLY COPY).

The authoritative reference and input builder live on the scoring server;
editing this copy changes nothing except your own understanding.
"""

import jax, jax.numpy as jnp
import numpy as np

VOCAB = 1000000
EMBED_DIM = 64
BATCH = 4096
HIST = 200

def setup_inputs(seed: int = 0) -> dict:
    key = jax.random.key(seed)
    k1, k2 = jax.random.split(key)
    x = jax.random.randint(k1, (BATCH, HIST), 0, VOCAB, dtype=jnp.int64 if jax.config.jax_enable_x64 else jnp.int32)
    table = jax.random.normal(k2, (VOCAB, EMBED_DIM), dtype=jnp.float32) * 0.05
    return {"x": x, "table": table}

def reference(x, table):
    # Faithful translation of layers.Embedding: row gather from the embedding table.
    sentence = jnp.take(table, x, axis=0)
    return sentence

if __name__ == "__main__":
    import jax
    _d = setup_inputs()
    print(jax.jit(kernel)(*tuple(_d.values())))

</pallas_src>

<mosaic_0001>
#map = affine_map<(d0, d1) -> (0, 0, 0)>
#map1 = affine_map<(d0, d1) -> (0, 0)>
#map2 = affine_map<(d0, d1) -> (0, 0, 0, 0, 0)>
module attributes {stable_mosaic.version = 14 : i64} {
  func.func @k(%arg0: i32, %arg1: i32, %arg2: memref<32x200x128xi32, #tpu.memory_space<hbm>>, %arg3: memref<1000000x64xf32, #tpu.memory_space<hbm>>, %arg4: memref<200x8x32x8x128xf32, #tpu.memory_space<hbm>>, %arg5: memref<200x128xi32, #tpu.memory_space<vmem>>, %arg6: memref<128x64xf32, #tpu.memory_space<vmem>>, %arg7: memref<128x64xf32, #tpu.memory_space<vmem>>, %arg8: memref<128x64xf32, #tpu.memory_space<vmem>>, %arg9: memref<128x64xf32, #tpu.memory_space<vmem>>, %arg10: memref<8x8x129xf32, #tpu.memory_space<vmem>>, %arg11: memref<8x8x129xf32, #tpu.memory_space<vmem>>, %arg12: memref<8x8x129xf32, #tpu.memory_space<vmem>>, %arg13: memref<8x8x129xf32, #tpu.memory_space<vmem>>, %arg14: memref<!tpu.dma_semaphore, #tpu.memory_space<semaphore_mem>>, %arg15: memref<!tpu.dma_semaphore, #tpu.memory_space<semaphore_mem>>, %arg16: memref<!tpu.dma_semaphore, #tpu.memory_space<semaphore_mem>>, %arg17: memref<!tpu.dma_semaphore, #tpu.memory_space<semaphore_mem>>, %arg18: memref<!tpu.dma_semaphore, #tpu.memory_space<semaphore_mem>>, %arg19: memref<!tpu.dma_semaphore, #tpu.memory_space<semaphore_mem>>, %arg20: memref<!tpu.dma_semaphore, #tpu.memory_space<semaphore_mem>>, %arg21: memref<!tpu.dma_semaphore, #tpu.memory_space<semaphore_mem>>) attributes {dimension_semantics = [#tpu.dimension_semantics<core_parallel>, #tpu.dimension_semantics<subcore_parallel>], iteration_bounds = array<i64: 2, 16>, scalar_prefetch = 0 : i64, scratch_operands = 17 : i64, tpu.core_type = #tpu.core_type<sc_vector_subcore>, window_params = [{transform_indices = #map}, {transform_indices = #map1}, {transform_indices = #map2}]} {
    %mul3A = arith.constant 2 : i32
    %mul3A_0 = arith.muli %arg1, %mul3A : i32
    %add3A = arith.addi %mul3A_0, %arg0 : i32
    "tpu.region"() ({
      %run_scoped3A = tpu.sem_alloc : memref<!tpu.dma_semaphore, #tpu.memory_space<semaphore_mem>>
      %dma_start3A_443 = arith.constant 0 : i32
      %dma_start3A_444 = arith.constant 0 : i32
      %dma_start3A_445 = tpu.memref_slice %arg2[%add3A, %dma_start3A_443, %dma_start3A_444] : memref<32x200x128xi32, #tpu.memory_space<hbm>> -> memref<1x200x128xi32, #tpu.memory_space<hbm>>
      %dma_start3A_446 = tpu.memref_squeeze %dma_start3A_445 : memref<1x200x128xi32, #tpu.memory_space<hbm>> -> memref<200x128xi32, #tpu.memory_space<hbm>>
      %dma_start3A_447 = arith.constant 0 : i32
      %dma_start3A_448 = arith.constant 0 : i32
      %dma_start3A_449 = tpu.memref_slice %arg2[%add3A, %dma_start3A_447, %dma_start3A_448] : memref<32x200x128xi32, #tpu.memory_space<hbm>> -> memref<1x200x128xi32, #tpu.memory_space<hbm>>
      %dma_start3A_450 = tpu.memref_squeeze %dma_start3A_449 : memref<1x200x128xi32, #tpu.memory_space<hbm>> -> memref<200x128xi32, #tpu.memory_space<hbm>>
      tpu.enqueue_dma source(%dma_start3A_450 : memref<200x128xi32, #tpu.memory_space<hbm>>) target(%arg5 : memref<200x128xi32, #tpu.memory_space<vmem>>) target_semaphore(%run_scoped3A : memref<!tpu.dma_semaphore, #tpu.memory_space<semaphore_mem>>)
      %dma_wait3A_451 = arith.constant 0 : i32
      %dma_wait3A_452 = arith.constant 0 : i32
      %dma_wait3A_453 = tpu.memref_slice %arg2[%add3A, %dma_wait3A_451, %dma_wait3A_452] : memref<32x200x128xi32, #tpu.memory_space<hbm>> -> memref<1x200x128xi32, #tpu.memory_space<hbm>>
      %dma_wait3A_454 = tpu.memref_squeeze %dma_wait3A_453 : memref<1x200x128xi32, #tpu.memory_space<hbm>> -> memref<200x128xi32, #tpu.memory_space<hbm>>
      %dma_wait3A_455 = arith.constant 0 : i32
      %dma_wait3A_456 = arith.constant 0 : i32
      %dma_wait3A_457 = tpu.memref_slice %arg2[%add3A, %dma_wait3A_455, %dma_wait3A_456] : memref<32x200x128xi32, #tpu.memory_space<hbm>> -> memref<1x200x128xi32, #tpu.memory_space<hbm>>
      %dma_wait3A_458 = tpu.memref_squeeze %dma_wait3A_457 : memref<1x200x128xi32, #tpu.memory_space<hbm>> -> memref<200x128xi32, #tpu.memory_space<hbm>>
      tpu.wait_dma2 semaphore(%run_scoped3A : memref<!tpu.dma_semaphore, #tpu.memory_space<semaphore_mem>>) src(%dma_wait3A_458 : memref<200x128xi32, #tpu.memory_space<hbm>>) dst(%arg5 : memref<200x128xi32, #tpu.memory_space<vmem>>)
      tpu.yield
    }) : () -> ()
    %dma_start3A = arith.constant 0 : i32
    %dma_start3A_1 = arith.constant 0 : i32
    %dma_start3A_2 = tpu.memref_slice %arg5[%dma_start3A, %dma_start3A_1] : memref<200x128xi32, #tpu.memory_space<vmem>> -> memref<1x128xi32, #tpu.memory_space<vmem>>
    %dma_start3A_3 = tpu.memref_squeeze %dma_start3A_2 : memref<1x128xi32, #tpu.memory_space<vmem>> -> memref<128xi32, #tpu.memory_space<vmem>>
    %dma_start3A_4 = arith.constant 0 : i32
    %dma_start3A_5 = arith.constant 0 : i32
    %dma_start3A_6 = tpu.memref_slice %arg3[%dma_start3A_4, %dma_start3A_5] : memref<1000000x64xf32, #tpu.memory_space<hbm>> -> memref<1000000x64xf32, #tpu.memory_space<hbm>>
    tpu.enqueue_indirect_dma source(%dma_start3A_6 : memref<1000000x64xf32, #tpu.memory_space<hbm>>) target(%arg6 : memref<128x64xf32, #tpu.memory_space<vmem>>) offsets(%dma_start3A_3 : memref<128xi32, #tpu.memory_space<vmem>>) semaphore(%arg14 : memref<!tpu.dma_semaphore, #tpu.memory_space<semaphore_mem>>)
    %dma_start3A_7 = arith.constant 1 : i32
    %dma_start3A_8 = arith.constant 0 : i32
    %dma_start3A_9 = tpu.memref_slice %arg5[%dma_start3A_7, %dma_start3A_8] : memref<200x128xi32, #tpu.memory_space<vmem>> -> memref<1x128xi32, #tpu.memory_space<vmem>>
    %dma_start3A_10 = tpu.memref_squeeze %dma_start3A_9 : memref<1x128xi32, #tpu.memory_space<vmem>> -> memref<128xi32, #tpu.memory_space<vmem>>
    %dma_start3A_11 = arith.constant 0 : i32
    %dma_start3A_12 = arith.constant 0 : i32
    %dma_start3A_13 = tpu.memref_slice %arg3[%dma_start3A_11, %dma_start3A_12] : memref<1000000x64xf32, #tpu.memory_space<hbm>> -> memref<1000000x64xf32, #tpu.memory_space<hbm>>
    tpu.enqueue_indirect_dma source(%dma_start3A_13 : memref<1000000x64xf32, #tpu.memory_space<hbm>>) target(%arg7 : memref<128x64xf32, #tpu.memory_space<vmem>>) offsets(%dma_start3A_10 : memref<128xi32, #tpu.memory_space<vmem>>) semaphore(%arg15 : memref<!tpu.dma_semaphore, #tpu.memory_space<semaphore_mem>>)
    %dma_start3A_14 = arith.constant 2 : i32
    %dma_start3A_15 = arith.constant 0 : i32
    %dma_start3A_16 = tpu.memref_slice %arg5[%dma_start3A_14, %dma_start3A_15] : memref<200x128xi32, #tpu.memory_space<vmem>> -> memref<1x128xi32, #tpu.memory_space<vmem>>
    %dma_start3A_17 = tpu.memref_squeeze %dma_start3A_16 : memref<1x128xi32, #tpu.memory_space<vmem>> -> memref<128xi32, #tpu.memory_space<vmem>>
    %dma_start3A_18 = arith.constant 0 : i32
    %dma_start3A_19 = arith.constant 0 : i32
    %dma_start3A_20 = tpu.memref_slice %arg3[%dma_start3A_18, %dma_start3A_19] : memref<1000000x64xf32, #tpu.memory_space<hbm>> -> memref<1000000x64xf32, #tpu.memory_space<hbm>>
    tpu.enqueue_indirect_dma source(%dma_start3A_20 : memref<1000000x64xf32, #tpu.memory_space<hbm>>) target(%arg8 : memref<128x64xf32, #tpu.memory_space<vmem>>) offsets(%dma_start3A_17 : memref<128xi32, #tpu.memory_space<vmem>>) semaphore(%arg16 : memref<!tpu.dma_semaphore, #tpu.memory_space<semaphore_mem>>)
    %dma_start3A_21 = arith.constant 3 : i32
    %dma_start3A_22 = arith.constant 0 : i32
    %dma_start3A_23 = tpu.memref_slice %arg5[%dma_start3A_21, %dma_start3A_22] : memref<200x128xi32, #tpu.memory_space<vmem>> -> memref<1x128xi32, #tpu.memory_space<vmem>>
    %dma_start3A_24 = tpu.memref_squeeze %dma_start3A_23 : memref<1x128xi32, #tpu.memory_space<vmem>> -> memref<128xi32, #tpu.memory_space<vmem>>
    %dma_start3A_25 = arith.constant 0 : i32
    %dma_start3A_26 = arith.constant 0 : i32
    %dma_start3A_27 = tpu.memref_slice %arg3[%dma_start3A_25, %dma_start3A_26] : memref<1000000x64xf32, #tpu.memory_space<hbm>> -> memref<1000000x64xf32, #tpu.memory_space<hbm>>
    tpu.enqueue_indirect_dma source(%dma_start3A_27 : memref<1000000x64xf32, #tpu.memory_space<hbm>>) target(%arg9 : memref<128x64xf32, #tpu.memory_space<vmem>>) offsets(%dma_start3A_24 : memref<128xi32, #tpu.memory_space<vmem>>) semaphore(%arg17 : memref<!tpu.dma_semaphore, #tpu.memory_space<semaphore_mem>>)
    %dma_wait3A = arith.constant 0 : i32
    %dma_wait3A_28 = arith.constant 0 : i32
    %dma_wait3A_29 = tpu.memref_slice %arg5[%dma_wait3A, %dma_wait3A_28] : memref<200x128xi32, #tpu.memory_space<vmem>> -> memref<1x128xi32, #tpu.memory_space<vmem>>
    %dma_wait3A_30 = tpu.memref_squeeze %dma_wait3A_29 : memref<1x128xi32, #tpu.memory_space<vmem>> -> memref<128xi32, #tpu.memory_space<vmem>>
    %dma_wait3A_31 = arith.constant 0 : i32
    %dma_wait3A_32 = arith.constant 0 : i32
    %dma_wait3A_33 = tpu.memref_slice %arg3[%dma_wait3A_31, %dma_wait3A_32] : memref<1000000x64xf32, #tpu.memory_space<hbm>> -> memref<1000000x64xf32, #tpu.memory_space<hbm>>
    tpu.wait_indirect_dma semaphore(%arg14 : memref<!tpu.dma_semaphore, #tpu.memory_space<semaphore_mem>>) src(%dma_wait3A_33 : memref<1000000x64xf32, #tpu.memory_space<hbm>>) dst(%arg6 : memref<128x64xf32, #tpu.memory_space<vmem>>)
    %parallel_loop3A = arith.constant 0 : i32
    %parallel_loop3A_34 = arith.constant 128 : i32
    %parallel_loop3A_35 = arith.constant 1 : i32
    scf.for %parallel_loop3A_443 = %parallel_loop3A to %parallel_loop3A_34 step %parallel_loop3A_35  : i32 {
      %parallel_loop3A_444 = tpu.iota {dimensions = array<i32: 0>} : vector<16xi32>
      %parallel_loop3A_445 = arith.constant 3 : i32
      %parallel_loop3A_446 = vector.broadcast %parallel_loop3A_445 : i32 to vector<16xi32>
      %parallel_loop3A_447 = arith.shrsi %parallel_loop3A_444, %parallel_loop3A_446 : vector<16xi32>
      %parallel_loop3A_448 = arith.constant 7 : i32
      %parallel_loop3A_449 = vector.broadcast %parallel_loop3A_448 : i32 to vector<16xi32>
      %parallel_loop3A_450 = arith.andi %parallel_loop3A_444, %parallel_loop3A_449 : vector<16xi32>
      %parallel_loop3A_451 = vector.broadcast %parallel_loop3A_443 : i32 to vector<16xi32>
      %parallel_loop3A_452 = arith.index_cast %parallel_loop3A_443 : i32 to index
      %parallel_loop3A_453 = arith.constant 0 : index
      %parallel_loop3A_454 = tpu.vector_load %arg6[%parallel_loop3A_452, %parallel_loop3A_453] {strides = array<i32>} : memref<128x64xf32, #tpu.memory_space<vmem>>, vector<16xf32>,
      %parallel_loop3A_455 = arith.constant 0 : i32
      %parallel_loop3A_456 = vector.broadcast %parallel_loop3A_455 : i32 to vector<16xi32>
      %parallel_loop3A_457 = arith.addi %parallel_loop3A_447, %parallel_loop3A_456 : vector<16xi32>
      tpu.vector_store_idx %arg10[%parallel_loop3A_457, %parallel_loop3A_450, %parallel_loop3A_451], %parallel_loop3A_454 : memref<8x8x129xf32, #tpu.memory_space<vmem>>[vector<16xi32>, vector<16xi32>, vector<16xi32>], vector<16xf32>,
      %parallel_loop3A_458 = arith.index_cast %parallel_loop3A_443 : i32 to index
      %parallel_loop3A_459 = arith.constant 16 : index
      %parallel_loop3A_460 = tpu.vector_load %arg6[%parallel_loop3A_458, %parallel_loop3A_459] {strides = array<i32>} : memref<128x64xf32, #tpu.memory_space<vmem>>, vector<16xf32>,
      %parallel_loop3A_461 = arith.constant 2 : i32
      %parallel_loop3A_462 = vector.broadcast %parallel_loop3A_461 : i32 to vector<16xi32>
      %parallel_loop3A_463 = arith.addi %parallel_loop3A_447, %parallel_loop3A_462 : vector<16xi32>
      tpu.vector_store_idx %arg10[%parallel_loop3A_463, %parallel_loop3A_450, %parallel_loop3A_451], %parallel_loop3A_460 : memref<8x8x129xf32, #tpu.memory_space<vmem>>[vector<16xi32>, vector<16xi32>, vector<16xi32>], vector<16xf32>,
      %parallel_loop3A_464 = arith.index_cast %parallel_loop3A_443 : i32 to index
      %parallel_loop3A_465 = arith.constant 32 : index
      %parallel_loop3A_466 = tpu.vector_load %arg6[%parallel_loop3A_464, %parallel_loop3A_465] {strides = array<i32>} : memref<128x64xf32, #tpu.memory_space<vmem>>, vector<16xf32>,
      %parallel_loop3A_467 = arith.constant 4 : i32
      %parallel_loop3A_468 = vector.broadcast %parallel_loop3A_467 : i32 to vector<16xi32>
      %parallel_loop3A_469 = arith.addi %parallel_loop3A_447, %parallel_loop3A_468 : vector<16xi32>
      tpu.vector_store_idx %arg10[%parallel_loop3A_469, %parallel_loop3A_450, %parallel_loop3A_451], %parallel_loop3A_466 : memref<8x8x129xf32, #tpu.memory_space<vmem>>[vector<16xi32>, vector<16xi32>, vector<16xi32>], vector<16xf32>,
      %parallel_loop3A_470 = arith.index_cast %parallel_loop3A_443 : i32 to index
      %parallel_loop3A_471 = arith.constant 48 : index
      %parallel_loop3A_472 = tpu.vector_load %arg6[%parallel_loop3A_470, %parallel_loop3A_471] {strides = array<i32>} : memref<128x64xf32, #tpu.memory_space<vmem>>, vector<16xf32>,
      %parallel_loop3A_473 = arith.constant 6 : i32
      %parallel_loop3A_474 = vector.broadcast %parallel_loop3A_473 : i32 to vector<16xi32>
      %parallel_loop3A_475 = arith.addi %parallel_loop3A_447, %parallel_loop3A_474 : vector<16xi32>
      tpu.vector_store_idx %arg10[%parallel_loop3A_475, %parallel_loop3A_450, %parallel_loop3A_451], %parallel_loop3A_472 : memref<8x8x129xf32, #tpu.memory_space<vmem>>[vector<16xi32>, vector<16xi32>, vector<16xi32>], vector<16xf32>,
    } {sc.loop_unroll_factor = 2 : i64, sc.parallel_access}
    %dma_start3A_36 = arith.constant 0 : i32
    %dma_start3A_37 = arith.constant 0 : i32
    %dma_start3A_38 = arith.constant 0 : i32
    %dma_start3A_39 = arith.constant 0 : i32
    %dma_start3A_40 = tpu.memref_slice %arg10[%dma_start3A_37, %dma_start3A_38, %dma_start3A_39] : memref<8x8x129xf32, #tpu.memory_space<vmem>> -> memref<8x8x128xf32, #tpu.memory_space<vmem>>
    %dma_start3A_41 = arith.constant 0 : i32
    %dma_start3A_42 = arith.constant 0 : i32
    %dma_start3A_43 = arith.constant 0 : i32
    %dma_start3A_44 = tpu.memref_slice %arg4[%dma_start3A_36, %dma_start3A_41, %add3A, %dma_start3A_42, %dma_start3A_43] : memref<200x8x32x8x128xf32, #tpu.memory_space<hbm>> -> memref<1x8x1x8x128xf32, #tpu.memory_space<hbm>>
    %dma_start3A_45 = tpu.memref_squeeze %dma_start3A_44 : memref<1x8x1x8x128xf32, #tpu.memory_space<hbm>> -> memref<8x8x128xf32, #tpu.memory_space<hbm>>
    %dma_start3A_46 = arith.constant 0 : i32
    %dma_start3A_47 = arith.constant 0 : i32
    %dma_start3A_48 = arith.constant 0 : i32
    %dma_start3A_49 = tpu.memref_slice %arg4[%dma_start3A_36, %dma_start3A_46, %add3A, %dma_start3A_47, %dma_start3A_48] : memref<200x8x32x8x128xf32, #tpu.memory_space<hbm>> -> memref<1x8x1x8x128xf32, #tpu.memory_space<hbm>>
    %dma_start3A_50 = tpu.memref_squeeze %dma_start3A_49 : memref<1x8x1x8x128xf32, #tpu.memory_space<hbm>> -> memref<8x8x128xf32, #tpu.memory_space<hbm>>
    %dma_start3A_51 = arith.constant 0 : i32
    %dma_start3A_52 = arith.constant 0 : i32
    %dma_start3A_53 = arith.constant 0 : i32
    %dma_start3A_54 = tpu.memref_slice %arg10[%dma_start3A_51, %dma_start3A_52, %dma_start3A_53] : memref<8x8x129xf32, #tpu.memory_space<vmem>> -> memref<8x8x128xf32, #tpu.memory_space<vmem>>
    tpu.enqueue_dma source(%dma_start3A_54 : memref<8x8x128xf32, #tpu.memory_space<vmem>>) target(%dma_start3A_50 : memref<8x8x128xf32, #tpu.memory_space<hbm>>) target_semaphore(%arg18 : memref<!tpu.dma_semaphore, #tpu.memory_space<semaphore_mem>>)
    %dma_start3A_55 = arith.constant 4 : i32
    %dma_start3A_56 = arith.constant 0 : i32
    %dma_start3A_57 = tpu.memref_slice %arg5[%dma_start3A_55, %dma_start3A_56] : memref<200x128xi32, #tpu.memory_space<vmem>> -> memref<1x128xi32, #tpu.memory_space<vmem>>
    %dma_start3A_58 = tpu.memref_squeeze %dma_start3A_57 : memref<1x128xi32, #tpu.memory_space<vmem>> -> memref<128xi32, #tpu.memory_space<vmem>>
    %dma_start3A_59 = arith.constant 0 : i32
    %dma_start3A_60 = arith.constant 0 : i32
    %dma_start3A_61 = tpu.memref_slice %arg3[%dma_start3A_59, %dma_start3A_60] : memref<1000000x64xf32, #tpu.memory_space<hbm>> -> memref<1000000x64xf32, #tpu.memory_space<hbm>>
    tpu.enqueue_indirect_dma source(%dma_start3A_61 : memref<1000000x64xf32, #tpu.memory_space<hbm>>) target(%arg6 : memref<128x64xf32, #tpu.memory_space<vmem>>) offsets(%dma_start3A_58 : memref<128xi32, #tpu.memory_space<vmem>>) semaphore(%arg14 : memref<!tpu.dma_semaphore, #tpu.memory_space<semaphore_mem>>)
    %dma_wait3A_62 = arith.constant 1 : i32
    %dma_wait3A_63 = arith.constant 0 : i32
    %dma_wait3A_64 = tpu.memref_slice %arg5[%dma_wait3A_62, %dma_wait3A_63] : memref<200x128xi32, #tpu.memory_space<vmem>> -> memref<1x128xi32, #tpu.memory_space<vmem>>
    %dma_wait3A_65 = tpu.memref_squeeze %dma_wait3A_64 : memref<1x128xi32, #tpu.memory_space<vmem>> -> memref<128xi32, #tpu.memory_space<vmem>>
    %dma_wait3A_66 = arith.constant 0 : i32
    %dma_wait3A_67 = arith.constant 0 : i32
    %dma_wait3A_68 = tpu.memref_slice %arg3[%dma_wait3A_66, %dma_wait3A_67] : memref<1000000x64xf32, #tpu.memory_space<hbm>> -> memref<1000000x64xf32, #tpu.memory_space<hbm>>
    tpu.wait_indirect_dma semaphore(%arg15 : memref<!tpu.dma_semaphore, #tpu.memory_space<semaphore_mem>>) src(%dma_wait3A_68 : memref<1000000x64xf32, #tpu.memory_space<hbm>>) dst(%arg7 : memref<128x64xf32, #tpu.memory_space<vmem>>)
    %parallel_loop3A_69 = arith.constant 0 : i32
    %parallel_loop3A_70 = arith.constant 128 : i32
    %parallel_loop3A_71 = arith.constant 1 : i32
    scf.for %parallel_loop3A_443 = %parallel_loop3A_69 to %parallel_loop3A_70 step %parallel_loop3A_71  : i32 {
      %parallel_loop3A_444 = tpu.iota {dimensions = array<i32: 0>} : vector<16xi32>
      %parallel_loop3A_445 = arith.constant 3 : i32
      %parallel_loop3A_446 = vector.broadcast %parallel_loop3A_445 : i32 to vector<16xi32>
      %parallel_loop3A_447 = arith.shrsi %parallel_loop3A_444, %parallel_loop3A_446 : vector<16xi32>
      %parallel_loop3A_448 = arith.constant 7 : i32
      %parallel_loop3A_449 = vector.broadcast %parallel_loop3A_448 : i32 to vector<16xi32>
      %parallel_loop3A_450 = arith.andi %parallel_loop3A_444, %parallel_loop3A_449 : vector<16xi32>
      %parallel_loop3A_451 = vector.broadcast %parallel_loop3A_443 : i32 to vector<16xi32>
      %parallel_loop3A_452 = arith.index_cast %parallel_loop3A_443 : i32 to index
      %parallel_loop3A_453 = arith.constant 0 : index
      %parallel_loop3A_454 = tpu.vector_load %arg7[%parallel_loop3A_452, %parallel_loop3A_453] {strides = array<i32>} : memref<128x64xf32, #tpu.memory_space<vmem>>, vector<16xf32>,
      %parallel_loop3A_455 = arith.constant 0 : i32
      %parallel_loop3A_456 = vector.broadcast %parallel_loop3A_455 : i32 to vector<16xi32>
      %parallel_loop3A_457 = arith.addi %parallel_loop3A_447, %parallel_loop3A_456 : vector<16xi32>
      tpu.vector_store_idx %arg11[%parallel_loop3A_457, %parallel_loop3A_450, %parallel_loop3A_451], %parallel_loop3A_454 : memref<8x8x129xf32, #tpu.memory_space<vmem>>[vector<16xi32>, vector<16xi32>, vector<16xi32>], vector<16xf32>,
      %parallel_loop3A_458 = arith.index_cast %parallel_loop3A_443 : i32 to index
      %parallel_loop3A_459 = arith.constant 16 : index
      %parallel_loop3A_460 = tpu.vector_load %arg7[%parallel_loop3A_458, %parallel_loop3A_459] {strides = array<i32>} : memref<128x64xf32, #tpu.memory_space<vmem>>, vector<16xf32>,
      %parallel_loop3A_461 = arith.constant 2 : i32
      %parallel_loop3A_462 = vector.broadcast %parallel_loop3A_461 : i32 to vector<16xi32>
      %parallel_loop3A_463 = arith.addi %parallel_loop3A_447, %parallel_loop3A_462 : vector<16xi32>
      tpu.vector_store_idx %arg11[%parallel_loop3A_463, %parallel_loop3A_450, %parallel_loop3A_451], %parallel_loop3A_460 : memref<8x8x129xf32, #tpu.memory_space<vmem>>[vector<16xi32>, vector<16xi32>, vector<16xi32>], vector<16xf32>,
      %parallel_loop3A_464 = arith.index_cast %parallel_loop3A_443 : i32 to index
      %parallel_loop3A_465 = arith.constant 32 : index
      %parallel_loop3A_466 = tpu.vector_load %arg7[%parallel_loop3A_464, %parallel_loop3A_465] {strides = array<i32>} : memref<128x64xf32, #tpu.memory_space<vmem>>, vector<16xf32>,
      %parallel_loop3A_467 = arith.constant 4 : i32
      %parallel_loop3A_468 = vector.broadcast %parallel_loop3A_467 : i32 to vector<16xi32>
      %parallel_loop3A_469 = arith.addi %parallel_loop3A_447, %parallel_loop3A_468 : vector<16xi32>
      tpu.vector_store_idx %arg11[%parallel_loop3A_469, %parallel_loop3A_450, %parallel_loop3A_451], %parallel_loop3A_466 : memref<8x8x129xf32, #tpu.memory_space<vmem>>[vector<16xi32>, vector<16xi32>, vector<16xi32>], vector<16xf32>,
      %parallel_loop3A_470 = arith.index_cast %parallel_loop3A_443 : i32 to index
      %parallel_loop3A_471 = arith.constant 48 : index
      %parallel_loop3A_472 = tpu.vector_load %arg7[%parallel_loop3A_470, %parallel_loop3A_471] {strides = array<i32>} : memref<128x64xf32, #tpu.memory_space<vmem>>, vector<16xf32>,
      %parallel_loop3A_473 = arith.constant 6 : i32
      %parallel_loop3A_474 = vector.broadcast %parallel_loop3A_473 : i32 to vector<16xi32>
      %parallel_loop3A_475 = arith.addi %parallel_loop3A_447, %parallel_loop3A_474 : vector<16xi32>
      tpu.vector_store_idx %arg11[%parallel_loop3A_475, %parallel_loop3A_450, %parallel_loop3A_451], %parallel_loop3A_472 : memref<8x8x129xf32, #tpu.memory_space<vmem>>[vector<16xi32>, vector<16xi32>, vector<16xi32>], vector<16xf32>,
    } {sc.loop_unroll_factor = 2 : i64, sc.parallel_access}
    %dma_start3A_72 = arith.constant 1 : i32
    %dma_start3A_73 = arith.constant 0 : i32
    %dma_start3A_74 = arith.constant 0 : i32
    %dma_start3A_75 = arith.constant 0 : i32
    %dma_start3A_76 = tpu.memref_slice %arg11[%dma_start3A_73, %dma_start3A_74, %dma_start3A_75] : memref<8x8x129xf32, #tpu.memory_space<vmem>> -> memref<8x8x128xf32, #tpu.memory_space<vmem>>
    %dma_start3A_77 = arith.constant 0 : i32
    %dma_start3A_78 = arith.constant 0 : i32
    %dma_start3A_79 = arith.constant 0 : i32
    %dma_start3A_80 = tpu.memref_slice %arg4[%dma_start3A_72, %dma_start3A_77, %add3A, %dma_start3A_78, %dma_start3A_79] : memref<200x8x32x8x128xf32, #tpu.memory_space<hbm>> -> memref<1x8x1x8x128xf32, #tpu.memory_space<hbm>>
    %dma_start3A_81 = tpu.memref_squeeze %dma_start3A_80 : memref<1x8x1x8x128xf32, #tpu.memory_space<hbm>> -> memref<8x8x128xf32, #tpu.memory_space<hbm>>
    %dma_start3A_82 = arith.constant 0 : i32
    %dma_start3A_83 = arith.constant 0 : i32
    %dma_start3A_84 = arith.constant 0 : i32
    %dma_start3A_85 = tpu.memref_slice %arg4[%dma_start3A_72, %dma_start3A_82, %add3A, %dma_start3A_83, %dma_start3A_84] : memref<200x8x32x8x128xf32, #tpu.memory_space<hbm>> -> memref<1x8x1x8x128xf32, #tpu.memory_space<hbm>>
    %dma_start3A_86 = tpu.memref_squeeze %dma_start3A_85 : memref<1x8x1x8x128xf32, #tpu.memory_space<hbm>> -> memref<8x8x128xf32, #tpu.memory_space<hbm>>
    %dma_start3A_87 = arith.constant 0 : i32
    %dma_start3A_88 = arith.constant 0 : i32
    %dma_start3A_89 = arith.constant 0 : i32
    %dma_start3A_90 = tpu.memref_slice %arg11[%dma_start3A_87, %dma_start3A_88, %dma_start3A_89] : memref<8x8x129xf32, #tpu.memory_space<vmem>> -> memref<8x8x128xf32, #tpu.memory_space<vmem>>
    tpu.enqueue_dma source(%dma_start3A_90 : memref<8x8x128xf32, #tpu.memory_space<vmem>>) target(%dma_start3A_86 : memref<8x8x128xf32, #tpu.memory_space<hbm>>) target_semaphore(%arg19 : memref<!tpu.dma_semaphore, #tpu.memory_space<semaphore_mem>>)
    %dma_start3A_91 = arith.constant 5 : i32
    %dma_start3A_92 = arith.constant 0 : i32
    %dma_start3A_93 = tpu.memref_slice %arg5[%dma_start3A_91, %dma_start3A_92] : memref<200x128xi32, #tpu.memory_space<vmem>> -> memref<1x128xi32, #tpu.memory_space<vmem>>
    %dma_start3A_94 = tpu.memref_squeeze %dma_start3A_93 : memref<1x128xi32, #tpu.memory_space<vmem>> -> memref<128xi32, #tpu.memory_space<vmem>>
    %dma_start3A_95 = arith.constant 0 : i32
    %dma_start3A_96 = arith.constant 0 : i32
    %dma_start3A_97 = tpu.memref_slice %arg3[%dma_start3A_95, %dma_start3A_96] : memref<1000000x64xf32, #tpu.memory_space<hbm>> -> memref<1000000x64xf32, #tpu.memory_space<hbm>>
    tpu.enqueue_indirect_dma source(%dma_start3A_97 : memref<1000000x64xf32, #tpu.memory_space<hbm>>) target(%arg7 : memref<128x64xf32, #tpu.memory_space<vmem>>) offsets(%dma_start3A_94 : memref<128xi32, #tpu.memory_space<vmem>>) semaphore(%arg15 : memref<!tpu.dma_semaphore, #tpu.memory_space<semaphore_mem>>)
    %dma_wait3A_98 = arith.constant 2 : i32
    %dma_wait3A_99 = arith.constant 0 : i32
    %dma_wait3A_100 = tpu.memref_slice %arg5[%dma_wait3A_98, %dma_wait3A_99] : memref<200x128xi32, #tpu.memory_space<vmem>> -> memref<1x128xi32, #tpu.memory_space<vmem>>
    %dma_wait3A_101 = tpu.memref_squeeze %dma_wait3A_100 : memref<1x128xi32, #tpu.memory_space<vmem>> -> memref<128xi32, #tpu.memory_space<vmem>>
    %dma_wait3A_102 = arith.constant 0 : i32
    %dma_wait3A_103 = arith.constant 0 : i32
    %dma_wait3A_104 = tpu.memref_slice %arg3[%dma_wait3A_102, %dma_wait3A_103] : memref<1000000x64xf32, #tpu.memory_space<hbm>> -> memref<1000000x64xf32, #tpu.memory_space<hbm>>
    tpu.wait_indirect_dma semaphore(%arg16 : memref<!tpu.dma_semaphore, #tpu.memory_space<semaphore_mem>>) src(%dma_wait3A_104 : memref<1000000x64xf32, #tpu.memory_space<hbm>>) dst(%arg8 : memref<128x64xf32, #tpu.memory_space<vmem>>)
    %parallel_loop3A_105 = arith.constant 0 : i32
    %parallel_loop3A_106 = arith.constant 128 : i32
    %parallel_loop3A_107 = arith.constant 1 : i32
    scf.for %parallel_loop3A_443 = %parallel_loop3A_105 to %parallel_loop3A_106 step %parallel_loop3A_107  : i32 {
      %parallel_loop3A_444 = tpu.iota {dimensions = array<i32: 0>} : vector<16xi32>
      %parallel_loop3A_445 = arith.constant 3 : i32
      %parallel_loop3A_446 = vector.broadcast %parallel_loop3A_445 : i32 to vector<16xi32>
      %parallel_loop3A_447 = arith.shrsi %parallel_loop3A_444, %parallel_loop3A_446 : vector<16xi32>
      %parallel_loop3A_448 = arith.constant 7 : i32
      %parallel_loop3A_449 = vector.broadcast %parallel_loop3A_448 : i32 to vector<16xi32>
      %parallel_loop3A_450 = arith.andi %parallel_loop3A_444, %parallel_loop3A_449 : vector<16xi32>
      %parallel_loop3A_451 = vector.broadcast %parallel_loop3A_443 : i32 to vector<16xi32>
      %parallel_loop3A_452 = arith.index_cast %parallel_loop3A_443 : i32 to index
      %parallel_loop3A_453 = arith.constant 0 : index
      %parallel_loop3A_454 = tpu.vector_load %arg8[%parallel_loop3A_452, %parallel_loop3A_453] {strides = array<i32>} : memref<128x64xf32, #tpu.memory_space<vmem>>, vector<16xf32>,
      %parallel_loop3A_455 = arith.constant 0 : i32
      %parallel_loop3A_456 = vector.broadcast %parallel_loop3A_455 : i32 to vector<16xi32>
      %parallel_loop3A_457 = arith.addi %parallel_loop3A_447, %parallel_loop3A_456 : vector<16xi32>
      tpu.vector_store_idx %arg12[%parallel_loop3A_457, %parallel_loop3A_450, %parallel_loop3A_451], %parallel_loop3A_454 : memref<8x8x129xf32, #tpu.memory_space<vmem>>[vector<16xi32>, vector<16xi32>, vector<16xi32>], vector<16xf32>,
      %parallel_loop3A_458 = arith.index_cast %parallel_loop3A_443 : i32 to index
      %parallel_loop3A_459 = arith.constant 16 : index
      %parallel_loop3A_460 = tpu.vector_load %arg8[%parallel_loop3A_458, %parallel_loop3A_459] {strides = array<i32>} : memref<128x64xf32, #tpu.memory_space<vmem>>, vector<16xf32>,
      %parallel_loop3A_461 = arith.constant 2 : i32
      %parallel_loop3A_462 = vector.broadcast %parallel_loop3A_461 : i32 to vector<16xi32>
      %parallel_loop3A_463 = arith.addi %parallel_loop3A_447, %parallel_loop3A_462 : vector<16xi32>
      tpu.vector_store_idx %arg12[%parallel_loop3A_463, %parallel_loop3A_450, %parallel_loop3A_451], %parallel_loop3A_460 : memref<8x8x129xf32, #tpu.memory_space<vmem>>[vector<16xi32>, vector<16xi32>, vector<16xi32>], vector<16xf32>,
      %parallel_loop3A_464 = arith.index_cast %parallel_loop3A_443 : i32 to index
      %parallel_loop3A_465 = arith.constant 32 : index
      %parallel_loop3A_466 = tpu.vector_load %arg8[%parallel_loop3A_464, %parallel_loop3A_465] {strides = array<i32>} : memref<128x64xf32, #tpu.memory_space<vmem>>, vector<16xf32>,
      %parallel_loop3A_467 = arith.constant 4 : i32
      %parallel_loop3A_468 = vector.broadcast %parallel_loop3A_467 : i32 to vector<16xi32>
      %parallel_loop3A_469 = arith.addi %parallel_loop3A_447, %parallel_loop3A_468 : vector<16xi32>
      tpu.vector_store_idx %arg12[%parallel_loop3A_469, %parallel_loop3A_450, %parallel_loop3A_451], %parallel_loop3A_466 : memref<8x8x129xf32, #tpu.memory_space<vmem>>[vector<16xi32>, vector<16xi32>, vector<16xi32>], vector<16xf32>,
      %parallel_loop3A_470 = arith.index_cast %parallel_loop3A_443 : i32 to index
      %parallel_loop3A_471 = arith.constant 48 : index
      %parallel_loop3A_472 = tpu.vector_load %arg8[%parallel_loop3A_470, %parallel_loop3A_471] {strides = array<i32>} : memref<128x64xf32, #tpu.memory_space<vmem>>, vector<16xf32>,
      %parallel_loop3A_473 = arith.constant 6 : i32
      %parallel_loop3A_474 = vector.broadcast %parallel_loop3A_473 : i32 to vector<16xi32>
      %parallel_loop3A_475 = arith.addi %parallel_loop3A_447, %parallel_loop3A_474 : vector<16xi32>
      tpu.vector_store_idx %arg12[%parallel_loop3A_475, %parallel_loop3A_450, %parallel_loop3A_451], %parallel_loop3A_472 : memref<8x8x129xf32, #tpu.memory_space<vmem>>[vector<16xi32>, vector<16xi32>, vector<16xi32>], vector<16xf32>,
    } {sc.loop_unroll_factor = 2 : i64, sc.parallel_access}
    %dma_start3A_108 = arith.constant 2 : i32
    %dma_start3A_109 = arith.constant 0 : i32
    %dma_start3A_110 = arith.constant 0 : i32
    %dma_start3A_111 = arith.constant 0 : i32
    %dma_start3A_112 = tpu.memref_slice %arg12[%dma_start3A_109, %dma_start3A_110, %dma_start3A_111] : memref<8x8x129xf32, #tpu.memory_space<vmem>> -> memref<8x8x128xf32, #tpu.memory_space<vmem>>
    %dma_start3A_113 = arith.constant 0 : i32
    %dma_start3A_114 = arith.constant 0 : i32
    %dma_start3A_115 = arith.constant 0 : i32
    %dma_start3A_116 = tpu.memref_slice %arg4[%dma_start3A_108, %dma_start3A_113, %add3A, %dma_start3A_114, %dma_start3A_115] : memref<200x8x32x8x128xf32, #tpu.memory_space<hbm>> -> memref<1x8x1x8x128xf32, #tpu.memory_space<hbm>>
    %dma_start3A_117 = tpu.memref_squeeze %dma_start3A_116 : memref<1x8x1x8x128xf32, #tpu.memory_space<hbm>> -> memref<8x8x128xf32, #tpu.memory_space<hbm>>
    %dma_start3A_118 = arith.constant 0 : i32
    %dma_start3A_119 = arith.constant 0 : i32
    %dma_start3A_120 = arith.constant 0 : i32
    %dma_start3A_121 = tpu.memref_slice %arg4[%dma_start3A_108, %dma_start3A_118, %add3A, %dma_start3A_119, %dma_start3A_120] : memref<200x8x32x8x128xf32, #tpu.memory_space<hbm>> -> memref<1x8x1x8x128xf32, #tpu.memory_space<hbm>>
    %dma_start3A_122 = tpu.memref_squeeze %dma_start3A_121 : memref<1x8x1x8x128xf32, #tpu.memory_space<hbm>> -> memref<8x8x128xf32, #tpu.memory_space<hbm>>
    %dma_start3A_123 = arith.constant 0 : i32
    %dma_start3A_124 = arith.constant 0 : i32
    %dma_start3A_125 = arith.constant 0 : i32
    %dma_start3A_126 = tpu.memref_slice %arg12[%dma_start3A_123, %dma_start3A_124, %dma_start3A_125] : memref<8x8x129xf32, #tpu.memory_space<vmem>> -> memref<8x8x128xf32, #tpu.memory_space<vmem>>
    tpu.enqueue_dma source(%dma_start3A_126 : memref<8x8x128xf32, #tpu.memory_space<vmem>>) target(%dma_start3A_122 : memref<8x8x128xf32, #tpu.memory_space<hbm>>) target_semaphore(%arg20 : memref<!tpu.dma_semaphore, #tpu.memory_space<semaphore_mem>>)
    %dma_start3A_127 = arith.constant 6 : i32
    %dma_start3A_128 = arith.constant 0 : i32
    %dma_start3A_129 = tpu.memref_slice %arg5[%dma_start3A_127, %dma_start3A_128] : memref<200x128xi32, #tpu.memory_space<vmem>> -> memref<1x128xi32, #tpu.memory_space<vmem>>
    %dma_start3A_130 = tpu.memref_squeeze %dma_start3A_129 : memref<1x128xi32, #tpu.memory_space<vmem>> -> memref<128xi32, #tpu.memory_space<vmem>>
    %dma_start3A_131 = arith.constant 0 : i32
    %dma_start3A_132 = arith.constant 0 : i32
    %dma_start3A_133 = tpu.memref_slice %arg3[%dma_start3A_131, %dma_start3A_132] : memref<1000000x64xf32, #tpu.memory_space<hbm>> -> memref<1000000x64xf32, #tpu.memory_space<hbm>>
    tpu.enqueue_indirect_dma source(%dma_start3A_133 : memref<1000000x64xf32, #tpu.memory_space<hbm>>) target(%arg8 : memref<128x64xf32, #tpu.memory_space<vmem>>) offsets(%dma_start3A_130 : memref<128xi32, #tpu.memory_space<vmem>>) semaphore(%arg16 : memref<!tpu.dma_semaphore, #tpu.memory_space<semaphore_mem>>)
    %dma_wait3A_134 = arith.constant 3 : i32
    %dma_wait3A_135 = arith.constant 0 : i32
    %dma_wait3A_136 = tpu.memref_slice %arg5[%dma_wait3A_134, %dma_wait3A_135] : memref<200x128xi32, #tpu.memory_space<vmem>> -> memref<1x128xi32, #tpu.memory_space<vmem>>
    %dma_wait3A_137 = tpu.memref_squeeze %dma_wait3A_136 : memref<1x128xi32, #tpu.memory_space<vmem>> -> memref<128xi32, #tpu.memory_space<vmem>>
    %dma_wait3A_138 = arith.constant 0 : i32
    %dma_wait3A_139 = arith.constant 0 : i32
    %dma_wait3A_140 = tpu.memref_slice %arg3[%dma_wait3A_138, %dma_wait3A_139] : memref<1000000x64xf32, #tpu.memory_space<hbm>> -> memref<1000000x64xf32, #tpu.memory_space<hbm>>
    tpu.wait_indirect_dma semaphore(%arg17 : memref<!tpu.dma_semaphore, #tpu.memory_space<semaphore_mem>>) src(%dma_wait3A_140 : memref<1000000x64xf32, #tpu.memory_space<hbm>>) dst(%arg9 : memref<128x64xf32, #tpu.memory_space<vmem>>)
    %parallel_loop3A_141 = arith.constant 0 : i32
    %parallel_loop3A_142 = arith.constant 128 : i32
    %parallel_loop3A_143 = arith.constant 1 : i32
    scf.for %parallel_loop3A_443 = %parallel_loop3A_141 to %parallel_loop3A_142 step %parallel_loop3A_143  : i32 {
      %parallel_loop3A_444 = tpu.iota {dimensions = array<i32: 0>} : vector<16xi32>
      %parallel_loop3A_445 = arith.constant 3 : i32
      %parallel_loop3A_446 = vector.broadcast %parallel_loop3A_445 : i32 to vector<16xi32>
      %parallel_loop3A_447 = arith.shrsi %parallel_loop3A_444, %parallel_loop3A_446 : vector<16xi32>
      %parallel_loop3A_448 = arith.constant 7 : i32
      %parallel_loop3A_449 = vector.broadcast %parallel_loop3A_448 : i32 to vector<16xi32>
      %parallel_loop3A_450 = arith.andi %parallel_loop3A_444, %parallel_loop3A_449 : vector<16xi32>
      %parallel_loop3A_451 = vector.broadcast %parallel_loop3A_443 : i32 to vector<16xi32>
      %parallel_loop3A_452 = arith.index_cast %parallel_loop3A_443 : i32 to index
      %parallel_loop3A_453 = arith.constant 0 : index
      %parallel_loop3A_454 = tpu.vector_load %arg9[%parallel_loop3A_452, %parallel_loop3A_453] {strides = array<i32>} : memref<128x64xf32, #tpu.memory_space<vmem>>, vector<16xf32>,
      %parallel_loop3A_455 = arith.constant 0 : i32
      %parallel_loop3A_456 = vector.broadcast %parallel_loop3A_455 : i32 to vector<16xi32>
      %parallel_loop3A_457 = arith.addi %parallel_loop3A_447, %parallel_loop3A_456 : vector<16xi32>
      tpu.vector_store_idx %arg13[%parallel_loop3A_457, %parallel_loop3A_450, %parallel_loop3A_451], %parallel_loop3A_454 : memref<8x8x129xf32, #tpu.memory_space<vmem>>[vector<16xi32>, vector<16xi32>, vector<16xi32>], vector<16xf32>,
      %parallel_loop3A_458 = arith.index_cast %parallel_loop3A_443 : i32 to index
      %parallel_loop3A_459 = arith.constant 16 : index
      %parallel_loop3A_460 = tpu.vector_load %arg9[%parallel_loop3A_458, %parallel_loop3A_459] {strides = array<i32>} : memref<128x64xf32, #tpu.memory_space<vmem>>, vector<16xf32>,
      %parallel_loop3A_461 = arith.constant 2 : i32
      %parallel_loop3A_462 = vector.broadcast %parallel_loop3A_461 : i32 to vector<16xi32>
      %parallel_loop3A_463 = arith.addi %parallel_loop3A_447, %parallel_loop3A_462 : vector<16xi32>
      tpu.vector_store_idx %arg13[%parallel_loop3A_463, %parallel_loop3A_450, %parallel_loop3A_451], %parallel_loop3A_460 : memref<8x8x129xf32, #tpu.memory_space<vmem>>[vector<16xi32>, vector<16xi32>, vector<16xi32>], vector<16xf32>,
      %parallel_loop3A_464 = arith.index_cast %parallel_loop3A_443 : i32 to index
      %parallel_loop3A_465 = arith.constant 32 : index
      %parallel_loop3A_466 = tpu.vector_load %arg9[%parallel_loop3A_464, %parallel_loop3A_465] {strides = array<i32>} : memref<128x64xf32, #tpu.memory_space<vmem>>, vector<16xf32>,
      %parallel_loop3A_467 = arith.constant 4 : i32
      %parallel_loop3A_468 = vector.broadcast %parallel_loop3A_467 : i32 to vector<16xi32>
      %parallel_loop3A_469 = arith.addi %parallel_loop3A_447, %parallel_loop3A_468 : vector<16xi32>
      tpu.vector_store_idx %arg13[%parallel_loop3A_469, %parallel_loop3A_450, %parallel_loop3A_451], %parallel_loop3A_466 : memref<8x8x129xf32, #tpu.memory_space<vmem>>[vector<16xi32>, vector<16xi32>, vector<16xi32>], vector<16xf32>,
      %parallel_loop3A_470 = arith.index_cast %parallel_loop3A_443 : i32 to index
      %parallel_loop3A_471 = arith.constant 48 : index
      %parallel_loop3A_472 = tpu.vector_load %arg9[%parallel_loop3A_470, %parallel_loop3A_471] {strides = array<i32>} : memref<128x64xf32, #tpu.memory_space<vmem>>, vector<16xf32>,
      %parallel_loop3A_473 = arith.constant 6 : i32
      %parallel_loop3A_474 = vector.broadcast %parallel_loop3A_473 : i32 to vector<16xi32>
      %parallel_loop3A_475 = arith.addi %parallel_loop3A_447, %parallel_loop3A_474 : vector<16xi32>
      tpu.vector_store_idx %arg13[%parallel_loop3A_475, %parallel_loop3A_450, %parallel_loop3A_451], %parallel_loop3A_472 : memref<8x8x129xf32, #tpu.memory_space<vmem>>[vector<16xi32>, vector<16xi32>, vector<16xi32>], vector<16xf32>,
    } {sc.loop_unroll_factor = 2 : i64, sc.parallel_access}
    %dma_start3A_144 = arith.constant 3 : i32
    %dma_start3A_145 = arith.constant 0 : i32
    %dma_start3A_146 = arith.constant 0 : i32
    %dma_start3A_147 = arith.constant 0 : i32
    %dma_start3A_148 = tpu.memref_slice %arg13[%dma_start3A_145, %dma_start3A_146, %dma_start3A_147] : memref<8x8x129xf32, #tpu.memory_space<vmem>> -> memref<8x8x128xf32, #tpu.memory_space<vmem>>
    %dma_start3A_149 = arith.constant 0 : i32
    %dma_start3A_150 = arith.constant 0 : i32
    %dma_start3A_151 = arith.constant 0 : i32
    %dma_start3A_152 = tpu.memref_slice %arg4[%dma_start3A_144, %dma_start3A_149, %add3A, %dma_start3A_150, %dma_start3A_151] : memref<200x8x32x8x128xf32, #tpu.memory_space<hbm>> -> memref<1x8x1x8x128xf32, #tpu.memory_space<hbm>>
    %dma_start3A_153 = tpu.memref_squeeze %dma_start3A_152 : memref<1x8x1x8x128xf32, #tpu.memory_space<hbm>> -> memref<8x8x128xf32, #tpu.memory_space<hbm>>
    %dma_start3A_154 = arith.constant 0 : i32
    %dma_start3A_155 = arith.constant 0 : i32
    %dma_start3A_156 = arith.constant 0 : i32
    %dma_start3A_157 = tpu.memref_slice %arg4[%dma_start3A_144, %dma_start3A_154, %add3A, %dma_start3A_155, %dma_start3A_156] : memref<200x8x32x8x128xf32, #tpu.memory_space<hbm>> -> memref<1x8x1x8x128xf32, #tpu.memory_space<hbm>>
    %dma_start3A_158 = tpu.memref_squeeze %dma_start3A_157 : memref<1x8x1x8x128xf32, #tpu.memory_space<hbm>> -> memref<8x8x128xf32, #tpu.memory_space<hbm>>
    %dma_start3A_159 = arith.constant 0 : i32
    %dma_start3A_160 = arith.constant 0 : i32
    %dma_start3A_161 = arith.constant 0 : i32
    %dma_start3A_162 = tpu.memref_slice %arg13[%dma_start3A_159, %dma_start3A_160, %dma_start3A_161] : memref<8x8x129xf32, #tpu.memory_space<vmem>> -> memref<8x8x128xf32, #tpu.memory_space<vmem>>
    tpu.enqueue_dma source(%dma_start3A_162 : memref<8x8x128xf32, #tpu.memory_space<vmem>>) target(%dma_start3A_158 : memref<8x8x128xf32, #tpu.memory_space<hbm>>) target_semaphore(%arg21 : memref<!tpu.dma_semaphore, #tpu.memory_space<semaphore_mem>>)
    %dma_start3A_163 = arith.constant 7 : i32
    %dma_start3A_164 = arith.constant 0 : i32
    %dma_start3A_165 = tpu.memref_slice %arg5[%dma_start3A_163, %dma_start3A_164] : memref<200x128xi32, #tpu.memory_space<vmem>> -> memref<1x128xi32, #tpu.memory_space<vmem>>
    %dma_start3A_166 = tpu.memref_squeeze %dma_start3A_165 : memref<1x128xi32, #tpu.memory_space<vmem>> -> memref<128xi32, #tpu.memory_space<vmem>>
    %dma_start3A_167 = arith.constant 0 : i32
    %dma_start3A_168 = arith.constant 0 : i32
    %dma_start3A_169 = tpu.memref_slice %arg3[%dma_start3A_167, %dma_start3A_168] : memref<1000000x64xf32, #tpu.memory_space<hbm>> -> memref<1000000x64xf32, #tpu.memory_space<hbm>>
    tpu.enqueue_indirect_dma source(%dma_start3A_169 : memref<1000000x64xf32, #tpu.memory_space<hbm>>) target(%arg9 : memref<128x64xf32, #tpu.memory_space<vmem>>) offsets(%dma_start3A_166 : memref<128xi32, #tpu.memory_space<vmem>>) semaphore(%arg17 : memref<!tpu.dma_semaphore, #tpu.memory_space<semaphore_mem>>)
    %scan3A = arith.constant 0 : i32
    %scan3A_170 = arith.constant 1 : i32
    %scan3A_171 = arith.constant 48 : i32
    %scan3A_172 = arith.addi %scan3A_170, %scan3A_171 : i32
    %scan3A_173 = arith.constant 1 : i32
    scf.for %scan3A_443 = %scan3A_170 to %scan3A_172 step %scan3A_173  : i32 {
      %mul3A_444 = arith.constant 4 : i32
      %mul3A_445 = arith.muli %mul3A_444, %scan3A_443 : i32
      %add3A_446 = arith.constant 0 : i32
      %add3A_447 = arith.addi %mul3A_445, %add3A_446 : i32
      %dma_wait3A_448 = arith.constant 0 : i32
      %dma_wait3A_449 = tpu.memref_slice %arg5[%add3A_447, %dma_wait3A_448] : memref<200x128xi32, #tpu.memory_space<vmem>> -> memref<1x128xi32, #tpu.memory_space<vmem>>
      %dma_wait3A_450 = tpu.memref_squeeze %dma_wait3A_449 : memref<1x128xi32, #tpu.memory_space<vmem>> -> memref<128xi32, #tpu.memory_space<vmem>>
      %dma_wait3A_451 = arith.constant 0 : i32
      %dma_wait3A_452 = arith.constant 0 : i32
      %dma_wait3A_453 = tpu.memref_slice %arg3[%dma_wait3A_451, %dma_wait3A_452] : memref<1000000x64xf32, #tpu.memory_space<hbm>> -> memref<1000000x64xf32, #tpu.memory_space<hbm>>
      tpu.wait_indirect_dma semaphore(%arg14 : memref<!tpu.dma_semaphore, #tpu.memory_space<semaphore_mem>>) src(%dma_wait3A_453 : memref<1000000x64xf32, #tpu.memory_space<hbm>>) dst(%arg6 : memref<128x64xf32, #tpu.memory_space<vmem>>)
      %sub3A = arith.constant 4 : i32
      %sub3A_454 = arith.subi %add3A_447, %sub3A : i32
      %dma_wait3A_455 = arith.constant 0 : i32
      %dma_wait3A_456 = arith.constant 0 : i32
      %dma_wait3A_457 = arith.constant 0 : i32
      %dma_wait3A_458 = tpu.memref_slice %arg10[%dma_wait3A_455, %dma_wait3A_456, %dma_wait3A_457] : memref<8x8x129xf32, #tpu.memory_space<vmem>> -> memref<8x8x128xf32, #tpu.memory_space<vmem>>
      %dma_wait3A_459 = arith.constant 0 : i32
      %dma_wait3A_460 = arith.constant 0 : i32
      %dma_wait3A_461 = arith.constant 0 : i32
      %dma_wait3A_462 = tpu.memref_slice %arg4[%sub3A_454, %dma_wait3A_459, %add3A, %dma_wait3A_460, %dma_wait3A_461] : memref<200x8x32x8x128xf32, #tpu.memory_space<hbm>> -> memref<1x8x1x8x128xf32, #tpu.memory_space<hbm>>
      %dma_wait3A_463 = tpu.memref_squeeze %dma_wait3A_462 : memref<1x8x1x8x128xf32, #tpu.memory_space<hbm>> -> memref<8x8x128xf32, #tpu.memory_space<hbm>>
      %dma_wait3A_464 = arith.constant 0 : i32
      %dma_wait3A_465 = arith.constant 0 : i32
      %dma_wait3A_466 = arith.constant 0 : i32
      %dma_wait3A_467 = tpu.memref_slice %arg4[%sub3A_454, %dma_wait3A_464, %add3A, %dma_wait3A_465, %dma_wait3A_466] : memref<200x8x32x8x128xf32, #tpu.memory_space<hbm>> -> memref<1x8x1x8x128xf32, #tpu.memory_space<hbm>>
      %dma_wait3A_468 = tpu.memref_squeeze %dma_wait3A_467 : memref<1x8x1x8x128xf32, #tpu.memory_space<hbm>> -> memref<8x8x128xf32, #tpu.memory_space<hbm>>
      %dma_wait3A_469 = arith.constant 0 : i32
      %dma_wait3A_470 = arith.constant 0 : i32
      %dma_wait3A_471 = arith.constant 0 : i32
      %dma_wait3A_472 = tpu.memref_slice %arg10[%dma_wait3A_469, %dma_wait3A_470, %dma_wait3A_471] : memref<8x8x129xf32, #tpu.memory_space<vmem>> -> memref<8x8x128xf32, #tpu.memory_space<vmem>>
      tpu.wait_dma2 semaphore(%arg18 : memref<!tpu.dma_semaphore, #tpu.memory_space<semaphore_mem>>) src(%dma_wait3A_472 : memref<8x8x128xf32, #tpu.memory_space<vmem>>) dst(%dma_wait3A_468 : memref<8x8x128xf32, #tpu.memory_space<hbm>>)
      %parallel_loop3A_473 = arith.constant 0 : i32
      %parallel_loop3A_474 = arith.constant 128 : i32
      %parallel_loop3A_475 = arith.constant 1 : i32
      scf.for %parallel_loop3A_679 = %parallel_loop3A_473 to %parallel_loop3A_474 step %parallel_loop3A_475  : i32 {
        %parallel_loop3A_680 = tpu.iota {dimensions = array<i32: 0>} : vector<16xi32>
        %parallel_loop3A_681 = arith.constant 3 : i32
        %parallel_loop3A_682 = vector.broadcast %parallel_loop3A_681 : i32 to vector<16xi32>
        %parallel_loop3A_683 = arith.shrsi %parallel_loop3A_680, %parallel_loop3A_682 : vector<16xi32>
        %parallel_loop3A_684 = arith.constant 7 : i32
        %parallel_loop3A_685 = vector.broadcast %parallel_loop3A_684 : i32 to vector<16xi32>
        %parallel_loop3A_686 = arith.andi %parallel_loop3A_680, %parallel_loop3A_685 : vector<16xi32>
        %parallel_loop3A_687 = vector.broadcast %parallel_loop3A_679 : i32 to vector<16xi32>
        %parallel_loop3A_688 = arith.index_cast %parallel_loop3A_679 : i32 to index
        %parallel_loop3A_689 = arith.constant 0 : index
        %parallel_loop3A_690 = tpu.vector_load %arg6[%parallel_loop3A_688, %parallel_loop3A_689] {strides = array<i32>} : memref<128x64xf32, #tpu.memory_space<vmem>>, vector<16xf32>,
        %parallel_loop3A_691 = arith.constant 0 : i32
        %parallel_loop3A_692 = vector.broadcast %parallel_loop3A_691 : i32 to vector<16xi32>
        %parallel_loop3A_693 = arith.addi %parallel_loop3A_683, %parallel_loop3A_692 : vector<16xi32>
        tpu.vector_store_idx %arg10[%parallel_loop3A_693, %parallel_loop3A_686, %parallel_loop3A_687], %parallel_loop3A_690 : memref<8x8x129xf32, #tpu.memory_space<vmem>>[vector<16xi32>, vector<16xi32>, vector<16xi32>], vector<16xf32>,
        %parallel_loop3A_694 = arith.index_cast %parallel_loop3A_679 : i32 to index
        %parallel_loop3A_695 = arith.constant 16 : index
        %parallel_loop3A_696 = tpu.vector_load %arg6[%parallel_loop3A_694, %parallel_loop3A_695] {strides = array<i32>} : memref<128x64xf32, #tpu.memory_space<vmem>>, vector<16xf32>,
        %parallel_loop3A_697 = arith.constant 2 : i32
        %parallel_loop3A_698 = vector.broadcast %parallel_loop3A_697 : i32 to vector<16xi32>
        %parallel_loop3A_699 = arith.addi %parallel_loop3A_683, %parallel_loop3A_698 : vector<16xi32>
        tpu.vector_store_idx %arg10[%parallel_loop3A_699, %parallel_loop3A_686, %parallel_loop3A_687], %parallel_loop3A_696 : memref<8x8x129xf32, #tpu.memory_space<vmem>>[vector<16xi32>, vector<16xi32>, vector<16xi32>], vector<16xf32>,
        %parallel_loop3A_700 = arith.index_cast %parallel_loop3A_679 : i32 to index
        %parallel_loop3A_701 = arith.constant 32 : index
        %parallel_loop3A_702 = tpu.vector_load %arg6[%parallel_loop3A_700, %parallel_loop3A_701] {strides = array<i32>} : memref<128x64xf32, #tpu.memory_space<vmem>>, vector<16xf32>,
        %parallel_loop3A_703 = arith.constant 4 : i32
        %parallel_loop3A_704 = vector.broadcast %parallel_loop3A_703 : i32 to vector<16xi32>
        %parallel_loop3A_705 = arith.addi %parallel_loop3A_683, %parallel_loop3A_704 : vector<16xi32>
        tpu.vector_store_idx %arg10[%parallel_loop3A_705, %parallel_loop3A_686, %parallel_loop3A_687], %parallel_loop3A_702 : memref<8x8x129xf32, #tpu.memory_space<vmem>>[vector<16xi32>, vector<16xi32>, vector<16xi32>], vector<16xf32>,
        %parallel_loop3A_706 = arith.index_cast %parallel_loop3A_679 : i32 to index
        %parallel_loop3A_707 = arith.constant 48 : index
        %parallel_loop3A_708 = tpu.vector_load %arg6[%parallel_loop3A_706, %parallel_loop3A_707] {strides = array<i32>} : memref<128x64xf32, #tpu.memory_space<vmem>>, vector<16xf32>,
        %parallel_loop3A_709 = arith.constant 6 : i32
        %parallel_loop3A_710 = vector.broadcast %parallel_loop3A_709 : i32 to vector<16xi32>
        %parallel_loop3A_711 = arith.addi %parallel_loop3A_683, %parallel_loop3A_710 : vector<16xi32>
        tpu.vector_store_idx %arg10[%parallel_loop3A_711, %parallel_loop3A_686, %parallel_loop3A_687], %parallel_loop3A_708 : memref<8x8x129xf32, #tpu.memory_space<vmem>>[vector<16xi32>, vector<16xi32>, vector<16xi32>], vector<16xf32>,
      } {sc.loop_unroll_factor = 2 : i64, sc.parallel_access}
      %dma_start3A_476 = arith.constant 0 : i32
      %dma_start3A_477 = arith.constant 0 : i32
      %dma_start3A_478 = arith.constant 0 : i32
      %dma_start3A_479 = tpu.memref_slice %arg10[%dma_start3A_476, %dma_start3A_477, %dma_start3A_478] : memref<8x8x129xf32, #tpu.memory_space<vmem>> -> memref<8x8x128xf32, #tpu.memory_space<vmem>>
      %dma_start3A_480 = arith.constant 0 : i32
      %dma_start3A_481 = arith.constant 0 : i32
      %dma_start3A_482 = arith.constant 0 : i32
      %dma_start3A_483 = tpu.memref_slice %arg4[%add3A_447, %dma_start3A_480, %add3A, %dma_start3A_481, %dma_start3A_482] : memref<200x8x32x8x128xf32, #tpu.memory_space<hbm>> -> memref<1x8x1x8x128xf32, #tpu.memory_space<hbm>>
      %dma_start3A_484 = tpu.memref_squeeze %dma_start3A_483 : memref<1x8x1x8x128xf32, #tpu.memory_space<hbm>> -> memref<8x8x128xf32, #tpu.memory_space<hbm>>
      %dma_start3A_485 = arith.constant 0 : i32
      %dma_start3A_486 = arith.constant 0 : i32
      %dma_start3A_487 = arith.constant 0 : i32
      %dma_start3A_488 = tpu.memref_slice %arg4[%add3A_447, %dma_start3A_485, %add3A, %dma_start3A_486, %dma_start3A_487] : memref<200x8x32x8x128xf32, #tpu.memory_space<hbm>> -> memref<1x8x1x8x128xf32, #tpu.memory_space<hbm>>
      %dma_start3A_489 = tpu.memref_squeeze %dma_start3A_488 : memref<1x8x1x8x128xf32, #tpu.memory_space<hbm>> -> memref<8x8x128xf32, #tpu.memory_space<hbm>>
      %dma_start3A_490 = arith.constant 0 : i32
      %dma_start3A_491 = arith.constant 0 : i32
      %dma_start3A_492 = arith.constant 0 : i32
      %dma_start3A_493 = tpu.memref_slice %arg10[%dma_start3A_490, %dma_start3A_491, %dma_start3A_492] : memref<8x8x129xf32, #tpu.memory_space<vmem>> -> memref<8x8x128xf32, #tpu.memory_space<vmem>>
      tpu.enqueue_dma source(%dma_start3A_493 : memref<8x8x128xf32, #tpu.memory_space<vmem>>) target(%dma_start3A_489 : memref<8x8x128xf32, #tpu.memory_space<hbm>>) target_semaphore(%arg18 : memref<!tpu.dma_semaphore, #tpu.memory_space<semaphore_mem>>)
      %add3A_494 = arith.constant 4 : i32
      %add3A_495 = arith.addi %add3A_447, %add3A_494 : i32
      %dma_start3A_496 = arith.constant 0 : i32
      %dma_start3A_497 = tpu.memref_slice %arg5[%add3A_495, %dma_start3A_496] : memref<200x128xi32, #tpu.memory_space<vmem>> -> memref<1x128xi32, #tpu.memory_space<vmem>>
      %dma_start3A_498 = tpu.memref_squeeze %dma_start3A_497 : memref<1x128xi32, #tpu.memory_space<vmem>> -> memref<128xi32, #tpu.memory_space<vmem>>
      %dma_start3A_499 = arith.constant 0 : i32
      %dma_start3A_500 = arith.constant 0 : i32
      %dma_start3A_501 = tpu.memref_slice %arg3[%dma_start3A_499, %dma_start3A_500] : memref<1000000x64xf32, #tpu.memory_space<hbm>> -> memref<1000000x64xf32, #tpu.memory_space<hbm>>
      tpu.enqueue_indirect_dma source(%dma_start3A_501 : memref<1000000x64xf32, #tpu.memory_space<hbm>>) target(%arg6 : memref<128x64xf32, #tpu.memory_space<vmem>>) offsets(%dma_start3A_498 : memref<128xi32, #tpu.memory_space<vmem>>) semaphore(%arg14 : memref<!tpu.dma_semaphore, #tpu.memory_space<semaphore_mem>>)
      %mul3A_502 = arith.constant 4 : i32
      %mul3A_503 = arith.muli %mul3A_502, %scan3A_443 : i32
      %add3A_504 = arith.constant 1 : i32
      %add3A_505 = arith.addi %mul3A_503, %add3A_504 : i32
      %dma_wait3A_506 = arith.constant 0 : i32
      %dma_wait3A_507 = tpu.memref_slice %arg5[%add3A_505, %dma_wait3A_506] : memref<200x128xi32, #tpu.memory_space<vmem>> -> memref<1x128xi32, #tpu.memory_space<vmem>>
      %dma_wait3A_508 = tpu.memref_squeeze %dma_wait3A_507 : memref<1x128xi32, #tpu.memory_space<vmem>> -> memref<128xi32, #tpu.memory_space<vmem>>
      %dma_wait3A_509 = arith.constant 0 : i32
      %dma_wait3A_510 = arith.constant 0 : i32
      %dma_wait3A_511 = tpu.memref_slice %arg3[%dma_wait3A_509, %dma_wait3A_510] : memref<1000000x64xf32, #tpu.memory_space<hbm>> -> memref<1000000x64xf32, #tpu.memory_space<hbm>>
      tpu.wait_indirect_dma semaphore(%arg15 : memref<!tpu.dma_semaphore, #tpu.memory_space<semaphore_mem>>) src(%dma_wait3A_511 : memref<1000000x64xf32, #tpu.memory_space<hbm>>) dst(%arg7 : memref<128x64xf32, #tpu.memory_space<vmem>>)
      %sub3A_512 = arith.constant 4 : i32
      %sub3A_513 = arith.subi %add3A_505, %sub3A_512 : i32
      %dma_wait3A_514 = arith.constant 0 : i32
      %dma_wait3A_515 = arith.constant 0 : i32
      %dma_wait3A_516 = arith.constant 0 : i32
      %dma_wait3A_517 = tpu.memref_slice %arg11[%dma_wait3A_514, %dma_wait3A_515, %dma_wait3A_516] : memref<8x8x129xf32, #tpu.memory_space<vmem>> -> memref<8x8x128xf32, #tpu.memory_space<vmem>>
      %dma_wait3A_518 = arith.constant 0 : i32
      %dma_wait3A_519 = arith.constant 0 : i32
      %dma_wait3A_520 = arith.constant 0 : i32
      %dma_wait3A_521 = tpu.memref_slice %arg4[%sub3A_513, %dma_wait3A_518, %add3A, %dma_wait3A_519, %dma_wait3A_520] : memref<200x8x32x8x128xf32, #tpu.memory_space<hbm>> -> memref<1x8x1x8x128xf32, #tpu.memory_space<hbm>>
      %dma_wait3A_522 = tpu.memref_squeeze %dma_wait3A_521 : memref<1x8x1x8x128xf32, #tpu.memory_space<hbm>> -> memref<8x8x128xf32, #tpu.memory_space<hbm>>
      %dma_wait3A_523 = arith.constant 0 : i32
      %dma_wait3A_524 = arith.constant 0 : i32
      %dma_wait3A_525 = arith.constant 0 : i32
      %dma_wait3A_526 = tpu.memref_slice %arg4[%sub3A_513, %dma_wait3A_523, %add3A, %dma_wait3A_524, %dma_wait3A_525] : memref<200x8x32x8x128xf32, #tpu.memory_space<hbm>> -> memref<1x8x1x8x128xf32, #tpu.memory_space<hbm>>
      %dma_wait3A_527 = tpu.memref_squeeze %dma_wait3A_526 : memref<1x8x1x8x128xf32, #tpu.memory_space<hbm>> -> memref<8x8x128xf32, #tpu.memory_space<hbm>>
      %dma_wait3A_528 = arith.constant 0 : i32
      %dma_wait3A_529 = arith.constant 0 : i32
      %dma_wait3A_530 = arith.constant 0 : i32
      %dma_wait3A_531 = tpu.memref_slice %arg11[%dma_wait3A_528, %dma_wait3A_529, %dma_wait3A_530] : memref<8x8x129xf32, #tpu.memory_space<vmem>> -> memref<8x8x128xf32, #tpu.memory_space<vmem>>
      tpu.wait_dma2 semaphore(%arg19 : memref<!tpu.dma_semaphore, #tpu.memory_space<semaphore_mem>>) src(%dma_wait3A_531 : memref<8x8x128xf32, #tpu.memory_space<vmem>>) dst(%dma_wait3A_527 : memref<8x8x128xf32, #tpu.memory_space<hbm>>)
      %parallel_loop3A_532 = arith.constant 0 : i32
      %parallel_loop3A_533 = arith.constant 128 : i32
      %parallel_loop3A_534 = arith.constant 1 : i32
      scf.for %parallel_loop3A_679 = %parallel_loop3A_532 to %parallel_loop3A_533 step %parallel_loop3A_534  : i32 {
        %parallel_loop3A_680 = tpu.iota {dimensions = array<i32: 0>} : vector<16xi32>
        %parallel_loop3A_681 = arith.constant 3 : i32
        %parallel_loop3A_682 = vector.broadcast %parallel_loop3A_681 : i32 to vector<16xi32>
        %parallel_loop3A_683 = arith.shrsi %parallel_loop3A_680, %parallel_loop3A_682 : vector<16xi32>
        %parallel_loop3A_684 = arith.constant 7 : i32
        %parallel_loop3A_685 = vector.broadcast %parallel_loop3A_684 : i32 to vector<16xi32>
        %parallel_loop3A_686 = arith.andi %parallel_loop3A_680, %parallel_loop3A_685 : vector<16xi32>
        %parallel_loop3A_687 = vector.broadcast %parallel_loop3A_679 : i32 to vector<16xi32>
        %parallel_loop3A_688 = arith.index_cast %parallel_loop3A_679 : i32 to index
        %parallel_loop3A_689 = arith.constant 0 : index
        %parallel_loop3A_690 = tpu.vector_load %arg7[%parallel_loop3A_688, %parallel_loop3A_689] {strides = array<i32>} : memref<128x64xf32, #tpu.memory_space<vmem>>, vector<16xf32>,
        %parallel_loop3A_691 = arith.constant 0 : i32
        %parallel_loop3A_692 = vector.broadcast %parallel_loop3A_691 : i32 to vector<16xi32>
        %parallel_loop3A_693 = arith.addi %parallel_loop3A_683, %parallel_loop3A_692 : vector<16xi32>
        tpu.vector_store_idx %arg11[%parallel_loop3A_693, %parallel_loop3A_686, %parallel_loop3A_687], %parallel_loop3A_690 : memref<8x8x129xf32, #tpu.memory_space<vmem>>[vector<16xi32>, vector<16xi32>, vector<16xi32>], vector<16xf32>,
        %parallel_loop3A_694 = arith.index_cast %parallel_loop3A_679 : i32 to index
        %parallel_loop3A_695 = arith.constant 16 : index
        %parallel_loop3A_696 = tpu.vector_load %arg7[%parallel_loop3A_694, %parallel_loop3A_695] {strides = array<i32>} : memref<128x64xf32, #tpu.memory_space<vmem>>, vector<16xf32>,
        %parallel_loop3A_697 = arith.constant 2 : i32
        %parallel_loop3A_698 = vector.broadcast %parallel_loop3A_697 : i32 to vector<16xi32>
        %parallel_loop3A_699 = arith.addi %parallel_loop3A_683, %parallel_loop3A_698 : vector<16xi32>
        tpu.vector_store_idx %arg11[%parallel_loop3A_699, %parallel_loop3A_686, %parallel_loop3A_687], %parallel_loop3A_696 : memref<8x8x129xf32, #tpu.memory_space<vmem>>[vector<16xi32>, vector<16xi32>, vector<16xi32>], vector<16xf32>,
        %parallel_loop3A_700 = arith.index_cast %parallel_loop3A_679 : i32 to index
        %parallel_loop3A_701 = arith.constant 32 : index
        %parallel_loop3A_702 = tpu.vector_load %arg7[%parallel_loop3A_700, %parallel_loop3A_701] {strides = array<i32>} : memref<128x64xf32, #tpu.memory_space<vmem>>, vector<16xf32>,
        %parallel_loop3A_703 = arith.constant 4 : i32
        %parallel_loop3A_704 = vector.broadcast %parallel_loop3A_703 : i32 to vector<16xi32>
        %parallel_loop3A_705 = arith.addi %parallel_loop3A_683, %parallel_loop3A_704 : vector<16xi32>
        tpu.vector_store_idx %arg11[%parallel_loop3A_705, %parallel_loop3A_686, %parallel_loop3A_687], %parallel_loop3A_702 : memref<8x8x129xf32, #tpu.memory_space<vmem>>[vector<16xi32>, vector<16xi32>, vector<16xi32>], vector<16xf32>,
        %parallel_loop3A_706 = arith.index_cast %parallel_loop3A_679 : i32 to index
        %parallel_loop3A_707 = arith.constant 48 : index
        %parallel_loop3A_708 = tpu.vector_load %arg7[%parallel_loop3A_706, %parallel_loop3A_707] {strides = array<i32>} : memref<128x64xf32, #tpu.memory_space<vmem>>, vector<16xf32>,
        %parallel_loop3A_709 = arith.constant 6 : i32
        %parallel_loop3A_710 = vector.broadcast %parallel_loop3A_709 : i32 to vector<16xi32>
        %parallel_loop3A_711 = arith.addi %parallel_loop3A_683, %parallel_loop3A_710 : vector<16xi32>
        tpu.vector_store_idx %arg11[%parallel_loop3A_711, %parallel_loop3A_686, %parallel_loop3A_687], %parallel_loop3A_708 : memref<8x8x129xf32, #tpu.memory_space<vmem>>[vector<16xi32>, vector<16xi32>, vector<16xi32>], vector<16xf32>,
      } {sc.loop_unroll_factor = 2 : i64, sc.parallel_access}
      %dma_start3A_535 = arith.constant 0 : i32
      %dma_start3A_536 = arith.constant 0 : i32
      %dma_start3A_537 = arith.constant 0 : i32
      %dma_start3A_538 = tpu.memref_slice %arg11[%dma_start3A_535, %dma_start3A_536, %dma_start3A_537] : memref<8x8x129xf32, #tpu.memory_space<vmem>> -> memref<8x8x128xf32, #tpu.memory_space<vmem>>
      %dma_start3A_539 = arith.constant 0 : i32
      %dma_start3A_540 = arith.constant 0 : i32
      %dma_start3A_541 = arith.constant 0 : i32
      %dma_start3A_542 = tpu.memref_slice %arg4[%add3A_505, %dma_start3A_539, %add3A, %dma_start3A_540, %dma_start3A_541] : memref<200x8x32x8x128xf32, #tpu.memory_space<hbm>> -> memref<1x8x1x8x128xf32, #tpu.memory_space<hbm>>
      %dma_start3A_543 = tpu.memref_squeeze %dma_start3A_542 : memref<1x8x1x8x128xf32, #tpu.memory_space<hbm>> -> memref<8x8x128xf32, #tpu.memory_space<hbm>>
      %dma_start3A_544 = arith.constant 0 : i32
      %dma_start3A_545 = arith.constant 0 : i32
      %dma_start3A_546 = arith.constant 0 : i32
      %dma_start3A_547 = tpu.memref_slice %arg4[%add3A_505, %dma_start3A_544, %add3A, %dma_start3A_545, %dma_start3A_546] : memref<200x8x32x8x128xf32, #tpu.memory_space<hbm>> -> memref<1x8x1x8x128xf32, #tpu.memory_space<hbm>>
      %dma_start3A_548 = tpu.memref_squeeze %dma_start3A_547 : memref<1x8x1x8x128xf32, #tpu.memory_space<hbm>> -> memref<8x8x128xf32, #tpu.memory_space<hbm>>
      %dma_start3A_549 = arith.constant 0 : i32
      %dma_start3A_550 = arith.constant 0 : i32
      %dma_start3A_551 = arith.constant 0 : i32
      %dma_start3A_552 = tpu.memref_slice %arg11[%dma_start3A_549, %dma_start3A_550, %dma_start3A_551] : memref<8x8x129xf32, #tpu.memory_space<vmem>> -> memref<8x8x128xf32, #tpu.memory_space<vmem>>
      tpu.enqueue_dma source(%dma_start3A_552 : memref<8x8x128xf32, #tpu.memory_space<vmem>>) target(%dma_start3A_548 : memref<8x8x128xf32, #tpu.memory_space<hbm>>) target_semaphore(%arg19 : memref<!tpu.dma_semaphore, #tpu.memory_space<semaphore_mem>>)
      %add3A_553 = arith.constant 4 : i32
      %add3A_554 = arith.addi %add3A_505, %add3A_553 : i32
      %dma_start3A_555 = arith.constant 0 : i32
      %dma_start3A_556 = tpu.memref_slice %arg5[%add3A_554, %dma_start3A_555] : memref<200x128xi32, #tpu.memory_space<vmem>> -> memref<1x128xi32, #tpu.memory_space<vmem>>
      %dma_start3A_557 = tpu.memref_squeeze %dma_start3A_556 : memref<1x128xi32, #tpu.memory_space<vmem>> -> memref<128xi32, #tpu.memory_space<vmem>>
      %dma_start3A_558 = arith.constant 0 : i32
      %dma_start3A_559 = arith.constant 0 : i32
      %dma_start3A_560 = tpu.memref_slice %arg3[%dma_start3A_558, %dma_start3A_559] : memref<1000000x64xf32, #tpu.memory_space<hbm>> -> memref<1000000x64xf32, #tpu.memory_space<hbm>>
      tpu.enqueue_indirect_dma source(%dma_start3A_560 : memref<1000000x64xf32, #tpu.memory_space<hbm>>) target(%arg7 : memref<128x64xf32, #tpu.memory_space<vmem>>) offsets(%dma_start3A_557 : memref<128xi32, #tpu.memory_space<vmem>>) semaphore(%arg15 : memref<!tpu.dma_semaphore, #tpu.memory_space<semaphore_mem>>)
      %mul3A_561 = arith.constant 4 : i32
      %mul3A_562 = arith.muli %mul3A_561, %scan3A_443 : i32
      %add3A_563 = arith.constant 2 : i32
      %add3A_564 = arith.addi %mul3A_562, %add3A_563 : i32
      %dma_wait3A_565 = arith.constant 0 : i32
      %dma_wait3A_566 = tpu.memref_slice %arg5[%add3A_564, %dma_wait3A_565] : memref<200x128xi32, #tpu.memory_space<vmem>> -> memref<1x128xi32, #tpu.memory_space<vmem>>
      %dma_wait3A_567 = tpu.memref_squeeze %dma_wait3A_566 : memref<1x128xi32, #tpu.memory_space<vmem>> -> memref<128xi32, #tpu.memory_space<vmem>>
      %dma_wait3A_568 = arith.constant 0 : i32
      %dma_wait3A_569 = arith.constant 0 : i32
      %dma_wait3A_570 = tpu.memref_slice %arg3[%dma_wait3A_568, %dma_wait3A_569] : memref<1000000x64xf32, #tpu.memory_space<hbm>> -> memref<1000000x64xf32, #tpu.memory_space<hbm>>
      tpu.wait_indirect_dma semaphore(%arg16 : memref<!tpu.dma_semaphore, #tpu.memory_space<semaphore_mem>>) src(%dma_wait3A_570 : memref<1000000x64xf32, #tpu.memory_space<hbm>>) dst(%arg8 : memref<128x64xf32, #tpu.memory_space<vmem>>)
      %sub3A_571 = arith.constant 4 : i32
      %sub3A_572 = arith.subi %add3A_564, %sub3A_571 : i32
      %dma_wait3A_573 = arith.constant 0 : i32
      %dma_wait3A_574 = arith.constant 0 : i32
      %dma_wait3A_575 = arith.constant 0 : i32
      %dma_wait3A_576 = tpu.memref_slice %arg12[%dma_wait3A_573, %dma_wait3A_574, %dma_wait3A_575] : memref<8x8x129xf32, #tpu.memory_space<vmem>> -> memref<8x8x128xf32, #tpu.memory_space<vmem>>
      %dma_wait3A_577 = arith.constant 0 : i32
      %dma_wait3A_578 = arith.constant 0 : i32
      %dma_wait3A_579 = arith.constant 0 : i32
      %dma_wait3A_580 = tpu.memref_slice %arg4[%sub3A_572, %dma_wait3A_577, %add3A, %dma_wait3A_578, %dma_wait3A_579] : memref<200x8x32x8x128xf32, #tpu.memory_space<hbm>> -> memref<1x8x1x8x128xf32, #tpu.memory_space<hbm>>
      %dma_wait3A_581 = tpu.memref_squeeze %dma_wait3A_580 : memref<1x8x1x8x128xf32, #tpu.memory_space<hbm>> -> memref<8x8x128xf32, #tpu.memory_space<hbm>>
      %dma_wait3A_582 = arith.constant 0 : i32
      %dma_wait3A_583 = arith.constant 0 : i32
      %dma_wait3A_584 = arith.constant 0 : i32
      %dma_wait3A_585 = tpu.memref_slice %arg4[%sub3A_572, %dma_wait3A_582, %add3A, %dma_wait3A_583, %dma_wait3A_584] : memref<200x8x32x8x128xf32, #tpu.memory_space<hbm>> -> memref<1x8x1x8x128xf32, #tpu.memory_space<hbm>>
      %dma_wait3A_586 = tpu.memref_squeeze %dma_wait3A_585 : memref<1x8x1x8x128xf32, #tpu.memory_space<hbm>> -> memref<8x8x128xf32, #tpu.memory_space<hbm>>
      %dma_wait3A_587 = arith.constant 0 : i32
      %dma_wait3A_588 = arith.constant 0 : i32
      %dma_wait3A_589 = arith.constant 0 : i32
      %dma_wait3A_590 = tpu.memref_slice %arg12[%dma_wait3A_587, %dma_wait3A_588, %dma_wait3A_589] : memref<8x8x129xf32, #tpu.memory_space<vmem>> -> memref<8x8x128xf32, #tpu.memory_space<vmem>>
      tpu.wait_dma2 semaphore(%arg20 : memref<!tpu.dma_semaphore, #tpu.memory_space<semaphore_mem>>) src(%dma_wait3A_590 : memref<8x8x128xf32, #tpu.memory_space<vmem>>) dst(%dma_wait3A_586 : memref<8x8x128xf32, #tpu.memory_space<hbm>>)
      %parallel_loop3A_591 = arith.constant 0 : i32
      %parallel_loop3A_592 = arith.constant 128 : i32
      %parallel_loop3A_593 = arith.constant 1 : i32
      scf.for %parallel_loop3A_679 = %parallel_loop3A_591 to %parallel_loop3A_592 step %parallel_loop3A_593  : i32 {
        %parallel_loop3A_680 = tpu.iota {dimensions = array<i32: 0>} : vector<16xi32>
        %parallel_loop3A_681 = arith.constant 3 : i32
        %parallel_loop3A_682 = vector.broadcast %parallel_loop3A_681 : i32 to vector<16xi32>
        %parallel_loop3A_683 = arith.shrsi %parallel_loop3A_680, %parallel_loop3A_682 : vector<16xi32>
        %parallel_loop3A_684 = arith.constant 7 : i32
        %parallel_loop3A_685 = vector.broadcast %parallel_loop3A_684 : i32 to vector<16xi32>
        %parallel_loop3A_686 = arith.andi %parallel_loop3A_680, %parallel_loop3A_685 : vector<16xi32>
        %parallel_loop3A_687 = vector.broadcast %parallel_loop3A_679 : i32 to vector<16xi32>
        %parallel_loop3A_688 = arith.index_cast %parallel_loop3A_679 : i32 to index
        %parallel_loop3A_689 = arith.constant 0 : index
        %parallel_loop3A_690 = tpu.vector_load %arg8[%parallel_loop3A_688, %parallel_loop3A_689] {strides = array<i32>} : memref<128x64xf32, #tpu.memory_space<vmem>>, vector<16xf32>,
        %parallel_loop3A_691 = arith.constant 0 : i32
        %parallel_loop3A_692 = vector.broadcast %parallel_loop3A_691 : i32 to vector<16xi32>
        %parallel_loop3A_693 = arith.addi %parallel_loop3A_683, %parallel_loop3A_692 : vector<16xi32>
        tpu.vector_store_idx %arg12[%parallel_loop3A_693, %parallel_loop3A_686, %parallel_loop3A_687], %parallel_loop3A_690 : memref<8x8x129xf32, #tpu.memory_space<vmem>>[vector<16xi32>, vector<16xi32>, vector<16xi32>], vector<16xf32>,
        %parallel_loop3A_694 = arith.index_cast %parallel_loop3A_679 : i32 to index
        %parallel_loop3A_695 = arith.constant 16 : index
        %parallel_loop3A_696 = tpu.vector_load %arg8[%parallel_loop3A_694, %parallel_loop3A_695] {strides = array<i32>} : memref<128x64xf32, #tpu.memory_space<vmem>>, vector<16xf32>,
        %parallel_loop3A_697 = arith.constant 2 : i32
        %parallel_loop3A_698 = vector.broadcast %parallel_loop3A_697 : i32 to vector<16xi32>
        %parallel_loop3A_699 = arith.addi %parallel_loop3A_683, %parallel_loop3A_698 : vector<16xi32>
        tpu.vector_store_idx %arg12[%parallel_loop3A_699, %parallel_loop3A_686, %parallel_loop3A_687], %parallel_loop3A_696 : memref<8x8x129xf32, #tpu.memory_space<vmem>>[vector<16xi32>, vector<16xi32>, vector<16xi32>], vector<16xf32>,
        %parallel_loop3A_700 = arith.index_cast %parallel_loop3A_679 : i32 to index
        %parallel_loop3A_701 = arith.constant 32 : index
        %parallel_loop3A_702 = tpu.vector_load %arg8[%parallel_loop3A_700, %parallel_loop3A_701] {strides = array<i32>} : memref<128x64xf32, #tpu.memory_space<vmem>>, vector<16xf32>,
        %parallel_loop3A_703 = arith.constant 4 : i32
        %parallel_loop3A_704 = vector.broadcast %parallel_loop3A_703 : i32 to vector<16xi32>
        %parallel_loop3A_705 = arith.addi %parallel_loop3A_683, %parallel_loop3A_704 : vector<16xi32>
        tpu.vector_store_idx %arg12[%parallel_loop3A_705, %parallel_loop3A_686, %parallel_loop3A_687], %parallel_loop3A_702 : memref<8x8x129xf32, #tpu.memory_space<vmem>>[vector<16xi32>, vector<16xi32>, vector<16xi32>], vector<16xf32>,
        %parallel_loop3A_706 = arith.index_cast %parallel_loop3A_679 : i32 to index
        %parallel_loop3A_707 = arith.constant 48 : index
        %parallel_loop3A_708 = tpu.vector_load %arg8[%parallel_loop3A_706, %parallel_loop3A_707] {strides = array<i32>} : memref<128x64xf32, #tpu.memory_space<vmem>>, vector<16xf32>,
        %parallel_loop3A_709 = arith.constant 6 : i32
        %parallel_loop3A_710 = vector.broadcast %parallel_loop3A_709 : i32 to vector<16xi32>
        %parallel_loop3A_711 = arith.addi %parallel_loop3A_683, %parallel_loop3A_710 : vector<16xi32>
        tpu.vector_store_idx %arg12[%parallel_loop3A_711, %parallel_loop3A_686, %parallel_loop3A_687], %parallel_loop3A_708 : memref<8x8x129xf32, #tpu.memory_space<vmem>>[vector<16xi32>, vector<16xi32>, vector<16xi32>], vector<16xf32>,
      } {sc.loop_unroll_factor = 2 : i64, sc.parallel_access}
      %dma_start3A_594 = arith.constant 0 : i32
      %dma_start3A_595 = arith.constant 0 : i32
      %dma_start3A_596 = arith.constant 0 : i32
      %dma_start3A_597 = tpu.memref_slice %arg12[%dma_start3A_594, %dma_start3A_595, %dma_start3A_596] : memref<8x8x129xf32, #tpu.memory_space<vmem>> -> memref<8x8x128xf32, #tpu.memory_space<vmem>>
      %dma_start3A_598 = arith.constant 0 : i32
      %dma_start3A_599 = arith.constant 0 : i32
      %dma_start3A_600 = arith.constant 0 : i32
      %dma_start3A_601 = tpu.memref_slice %arg4[%add3A_564, %dma_start3A_598, %add3A, %dma_start3A_599, %dma_start3A_600] : memref<200x8x32x8x128xf32, #tpu.memory_space<hbm>> -> memref<1x8x1x8x128xf32, #tpu.memory_space<hbm>>
      %dma_start3A_602 = tpu.memref_squeeze %dma_start3A_601 : memref<1x8x1x8x128xf32, #tpu.memory_space<hbm>> -> memref<8x8x128xf32, #tpu.memory_space<hbm>>
      %dma_start3A_603 = arith.constant 0 : i32
      %dma_start3A_604 = arith.constant 0 : i32
      %dma_start3A_605 = arith.constant 0 : i32
      %dma_start3A_606 = tpu.memref_slice %arg4[%add3A_564, %dma_start3A_603, %add3A, %dma_start3A_604, %dma_start3A_605] : memref<200x8x32x8x128xf32, #tpu.memory_space<hbm>> -> memref<1x8x1x8x128xf32, #tpu.memory_space<hbm>>
      %dma_start3A_607 = tpu.memref_squeeze %dma_start3A_606 : memref<1x8x1x8x128xf32, #tpu.memory_space<hbm>> -> memref<8x8x128xf32, #tpu.memory_space<hbm>>
      %dma_start3A_608 = arith.constant 0 : i32
      %dma_start3A_609 = arith.constant 0 : i32
      %dma_start3A_610 = arith.constant 0 : i32
      %dma_start3A_611 = tpu.memref_slice %arg12[%dma_start3A_608, %dma_start3A_609, %dma_start3A_610] : memref<8x8x129xf32, #tpu.memory_space<vmem>> -> memref<8x8x128xf32, #tpu.memory_space<vmem>>
      tpu.enqueue_dma source(%dma_start3A_611 : memref<8x8x128xf32, #tpu.memory_space<vmem>>) target(%dma_start3A_607 : memref<8x8x128xf32, #tpu.memory_space<hbm>>) target_semaphore(%arg20 : memref<!tpu.dma_semaphore, #tpu.memory_space<semaphore_mem>>)
      %add3A_612 = arith.constant 4 : i32
      %add3A_613 = arith.addi %add3A_564, %add3A_612 : i32
      %dma_start3A_614 = arith.constant 0 : i32
      %dma_start3A_615 = tpu.memref_slice %arg5[%add3A_613, %dma_start3A_614] : memref<200x128xi32, #tpu.memory_space<vmem>> -> memref<1x128xi32, #tpu.memory_space<vmem>>
      %dma_start3A_616 = tpu.memref_squeeze %dma_start3A_615 : memref<1x128xi32, #tpu.memory_space<vmem>> -> memref<128xi32, #tpu.memory_space<vmem>>
      %dma_start3A_617 = arith.constant 0 : i32
      %dma_start3A_618 = arith.constant 0 : i32
      %dma_start3A_619 = tpu.memref_slice %arg3[%dma_start3A_617, %dma_start3A_618] : memref<1000000x64xf32, #tpu.memory_space<hbm>> -> memref<1000000x64xf32, #tpu.memory_space<hbm>>
      tpu.enqueue_indirect_dma source(%dma_start3A_619 : memref<1000000x64xf32, #tpu.memory_space<hbm>>) target(%arg8 : memref<128x64xf32, #tpu.memory_space<vmem>>) offsets(%dma_start3A_616 : memref<128xi32, #tpu.memory_space<vmem>>) semaphore(%arg16 : memref<!tpu.dma_semaphore, #tpu.memory_space<semaphore_mem>>)
      %mul3A_620 = arith.constant 4 : i32
      %mul3A_621 = arith.muli %mul3A_620, %scan3A_443 : i32
      %add3A_622 = arith.constant 3 : i32
      %add3A_623 = arith.addi %mul3A_621, %add3A_622 : i32
      %dma_wait3A_624 = arith.constant 0 : i32
      %dma_wait3A_625 = tpu.memref_slice %arg5[%add3A_623, %dma_wait3A_624] : memref<200x128xi32, #tpu.memory_space<vmem>> -> memref<1x128xi32, #tpu.memory_space<vmem>>
      %dma_wait3A_626 = tpu.memref_squeeze %dma_wait3A_625 : memref<1x128xi32, #tpu.memory_space<vmem>> -> memref<128xi32, #tpu.memory_space<vmem>>
      %dma_wait3A_627 = arith.constant 0 : i32
      %dma_wait3A_628 = arith.constant 0 : i32
      %dma_wait3A_629 = tpu.memref_slice %arg3[%dma_wait3A_627, %dma_wait3A_628] : memref<1000000x64xf32, #tpu.memory_space<hbm>> -> memref<1000000x64xf32, #tpu.memory_space<hbm>>
      tpu.wait_indirect_dma semaphore(%arg17 : memref<!tpu.dma_semaphore, #tpu.memory_space<semaphore_mem>>) src(%dma_wait3A_629 : memref<1000000x64xf32, #tpu.memory_space<hbm>>) dst(%arg9 : memref<128x64xf32, #tpu.memory_space<vmem>>)
      %sub3A_630 = arith.constant 4 : i32
      %sub3A_631 = arith.subi %add3A_623, %sub3A_630 : i32
      %dma_wait3A_632 = arith.constant 0 : i32
      %dma_wait3A_633 = arith.constant 0 : i32
      %dma_wait3A_634 = arith.constant 0 : i32
      %dma_wait3A_635 = tpu.memref_slice %arg13[%dma_wait3A_632, %dma_wait3A_633, %dma_wait3A_634] : memref<8x8x129xf32, #tpu.memory_space<vmem>> -> memref<8x8x128xf32, #tpu.memory_space<vmem>>
      %dma_wait3A_636 = arith.constant 0 : i32
      %dma_wait3A_637 = arith.constant 0 : i32
      %dma_wait3A_638 = arith.constant 0 : i32
      %dma_wait3A_639 = tpu.memref_slice %arg4[%sub3A_631, %dma_wait3A_636, %add3A, %dma_wait3A_637, %dma_wait3A_638] : memref<200x8x32x8x128xf32, #tpu.memory_space<hbm>> -> memref<1x8x1x8x128xf32, #tpu.memory_space<hbm>>
      %dma_wait3A_640 = tpu.memref_squeeze %dma_wait3A_639 : memref<1x8x1x8x128xf32, #tpu.memory_space<hbm>> -> memref<8x8x128xf32, #tpu.memory_space<hbm>>
      %dma_wait3A_641 = arith.constant 0 : i32
      %dma_wait3A_642 = arith.constant 0 : i32
      %dma_wait3A_643 = arith.constant 0 : i32
      %dma_wait3A_644 = tpu.memref_slice %arg4[%sub3A_631, %dma_wait3A_641, %add3A, %dma_wait3A_642, %dma_wait3A_643] : memref<200x8x32x8x128xf32, #tpu.memory_space<hbm>> -> memref<1x8x1x8x128xf32, #tpu.memory_space<hbm>>
      %dma_wait3A_645 = tpu.memref_squeeze %dma_wait3A_644 : memref<1x8x1x8x128xf32, #tpu.memory_space<hbm>> -> memref<8x8x128xf32, #tpu.memory_space<hbm>>
      %dma_wait3A_646 = arith.constant 0 : i32
      %dma_wait3A_647 = arith.constant 0 : i32
      %dma_wait3A_648 = arith.constant 0 : i32
      %dma_wait3A_649 = tpu.memref_slice %arg13[%dma_wait3A_646, %dma_wait3A_647, %dma_wait3A_648] : memref<8x8x129xf32, #tpu.memory_space<vmem>> -> memref<8x8x128xf32, #tpu.memory_space<vmem>>
      tpu.wait_dma2 semaphore(%arg21 : memref<!tpu.dma_semaphore, #tpu.memory_space<semaphore_mem>>) src(%dma_wait3A_649 : memref<8x8x128xf32, #tpu.memory_space<vmem>>) dst(%dma_wait3A_645 : memref<8x8x128xf32, #tpu.memory_space<hbm>>)
      %parallel_loop3A_650 = arith.constant 0 : i32
      %parallel_loop3A_651 = arith.constant 128 : i32
      %parallel_loop3A_652 = arith.constant 1 : i32
      scf.for %parallel_loop3A_679 = %parallel_loop3A_650 to %parallel_loop3A_651 step %parallel_loop3A_652  : i32 {
        %parallel_loop3A_680 = tpu.iota {dimensions = array<i32: 0>} : vector<16xi32>
        %parallel_loop3A_681 = arith.constant 3 : i32
        %parallel_loop3A_682 = vector.broadcast %parallel_loop3A_681 : i32 to vector<16xi32>
        %parallel_loop3A_683 = arith.shrsi %parallel_loop3A_680, %parallel_loop3A_682 : vector<16xi32>
        %parallel_loop3A_684 = arith.constant 7 : i32
        %parallel_loop3A_685 = vector.broadcast %parallel_loop3A_684 : i32 to vector<16xi32>
        %parallel_loop3A_686 = arith.andi %parallel_loop3A_680, %parallel_loop3A_685 : vector<16xi32>
        %parallel_loop3A_687 = vector.broadcast %parallel_loop3A_679 : i32 to vector<16xi32>
        %parallel_loop3A_688 = arith.index_cast %parallel_loop3A_679 : i32 to index
        %parallel_loop3A_689 = arith.constant 0 : index
        %parallel_loop3A_690 = tpu.vector_load %arg9[%parallel_loop3A_688, %parallel_loop3A_689] {strides = array<i32>} : memref<128x64xf32, #tpu.memory_space<vmem>>, vector<16xf32>,
        %parallel_loop3A_691 = arith.constant 0 : i32
        %parallel_loop3A_692 = vector.broadcast %parallel_loop3A_691 : i32 to vector<16xi32>
        %parallel_loop3A_693 = arith.addi %parallel_loop3A_683, %parallel_loop3A_692 : vector<16xi32>
        tpu.vector_store_idx %arg13[%parallel_loop3A_693, %parallel_loop3A_686, %parallel_loop3A_687], %parallel_loop3A_690 : memref<8x8x129xf32, #tpu.memory_space<vmem>>[vector<16xi32>, vector<16xi32>, vector<16xi32>], vector<16xf32>,
        %parallel_loop3A_694 = arith.index_cast %parallel_loop3A_679 : i32 to index
        %parallel_loop3A_695 = arith.constant 16 : index
        %parallel_loop3A_696 = tpu.vector_load %arg9[%parallel_loop3A_694, %parallel_loop3A_695] {strides = array<i32>} : memref<128x64xf32, #tpu.memory_space<vmem>>, vector<16xf32>,
        %parallel_loop3A_697 = arith.constant 2 : i32
        %parallel_loop3A_698 = vector.broadcast %parallel_loop3A_697 : i32 to vector<16xi32>
        %parallel_loop3A_699 = arith.addi %parallel_loop3A_683, %parallel_loop3A_698 : vector<16xi32>
        tpu.vector_store_idx %arg13[%parallel_loop3A_699, %parallel_loop3A_686, %parallel_loop3A_687], %parallel_loop3A_696 : memref<8x8x129xf32, #tpu.memory_space<vmem>>[vector<16xi32>, vector<16xi32>, vector<16xi32>], vector<16xf32>,
        %parallel_loop3A_700 = arith.index_cast %parallel_loop3A_679 : i32 to index
        %parallel_loop3A_701 = arith.constant 32 : index
        %parallel_loop3A_702 = tpu.vector_load %arg9[%parallel_loop3A_700, %parallel_loop3A_701] {strides = array<i32>} : memref<128x64xf32, #tpu.memory_space<vmem>>, vector<16xf32>,
        %parallel_loop3A_703 = arith.constant 4 : i32
        %parallel_loop3A_704 = vector.broadcast %parallel_loop3A_703 : i32 to vector<16xi32>
        %parallel_loop3A_705 = arith.addi %parallel_loop3A_683, %parallel_loop3A_704 : vector<16xi32>
        tpu.vector_store_idx %arg13[%parallel_loop3A_705, %parallel_loop3A_686, %parallel_loop3A_687], %parallel_loop3A_702 : memref<8x8x129xf32, #tpu.memory_space<vmem>>[vector<16xi32>, vector<16xi32>, vector<16xi32>], vector<16xf32>,
        %parallel_loop3A_706 = arith.index_cast %parallel_loop3A_679 : i32 to index
        %parallel_loop3A_707 = arith.constant 48 : index
        %parallel_loop3A_708 = tpu.vector_load %arg9[%parallel_loop3A_706, %parallel_loop3A_707] {strides = array<i32>} : memref<128x64xf32, #tpu.memory_space<vmem>>, vector<16xf32>,
        %parallel_loop3A_709 = arith.constant 6 : i32
        %parallel_loop3A_710 = vector.broadcast %parallel_loop3A_709 : i32 to vector<16xi32>
        %parallel_loop3A_711 = arith.addi %parallel_loop3A_683, %parallel_loop3A_710 : vector<16xi32>
        tpu.vector_store_idx %arg13[%parallel_loop3A_711, %parallel_loop3A_686, %parallel_loop3A_687], %parallel_loop3A_708 : memref<8x8x129xf32, #tpu.memory_space<vmem>>[vector<16xi32>, vector<16xi32>, vector<16xi32>], vector<16xf32>,
      } {sc.loop_unroll_factor = 2 : i64, sc.parallel_access}
      %dma_start3A_653 = arith.constant 0 : i32
      %dma_start3A_654 = arith.constant 0 : i32
      %dma_start3A_655 = arith.constant 0 : i32
      %dma_start3A_656 = tpu.memref_slice %arg13[%dma_start3A_653, %dma_start3A_654, %dma_start3A_655] : memref<8x8x129xf32, #tpu.memory_space<vmem>> -> memref<8x8x128xf32, #tpu.memory_space<vmem>>
      %dma_start3A_657 = arith.constant 0 : i32
      %dma_start3A_658 = arith.constant 0 : i32
      %dma_start3A_659 = arith.constant 0 : i32
      %dma_start3A_660 = tpu.memref_slice %arg4[%add3A_623, %dma_start3A_657, %add3A, %dma_start3A_658, %dma_start3A_659] : memref<200x8x32x8x128xf32, #tpu.memory_space<hbm>> -> memref<1x8x1x8x128xf32, #tpu.memory_space<hbm>>
      %dma_start3A_661 = tpu.memref_squeeze %dma_start3A_660 : memref<1x8x1x8x128xf32, #tpu.memory_space<hbm>> -> memref<8x8x128xf32, #tpu.memory_space<hbm>>
      %dma_start3A_662 = arith.constant 0 : i32
      %dma_start3A_663 = arith.constant 0 : i32
      %dma_start3A_664 = arith.constant 0 : i32
      %dma_start3A_665 = tpu.memref_slice %arg4[%add3A_623, %dma_start3A_662, %add3A, %dma_start3A_663, %dma_start3A_664] : memref<200x8x32x8x128xf32, #tpu.memory_space<hbm>> -> memref<1x8x1x8x128xf32, #tpu.memory_space<hbm>>
      %dma_start3A_666 = tpu.memref_squeeze %dma_start3A_665 : memref<1x8x1x8x128xf32, #tpu.memory_space<hbm>> -> memref<8x8x128xf32, #tpu.memory_space<hbm>>
      %dma_start3A_667 = arith.constant 0 : i32
      %dma_start3A_668 = arith.constant 0 : i32
      %dma_start3A_669 = arith.constant 0 : i32
      %dma_start3A_670 = tpu.memref_slice %arg13[%dma_start3A_667, %dma_start3A_668, %dma_start3A_669] : memref<8x8x129xf32, #tpu.memory_space<vmem>> -> memref<8x8x128xf32, #tpu.memory_space<vmem>>
      tpu.enqueue_dma source(%dma_start3A_670 : memref<8x8x128xf32, #tpu.memory_space<vmem>>) target(%dma_start3A_666 : memref<8x8x128xf32, #tpu.memory_space<hbm>>) target_semaphore(%arg21 : memref<!tpu.dma_semaphore, #tpu.memory_space<semaphore_mem>>)
      %add3A_671 = arith.constant 4 : i32
      %add3A_672 = arith.addi %add3A_623, %add3A_671 : i32
      %dma_start3A_673 = arith.constant 0 : i32
      %dma_start3A_674 = tpu.memref_slice %arg5[%add3A_672, %dma_start3A_673] : memref<200x128xi32, #tpu.memory_space<vmem>> -> memref<1x128xi32, #tpu.memory_space<vmem>>
      %dma_start3A_675 = tpu.memref_squeeze %dma_start3A_674 : memref<1x128xi32, #tpu.memory_space<vmem>> -> memref<128xi32, #tpu.memory_space<vmem>>
      %dma_start3A_676 = arith.constant 0 : i32
      %dma_start3A_677 = arith.constant 0 : i32
      %dma_start3A_678 = tpu.memref_slice %arg3[%dma_start3A_676, %dma_start3A_677] : memref<1000000x64xf32, #tpu.memory_space<hbm>> -> memref<1000000x64xf32, #tpu.memory_space<hbm>>
      tpu.enqueue_indirect_dma source(%dma_start3A_678 : memref<1000000x64xf32, #tpu.memory_space<hbm>>) target(%arg9 : memref<128x64xf32, #tpu.memory_space<vmem>>) offsets(%dma_start3A_675 : memref<128xi32, #tpu.memory_space<vmem>>) semaphore(%arg17 : memref<!tpu.dma_semaphore, #tpu.memory_space<semaphore_mem>>)
    }
    %scan3A_174 = arith.constant 48 : i32
    %dma_wait3A_175 = arith.constant 196 : i32
    %dma_wait3A_176 = arith.constant 0 : i32
    %dma_wait3A_177 = tpu.memref_slice %arg5[%dma_wait3A_175, %dma_wait3A_176] : memref<200x128xi32, #tpu.memory_space<vmem>> -> memref<1x128xi32, #tpu.memory_space<vmem>>
    %dma_wait3A_178 = tpu.memref_squeeze %dma_wait3A_177 : memref<1x128xi32, #tpu.memory_space<vmem>> -> memref<128xi32, #tpu.memory_space<vmem>>
    %dma_wait3A_179 = arith.constant 0 : i32
    %dma_wait3A_180 = arith.constant 0 : i32
    %dma_wait3A_181 = tpu.memref_slice %arg3[%dma_wait3A_179, %dma_wait3A_180] : memref<1000000x64xf32, #tpu.memory_space<hbm>> -> memref<1000000x64xf32, #tpu.memory_space<hbm>>
    tpu.wait_indirect_dma semaphore(%arg14 : memref<!tpu.dma_semaphore, #tpu.memory_space<semaphore_mem>>) src(%dma_wait3A_181 : memref<1000000x64xf32, #tpu.memory_space<hbm>>) dst(%arg6 : memref<128x64xf32, #tpu.memory_space<vmem>>)
    %dma_wait3A_182 = arith.constant 192 : i32
    %dma_wait3A_183 = arith.constant 0 : i32
    %dma_wait3A_184 = arith.constant 0 : i32
    %dma_wait3A_185 = arith.constant 0 : i32
    %dma_wait3A_186 = tpu.memref_slice %arg10[%dma_wait3A_183, %dma_wait3A_184, %dma_wait3A_185] : memref<8x8x129xf32, #tpu.memory_space<vmem>> -> memref<8x8x128xf32, #tpu.memory_space<vmem>>
    %dma_wait3A_187 = arith.constant 0 : i32
    %dma_wait3A_188 = arith.constant 0 : i32
    %dma_wait3A_189 = arith.constant 0 : i32
    %dma_wait3A_190 = tpu.memref_slice %arg4[%dma_wait3A_182, %dma_wait3A_187, %add3A, %dma_wait3A_188, %dma_wait3A_189] : memref<200x8x32x8x128xf32, #tpu.memory_space<hbm>> -> memref<1x8x1x8x128xf32, #tpu.memory_space<hbm>>
    %dma_wait3A_191 = tpu.memref_squeeze %dma_wait3A_190 : memref<1x8x1x8x128xf32, #tpu.memory_space<hbm>> -> memref<8x8x128xf32, #tpu.memory_space<hbm>>
    %dma_wait3A_192 = arith.constant 0 : i32
    %dma_wait3A_193 = arith.constant 0 : i32
    %dma_wait3A_194 = arith.constant 0 : i32
    %dma_wait3A_195 = tpu.memref_slice %arg4[%dma_wait3A_182, %dma_wait3A_192, %add3A, %dma_wait3A_193, %dma_wait3A_194] : memref<200x8x32x8x128xf32, #tpu.memory_space<hbm>> -> memref<1x8x1x8x128xf32, #tpu.memory_space<hbm>>
    %dma_wait3A_196 = tpu.memref_squeeze %dma_wait3A_195 : memref<1x8x1x8x128xf32, #tpu.memory_space<hbm>> -> memref<8x8x128xf32, #tpu.memory_space<hbm>>
    %dma_wait3A_197 = arith.constant 0 : i32
    %dma_wait3A_198 = arith.constant 0 : i32
    %dma_wait3A_199 = arith.constant 0 : i32
    %dma_wait3A_200 = tpu.memref_slice %arg10[%dma_wait3A_197, %dma_wait3A_198, %dma_wait3A_199] : memref<8x8x129xf32, #tpu.memory_space<vmem>> -> memref<8x8x128xf32, #tpu.memory_space<vmem>>
    tpu.wait_dma2 semaphore(%arg18 : memref<!tpu.dma_semaphore, #tpu.memory_space<semaphore_mem>>) src(%dma_wait3A_200 : memref<8x8x128xf32, #tpu.memory_space<vmem>>) dst(%dma_wait3A_196 : memref<8x8x128xf32, #tpu.memory_space<hbm>>)
    %parallel_loop3A_201 = arith.constant 0 : i32
    %parallel_loop3A_202 = arith.constant 128 : i32
    %parallel_loop3A_203 = arith.constant 1 : i32
    scf.for %parallel_loop3A_443 = %parallel_loop3A_201 to %parallel_loop3A_202 step %parallel_loop3A_203  : i32 {
      %parallel_loop3A_444 = tpu.iota {dimensions = array<i32: 0>} : vector<16xi32>
      %parallel_loop3A_445 = arith.constant 3 : i32
      %parallel_loop3A_446 = vector.broadcast %parallel_loop3A_445 : i32 to vector<16xi32>
      %parallel_loop3A_447 = arith.shrsi %parallel_loop3A_444, %parallel_loop3A_446 : vector<16xi32>
      %parallel_loop3A_448 = arith.constant 7 : i32
      %parallel_loop3A_449 = vector.broadcast %parallel_loop3A_448 : i32 to vector<16xi32>
      %parallel_loop3A_450 = arith.andi %parallel_loop3A_444, %parallel_loop3A_449 : vector<16xi32>
      %parallel_loop3A_451 = vector.broadcast %parallel_loop3A_443 : i32 to vector<16xi32>
      %parallel_loop3A_452 = arith.index_cast %parallel_loop3A_443 : i32 to index
      %parallel_loop3A_453 = arith.constant 0 : index
      %parallel_loop3A_454 = tpu.vector_load %arg6[%parallel_loop3A_452, %parallel_loop3A_453] {strides = array<i32>} : memref<128x64xf32, #tpu.memory_space<vmem>>, vector<16xf32>,
      %parallel_loop3A_455 = arith.constant 0 : i32
      %parallel_loop3A_456 = vector.broadcast %parallel_loop3A_455 : i32 to vector<16xi32>
      %parallel_loop3A_457 = arith.addi %parallel_loop3A_447, %parallel_loop3A_456 : vector<16xi32>
      tpu.vector_store_idx %arg10[%parallel_loop3A_457, %parallel_loop3A_450, %parallel_loop3A_451], %parallel_loop3A_454 : memref<8x8x129xf32, #tpu.memory_space<vmem>>[vector<16xi32>, vector<16xi32>, vector<16xi32>], vector<16xf32>,
      %parallel_loop3A_458 = arith.index_cast %parallel_loop3A_443 : i32 to index
      %parallel_loop3A_459 = arith.constant 16 : index
      %parallel_loop3A_460 = tpu.vector_load %arg6[%parallel_loop3A_458, %parallel_loop3A_459] {strides = array<i32>} : memref<128x64xf32, #tpu.memory_space<vmem>>, vector<16xf32>,
      %parallel_loop3A_461 = arith.constant 2 : i32
      %parallel_loop3A_462 = vector.broadcast %parallel_loop3A_461 : i32 to vector<16xi32>
      %parallel_loop3A_463 = arith.addi %parallel_loop3A_447, %parallel_loop3A_462 : vector<16xi32>
      tpu.vector_store_idx %arg10[%parallel_loop3A_463, %parallel_loop3A_450, %parallel_loop3A_451], %parallel_loop3A_460 : memref<8x8x129xf32, #tpu.memory_space<vmem>>[vector<16xi32>, vector<16xi32>, vector<16xi32>], vector<16xf32>,
      %parallel_loop3A_464 = arith.index_cast %parallel_loop3A_443 : i32 to index
      %parallel_loop3A_465 = arith.constant 32 : index
      %parallel_loop3A_466 = tpu.vector_load %arg6[%parallel_loop3A_464, %parallel_loop3A_465] {strides = array<i32>} : memref<128x64xf32, #tpu.memory_space<vmem>>, vector<16xf32>,
      %parallel_loop3A_467 = arith.constant 4 : i32
      %parallel_loop3A_468 = vector.broadcast %parallel_loop3A_467 : i32 to vector<16xi32>
      %parallel_loop3A_469 = arith.addi %parallel_loop3A_447, %parallel_loop3A_468 : vector<16xi32>
      tpu.vector_store_idx %arg10[%parallel_loop3A_469, %parallel_loop3A_450, %parallel_loop3A_451], %parallel_loop3A_466 : memref<8x8x129xf32, #tpu.memory_space<vmem>>[vector<16xi32>, vector<16xi32>, vector<16xi32>], vector<16xf32>,
      %parallel_loop3A_470 = arith.index_cast %parallel_loop3A_443 : i32 to index
      %parallel_loop3A_471 = arith.constant 48 : index
      %parallel_loop3A_472 = tpu.vector_load %arg6[%parallel_loop3A_470, %parallel_loop3A_471] {strides = array<i32>} : memref<128x64xf32, #tpu.memory_space<vmem>>, vector<16xf32>,
      %parallel_loop3A_473 = arith.constant 6 : i32
      %parallel_loop3A_474 = vector.broadcast %parallel_loop3A_473 : i32 to vector<16xi32>
      %parallel_loop3A_475 = arith.addi %parallel_loop3A_447, %parallel_loop3A_474 : vector<16xi32>
      tpu.vector_store_idx %arg10[%parallel_loop3A_475, %parallel_loop3A_450, %parallel_loop3A_451], %parallel_loop3A_472 : memref<8x8x129xf32, #tpu.memory_space<vmem>>[vector<16xi32>, vector<16xi32>, vector<16xi32>], vector<16xf32>,
    } {sc.loop_unroll_factor = 2 : i64, sc.parallel_access}
    %dma_start3A_204 = arith.constant 196 : i32
    %dma_start3A_205 = arith.constant 0 : i32
    %dma_start3A_206 = arith.constant 0 : i32
    %dma_start3A_207 = arith.constant 0 : i32
    %dma_start3A_208 = tpu.memref_slice %arg10[%dma_start3A_205, %dma_start3A_206, %dma_start3A_207] : memref<8x8x129xf32, #tpu.memory_space<vmem>> -> memref<8x8x128xf32, #tpu.memory_space<vmem>>
    %dma_start3A_209 = arith.constant 0 : i32
    %dma_start3A_210 = arith.constant 0 : i32
    %dma_start3A_211 = arith.constant 0 : i32
    %dma_start3A_212 = tpu.memref_slice %arg4[%dma_start3A_204, %dma_start3A_209, %add3A, %dma_start3A_210, %dma_start3A_211] : memref<200x8x32x8x128xf32, #tpu.memory_space<hbm>> -> memref<1x8x1x8x128xf32, #tpu.memory_space<hbm>>
    %dma_start3A_213 = tpu.memref_squeeze %dma_start3A_212 : memref<1x8x1x8x128xf32, #tpu.memory_space<hbm>> -> memref<8x8x128xf32, #tpu.memory_space<hbm>>
    %dma_start3A_214 = arith.constant 0 : i32
    %dma_start3A_215 = arith.constant 0 : i32
    %dma_start3A_216 = arith.constant 0 : i32
    %dma_start3A_217 = tpu.memref_slice %arg4[%dma_start3A_204, %dma_start3A_214, %add3A, %dma_start3A_215, %dma_start3A_216] : memref<200x8x32x8x128xf32, #tpu.memory_space<hbm>> -> memref<1x8x1x8x128xf32, #tpu.memory_space<hbm>>
    %dma_start3A_218 = tpu.memref_squeeze %dma_start3A_217 : memref<1x8x1x8x128xf32, #tpu.memory_space<hbm>> -> memref<8x8x128xf32, #tpu.memory_space<hbm>>
    %dma_start3A_219 = arith.constant 0 : i32
    %dma_start3A_220 = arith.constant 0 : i32
    %dma_start3A_221 = arith.constant 0 : i32
    %dma_start3A_222 = tpu.memref_slice %arg10[%dma_start3A_219, %dma_start3A_220, %dma_start3A_221] : memref<8x8x129xf32, #tpu.memory_space<vmem>> -> memref<8x8x128xf32, #tpu.memory_space<vmem>>
    tpu.enqueue_dma source(%dma_start3A_222 : memref<8x8x128xf32, #tpu.memory_space<vmem>>) target(%dma_start3A_218 : memref<8x8x128xf32, #tpu.memory_space<hbm>>) target_semaphore(%arg18 : memref<!tpu.dma_semaphore, #tpu.memory_space<semaphore_mem>>)
    %dma_wait3A_223 = arith.constant 197 : i32
    %dma_wait3A_224 = arith.constant 0 : i32
    %dma_wait3A_225 = tpu.memref_slice %arg5[%dma_wait3A_223, %dma_wait3A_224] : memref<200x128xi32, #tpu.memory_space<vmem>> -> memref<1x128xi32, #tpu.memory_space<vmem>>
    %dma_wait3A_226 = tpu.memref_squeeze %dma_wait3A_225 : memref<1x128xi32, #tpu.memory_space<vmem>> -> memref<128xi32, #tpu.memory_space<vmem>>
    %dma_wait3A_227 = arith.constant 0 : i32
    %dma_wait3A_228 = arith.constant 0 : i32
    %dma_wait3A_229 = tpu.memref_slice %arg3[%dma_wait3A_227, %dma_wait3A_228] : memref<1000000x64xf32, #tpu.memory_space<hbm>> -> memref<1000000x64xf32, #tpu.memory_space<hbm>>
    tpu.wait_indirect_dma semaphore(%arg15 : memref<!tpu.dma_semaphore, #tpu.memory_space<semaphore_mem>>) src(%dma_wait3A_229 : memref<1000000x64xf32, #tpu.memory_space<hbm>>) dst(%arg7 : memref<128x64xf32, #tpu.memory_space<vmem>>)
    %dma_wait3A_230 = arith.constant 193 : i32
    %dma_wait3A_231 = arith.constant 0 : i32
    %dma_wait3A_232 = arith.constant 0 : i32
    %dma_wait3A_233 = arith.constant 0 : i32
    %dma_wait3A_234 = tpu.memref_slice %arg11[%dma_wait3A_231, %dma_wait3A_232, %dma_wait3A_233] : memref<8x8x129xf32, #tpu.memory_space<vmem>> -> memref<8x8x128xf32, #tpu.memory_space<vmem>>
    %dma_wait3A_235 = arith.constant 0 : i32
    %dma_wait3A_236 = arith.constant 0 : i32
    %dma_wait3A_237 = arith.constant 0 : i32
    %dma_wait3A_238 = tpu.memref_slice %arg4[%dma_wait3A_230, %dma_wait3A_235, %add3A, %dma_wait3A_236, %dma_wait3A_237] : memref<200x8x32x8x128xf32, #tpu.memory_space<hbm>> -> memref<1x8x1x8x128xf32, #tpu.memory_space<hbm>>
    %dma_wait3A_239 = tpu.memref_squeeze %dma_wait3A_238 : memref<1x8x1x8x128xf32, #tpu.memory_space<hbm>> -> memref<8x8x128xf32, #tpu.memory_space<hbm>>
    %dma_wait3A_240 = arith.constant 0 : i32
    %dma_wait3A_241 = arith.constant 0 : i32
    %dma_wait3A_242 = arith.constant 0 : i32
    %dma_wait3A_243 = tpu.memref_slice %arg4[%dma_wait3A_230, %dma_wait3A_240, %add3A, %dma_wait3A_241, %dma_wait3A_242] : memref<200x8x32x8x128xf32, #tpu.memory_space<hbm>> -> memref<1x8x1x8x128xf32, #tpu.memory_space<hbm>>
    %dma_wait3A_244 = tpu.memref_squeeze %dma_wait3A_243 : memref<1x8x1x8x128xf32, #tpu.memory_space<hbm>> -> memref<8x8x128xf32, #tpu.memory_space<hbm>>
    %dma_wait3A_245 = arith.constant 0 : i32
    %dma_wait3A_246 = arith.constant 0 : i32
    %dma_wait3A_247 = arith.constant 0 : i32
    %dma_wait3A_248 = tpu.memref_slice %arg11[%dma_wait3A_245, %dma_wait3A_246, %dma_wait3A_247] : memref<8x8x129xf32, #tpu.memory_space<vmem>> -> memref<8x8x128xf32, #tpu.memory_space<vmem>>
    tpu.wait_dma2 semaphore(%arg19 : memref<!tpu.dma_semaphore, #tpu.memory_space<semaphore_mem>>) src(%dma_wait3A_248 : memref<8x8x128xf32, #tpu.memory_space<vmem>>) dst(%dma_wait3A_244 : memref<8x8x128xf32, #tpu.memory_space<hbm>>)
    %parallel_loop3A_249 = arith.constant 0 : i32
    %parallel_loop3A_250 = arith.constant 128 : i32
    %parallel_loop3A_251 = arith.constant 1 : i32
    scf.for %parallel_loop3A_443 = %parallel_loop3A_249 to %parallel_loop3A_250 step %parallel_loop3A_251  : i32 {
      %parallel_loop3A_444 = tpu.iota {dimensions = array<i32: 0>} : vector<16xi32>
      %parallel_loop3A_445 = arith.constant 3 : i32
      %parallel_loop3A_446 = vector.broadcast %parallel_loop3A_445 : i32 to vector<16xi32>
      %parallel_loop3A_447 = arith.shrsi %parallel_loop3A_444, %parallel_loop3A_446 : vector<16xi32>
      %parallel_loop3A_448 = arith.constant 7 : i32
      %parallel_loop3A_449 = vector.broadcast %parallel_loop3A_448 : i32 to vector<16xi32>
      %parallel_loop3A_450 = arith.andi %parallel_loop3A_444, %parallel_loop3A_449 : vector<16xi32>
      %parallel_loop3A_451 = vector.broadcast %parallel_loop3A_443 : i32 to vector<16xi32>
      %parallel_loop3A_452 = arith.index_cast %parallel_loop3A_443 : i32 to index
      %parallel_loop3A_453 = arith.constant 0 : index
      %parallel_loop3A_454 = tpu.vector_load %arg7[%parallel_loop3A_452, %parallel_loop3A_453] {strides = array<i32>} : memref<128x64xf32, #tpu.memory_space<vmem>>, vector<16xf32>,
      %parallel_loop3A_455 = arith.constant 0 : i32
      %parallel_loop3A_456 = vector.broadcast %parallel_loop3A_455 : i32 to vector<16xi32>
      %parallel_loop3A_457 = arith.addi %parallel_loop3A_447, %parallel_loop3A_456 : vector<16xi32>
      tpu.vector_store_idx %arg11[%parallel_loop3A_457, %parallel_loop3A_450, %parallel_loop3A_451], %parallel_loop3A_454 : memref<8x8x129xf32, #tpu.memory_space<vmem>>[vector<16xi32>, vector<16xi32>, vector<16xi32>], vector<16xf32>,
      %parallel_loop3A_458 = arith.index_cast %parallel_loop3A_443 : i32 to index
      %parallel_loop3A_459 = arith.constant 16 : index
      %parallel_loop3A_460 = tpu.vector_load %arg7[%parallel_loop3A_458, %parallel_loop3A_459] {strides = array<i32>} : memref<128x64xf32, #tpu.memory_space<vmem>>, vector<16xf32>,
      %parallel_loop3A_461 = arith.constant 2 : i32
      %parallel_loop3A_462 = vector.broadcast %parallel_loop3A_461 : i32 to vector<16xi32>
      %parallel_loop3A_463 = arith.addi %parallel_loop3A_447, %parallel_loop3A_462 : vector<16xi32>
      tpu.vector_store_idx %arg11[%parallel_loop3A_463, %parallel_loop3A_450, %parallel_loop3A_451], %parallel_loop3A_460 : memref<8x8x129xf32, #tpu.memory_space<vmem>>[vector<16xi32>, vector<16xi32>, vector<16xi32>], vector<16xf32>,
      %parallel_loop3A_464 = arith.index_cast %parallel_loop3A_443 : i32 to index
      %parallel_loop3A_465 = arith.constant 32 : index
      %parallel_loop3A_466 = tpu.vector_load %arg7[%parallel_loop3A_464, %parallel_loop3A_465] {strides = array<i32>} : memref<128x64xf32, #tpu.memory_space<vmem>>, vector<16xf32>,
      %parallel_loop3A_467 = arith.constant 4 : i32
      %parallel_loop3A_468 = vector.broadcast %parallel_loop3A_467 : i32 to vector<16xi32>
      %parallel_loop3A_469 = arith.addi %parallel_loop3A_447, %parallel_loop3A_468 : vector<16xi32>
      tpu.vector_store_idx %arg11[%parallel_loop3A_469, %parallel_loop3A_450, %parallel_loop3A_451], %parallel_loop3A_466 : memref<8x8x129xf32, #tpu.memory_space<vmem>>[vector<16xi32>, vector<16xi32>, vector<16xi32>], vector<16xf32>,
      %parallel_loop3A_470 = arith.index_cast %parallel_loop3A_443 : i32 to index
      %parallel_loop3A_471 = arith.constant 48 : index
      %parallel_loop3A_472 = tpu.vector_load %arg7[%parallel_loop3A_470, %parallel_loop3A_471] {strides = array<i32>} : memref<128x64xf32, #tpu.memory_space<vmem>>, vector<16xf32>,
      %parallel_loop3A_473 = arith.constant 6 : i32
      %parallel_loop3A_474 = vector.broadcast %parallel_loop3A_473 : i32 to vector<16xi32>
      %parallel_loop3A_475 = arith.addi %parallel_loop3A_447, %parallel_loop3A_474 : vector<16xi32>
      tpu.vector_store_idx %arg11[%parallel_loop3A_475, %parallel_loop3A_450, %parallel_loop3A_451], %parallel_loop3A_472 : memref<8x8x129xf32, #tpu.memory_space<vmem>>[vector<16xi32>, vector<16xi32>, vector<16xi32>], vector<16xf32>,
    } {sc.loop_unroll_factor = 2 : i64, sc.parallel_access}
    %dma_start3A_252 = arith.constant 197 : i32
    %dma_start3A_253 = arith.constant 0 : i32
    %dma_start3A_254 = arith.constant 0 : i32
    %dma_start3A_255 = arith.constant 0 : i32
    %dma_start3A_256 = tpu.memref_slice %arg11[%dma_start3A_253, %dma_start3A_254, %dma_start3A_255] : memref<8x8x129xf32, #tpu.memory_space<vmem>> -> memref<8x8x128xf32, #tpu.memory_space<vmem>>
    %dma_start3A_257 = arith.constant 0 : i32
    %dma_start3A_258 = arith.constant 0 : i32
    %dma_start3A_259 = arith.constant 0 : i32
    %dma_start3A_260 = tpu.memref_slice %arg4[%dma_start3A_252, %dma_start3A_257, %add3A, %dma_start3A_258, %dma_start3A_259] : memref<200x8x32x8x128xf32, #tpu.memory_space<hbm>> -> memref<1x8x1x8x128xf32, #tpu.memory_space<hbm>>
    %dma_start3A_261 = tpu.memref_squeeze %dma_start3A_260 : memref<1x8x1x8x128xf32, #tpu.memory_space<hbm>> -> memref<8x8x128xf32, #tpu.memory_space<hbm>>
    %dma_start3A_262 = arith.constant 0 : i32
    %dma_start3A_263 = arith.constant 0 : i32
    %dma_start3A_264 = arith.constant 0 : i32
    %dma_start3A_265 = tpu.memref_slice %arg4[%dma_start3A_252, %dma_start3A_262, %add3A, %dma_start3A_263, %dma_start3A_264] : memref<200x8x32x8x128xf32, #tpu.memory_space<hbm>> -> memref<1x8x1x8x128xf32, #tpu.memory_space<hbm>>
    %dma_start3A_266 = tpu.memref_squeeze %dma_start3A_265 : memref<1x8x1x8x128xf32, #tpu.memory_space<hbm>> -> memref<8x8x128xf32, #tpu.memory_space<hbm>>
    %dma_start3A_267 = arith.constant 0 : i32
    %dma_start3A_268 = arith.constant 0 : i32
    %dma_start3A_269 = arith.constant 0 : i32
    %dma_start3A_270 = tpu.memref_slice %arg11[%dma_start3A_267, %dma_start3A_268, %dma_start3A_269] : memref<8x8x129xf32, #tpu.memory_space<vmem>> -> memref<8x8x128xf32, #tpu.memory_space<vmem>>
    tpu.enqueue_dma source(%dma_start3A_270 : memref<8x8x128xf32, #tpu.memory_space<vmem>>) target(%dma_start3A_266 : memref<8x8x128xf32, #tpu.memory_space<hbm>>) target_semaphore(%arg19 : memref<!tpu.dma_semaphore, #tpu.memory_space<semaphore_mem>>)
    %dma_wait3A_271 = arith.constant 198 : i32
    %dma_wait3A_272 = arith.constant 0 : i32
    %dma_wait3A_273 = tpu.memref_slice %arg5[%dma_wait3A_271, %dma_wait3A_272] : memref<200x128xi32, #tpu.memory_space<vmem>> -> memref<1x128xi32, #tpu.memory_space<vmem>>
    %dma_wait3A_274 = tpu.memref_squeeze %dma_wait3A_273 : memref<1x128xi32, #tpu.memory_space<vmem>> -> memref<128xi32, #tpu.memory_space<vmem>>
    %dma_wait3A_275 = arith.constant 0 : i32
    %dma_wait3A_276 = arith.constant 0 : i32
    %dma_wait3A_277 = tpu.memref_slice %arg3[%dma_wait3A_275, %dma_wait3A_276] : memref<1000000x64xf32, #tpu.memory_space<hbm>> -> memref<1000000x64xf32, #tpu.memory_space<hbm>>
    tpu.wait_indirect_dma semaphore(%arg16 : memref<!tpu.dma_semaphore, #tpu.memory_space<semaphore_mem>>) src(%dma_wait3A_277 : memref<1000000x64xf32, #tpu.memory_space<hbm>>) dst(%arg8 : memref<128x64xf32, #tpu.memory_space<vmem>>)
    %dma_wait3A_278 = arith.constant 194 : i32
    %dma_wait3A_279 = arith.constant 0 : i32
    %dma_wait3A_280 = arith.constant 0 : i32
    %dma_wait3A_281 = arith.constant 0 : i32
    %dma_wait3A_282 = tpu.memref_slice %arg12[%dma_wait3A_279, %dma_wait3A_280, %dma_wait3A_281] : memref<8x8x129xf32, #tpu.memory_space<vmem>> -> memref<8x8x128xf32, #tpu.memory_space<vmem>>
    %dma_wait3A_283 = arith.constant 0 : i32
    %dma_wait3A_284 = arith.constant 0 : i32
    %dma_wait3A_285 = arith.constant 0 : i32
    %dma_wait3A_286 = tpu.memref_slice %arg4[%dma_wait3A_278, %dma_wait3A_283, %add3A, %dma_wait3A_284, %dma_wait3A_285] : memref<200x8x32x8x128xf32, #tpu.memory_space<hbm>> -> memref<1x8x1x8x128xf32, #tpu.memory_space<hbm>>
    %dma_wait3A_287 = tpu.memref_squeeze %dma_wait3A_286 : memref<1x8x1x8x128xf32, #tpu.memory_space<hbm>> -> memref<8x8x128xf32, #tpu.memory_space<hbm>>
    %dma_wait3A_288 = arith.constant 0 : i32
    %dma_wait3A_289 = arith.constant 0 : i32
    %dma_wait3A_290 = arith.constant 0 : i32
    %dma_wait3A_291 = tpu.memref_slice %arg4[%dma_wait3A_278, %dma_wait3A_288, %add3A, %dma_wait3A_289, %dma_wait3A_290] : memref<200x8x32x8x128xf32, #tpu.memory_space<hbm>> -> memref<1x8x1x8x128xf32, #tpu.memory_space<hbm>>
    %dma_wait3A_292 = tpu.memref_squeeze %dma_wait3A_291 : memref<1x8x1x8x128xf32, #tpu.memory_space<hbm>> -> memref<8x8x128xf32, #tpu.memory_space<hbm>>
    %dma_wait3A_293 = arith.constant 0 : i32
    %dma_wait3A_294 = arith.constant 0 : i32
    %dma_wait3A_295 = arith.constant 0 : i32
    %dma_wait3A_296 = tpu.memref_slice %arg12[%dma_wait3A_293, %dma_wait3A_294, %dma_wait3A_295] : memref<8x8x129xf32, #tpu.memory_space<vmem>> -> memref<8x8x128xf32, #tpu.memory_space<vmem>>
    tpu.wait_dma2 semaphore(%arg20 : memref<!tpu.dma_semaphore, #tpu.memory_space<semaphore_mem>>) src(%dma_wait3A_296 : memref<8x8x128xf32, #tpu.memory_space<vmem>>) dst(%dma_wait3A_292 : memref<8x8x128xf32, #tpu.memory_space<hbm>>)
    %parallel_loop3A_297 = arith.constant 0 : i32
    %parallel_loop3A_298 = arith.constant 128 : i32
    %parallel_loop3A_299 = arith.constant 1 : i32
    scf.for %parallel_loop3A_443 = %parallel_loop3A_297 to %parallel_loop3A_298 step %parallel_loop3A_299  : i32 {
      %parallel_loop3A_444 = tpu.iota {dimensions = array<i32: 0>} : vector<16xi32>
      %parallel_loop3A_445 = arith.constant 3 : i32
      %parallel_loop3A_446 = vector.broadcast %parallel_loop3A_445 : i32 to vector<16xi32>
      %parallel_loop3A_447 = arith.shrsi %parallel_loop3A_444, %parallel_loop3A_446 : vector<16xi32>
      %parallel_loop3A_448 = arith.constant 7 : i32
      %parallel_loop3A_449 = vector.broadcast %parallel_loop3A_448 : i32 to vector<16xi32>
      %parallel_loop3A_450 = arith.andi %parallel_loop3A_444, %parallel_loop3A_449 : vector<16xi32>
      %parallel_loop3A_451 = vector.broadcast %parallel_loop3A_443 : i32 to vector<16xi32>
      %parallel_loop3A_452 = arith.index_cast %parallel_loop3A_443 : i32 to index
      %parallel_loop3A_453 = arith.constant 0 : index
      %parallel_loop3A_454 = tpu.vector_load %arg8[%parallel_loop3A_452, %parallel_loop3A_453] {strides = array<i32>} : memref<128x64xf32, #tpu.memory_space<vmem>>, vector<16xf32>,
      %parallel_loop3A_455 = arith.constant 0 : i32
      %parallel_loop3A_456 = vector.broadcast %parallel_loop3A_455 : i32 to vector<16xi32>
      %parallel_loop3A_457 = arith.addi %parallel_loop3A_447, %parallel_loop3A_456 : vector<16xi32>
      tpu.vector_store_idx %arg12[%parallel_loop3A_457, %parallel_loop3A_450, %parallel_loop3A_451], %parallel_loop3A_454 : memref<8x8x129xf32, #tpu.memory_space<vmem>>[vector<16xi32>, vector<16xi32>, vector<16xi32>], vector<16xf32>,
      %parallel_loop3A_458 = arith.index_cast %parallel_loop3A_443 : i32 to index
      %parallel_loop3A_459 = arith.constant 16 : index
      %parallel_loop3A_460 = tpu.vector_load %arg8[%parallel_loop3A_458, %parallel_loop3A_459] {strides = array<i32>} : memref<128x64xf32, #tpu.memory_space<vmem>>, vector<16xf32>,
      %parallel_loop3A_461 = arith.constant 2 : i32
      %parallel_loop3A_462 = vector.broadcast %parallel_loop3A_461 : i32 to vector<16xi32>
      %parallel_loop3A_463 = arith.addi %parallel_loop3A_447, %parallel_loop3A_462 : vector<16xi32>
      tpu.vector_store_idx %arg12[%parallel_loop3A_463, %parallel_loop3A_450, %parallel_loop3A_451], %parallel_loop3A_460 : memref<8x8x129xf32, #tpu.memory_space<vmem>>[vector<16xi32>, vector<16xi32>, vector<16xi32>], vector<16xf32>,
      %parallel_loop3A_464 = arith.index_cast %parallel_loop3A_443 : i32 to index
      %parallel_loop3A_465 = arith.constant 32 : index
      %parallel_loop3A_466 = tpu.vector_load %arg8[%parallel_loop3A_464, %parallel_loop3A_465] {strides = array<i32>} : memref<128x64xf32, #tpu.memory_space<vmem>>, vector<16xf32>,
      %parallel_loop3A_467 = arith.constant 4 : i32
      %parallel_loop3A_468 = vector.broadcast %parallel_loop3A_467 : i32 to vector<16xi32>
      %parallel_loop3A_469 = arith.addi %parallel_loop3A_447, %parallel_loop3A_468 : vector<16xi32>
      tpu.vector_store_idx %arg12[%parallel_loop3A_469, %parallel_loop3A_450, %parallel_loop3A_451], %parallel_loop3A_466 : memref<8x8x129xf32, #tpu.memory_space<vmem>>[vector<16xi32>, vector<16xi32>, vector<16xi32>], vector<16xf32>,
      %parallel_loop3A_470 = arith.index_cast %parallel_loop3A_443 : i32 to index
      %parallel_loop3A_471 = arith.constant 48 : index
      %parallel_loop3A_472 = tpu.vector_load %arg8[%parallel_loop3A_470, %parallel_loop3A_471] {strides = array<i32>} : memref<128x64xf32, #tpu.memory_space<vmem>>, vector<16xf32>,
      %parallel_loop3A_473 = arith.constant 6 : i32
      %parallel_loop3A_474 = vector.broadcast %parallel_loop3A_473 : i32 to vector<16xi32>
      %parallel_loop3A_475 = arith.addi %parallel_loop3A_447, %parallel_loop3A_474 : vector<16xi32>
      tpu.vector_store_idx %arg12[%parallel_loop3A_475, %parallel_loop3A_450, %parallel_loop3A_451], %parallel_loop3A_472 : memref<8x8x129xf32, #tpu.memory_space<vmem>>[vector<16xi32>, vector<16xi32>, vector<16xi32>], vector<16xf32>,
    } {sc.loop_unroll_factor = 2 : i64, sc.parallel_access}
    %dma_start3A_300 = arith.constant 198 : i32
    %dma_start3A_301 = arith.constant 0 : i32
    %dma_start3A_302 = arith.constant 0 : i32
    %dma_start3A_303 = arith.constant 0 : i32
    %dma_start3A_304 = tpu.memref_slice %arg12[%dma_start3A_301, %dma_start3A_302, %dma_start3A_303] : memref<8x8x129xf32, #tpu.memory_space<vmem>> -> memref<8x8x128xf32, #tpu.memory_space<vmem>>
    %dma_start3A_305 = arith.constant 0 : i32
    %dma_start3A_306 = arith.constant 0 : i32
    %dma_start3A_307 = arith.constant 0 : i32
    %dma_start3A_308 = tpu.memref_slice %arg4[%dma_start3A_300, %dma_start3A_305, %add3A, %dma_start3A_306, %dma_start3A_307] : memref<200x8x32x8x128xf32, #tpu.memory_space<hbm>> -> memref<1x8x1x8x128xf32, #tpu.memory_space<hbm>>
    %dma_start3A_309 = tpu.memref_squeeze %dma_start3A_308 : memref<1x8x1x8x128xf32, #tpu.memory_space<hbm>> -> memref<8x8x128xf32, #tpu.memory_space<hbm>>
    %dma_start3A_310 = arith.constant 0 : i32
    %dma_start3A_311 = arith.constant 0 : i32
    %dma_start3A_312 = arith.constant 0 : i32
    %dma_start3A_313 = tpu.memref_slice %arg4[%dma_start3A_300, %dma_start3A_310, %add3A, %dma_start3A_311, %dma_start3A_312] : memref<200x8x32x8x128xf32, #tpu.memory_space<hbm>> -> memref<1x8x1x8x128xf32, #tpu.memory_space<hbm>>
    %dma_start3A_314 = tpu.memref_squeeze %dma_start3A_313 : memref<1x8x1x8x128xf32, #tpu.memory_space<hbm>> -> memref<8x8x128xf32, #tpu.memory_space<hbm>>
    %dma_start3A_315 = arith.constant 0 : i32
    %dma_start3A_316 = arith.constant 0 : i32
    %dma_start3A_317 = arith.constant 0 : i32
    %dma_start3A_318 = tpu.memref_slice %arg12[%dma_start3A_315, %dma_start3A_316, %dma_start3A_317] : memref<8x8x129xf32, #tpu.memory_space<vmem>> -> memref<8x8x128xf32, #tpu.memory_space<vmem>>
    tpu.enqueue_dma source(%dma_start3A_318 : memref<8x8x128xf32, #tpu.memory_space<vmem>>) target(%dma_start3A_314 : memref<8x8x128xf32, #tpu.memory_space<hbm>>) target_semaphore(%arg20 : memref<!tpu.dma_semaphore, #tpu.memory_space<semaphore_mem>>)
    %dma_wait3A_319 = arith.constant 199 : i32
    %dma_wait3A_320 = arith.constant 0 : i32
    %dma_wait3A_321 = tpu.memref_slice %arg5[%dma_wait3A_319, %dma_wait3A_320] : memref<200x128xi32, #tpu.memory_space<vmem>> -> memref<1x128xi32, #tpu.memory_space<vmem>>
    %dma_wait3A_322 = tpu.memref_squeeze %dma_wait3A_321 : memref<1x128xi32, #tpu.memory_space<vmem>> -> memref<128xi32, #tpu.memory_space<vmem>>
    %dma_wait3A_323 = arith.constant 0 : i32
    %dma_wait3A_324 = arith.constant 0 : i32
    %dma_wait3A_325 = tpu.memref_slice %arg3[%dma_wait3A_323, %dma_wait3A_324] : memref<1000000x64xf32, #tpu.memory_space<hbm>> -> memref<1000000x64xf32, #tpu.memory_space<hbm>>
    tpu.wait_indirect_dma semaphore(%arg17 : memref<!tpu.dma_semaphore, #tpu.memory_space<semaphore_mem>>) src(%dma_wait3A_325 : memref<1000000x64xf32, #tpu.memory_space<hbm>>) dst(%arg9 : memref<128x64xf32, #tpu.memory_space<vmem>>)
    %dma_wait3A_326 = arith.constant 195 : i32
    %dma_wait3A_327 = arith.constant 0 : i32
    %dma_wait3A_328 = arith.constant 0 : i32
    %dma_wait3A_329 = arith.constant 0 : i32
    %dma_wait3A_330 = tpu.memref_slice %arg13[%dma_wait3A_327, %dma_wait3A_328, %dma_wait3A_329] : memref<8x8x129xf32, #tpu.memory_space<vmem>> -> memref<8x8x128xf32, #tpu.memory_space<vmem>>
    %dma_wait3A_331 = arith.constant 0 : i32
    %dma_wait3A_332 = arith.constant 0 : i32
    %dma_wait3A_333 = arith.constant 0 : i32
    %dma_wait3A_334 = tpu.memref_slice %arg4[%dma_wait3A_326, %dma_wait3A_331, %add3A, %dma_wait3A_332, %dma_wait3A_333] : memref<200x8x32x8x128xf32, #tpu.memory_space<hbm>> -> memref<1x8x1x8x128xf32, #tpu.memory_space<hbm>>
    %dma_wait3A_335 = tpu.memref_squeeze %dma_wait3A_334 : memref<1x8x1x8x128xf32, #tpu.memory_space<hbm>> -> memref<8x8x128xf32, #tpu.memory_space<hbm>>
    %dma_wait3A_336 = arith.constant 0 : i32
    %dma_wait3A_337 = arith.constant 0 : i32
    %dma_wait3A_338 = arith.constant 0 : i32
    %dma_wait3A_339 = tpu.memref_slice %arg4[%dma_wait3A_326, %dma_wait3A_336, %add3A, %dma_wait3A_337, %dma_wait3A_338] : memref<200x8x32x8x128xf32, #tpu.memory_space<hbm>> -> memref<1x8x1x8x128xf32, #tpu.memory_space<hbm>>
    %dma_wait3A_340 = tpu.memref_squeeze %dma_wait3A_339 : memref<1x8x1x8x128xf32, #tpu.memory_space<hbm>> -> memref<8x8x128xf32, #tpu.memory_space<hbm>>
    %dma_wait3A_341 = arith.constant 0 : i32
    %dma_wait3A_342 = arith.constant 0 : i32
    %dma_wait3A_343 = arith.constant 0 : i32
    %dma_wait3A_344 = tpu.memref_slice %arg13[%dma_wait3A_341, %dma_wait3A_342, %dma_wait3A_343] : memref<8x8x129xf32, #tpu.memory_space<vmem>> -> memref<8x8x128xf32, #tpu.memory_space<vmem>>
    tpu.wait_dma2 semaphore(%arg21 : memref<!tpu.dma_semaphore, #tpu.memory_space<semaphore_mem>>) src(%dma_wait3A_344 : memref<8x8x128xf32, #tpu.memory_space<vmem>>) dst(%dma_wait3A_340 : memref<8x8x128xf32, #tpu.memory_space<hbm>>)
    %parallel_loop3A_345 = arith.constant 0 : i32
    %parallel_loop3A_346 = arith.constant 128 : i32
    %parallel_loop3A_347 = arith.constant 1 : i32
    scf.for %parallel_loop3A_443 = %parallel_loop3A_345 to %parallel_loop3A_346 step %parallel_loop3A_347  : i32 {
      %parallel_loop3A_444 = tpu.iota {dimensions = array<i32: 0>} : vector<16xi32>
      %parallel_loop3A_445 = arith.constant 3 : i32
      %parallel_loop3A_446 = vector.broadcast %parallel_loop3A_445 : i32 to vector<16xi32>
      %parallel_loop3A_447 = arith.shrsi %parallel_loop3A_444, %parallel_loop3A_446 : vector<16xi32>
      %parallel_loop3A_448 = arith.constant 7 : i32
      %parallel_loop3A_449 = vector.broadcast %parallel_loop3A_448 : i32 to vector<16xi32>
      %parallel_loop3A_450 = arith.andi %parallel_loop3A_444, %parallel_loop3A_449 : vector<16xi32>
      %parallel_loop3A_451 = vector.broadcast %parallel_loop3A_443 : i32 to vector<16xi32>
      %parallel_loop3A_452 = arith.index_cast %parallel_loop3A_443 : i32 to index
      %parallel_loop3A_453 = arith.constant 0 : index
      %parallel_loop3A_454 = tpu.vector_load %arg9[%parallel_loop3A_452, %parallel_loop3A_453] {strides = array<i32>} : memref<128x64xf32, #tpu.memory_space<vmem>>, vector<16xf32>,
      %parallel_loop3A_455 = arith.constant 0 : i32
      %parallel_loop3A_456 = vector.broadcast %parallel_loop3A_455 : i32 to vector<16xi32>
      %parallel_loop3A_457 = arith.addi %parallel_loop3A_447, %parallel_loop3A_456 : vector<16xi32>
      tpu.vector_store_idx %arg13[%parallel_loop3A_457, %parallel_loop3A_450, %parallel_loop3A_451], %parallel_loop3A_454 : memref<8x8x129xf32, #tpu.memory_space<vmem>>[vector<16xi32>, vector<16xi32>, vector<16xi32>], vector<16xf32>,
      %parallel_loop3A_458 = arith.index_cast %parallel_loop3A_443 : i32 to index
      %parallel_loop3A_459 = arith.constant 16 : index
      %parallel_loop3A_460 = tpu.vector_load %arg9[%parallel_loop3A_458, %parallel_loop3A_459] {strides = array<i32>} : memref<128x64xf32, #tpu.memory_space<vmem>>, vector<16xf32>,
      %parallel_loop3A_461 = arith.constant 2 : i32
      %parallel_loop3A_462 = vector.broadcast %parallel_loop3A_461 : i32 to vector<16xi32>
      %parallel_loop3A_463 = arith.addi %parallel_loop3A_447, %parallel_loop3A_462 : vector<16xi32>
      tpu.vector_store_idx %arg13[%parallel_loop3A_463, %parallel_loop3A_450, %parallel_loop3A_451], %parallel_loop3A_460 : memref<8x8x129xf32, #tpu.memory_space<vmem>>[vector<16xi32>, vector<16xi32>, vector<16xi32>], vector<16xf32>,
      %parallel_loop3A_464 = arith.index_cast %parallel_loop3A_443 : i32 to index
      %parallel_loop3A_465 = arith.constant 32 : index
      %parallel_loop3A_466 = tpu.vector_load %arg9[%parallel_loop3A_464, %parallel_loop3A_465] {strides = array<i32>} : memref<128x64xf32, #tpu.memory_space<vmem>>, vector<16xf32>,
      %parallel_loop3A_467 = arith.constant 4 : i32
      %parallel_loop3A_468 = vector.broadcast %parallel_loop3A_467 : i32 to vector<16xi32>
      %parallel_loop3A_469 = arith.addi %parallel_loop3A_447, %parallel_loop3A_468 : vector<16xi32>
      tpu.vector_store_idx %arg13[%parallel_loop3A_469, %parallel_loop3A_450, %parallel_loop3A_451], %parallel_loop3A_466 : memref<8x8x129xf32, #tpu.memory_space<vmem>>[vector<16xi32>, vector<16xi32>, vector<16xi32>], vector<16xf32>,
      %parallel_loop3A_470 = arith.index_cast %parallel_loop3A_443 : i32 to index
      %parallel_loop3A_471 = arith.constant 48 : index
      %parallel_loop3A_472 = tpu.vector_load %arg9[%parallel_loop3A_470, %parallel_loop3A_471] {strides = array<i32>} : memref<128x64xf32, #tpu.memory_space<vmem>>, vector<16xf32>,
      %parallel_loop3A_473 = arith.constant 6 : i32
      %parallel_loop3A_474 = vector.broadcast %parallel_loop3A_473 : i32 to vector<16xi32>
      %parallel_loop3A_475 = arith.addi %parallel_loop3A_447, %parallel_loop3A_474 : vector<16xi32>
      tpu.vector_store_idx %arg13[%parallel_loop3A_475, %parallel_loop3A_450, %parallel_loop3A_451], %parallel_loop3A_472 : memref<8x8x129xf32, #tpu.memory_space<vmem>>[vector<16xi32>, vector<16xi32>, vector<16xi32>], vector<16xf32>,
    } {sc.loop_unroll_factor = 2 : i64, sc.parallel_access}
    %dma_start3A_348 = arith.constant 199 : i32
    %dma_start3A_349 = arith.constant 0 : i32
    %dma_start3A_350 = arith.constant 0 : i32
    %dma_start3A_351 = arith.constant 0 : i32
    %dma_start3A_352 = tpu.memref_slice %arg13[%dma_start3A_349, %dma_start3A_350, %dma_start3A_351] : memref<8x8x129xf32, #tpu.memory_space<vmem>> -> memref<8x8x128xf32, #tpu.memory_space<vmem>>
    %dma_start3A_353 = arith.constant 0 : i32
    %dma_start3A_354 = arith.constant 0 : i32
    %dma_start3A_355 = arith.constant 0 : i32
    %dma_start3A_356 = tpu.memref_slice %arg4[%dma_start3A_348, %dma_start3A_353, %add3A, %dma_start3A_354, %dma_start3A_355] : memref<200x8x32x8x128xf32, #tpu.memory_space<hbm>> -> memref<1x8x1x8x128xf32, #tpu.memory_space<hbm>>
    %dma_start3A_357 = tpu.memref_squeeze %dma_start3A_356 : memref<1x8x1x8x128xf32, #tpu.memory_space<hbm>> -> memref<8x8x128xf32, #tpu.memory_space<hbm>>
    %dma_start3A_358 = arith.constant 0 : i32
    %dma_start3A_359 = arith.constant 0 : i32
    %dma_start3A_360 = arith.constant 0 : i32
    %dma_start3A_361 = tpu.memref_slice %arg4[%dma_start3A_348, %dma_start3A_358, %add3A, %dma_start3A_359, %dma_start3A_360] : memref<200x8x32x8x128xf32, #tpu.memory_space<hbm>> -> memref<1x8x1x8x128xf32, #tpu.memory_space<hbm>>
    %dma_start3A_362 = tpu.memref_squeeze %dma_start3A_361 : memref<1x8x1x8x128xf32, #tpu.memory_space<hbm>> -> memref<8x8x128xf32, #tpu.memory_space<hbm>>
    %dma_start3A_363 = arith.constant 0 : i32
    %dma_start3A_364 = arith.constant 0 : i32
    %dma_start3A_365 = arith.constant 0 : i32
    %dma_start3A_366 = tpu.memref_slice %arg13[%dma_start3A_363, %dma_start3A_364, %dma_start3A_365] : memref<8x8x129xf32, #tpu.memory_space<vmem>> -> memref<8x8x128xf32, #tpu.memory_space<vmem>>
    tpu.enqueue_dma source(%dma_start3A_366 : memref<8x8x128xf32, #tpu.memory_space<vmem>>) target(%dma_start3A_362 : memref<8x8x128xf32, #tpu.memory_space<hbm>>) target_semaphore(%arg21 : memref<!tpu.dma_semaphore, #tpu.memory_space<semaphore_mem>>)
    %dma_wait3A_367 = arith.constant 196 : i32
    %dma_wait3A_368 = arith.constant 0 : i32
    %dma_wait3A_369 = arith.constant 0 : i32
    %dma_wait3A_370 = arith.constant 0 : i32
    %dma_wait3A_371 = tpu.memref_slice %arg10[%dma_wait3A_368, %dma_wait3A_369, %dma_wait3A_370] : memref<8x8x129xf32, #tpu.memory_space<vmem>> -> memref<8x8x128xf32, #tpu.memory_space<vmem>>
    %dma_wait3A_372 = arith.constant 0 : i32
    %dma_wait3A_373 = arith.constant 0 : i32
    %dma_wait3A_374 = arith.constant 0 : i32
    %dma_wait3A_375 = tpu.memref_slice %arg4[%dma_wait3A_367, %dma_wait3A_372, %add3A, %dma_wait3A_373, %dma_wait3A_374] : memref<200x8x32x8x128xf32, #tpu.memory_space<hbm>> -> memref<1x8x1x8x128xf32, #tpu.memory_space<hbm>>
    %dma_wait3A_376 = tpu.memref_squeeze %dma_wait3A_375 : memref<1x8x1x8x128xf32, #tpu.memory_space<hbm>> -> memref<8x8x128xf32, #tpu.memory_space<hbm>>
    %dma_wait3A_377 = arith.constant 0 : i32
    %dma_wait3A_378 = arith.constant 0 : i32
    %dma_wait3A_379 = arith.constant 0 : i32
    %dma_wait3A_380 = tpu.memref_slice %arg4[%dma_wait3A_367, %dma_wait3A_377, %add3A, %dma_wait3A_378, %dma_wait3A_379] : memref<200x8x32x8x128xf32, #tpu.memory_space<hbm>> -> memref<1x8x1x8x128xf32, #tpu.memory_space<hbm>>
    %dma_wait3A_381 = tpu.memref_squeeze %dma_wait3A_380 : memref<1x8x1x8x128xf32, #tpu.memory_space<hbm>> -> memref<8x8x128xf32, #tpu.memory_space<hbm>>
    %dma_wait3A_382 = arith.constant 0 : i32
    %dma_wait3A_383 = arith.constant 0 : i32
    %dma_wait3A_384 = arith.constant 0 : i32
    %dma_wait3A_385 = tpu.memref_slice %arg10[%dma_wait3A_382, %dma_wait3A_383, %dma_wait3A_384] : memref<8x8x129xf32, #tpu.memory_space<vmem>> -> memref<8x8x128xf32, #tpu.memory_space<vmem>>
    tpu.wait_dma2 semaphore(%arg18 : memref<!tpu.dma_semaphore, #tpu.memory_space<semaphore_mem>>) src(%dma_wait3A_385 : memref<8x8x128xf32, #tpu.memory_space<vmem>>) dst(%dma_wait3A_381 : memref<8x8x128xf32, #tpu.memory_space<hbm>>)
    %dma_wait3A_386 = arith.constant 197 : i32
    %dma_wait3A_387 = arith.constant 0 : i32
    %dma_wait3A_388 = arith.constant 0 : i32
    %dma_wait3A_389 = arith.constant 0 : i32
    %dma_wait3A_390 = tpu.memref_slice %arg11[%dma_wait3A_387, %dma_wait3A_388, %dma_wait3A_389] : memref<8x8x129xf32, #tpu.memory_space<vmem>> -> memref<8x8x128xf32, #tpu.memory_space<vmem>>
    %dma_wait3A_391 = arith.constant 0 : i32
    %dma_wait3A_392 = arith.constant 0 : i32
    %dma_wait3A_393 = arith.constant 0 : i32
    %dma_wait3A_394 = tpu.memref_slice %arg4[%dma_wait3A_386, %dma_wait3A_391, %add3A, %dma_wait3A_392, %dma_wait3A_393] : memref<200x8x32x8x128xf32, #tpu.memory_space<hbm>> -> memref<1x8x1x8x128xf32, #tpu.memory_space<hbm>>
    %dma_wait3A_395 = tpu.memref_squeeze %dma_wait3A_394 : memref<1x8x1x8x128xf32, #tpu.memory_space<hbm>> -> memref<8x8x128xf32, #tpu.memory_space<hbm>>
    %dma_wait3A_396 = arith.constant 0 : i32
    %dma_wait3A_397 = arith.constant 0 : i32
    %dma_wait3A_398 = arith.constant 0 : i32
    %dma_wait3A_399 = tpu.memref_slice %arg4[%dma_wait3A_386, %dma_wait3A_396, %add3A, %dma_wait3A_397, %dma_wait3A_398] : memref<200x8x32x8x128xf32, #tpu.memory_space<hbm>> -> memref<1x8x1x8x128xf32, #tpu.memory_space<hbm>>
    %dma_wait3A_400 = tpu.memref_squeeze %dma_wait3A_399 : memref<1x8x1x8x128xf32, #tpu.memory_space<hbm>> -> memref<8x8x128xf32, #tpu.memory_space<hbm>>
    %dma_wait3A_401 = arith.constant 0 : i32
    %dma_wait3A_402 = arith.constant 0 : i32
    %dma_wait3A_403 = arith.constant 0 : i32
    %dma_wait3A_404 = tpu.memref_slice %arg11[%dma_wait3A_401, %dma_wait3A_402, %dma_wait3A_403] : memref<8x8x129xf32, #tpu.memory_space<vmem>> -> memref<8x8x128xf32, #tpu.memory_space<vmem>>
    tpu.wait_dma2 semaphore(%arg19 : memref<!tpu.dma_semaphore, #tpu.memory_space<semaphore_mem>>) src(%dma_wait3A_404 : memref<8x8x128xf32, #tpu.memory_space<vmem>>) dst(%dma_wait3A_400 : memref<8x8x128xf32, #tpu.memory_space<hbm>>)
    %dma_wait3A_405 = arith.constant 198 : i32
    %dma_wait3A_406 = arith.constant 0 : i32
    %dma_wait3A_407 = arith.constant 0 : i32
    %dma_wait3A_408 = arith.constant 0 : i32
    %dma_wait3A_409 = tpu.memref_slice %arg12[%dma_wait3A_406, %dma_wait3A_407, %dma_wait3A_408] : memref<8x8x129xf32, #tpu.memory_space<vmem>> -> memref<8x8x128xf32, #tpu.memory_space<vmem>>
    %dma_wait3A_410 = arith.constant 0 : i32
    %dma_wait3A_411 = arith.constant 0 : i32
    %dma_wait3A_412 = arith.constant 0 : i32
    %dma_wait3A_413 = tpu.memref_slice %arg4[%dma_wait3A_405, %dma_wait3A_410, %add3A, %dma_wait3A_411, %dma_wait3A_412] : memref<200x8x32x8x128xf32, #tpu.memory_space<hbm>> -> memref<1x8x1x8x128xf32, #tpu.memory_space<hbm>>
    %dma_wait3A_414 = tpu.memref_squeeze %dma_wait3A_413 : memref<1x8x1x8x128xf32, #tpu.memory_space<hbm>> -> memref<8x8x128xf32, #tpu.memory_space<hbm>>
    %dma_wait3A_415 = arith.constant 0 : i32
    %dma_wait3A_416 = arith.constant 0 : i32
    %dma_wait3A_417 = arith.constant 0 : i32
    %dma_wait3A_418 = tpu.memref_slice %arg4[%dma_wait3A_405, %dma_wait3A_415, %add3A, %dma_wait3A_416, %dma_wait3A_417] : memref<200x8x32x8x128xf32, #tpu.memory_space<hbm>> -> memref<1x8x1x8x128xf32, #tpu.memory_space<hbm>>
    %dma_wait3A_419 = tpu.memref_squeeze %dma_wait3A_418 : memref<1x8x1x8x128xf32, #tpu.memory_space<hbm>> -> memref<8x8x128xf32, #tpu.memory_space<hbm>>
    %dma_wait3A_420 = arith.constant 0 : i32
    %dma_wait3A_421 = arith.constant 0 : i32
    %dma_wait3A_422 = arith.constant 0 : i32
    %dma_wait3A_423 = tpu.memref_slice %arg12[%dma_wait3A_420, %dma_wait3A_421, %dma_wait3A_422] : memref<8x8x129xf32, #tpu.memory_space<vmem>> -> memref<8x8x128xf32, #tpu.memory_space<vmem>>
    tpu.wait_dma2 semaphore(%arg20 : memref<!tpu.dma_semaphore, #tpu.memory_space<semaphore_mem>>) src(%dma_wait3A_423 : memref<8x8x128xf32, #tpu.memory_space<vmem>>) dst(%dma_wait3A_419 : memref<8x8x128xf32, #tpu.memory_space<hbm>>)
    %dma_wait3A_424 = arith.constant 199 : i32
    %dma_wait3A_425 = arith.constant 0 : i32
    %dma_wait3A_426 = arith.constant 0 : i32
    %dma_wait3A_427 = arith.constant 0 : i32
    %dma_wait3A_428 = tpu.memref_slice %arg13[%dma_wait3A_425, %dma_wait3A_426, %dma_wait3A_427] : memref<8x8x129xf32, #tpu.memory_space<vmem>> -> memref<8x8x128xf32, #tpu.memory_space<vmem>>
    %dma_wait3A_429 = arith.constant 0 : i32
    %dma_wait3A_430 = arith.constant 0 : i32
    %dma_wait3A_431 = arith.constant 0 : i32
    %dma_wait3A_432 = tpu.memref_slice %arg4[%dma_wait3A_424, %dma_wait3A_429, %add3A, %dma_wait3A_430, %dma_wait3A_431] : memref<200x8x32x8x128xf32, #tpu.memory_space<hbm>> -> memref<1x8x1x8x128xf32, #tpu.memory_space<hbm>>
    %dma_wait3A_433 = tpu.memref_squeeze %dma_wait3A_432 : memref<1x8x1x8x128xf32, #tpu.memory_space<hbm>> -> memref<8x8x128xf32, #tpu.memory_space<hbm>>
    %dma_wait3A_434 = arith.constant 0 : i32
    %dma_wait3A_435 = arith.constant 0 : i32
    %dma_wait3A_436 = arith.constant 0 : i32
    %dma_wait3A_437 = tpu.memref_slice %arg4[%dma_wait3A_424, %dma_wait3A_434, %add3A, %dma_wait3A_435, %dma_wait3A_436] : memref<200x8x32x8x128xf32, #tpu.memory_space<hbm>> -> memref<1x8x1x8x128xf32, #tpu.memory_space<hbm>>
    %dma_wait3A_438 = tpu.memref_squeeze %dma_wait3A_437 : memref<1x8x1x8x128xf32, #tpu.memory_space<hbm>> -> memref<8x8x128xf32, #tpu.memory_space<hbm>>
    %dma_wait3A_439 = arith.constant 0 : i32
    %dma_wait3A_440 = arith.constant 0 : i32
    %dma_wait3A_441 = arith.constant 0 : i32
    %dma_wait3A_442 = tpu.memref_slice %arg13[%dma_wait3A_439, %dma_wait3A_440, %dma_wait3A_441] : memref<8x8x129xf32, #tpu.memory_space<vmem>> -> memref<8x8x128xf32, #tpu.memory_space<vmem>>
    tpu.wait_dma2 semaphore(%arg21 : memref<!tpu.dma_semaphore, #tpu.memory_space<semaphore_mem>>) src(%dma_wait3A_442 : memref<8x8x128xf32, #tpu.memory_space<vmem>>) dst(%dma_wait3A_438 : memref<8x8x128xf32, #tpu.memory_space<hbm>>)
    return
  }
}

</mosaic_0001>

<sc_bundles>
// kernel: kernel.3.cloned.1.call-start
scs
__scs_entry_jumppad:
0x0: {  	(pc) =	sbr.rel $0x88, $3  }
0x1: {  	(tag) =	ssettag $0x0;
	lr =	simm.s32 $0x1  }
0x2: {  	[smem:$0x3F9F] =	sst lr;
	_ =	strace $0xD0000000  }
0x3: {  	_ = 	snop  }
0x4: {  	_ = 	snop  }
0x5: {  	_ = 	snop  }
0x6: {  	_ = 	snop  }
0x7: {  	_ = 	snop  }
__scs_overlays_trampoline_lowered:
0x8: {  	[smem:$0x3FAE] =	sst s0  }
0x9: {  	[smem:$0x3FAF] =	sst s1  }
0xa: {  	[smem:$0x3FB0] =	sst s2  }
0xb: {  	[smem:$0x3FB1] =	sst s3  }
0xc: {  	[smem:$0x3FB2] =	sst s4  }
0xd: {  	[smem:$0x3FB3] =	sst s5  }
0xe: {  	[smem:$0x3FB4] =	sst s6  }
0xf: {  	[smem:$0x3FB5] =	sst s7  }
0x10: {  	[smem:$0x3FB6] =	sst s8  }
0x11: {  	[smem:$0x3FB7] =	sst s9;
	s0 =	simm.s32 @!p0 $0x0  }
0x12: {  	s1 =	sld [smem:$0x3F9D];
	s0 =	simm.s32 @p0 $0x1  }
0x13: {  	[smem:$0x3FB8] =	sst s0;
	s0 =	simm.s32 @!p1 $0x0  }
0x14: {  	s2 =	sld [smem:$0x3F9C];
	s0 =	simm.s32 @p1 $0x1  }
0x15: {  	[smem:$0x3FB9] =	sst s0;
	s0 =	simm.s32 @!p2 $0x0  }
0x16: {  	s3 =	sld [smem:$0x3FDB];
	s0 =	simm.s32 @p2 $0x1  }
0x17: {  	s4 =	simm.s32 $0x1BF5;
	[smem:$0x3FBB] =	sst s0  }
0x18: {  	s0 =	sld [smem:$0x3F9E];
	_ =	swait.ge [sflag:s4], $0x0  }
0x19: {  	s7 =	sld [smem:$0x3F9F]  }
0x1a: {  	s8 =	sadd.s32 $0xFFFFE003, lr  }
0x1b: {  	s9 =	sadd.s32 $0xFFFFFEF7, lr;
	s5 =	simm.s32 $0xFFFFFFFF;
	p2 =	slt.u32 s8, $0xFFFFF086  }
0x1c: {  	p1 =	slt.u32 s9, $0xF7A;
	s5 =	simm.s32 @!p2 $0x0  }
0x1d: {  	s5 =	simm.s32 @p1 $0x1;
	p0 =	seq.s32 s7, s2  }
0x1e: {  	s7 =	smul.u32 @!p0 $0xF7A, s2;
	p2 =	seq.s32 @!p0 s5, $0x0  }
0x1f: {  	s9 =	smul.u32 $0xF7A, s1;
	s8 =	simm.s32 @!p0 $0x1BF5;
	p2 =	por !p2, p0  }
0x20: {  	[sflag:s8] =	ssyncset.s32 @!p0 $0xFFFFF086;
	s6 =	sadd.s32 @!p0 s3, s7;
	s7 =	simm.s32 @!p0 $0x108  }
0x21: {  	s3 =	sadd.s32 s3, s9;
	s6 =	sadd.s32 @!p0 $0x88, s6;
	s7 =	simm.s32 @p2 $0x1082  }
0x22: {  	[simem:s7], [sflag:s8] =	dma.local @!p0 [hbm:s6], $0xF7A  }
0x23: {  	s9 =	sor.u32 $0xD0000000, s2;
	s6 =	simm.s32 $0x108;
	_ =	swait.ge @!p0 [sflag:s8], $0x0  }
0x24: {  	s3 =	sadd.s32 $0x88, s3;
	s6 =	simm.s32 @!p1 $0x1082;
	[sflag:s4] =	ssyncset.s32 $0xFFFFF086  }
0x25: {  	[simem:s6], [sflag:s4] =	dma.local [hbm:s3], $0xF7A  }
0x26: {  	[smem:$0x3F9F] =	sst s1;
	(tag) =	ssettag s2;
	_ =	strace s9  }
0x27: {  	s1 =	sld [smem:$0x3FAF]  }
0x28: {  	s2 =	sld [smem:$0x3FB0]  }
0x29: {  	s4 =	sld [smem:$0x3FB2]  }
0x2a: {  	p0 =	seq.s32 s5, $0x0;
	s5 =	sld [smem:$0x3FB3]  }
0x2b: {  	s6 =	sld [smem:$0x3FB4]  }
0x2c: {  	s7 =	sld [smem:$0x3FB5]  }
0x2d: {  	s3 =	simm.s32 $0x108;
	s8 =	sld [smem:$0x3FB6]  }
0x2e: {  	s3 =	simm.s32 @!p0 $0x1082;
	s9 =	sld [smem:$0x3FB7]  }
0x2f: {  	lr =	sadd.s32 s0, s3;
	s0 =	sld [smem:$0x3FAE]  }
0x30: {  	s3 =	sld [smem:$0x3FB1]  }
0x31: {  	[smem:$0x3FBA] =	sst s10  }
0x32: {  	s10 =	sld [smem:$0x3FB8];
	_ =	sdelay $0x3  }
0x33: {  	p0 =	seq.s32 s10, $0x1;
	s10 =	sld [smem:$0x3FBA];
	_ =	sdelay $0x3  }
0x34: {  	[smem:$0x3FBA] =	sst s10  }
0x35: {  	s10 =	sld [smem:$0x3FB9];
	_ =	sdelay $0x3  }
0x36: {  	p1 =	seq.s32 s10, $0x1;
	s10 =	sld [smem:$0x3FBA];
	_ =	sdelay $0x3  }
0x37: {  	[smem:$0x3FBA] =	sst s10  }
0x38: {  	s10 =	sld [smem:$0x3FBB]  }
0x39: {  	_ = 	snop;
	(pc) =	sbr.ind lr, $3  }
0x3a: {  	_ = 	snop  }
0x3b: {  	_ = 	snop  }
0x3c: {  	p2 =	seq.s32 s10, $0x1;
	s10 =	sld [smem:$0x3FBA]  }
0x3d: {  	_ =	shalt  }
0x3e: {  	_ =	shalt  }
0x3f: {  	_ =	shalt  }
0x40: {  	_ =	shalt  }
0x41: {  	_ =	shalt  }
0x42: {  	_ =	shalt  }
0x43: {  	_ =	shalt  }
0x44: {  	_ =	shalt  }
0x45: {  	_ =	shalt  }
0x46: {  	_ =	shalt  }
0x47: {  	_ =	shalt  }
0x48: {  	_ =	shalt  }
0x49: {  	_ =	shalt  }
0x4a: {  	_ =	shalt  }
0x4b: {  	_ =	shalt  }
0x4c: {  	_ =	shalt  }
0x4d: {  	_ =	shalt  }
0x4e: {  	_ =	shalt  }
0x4f: {  	_ =	shalt  }
0x50: {  	_ =	shalt  }
0x51: {  	_ =	shalt  }
0x52: {  	_ =	shalt  }
0x53: {  	_ =	shalt  }
0x54: {  	_ =	shalt  }
0x55: {  	_ =	shalt  }
0x56: {  	_ =	shalt  }
0x57: {  	_ =	shalt  }
0x58: {  	_ =	shalt  }
0x59: {  	_ =	shalt  }
0x5a: {  	_ =	shalt  }
0x5b: {  	_ =	shalt  }
0x5c: {  	_ =	shalt  }
0x5d: {  	_ =	shalt  }
0x5e: {  	_ =	shalt  }
0x5f: {  	_ =	shalt  }
0x60: {  	_ =	shalt  }
0x61: {  	_ =	shalt  }
0x62: {  	_ =	shalt  }
0x63: {  	_ =	shalt  }
0x64: {  	_ =	shalt  }
0x65: {  	_ =	shalt  }
0x66: {  	_ =	shalt  }
0x67: {  	_ =	shalt  }
0x68: {  	_ =	shalt  }
0x69: {  	_ =	shalt  }
0x6a: {  	_ =	shalt  }
0x6b: {  	_ =	shalt  }
0x6c: {  	_ =	shalt  }
0x6d: {  	_ =	shalt  }
0x6e: {  	_ =	shalt  }
0x6f: {  	_ =	shalt  }
0x70: {  	_ =	shalt  }
0x71: {  	_ =	shalt  }
0x72: {  	_ =	shalt  }
0x73: {  	_ =	shalt  }
0x74: {  	_ =	shalt  }
0x75: {  	_ =	shalt  }
0x76: {  	_ =	shalt  }
0x77: {  	_ =	shalt  }
0x78: {  	_ =	shalt  }
0x79: {  	_ =	shalt  }
0x7a: {  	_ =	shalt  }
0x7b: {  	_ =	shalt  }
0x7c: {  	_ =	shalt  }
0x7d: {  	_ =	shalt  }
0x7e: {  	_ =	shalt  }
0x7f: {  	_ =	shalt  }
0x80: {  	_ =	shalt  }
0x81: {  	_ =	shalt  }
0x82: {  	_ =	shalt  }
0x83: {  	_ =	shalt  }
0x84: {  	_ =	shalt  }
0x85: {  	_ =	shalt  }
0x86: {  	_ =	shalt  }
0x87: {  	_ =	shalt  }
.Lfunc_end0:
.L_simem_size_0:
called_computation_lowered:
.L_overlay_start_0:
0x88: {  	s2 =	sld [smem:$0x3FD9]  }
0x89: {  	s3 =	sld [smem:$0x3FFE];
	_ =	sdelay $0x1  }
0x8a: {  	s1 =	srdreg.scid  }
0x8b: {  	s0 =	sand.u32 $0x1, s1  }
0x8c: {  	s17 =	sshll.u32 s0, $0xA;
	s2 =	sadd.s32 s3, s2  }
0x8d: {  	s2 =	sadd.s32 s2, s17  }
0x8e: {  	[smem:$0x3FC6] =	sst s2  }
0x8f: {  	_ = 	snop  }
0x90: {  	s2 =	sld [smem:$0x3FD0];
	(tm) =	ssettm $0x1  }
0x91: {  	s18 =	sld [smem:$0x3FFB];
	_ =	sdelay $0x3  }
0x92: {  	_ =	strace s18  }
0x93: {  	s3 =	sld [smem:$0x3FFC];
	_ =	sdelay $0x3  }
0x94: {  	_ =	strace s3  }
0x95: {  	s3 =	sld [smem:$0x3FFD];
	_ =	sdelay $0x3  }
0x96: {  	_ =	strace s3  }
0x97: {  	_ =	strace $0x8FFFFFFF  }
0x98: {  	s19 =	sld [smem:$0x3FDB];
	_ =	sdelay $0x1  }
0x99: {  	s4 =	simm.s32 $_scs_section_size  }
0x9a: {  	s5 =	simm.s32 $_size__tile_overlayer_lowered;
	s6 =	simm.s32 $_tile_overlayer_lowered  }
0x9b: {  	s22 =	simm.s32 $0x1BFF;
	s21 =	sshll.u32 s6, $0x1;
	s3 =	sadd.s32 s4, s19  }
0x9c: {  	s7 =	simm.s32 $0x0;
	s20 =	sshll.u32 s5, $0x1;
	s5 =	sadd.s32 s21, s3  }
0x9d: {  	[timem:s7], [sflag:s22] =	dma.local [hbm:s5], s20  }
0x9e: {  	_ =	swait.ge [sflag:s22], s20  }
0x9f: {  	s4 =	ssub.s32 $0x0, s20;
	[sflag:s22] =	ssyncset.done $0x0  }
0xa0: {  	[sflag:s22] =	ssyncadd.s32 s4;
	_ =	sdelay $0x1  }
0xa1: {  	s23 =	simm.s32 $0x1B8B  }
0xa2: {  	_ =	swait.ge [sflag:s23], $0x1  }
0xa3: {  	[sflag:s23] =	ssyncset.done $0x0  }
0xa4: {  	s25 =	simm.s32 $0x1B8E;
	s24 =	sld [smem:$0x3FFE];
	[sflag:s23] =	ssyncadd.s32 $0xFFFFFFFF  }
0xa5: {  	s26 =	simm.s32 $execute0_lowered;
	[smem:$0x3FD2] =	sst s25  }
0xa6: {  	s5 =	sshll.u32 s26, $0x1;
	_ =	strace $0x80000046;
	[dreg:$0x1] =	wrdreg $0xFFFFFFFF  }
0xa7: {  	s28 =	simm.s32 $_size_execute0_lowered;
	s3 =	sadd.s32 s3, s5;
	[dreg:$0x0] =	wrdreg $0x0  }
0xa8: {  	s5 =	sshll.u32 s28, $0x1;
	[dreg:$0x2] =	wrdreg s3  }
0xa9: {  	[dreg:$0x3] =	wrdreg s5  }
0xaa: {  	[dreg:$0x4] =	wrdreg $0xC0  }
0xab: {  	_ =	task [dreg:s7], $0x5FFFF  }
0xac: {  	[dreg:$0x1] =	wrdreg $0xFFFFFFFF  }
0xad: {  	[dreg:$0x0] =	wrdreg $0x60  }
0xae: {  	[dreg:$0x2] =	wrdreg s24  }
0xaf: {  	[dreg:$0x3] =	wrdreg s2  }
0xb0: {  	[dreg:$0x4] =	wrdreg $0x9  }
0xb1: {  	_ =	task.clear_ibuf [dreg:s7], $0x5FFFF;
	_ =	strace $0x90000046  }
0xb2: {  	s29 =	simm.s32 $0x9;
	_ =	strace $0x80000048  }
0xb3: {  	_ =	swait.ge [sflag:s29], $0x1  }
0xb4: {  	[sflag:s29] =	ssyncadd.s32 $0xFFFFFFFF  }
0xb5: {  	_ =	strace $0x90000048  }
0xb6: {  	_ =	sfence  }
0xb7: {  	s30 =	sld [smem:$0x0];
	_ =	sdelay $0x2  }
0xb8: {  	s31 =	sshll.u32 s1, $0xD;
	s1 =	sshrl.u32 s1, $0x2  }
0xb9: {  	s3 =	sand.u32 $0x4000, s31;
	s1 =	sadd.s32 s1, s30  }
0xba: {  	s0 =	sor.u32 s3, s0;
	s1 =	sshll.u32 s1, $0x11  }
0xbb: {  	s0 =	sor.u32 s1, s0  }
0xbc: {  	s0 =	sadd.s32 $0x8F2B, s0  }
0xbd: {  	[sflag:s0] =	ssyncadd.remote.s32 $0x1  }
0xbe: {  	_ =	sfence.sel $0xFFFF  }
0xbf: {  	[dreg:$0x0] =	wrdreg $0xFFFFFFFF;
	(pc) =	sbr.abs _section_cstart, $3  }
0xc0: {  	[dreg:$0x1] =	wrdreg $0xFFFFFFFF  }
0xc1: {  	_ =	task.clear_ibuf [dreg:s7], $0x2FFFF;
	_ =	strace $0x9FFFFFFF  }
0xc2: {  	(tm) =	ssettm $0x7FFFFFFF  }
0xc3: {  	_ =	shalt  }
tec
execute0_lowered:
.L_overlay_start_1:
0x0: {  	(tag) =	ssettag $0x1  }
0x1: {  	s0 =	srdreg.scid  }
0x2: {  	s2 =	stileid.u32;
	s1 =	rddreg [dreg:$0x0]  }
0x3: {  	s7 =	rddreg [dreg:$0x1];
	s3 =	simm.s32 $0x0;
	s28 =	simm.s32 $0x1  }
0x4: {  	s29 =	simm.s32 $0xE400;
	s31 =	simm.s32 $0x2;
	s30 =	simm.s32 $0x14A00  }
0x5: {  	s18 =	simm.s32 $0x6;
	s11 =	simm.s32 $0x8;
	s0 =	sand.u32 $0x1, s0  }
0x6: {  	s2 =	sshll.u32 s2, $0x1;
	[smem:$0x7FF] =	sst s3;
	s8 =	sadd.s32 $0x8000, s7  }
0x7: {  	s9 =	sadd.s32 $0x10000, s7;
	s10 =	sadd.s32 $0x18000, s7;
	s2 =	sor.u32 s0, s2  }
0x8: {  	_ =	strace $0x80000047;
	s0 =	ssub.s32 $0x2, s0;
	s5 =	sshll.u32 s2, $0x7  }
0x9: {  	s4 =	smul.u32 $0xC80, s2;
	s19 =	sshrl.u32 s0, $0x1;
	s2 =	sadd.s32 s5, s8  }
0xa: {  	s0 =	ssub.s32 s0, s19;
	s22 =	sadd.s32 s5, s9;
	[dreg:$0x5] =	wrdreg s2  }
0xb: {  	s21 =	sadd.s32 s7, s5;
	s23 =	sadd.s32 s5, s10;
	[dreg:$0x6] =	wrdreg s22  }
0xc: {  	s19 =	simm.s32 $0x7;
	s7 =	simm.s32 $0x0;
	[dreg:$0x7] =	wrdreg s23  }
0xd: {  	s6 =	sadd.s32 s4, s1;
	s24 =	sadd.s32 $0x620000, s21;
	[dreg:$0x4] =	wrdreg s21  }
0xe: {  	s4 =	sadd.s32 $0xF42A00, s1;
	s25 =	sadd.s32 $0x628000, s21;
	[dreg:$0x8] =	wrdreg s24  }
0xf: {  	s26 =	sadd.s32 $0x630000, s21;
	s1 =	sadd.s32 $0x638000, s21;
	[dreg:$0x9] =	wrdreg s25  }
0x10: {  	s0 =	smax.u32 s0, $0x1;
	s22 =	simm.s32 $0x8400;
	[dreg:$0xa] =	wrdreg s26  }
0x11: {  	v0 =	vlaneseq.u32;
	s23 =	simm.s32 $0x3;
	s20 =	sadd.s32 $0x600, s6;
	[dreg:$0xb] =	wrdreg s1  }
0x12: {  	v0 =	vmul.u32 $0x88, v0;
	[dreg:$0xc] =	wrdreg s0;
	s24 =	simm.s32 $0xA400;
	s26 =	simm.s32 $0xC400  }
0x13: {  	s1 =	simm.s32 $0x10600;
	s25 =	simm.s32 $0x12800;
	s0 =	simm.s32 $0x4  }
0x14: {  	v1 =	vadd.s32 $0x880, v0;
	v2 =	vadd.s32 $0x1100, v0;
	v3 =	vadd.s32 $0x1980, v0;
	s6 =	simm.s32 $0x5;
	[dreg:$0x3] =	wrdreg s20;
	s20 =	simm.s32 $0x80  }
.LBB2_1:
0x15: {  	[dreg:$0xd] =	wrdreg s7  }
0x16: {  	s2 =	rddreg [dreg:$0x3];
	s21 =	simm.s32 $0x9  }
0x17: {  	[tilespmem:s3], [sflag:$0x9] =	stream.linear.gather [hbm4b:s2+s3], $0x6400, $0x38;
	[tilespmem:$0x16C00] =	vst v63  }
0x18: {  	_ =	swait.ge [sflag:s21], $0x6400  }
0x19: {  	[sflag:s21] =	ssyncset.done $0x0  }
0x1a: {  	s7 =	simm.s32 $0x6400;
	[sflag:s21] =	ssyncadd.s32 $0xFFFF9C00  }
0x1b: {  	[tilespmem:s7], [sflag:$0x1] =	stream.indirect.gather [hbm4b:s4+s20], $0x40, s3, s20, $0xb8;
	[tilespmem:$0x16C00] =	vst v63  }
0x1c: {  	_ = 	snop  }
0x1d: {  	[tilespmem:s22], [sflag:$0x2] =	stream.indirect.gather [hbm4b:s4+s20], $0x40, s20, s20, $0xb8;
	[tilespmem:$0x16C00] =	vst v63  }
0x1e: {  	s12 =	simm.s32 $0x100  }
0x1f: {  	[tilespmem:s24], [sflag:$0x3] =	stream.indirect.gather [hbm4b:s4+s20], $0x40, s12, s20, $0xb8;
	[tilespmem:$0x16C00] =	vst v63  }
0x20: {  	s13 =	simm.s32 $0x180  }
0x21: {  	[tilespmem:s26], [sflag:$0x4] =	stream.indirect.gather [hbm4b:s4+s20], $0x40, s13, s20, $0xb8;
	[tilespmem:$0x16C00] =	vst v63  }
0x22: {  	s14 =	simm.s32 $0x1;
	_ =	swait.ge [sflag:s28], $0x2000  }
0x23: {  	v4 =	vmov s14;
	[sflag:s28] =	ssyncset.done $0x0  }
0x24: {  	s15 =	simm.s32 $0x6440;
	v5 =	vmov s3;
	v8 =	vand.u32 $0x7F, v4;
	[sflag:s28] =	ssyncadd.s32 $0xFFFFE000  }
0x25: {  	v11 =	vand.u32 $0x7E, v5;
	v5 =	vadd.s32 v0, v8;
	v4 =	vld [tilespmem:s15+$0x0]  }
0x26: {  	v7 =	vadd.s32 v0, v11;
	v6 =	vld [tilespmem:s15+$0xFFFFFFC0];
	_ =	sdelay $0x3  }
0x27: {  	s16 =	simm.s32 $0x3;
	[tilespmem:v5+s29+$0x0] =	vst.idx.msk $0xffff, v4  }
0x28: {  	s12 =	simm.s32 $0x2;
	v4 =	vmov s16;
	[tilespmem:v7+s29+$0x0] =	vst.idx.msk $0xffff, v6;
	v7 =	vadd.s32 v1, v8;
	v6 =	vld [tilespmem:s15+$0x10]  }
0x29: {  	v10 =	vadd.s32 v1, v11;
	v5 =	vmov s12;
	s12 =	simm.s32 $0x64C0;
	v4 =	vand.u32 $0x7F, v4;
	v9 =	vld [tilespmem:s15+$0xFFFFFFD0]  }
0x2a: {  	v5 =	vand.u32 $0x7E, v5;
	v12 =	vld [tilespmem:s12+$0x0];
	v13 =	vadd.s32 v0, v4  }
0x2b: {  	v14 =	vld [tilespmem:s12+$0xFFFFFFC0];
	v15 =	vadd.s32 v0, v5;
	_ =	sdelay $0x1  }
0x2c: {  	[tilespmem:v7+s29+$0x0] =	vst.idx.msk $0xffff, v6  }
0x2d: {  	[tilespmem:v10+s29+$0x0] =	vst.idx.msk $0xffff, v9;
	v9 =	vadd.s32 v2, v8;
	v7 =	vld [tilespmem:s15+$0x20]  }
0x2e: {  	[tilespmem:v13+s29+$0x0] =	vst.idx.msk $0xffff, v12;
	v10 =	vld [tilespmem:s15+$0xFFFFFFE0];
	v12 =	vadd.s32 v2, v11  }
0x2f: {  	s17 =	simm.s32 $0x5;
	[tilespmem:v15+s29+$0x0] =	vst.idx.msk $0xffff, v14;
	v14 =	vadd.s32 v1, v4;
	v13 =	vld [tilespmem:s12+$0x10]  }
0x30: {  	s21 =	simm.s32 $0x4;
	v6 =	vmov s17  }
0x31: {  	s14 =	simm.s32 $0x6540;
	v17 =	vmov s21;
	v18 =	vadd.s32 v1, v5;
	v6 =	vand.u32 $0x7F, v6;
	v15 =	vld [tilespmem:s12+$0xFFFFFFD0]  }
0x32: {  	v19 =	vld [tilespmem:s14+$0x0];
	v20 =	vadd.s32 v0, v6;
	[tilespmem:v9+s29+$0x0] =	vst.idx.msk $0xffff, v7;
	v7 =	vand.u32 $0x7E, v17  }
0x33: {  	v16 =	vld [tilespmem:s14+$0xFFFFFFC0];
	[tilespmem:v12+s29+$0x0] =	vst.idx.msk $0xffff, v10;
	v17 =	vadd.s32 v0, v7  }
0x34: {  	v9 =	vld [tilespmem:s15+$0x30];
	[tilespmem:v14+s29+$0x0] =	vst.idx.msk $0xffff, v13;
	v14 =	vadd.s32 v3, v8  }
0x35: {  	v12 =	vadd.s32 v3, v11;
	v10 =	vld [tilespmem:s15+$0xFFFFFFF0]  }
0x36: {  	s2 =	simm.s32 $0x7;
	v11 =	vadd.s32 v2, v4;
	[tilespmem:v18+s29+$0x0] =	vst.idx.msk $0xffff, v15;
	v8 =	vld [tilespmem:s12+$0x20]  }
0x37: {  	s7 =	simm.s32 $0x8;
	s13 =	simm.s32 $0x6540;
	s15 =	simm.s32 $0x6;
	[tilespmem:v20+s29+$0x0] =	vst.idx.msk $0xffff, v19;
	v15 =	vadd.s32 v2, v5;
	v13 =	vld [tilespmem:s12+$0xFFFFFFE0]  }
.LBB2_2:
0x38: {  	p0 =	slt.u32 s7, $0x7E;
	v18 =	vmov s2;
	[tilespmem:v17+s29+$0x0] =	vst.idx.msk $0xffff, v16;
	v19 =	vld [tilespmem:s14+$0x10];
	v20 =	vadd.s32 v1, v6  }
0x39: {  	v16 =	vmov s15;
	v22 =	vadd.s32 v1, v7;
	s14 =	sadd.s32 $0x80, s14;
	s15 =	smov.u32 s7;
	v18 =	vand.u32 $0x7F, v18;
	v21 =	vld [tilespmem:s13+$0xFFFFFFD0];
	[tilespmem:v14+s29+$0x0] =	vst.idx.msk $0xffff, v9  }
0x3a: {  	v23 =	vand.u32 $0x7E, v16;
	v24 =	vld [tilespmem:s14+$0x0];
	v25 =	vadd.s32 v0, v18;
	[tilespmem:v12+s29+$0x0] =	vst.idx.msk $0xffff, v10  }
.Ltmp0:
0x3b: {  	v17 =	vadd.s32 v0, v23;
	v16 =	vld [tilespmem:s14+$0xFFFFFFC0];
	[tilespmem:v11+s29+$0x0] =	vst.idx.msk $0xffff, v8;
	(pc) =	sbr.rel @p0 .LBB2_2-.Ltmp0, $4  }
0x3c: {  	v14 =	vadd.s32 v3, v4;
	v4 =	vmov v6;
	v6 =	vmov v18;
	[tilespmem:v15+s29+$0x0] =	vst.idx.msk $0xffff, v13;
	v9 =	vld [tilespmem:s12+$0x30]  }
0x3d: {  	v12 =	vadd.s32 v3, v5;
	v5 =	vmov v7;
	v7 =	vmov v23;
	[tilespmem:v20+s29+$0x0] =	vst.idx.msk $0xffff, v19;
	v10 =	vld [tilespmem:s12+$0xFFFFFFF0];
	s12 =	smov.u32 s13;
	s13 =	smov.u32 s14  }
0x3e: {  	v11 =	vadd.s32 v2, v4;
	[tilespmem:v22+s29+$0x0] =	vst.idx.msk $0xffff, v21;
	v8 =	vld [tilespmem:s12+$0x20]  }
0x3f: {  	s7 =	sadd.s32 $0x2, s7;
	s2 =	sadd.s32 $0x1, s15;
	v15 =	vadd.s32 v2, v5;
	[tilespmem:v25+s29+$0x0] =	vst.idx.msk $0xffff, v24;
	v13 =	vld [tilespmem:s12+$0xFFFFFFE0]  }
0x40: {  	v18 =	vmov s2  }
0x41: {  	v19 =	vmov s15;
	s7 =	sadd.s32 $0x80, s14;
	v18 =	vand.u32 $0x7F, v18  }
0x42: {  	v19 =	vand.u32 $0x7E, v19;
	v20 =	vld [tilespmem:s7+$0x0];
	v21 =	vadd.s32 v0, v18  }
0x43: {  	v22 =	vld [tilespmem:s7+$0xFFFFFFC0];
	v23 =	vadd.s32 v0, v19;
	_ =	sdelay $0x2  }
0x44: {  	[tilespmem:v17+s29+$0x0] =	vst.idx.msk $0xffff, v16;
	v41 =	vld [tilespmem:s14+$0x10];
	v42 =	vadd.s32 v1, v6  }
0x45: {  	v44 =	vadd.s32 v1, v7;
	v43 =	vld [tilespmem:s13+$0xFFFFFFD0];
	[tilespmem:v21+s29+$0x0] =	vst.idx.msk $0xffff, v20  }
0x46: {  	v46 =	vadd.s32 v1, v18;
	[tilespmem:v23+s29+$0x0] =	vst.idx.msk $0xffff, v22;
	v45 =	vld [tilespmem:s7+$0x10]  }
0x47: {  	[tilespmem:v14+s29+$0x0] =	vst.idx.msk $0xffff, v9;
	v48 =	vadd.s32 v1, v19;
	v47 =	vld [tilespmem:s7+$0xFFFFFFD0]  }
0x48: {  	[tilespmem:v12+s29+$0x0] =	vst.idx.msk $0xffff, v10  }
0x49: {  	[tilespmem:v42+s29+$0x0] =	vst.idx.msk $0xffff, v41  }
0x4a: {  	v50 =	vadd.s32 v2, v6;
	[tilespmem:v44+s29+$0x0] =	vst.idx.msk $0xffff, v43;
	v49 =	vld [tilespmem:s13+$0x20]  }
0x4b: {  	v52 =	vadd.s32 v2, v7;
	v51 =	vld [tilespmem:s13+$0xFFFFFFE0];
	[tilespmem:v46+s29+$0x0] =	vst.idx.msk $0xffff, v45  }
0x4c: {  	v54 =	vadd.s32 v2, v18;
	[tilespmem:v48+s29+$0x0] =	vst.idx.msk $0xffff, v47;
	v53 =	vld [tilespmem:s7+$0x20]  }
0x4d: {  	v56 =	vadd.s32 v2, v19;
	[tilespmem:v11+s29+$0x0] =	vst.idx.msk $0xffff, v8;
	v55 =	vld [tilespmem:s7+$0xFFFFFFE0]  }
0x4e: {  	v4 =	vadd.s32 v3, v4;
	[tilespmem:v15+s29+$0x0] =	vst.idx.msk $0xffff, v13;
	v57 =	vld [tilespmem:s12+$0x30]  }
0x4f: {  	v5 =	vadd.s32 v3, v5;
	v15 =	vld [tilespmem:s12+$0xFFFFFFF0];
	[tilespmem:v50+s29+$0x0] =	vst.idx.msk $0xffff, v49  }
0x50: {  	v58 =	vadd.s32 v3, v6;
	[tilespmem:v52+s29+$0x0] =	vst.idx.msk $0xffff, v51;
	v10 =	vld [tilespmem:s13+$0x30]  }
0x51: {  	v60 =	vadd.s32 v3, v7;
	v59 =	vld [tilespmem:s13+$0xFFFFFFF0];
	[tilespmem:v54+s29+$0x0] =	vst.idx.msk $0xffff, v53  }
0x52: {  	v62 =	vadd.s32 v3, v18;
	[tilespmem:v56+s29+$0x0] =	vst.idx.msk $0xffff, v55;
	v61 =	vld [tilespmem:s7+$0x30]  }
0x53: {  	v63 =	vadd.s32 v3, v19;
	[tilespmem:v4+s29+$0x0] =	vst.idx.msk $0xffff, v57;
	v4 =	vld [tilespmem:s7+$0xFFFFFFF0]  }
0x54: {  	[tilespmem:v5+s29+$0x0] =	vst.idx.msk $0xffff, v15  }
0x55: {  	[tilespmem:v58+s29+$0x0] =	vst.idx.msk $0xffff, v10  }
0x56: {  	[tilespmem:v60+s29+$0x0] =	vst.idx.msk $0xffff, v59  }
0x57: {  	[tilespmem:v62+s29+$0x0] =	vst.idx.msk $0xffff, v61  }
0x58: {  	[tilespmem:v63+s29+$0x0] =	vst.idx.msk $0xffff, v4  }
0x59: {  	s12 =	simm.s32 $0xE400;
	s13 =	rddreg [dreg:$0x4]  }
0x5a: {  	[hbm4b:s13+s3] =	stream.linear.scatter [tilespmem:s12], [sflag:$0x5], $0x80, $0x38;
	[tilespmem:$0x16C00] =	vst v63  }
0x5b: {  	s14 =	simm.s32 $0xE488;
	s7 =	sadd.s32 $0x10, s13  }
0x5c: {  	[hbm4b:s7+s3] =	stream.linear.scatter [tilespmem:s14], [sflag:$0x5], $0x80, $0x38;
	[tilespmem:$0x16C00] =	vst v63  }
0x5d: {  	s15 =	simm.s32 $0xE510;
	s17 =	simm.s32 $0xE598;
	s16 =	sadd.s32 $0x20, s13  }
0x5e: {  	[hbm4b:s16+s3] =	stream.linear.scatter [tilespmem:s15], [sflag:$0x5], $0x80, $0x38;
	[tilespmem:$0x16C00] =	vst v63  }
0x5f: {  	s2 =	simm.s32 $0x2200;
	s21 =	sadd.s32 $0x30, s13;
	s12 =	simm.s32 $0xE620  }
0x60: {  	[hbm4b:s21+s3] =	stream.linear.scatter [tilespmem:s17], [sflag:$0x5], $0x80, $0x38;
	[tilespmem:$0x16C00] =	vst v63  }
0x61: {  	s14 =	sadd.s32 $0x40, s13;
	s7 =	simm.s32 $0xE7B8;
	s15 =	simm.s32 $0xE6A8  }
0x62: {  	[hbm4b:s14+s3] =	stream.linear.scatter [tilespmem:s12], [sflag:$0x5], $0x80, $0x38;
	[tilespmem:$0x16C00] =	vst v63  }
0x63: {  	s16 =	sadd.s32 $0x50, s13;
	s17 =	simm.s32 $0xE730;
	s21 =	sadd.s32 $0x60, s13  }
0x64: {  	[hbm4b:s16+s3] =	stream.linear.scatter [tilespmem:s15], [sflag:$0x5], $0x80, $0x38;
	[tilespmem:$0x16C00] =	vst v63  }
0x65: {  	s12 =	simm.s32 $0x440;
	s14 =	sadd.s32 $0x70, s13;
	s13 =	sadd.s32 $0x1000, s13  }
0x66: {  	[hbm4b:s21+s3] =	stream.linear.scatter [tilespmem:s17], [sflag:$0x5], $0x80, $0x38;
	[tilespmem:$0x16C00] =	vst v63  }
.LBB2_4:
0x67: {  	[hbm4b:s14+s3] =	stream.linear.scatter [tilespmem:s7], [sflag:$0x5], $0x80, $0x38;
	[tilespmem:$0x16C00] =	vst v63  }
0x68: {  	s7 =	smov.u32 s12;
	s12 =	smov.u32 s2  }
0x69: {  	s15 =	sadd.s32 $0x1100, s2;
	s12 =	sshra.s32 s12, $0x2;
	s14 =	sadd.s32 $0xE400, s7  }
0x6a: {  	[hbm4b:s13+s3] =	stream.linear.scatter [tilespmem:s14], [sflag:$0x5], $0x80, $0x38;
	[tilespmem:$0x16C00] =	vst v63  }
0x6b: {  	p0 =	sne.s32 s2, $0x7700;
	s2 =	sadd.s32 $0xE488, s7;
	s14 =	sadd.s32 $0x10, s13  }
0x6c: {  	[hbm4b:s14+s3] =	stream.linear.scatter [tilespmem:s2], [sflag:$0x5], $0x80, $0x38;
	[tilespmem:$0x16C00] =	vst v63  }
0x6d: {  	s2 =	sadd.s32 $0xE510, s7;
	s14 =	sadd.s32 $0x20, s13  }
0x6e: {  	[hbm4b:s14+s3] =	stream.linear.scatter [tilespmem:s2], [sflag:$0x5], $0x80, $0x38;
	[tilespmem:$0x16C00] =	vst v63  }
0x6f: {  	s2 =	sadd.s32 $0xE598, s7;
	s14 =	sadd.s32 $0x30, s13  }
0x70: {  	[hbm4b:s14+s3] =	stream.linear.scatter [tilespmem:s2], [sflag:$0x5], $0x80, $0x38;
	[tilespmem:$0x16C00] =	vst v63  }
0x71: {  	s2 =	sadd.s32 $0xE620, s7;
	s14 =	sadd.s32 $0x40, s13  }
0x72: {  	[hbm4b:s14+s3] =	stream.linear.scatter [tilespmem:s2], [sflag:$0x5], $0x80, $0x38;
	[tilespmem:$0x16C00] =	vst v63  }
.Ltmp1:
0x73: {  	s2 =	sadd.s32 $0xE6A8, s7;
	s14 =	sadd.s32 $0x50, s13;
	(pc) =	sbr.rel @p0 .LBB2_4-.Ltmp1, $4  }
0x74: {  	[hbm4b:s14+s3] =	stream.linear.scatter [tilespmem:s2], [sflag:$0x5], $0x80, $0x38;
	[tilespmem:$0x16C00] =	vst v63  }
0x75: {  	s2 =	sadd.s32 $0xE730, s7;
	s14 =	sadd.s32 $0x60, s13;
	s7 =	sadd.s32 $0xE7B8, s7  }
0x76: {  	[hbm4b:s14+s3] =	stream.linear.scatter [tilespmem:s2], [sflag:$0x5], $0x80, $0x38;
	[tilespmem:$0x16C00] =	vst v63  }
0x77: {  	s14 =	sadd.s32 $0x70, s13;
	s13 =	sadd.s32 $0x1000, s13;
	s2 =	smov.u32 s15  }
0x78: {  	[hbm4b:s14+s3] =	stream.linear.scatter [tilespmem:s7], [sflag:$0x5], $0x80, $0x38;
	[tilespmem:$0x16C00] =	vst v63  }
0x79: {  	s2 =	sadd.s32 $0xE400, s12  }
0x7a: {  	[hbm4b:s13+s3] =	stream.linear.scatter [tilespmem:s2], [sflag:$0x5], $0x80, $0x38;
	[tilespmem:$0x16C00] =	vst v63  }
0x7b: {  	s15 =	sadd.s32 $0xE488, s12;
	s16 =	sadd.s32 $0x10, s13  }
0x7c: {  	[hbm4b:s16+s3] =	stream.linear.scatter [tilespmem:s15], [sflag:$0x5], $0x80, $0x38;
	[tilespmem:$0x16C00] =	vst v63  }
0x7d: {  	s17 =	sadd.s32 $0xE510, s12;
	s21 =	sadd.s32 $0x20, s13  }
0x7e: {  	[hbm4b:s21+s3] =	stream.linear.scatter [tilespmem:s17], [sflag:$0x5], $0x80, $0x38;
	[tilespmem:$0x16C00] =	vst v63  }
0x7f: {  	s7 =	sadd.s32 $0xE598, s12;
	s14 =	sadd.s32 $0x30, s13  }
0x80: {  	[hbm4b:s14+s3] =	stream.linear.scatter [tilespmem:s7], [sflag:$0x5], $0x80, $0x38;
	[tilespmem:$0x16C00] =	vst v63  }
0x81: {  	s15 =	sadd.s32 $0xE620, s12;
	s16 =	sadd.s32 $0x40, s13  }
0x82: {  	[hbm4b:s16+s3] =	stream.linear.scatter [tilespmem:s15], [sflag:$0x5], $0x80, $0x38;
	[tilespmem:$0x16C00] =	vst v63  }
0x83: {  	s17 =	sadd.s32 $0xE6A8, s12;
	s21 =	sadd.s32 $0x50, s13  }
0x84: {  	[hbm4b:s21+s3] =	stream.linear.scatter [tilespmem:s17], [sflag:$0x5], $0x80, $0x38;
	[tilespmem:$0x16C00] =	vst v63  }
0x85: {  	s7 =	sadd.s32 $0xE730, s12;
	s14 =	sadd.s32 $0x60, s13  }
0x86: {  	[hbm4b:s14+s3] =	stream.linear.scatter [tilespmem:s7], [sflag:$0x5], $0x80, $0x38;
	[tilespmem:$0x16C00] =	vst v63  }
0x87: {  	s15 =	sadd.s32 $0xE7B8, s12;
	s16 =	sadd.s32 $0x70, s13  }
0x88: {  	[hbm4b:s16+s3] =	stream.linear.scatter [tilespmem:s15], [sflag:$0x5], $0x80, $0x38;
	[tilespmem:$0x16C00] =	vst v63  }
0x89: {  	s17 =	simm.s32 $0x6400;
	s21 =	simm.s32 $0x200  }
0x8a: {  	[tilespmem:s17], [sflag:$0x1] =	stream.indirect.gather [hbm4b:s4+s20], $0x40, s21, s20, $0xb8;
	[tilespmem:$0x16C00] =	vst v63  }
0x8b: {  	s7 =	simm.s32 $0x1;
	_ =	swait.ge [sflag:s31], $0x2000  }
0x8c: {  	s12 =	simm.s32 $0x0;
	v4 =	vmov s7;
	[sflag:s31] =	ssyncset.done $0x0  }
0x8d: {  	s13 =	simm.s32 $0x8440;
	v5 =	vmov s12;
	v8 =	vand.u32 $0x7F, v4;
	[sflag:s31] =	ssyncadd.s32 $0xFFFFE000  }
0x8e: {  	v11 =	vand.u32 $0x7E, v5;
	v5 =	vadd.s32 v0, v8;
	v4 =	vld [tilespmem:s13+$0x0]  }
0x8f: {  	v7 =	vadd.s32 v0, v11;
	v6 =	vld [tilespmem:s13+$0xFFFFFFC0];
	_ =	sdelay $0x3  }
0x90: {  	s15 =	simm.s32 $0x3;
	[tilespmem:v5+s1+$0x0] =	vst.idx.msk $0xffff, v4  }
0x91: {  	s16 =	simm.s32 $0x2;
	v4 =	vmov s15;
	[tilespmem:v7+s1+$0x0] =	vst.idx.msk $0xffff, v6;
	v7 =	vadd.s32 v1, v8;
	v6 =	vld [tilespmem:s13+$0x10]  }
0x92: {  	s12 =	simm.s32 $0x84C0;
	v10 =	vadd.s32 v1, v11;
	v5 =	vmov s16;
	v4 =	vand.u32 $0x7F, v4;
	v9 =	vld [tilespmem:s13+$0xFFFFFFD0]  }
0x93: {  	v12 =	vld [tilespmem:s12+$0x0];
	v5 =	vand.u32 $0x7E, v5;
	v13 =	vadd.s32 v0, v4  }
0x94: {  	v14 =	vld [tilespmem:s12+$0xFFFFFFC0];
	v15 =	vadd.s32 v0, v5;
	_ =	sdelay $0x1  }
0x95: {  	[tilespmem:v7+s1+$0x0] =	vst.idx.msk $0xffff, v6  }
0x96: {  	[tilespmem:v10+s1+$0x0] =	vst.idx.msk $0xffff, v9;
	v9 =	vadd.s32 v2, v8;
	v7 =	vld [tilespmem:s13+$0x20]  }
0x97: {  	[tilespmem:v13+s1+$0x0] =	vst.idx.msk $0xffff, v12;
	v10 =	vld [tilespmem:s13+$0xFFFFFFE0];
	v12 =	vadd.s32 v2, v11  }
0x98: {  	s17 =	simm.s32 $0x5;
	[tilespmem:v15+s1+$0x0] =	vst.idx.msk $0xffff, v14;
	v14 =	vadd.s32 v1, v4;
	v13 =	vld [tilespmem:s12+$0x10]  }
0x99: {  	s21 =	simm.s32 $0x4;
	v6 =	vmov s17  }
0x9a: {  	s14 =	simm.s32 $0x8540;
	v17 =	vmov s21;
	v18 =	vadd.s32 v1, v5;
	v6 =	vand.u32 $0x7F, v6;
	v15 =	vld [tilespmem:s12+$0xFFFFFFD0]  }
0x9b: {  	v19 =	vld [tilespmem:s14+$0x0];
	v20 =	vadd.s32 v0, v6;
	[tilespmem:v9+s1+$0x0] =	vst.idx.msk $0xffff, v7;
	v7 =	vand.u32 $0x7E, v17  }
0x9c: {  	v16 =	vld [tilespmem:s14+$0xFFFFFFC0];
	[tilespmem:v12+s1+$0x0] =	vst.idx.msk $0xffff, v10;
	v17 =	vadd.s32 v0, v7  }
0x9d: {  	v9 =	vld [tilespmem:s13+$0x30];
	[tilespmem:v14+s1+$0x0] =	vst.idx.msk $0xffff, v13;
	v14 =	vadd.s32 v3, v8  }
0x9e: {  	v12 =	vadd.s32 v3, v11;
	v10 =	vld [tilespmem:s13+$0xFFFFFFF0]  }
0x9f: {  	s2 =	simm.s32 $0x7;
	v11 =	vadd.s32 v2, v4;
	[tilespmem:v18+s1+$0x0] =	vst.idx.msk $0xffff, v15;
	v8 =	vld [tilespmem:s12+$0x20]  }
0xa0: {  	s7 =	simm.s32 $0x8;
	s15 =	simm.s32 $0x6;
	[tilespmem:v20+s1+$0x0] =	vst.idx.msk $0xffff, v19;
	v15 =	vadd.s32 v2, v5;
	s13 =	simm.s32 $0x8540;
	v13 =	vld [tilespmem:s12+$0xFFFFFFE0]  }
.LBB2_6:
0xa1: {  	p0 =	slt.u32 s7, $0x7E;
	v18 =	vmov s2;
	[tilespmem:v17+s1+$0x0] =	vst.idx.msk $0xffff, v16;
	v19 =	vld [tilespmem:s14+$0x10];
	v20 =	vadd.s32 v1, v6  }
0xa2: {  	v16 =	vmov s15;
	v22 =	vadd.s32 v1, v7;
	s14 =	sadd.s32 $0x80, s14;
	s15 =	smov.u32 s7;
	v18 =	vand.u32 $0x7F, v18;
	v21 =	vld [tilespmem:s13+$0xFFFFFFD0];
	[tilespmem:v14+s1+$0x0] =	vst.idx.msk $0xffff, v9  }
0xa3: {  	v23 =	vand.u32 $0x7E, v16;
	v24 =	vld [tilespmem:s14+$0x0];
	v25 =	vadd.s32 v0, v18;
	[tilespmem:v12+s1+$0x0] =	vst.idx.msk $0xffff, v10  }
.Ltmp2:
0xa4: {  	v17 =	vadd.s32 v0, v23;
	v16 =	vld [tilespmem:s14+$0xFFFFFFC0];
	[tilespmem:v11+s1+$0x0] =	vst.idx.msk $0xffff, v8;
	(pc) =	sbr.rel @p0 .LBB2_6-.Ltmp2, $4  }
0xa5: {  	v14 =	vadd.s32 v3, v4;
	v4 =	vmov v6;
	v6 =	vmov v18;
	[tilespmem:v15+s1+$0x0] =	vst.idx.msk $0xffff, v13;
	v9 =	vld [tilespmem:s12+$0x30]  }
0xa6: {  	v12 =	vadd.s32 v3, v5;
	v5 =	vmov v7;
	v7 =	vmov v23;
	[tilespmem:v20+s1+$0x0] =	vst.idx.msk $0xffff, v19;
	v10 =	vld [tilespmem:s12+$0xFFFFFFF0];
	s12 =	smov.u32 s13;
	s13 =	smov.u32 s14  }
0xa7: {  	v11 =	vadd.s32 v2, v4;
	[tilespmem:v22+s1+$0x0] =	vst.idx.msk $0xffff, v21;
	v8 =	vld [tilespmem:s12+$0x20]  }
0xa8: {  	s7 =	sadd.s32 $0x2, s7;
	s2 =	sadd.s32 $0x1, s15;
	v15 =	vadd.s32 v2, v5;
	[tilespmem:v25+s1+$0x0] =	vst.idx.msk $0xffff, v24;
	v13 =	vld [tilespmem:s12+$0xFFFFFFE0]  }
0xa9: {  	v18 =	vmov s2  }
0xaa: {  	v19 =	vmov s15;
	s7 =	sadd.s32 $0x80, s14;
	v18 =	vand.u32 $0x7F, v18  }
0xab: {  	v19 =	vand.u32 $0x7E, v19;
	v20 =	vld [tilespmem:s7+$0x0];
	v21 =	vadd.s32 v0, v18  }
0xac: {  	v22 =	vld [tilespmem:s7+$0xFFFFFFC0];
	v23 =	vadd.s32 v0, v19;
	_ =	sdelay $0x2  }
0xad: {  	[tilespmem:v17+s1+$0x0] =	vst.idx.msk $0xffff, v16;
	v41 =	vld [tilespmem:s14+$0x10];
	v42 =	vadd.s32 v1, v6  }
0xae: {  	v44 =	vadd.s32 v1, v7;
	v43 =	vld [tilespmem:s13+$0xFFFFFFD0];
	[tilespmem:v21+s1+$0x0] =	vst.idx.msk $0xffff, v20  }
0xaf: {  	v46 =	vadd.s32 v1, v18;
	[tilespmem:v23+s1+$0x0] =	vst.idx.msk $0xffff, v22;
	v45 =	vld [tilespmem:s7+$0x10]  }
0xb0: {  	[tilespmem:v14+s1+$0x0] =	vst.idx.msk $0xffff, v9;
	v48 =	vadd.s32 v1, v19;
	v47 =	vld [tilespmem:s7+$0xFFFFFFD0]  }
0xb1: {  	[tilespmem:v12+s1+$0x0] =	vst.idx.msk $0xffff, v10  }
0xb2: {  	[tilespmem:v42+s1+$0x0] =	vst.idx.msk $0xffff, v41  }
0xb3: {  	v50 =	vadd.s32 v2, v6;
	[tilespmem:v44+s1+$0x0] =	vst.idx.msk $0xffff, v43;
	v49 =	vld [tilespmem:s13+$0x20]  }
0xb4: {  	v52 =	vadd.s32 v2, v7;
	v51 =	vld [tilespmem:s13+$0xFFFFFFE0];
	[tilespmem:v46+s1+$0x0] =	vst.idx.msk $0xffff, v45  }
0xb5: {  	v54 =	vadd.s32 v2, v18;
	[tilespmem:v48+s1+$0x0] =	vst.idx.msk $0xffff, v47;
	v53 =	vld [tilespmem:s7+$0x20]  }
0xb6: {  	v56 =	vadd.s32 v2, v19;
	[tilespmem:v11+s1+$0x0] =	vst.idx.msk $0xffff, v8;
	v55 =	vld [tilespmem:s7+$0xFFFFFFE0]  }
0xb7: {  	v4 =	vadd.s32 v3, v4;
	[tilespmem:v15+s1+$0x0] =	vst.idx.msk $0xffff, v13;
	v57 =	vld [tilespmem:s12+$0x30]  }
0xb8: {  	v5 =	vadd.s32 v3, v5;
	v15 =	vld [tilespmem:s12+$0xFFFFFFF0];
	[tilespmem:v50+s1+$0x0] =	vst.idx.msk $0xffff, v49  }
0xb9: {  	v58 =	vadd.s32 v3, v6;
	[tilespmem:v52+s1+$0x0] =	vst.idx.msk $0xffff, v51;
	v10 =	vld [tilespmem:s13+$0x30]  }
0xba: {  	v60 =	vadd.s32 v3, v7;
	v59 =	vld [tilespmem:s13+$0xFFFFFFF0];
	[tilespmem:v54+s1+$0x0] =	vst.idx.msk $0xffff, v53  }
0xbb: {  	v62 =	vadd.s32 v3, v18;
	[tilespmem:v56+s1+$0x0] =	vst.idx.msk $0xffff, v55;
	v61 =	vld [tilespmem:s7+$0x30]  }
0xbc: {  	v63 =	vadd.s32 v3, v19;
	[tilespmem:v4+s1+$0x0] =	vst.idx.msk $0xffff, v57;
	v4 =	vld [tilespmem:s7+$0xFFFFFFF0]  }
0xbd: {  	[tilespmem:v5+s1+$0x0] =	vst.idx.msk $0xffff, v15  }
0xbe: {  	[tilespmem:v58+s1+$0x0] =	vst.idx.msk $0xffff, v10  }
0xbf: {  	[tilespmem:v60+s1+$0x0] =	vst.idx.msk $0xffff, v59  }
0xc0: {  	[tilespmem:v62+s1+$0x0] =	vst.idx.msk $0xffff, v61  }
0xc1: {  	[tilespmem:v63+s1+$0x0] =	vst.idx.msk $0xffff, v4  }
0xc2: {  	s12 =	simm.s32 $0x10600;
	s13 =	rddreg [dreg:$0x5]  }
0xc3: {  	[hbm4b:s13+s3] =	stream.linear.scatter [tilespmem:s12], [sflag:$0x6], $0x80, $0x38;
	[tilespmem:$0x16C00] =	vst v63  }
0xc4: {  	s14 =	simm.s32 $0x10688;
	s7 =	sadd.s32 $0x10, s13  }
0xc5: {  	[hbm4b:s7+s3] =	stream.linear.scatter [tilespmem:s14], [sflag:$0x6], $0x80, $0x38;
	[tilespmem:$0x16C00] =	vst v63  }
0xc6: {  	s15 =	simm.s32 $0x10710;
	s17 =	simm.s32 $0x10798;
	s16 =	sadd.s32 $0x20, s13  }
0xc7: {  	[hbm4b:s16+s3] =	stream.linear.scatter [tilespmem:s15], [sflag:$0x6], $0x80, $0x38;
	[tilespmem:$0x16C00] =	vst v63  }
0xc8: {  	s2 =	simm.s32 $0x2200;
	s21 =	sadd.s32 $0x30, s13;
	s12 =	simm.s32 $0x10820  }
0xc9: {  	[hbm4b:s21+s3] =	stream.linear.scatter [tilespmem:s17], [sflag:$0x6], $0x80, $0x38;
	[tilespmem:$0x16C00] =	vst v63  }
0xca: {  	s14 =	sadd.s32 $0x40, s13;
	s7 =	simm.s32 $0x109B8;
	s15 =	simm.s32 $0x108A8  }
0xcb: {  	[hbm4b:s14+s3] =	stream.linear.scatter [tilespmem:s12], [sflag:$0x6], $0x80, $0x38;
	[tilespmem:$0x16C00] =	vst v63  }
0xcc: {  	s16 =	sadd.s32 $0x50, s13;
	s17 =	simm.s32 $0x10930;
	s21 =	sadd.s32 $0x60, s13  }
0xcd: {  	[hbm4b:s16+s3] =	stream.linear.scatter [tilespmem:s15], [sflag:$0x6], $0x80, $0x38;
	[tilespmem:$0x16C00] =	vst v63  }
0xce: {  	s12 =	simm.s32 $0x440;
	s14 =	sadd.s32 $0x70, s13;
	s13 =	sadd.s32 $0x1000, s13  }
0xcf: {  	[hbm4b:s21+s3] =	stream.linear.scatter [tilespmem:s17], [sflag:$0x6], $0x80, $0x38;
	[tilespmem:$0x16C00] =	vst v63  }
.LBB2_8:
0xd0: {  	[hbm4b:s14+s3] =	stream.linear.scatter [tilespmem:s7], [sflag:$0x6], $0x80, $0x38;
	[tilespmem:$0x16C00] =	vst v63  }
0xd1: {  	s7 =	smov.u32 s12;
	s12 =	smov.u32 s2  }
0xd2: {  	s15 =	sadd.s32 $0x1100, s2;
	s12 =	sshra.s32 s12, $0x2;
	s14 =	sadd.s32 $0x10600, s7  }
0xd3: {  	[hbm4b:s13+s3] =	stream.linear.scatter [tilespmem:s14], [sflag:$0x6], $0x80, $0x38;
	[tilespmem:$0x16C00] =	vst v63  }
0xd4: {  	p0 =	sne.s32 s2, $0x7700;
	s2 =	sadd.s32 $0x10688, s7;
	s14 =	sadd.s32 $0x10, s13  }
0xd5: {  	[hbm4b:s14+s3] =	stream.linear.scatter [tilespmem:s2], [sflag:$0x6], $0x80, $0x38;
	[tilespmem:$0x16C00] =	vst v63  }
0xd6: {  	s2 =	sadd.s32 $0x10710, s7;
	s14 =	sadd.s32 $0x20, s13  }
0xd7: {  	[hbm4b:s14+s3] =	stream.linear.scatter [tilespmem:s2], [sflag:$0x6], $0x80, $0x38;
	[tilespmem:$0x16C00] =	vst v63  }
0xd8: {  	s2 =	sadd.s32 $0x10798, s7;
	s14 =	sadd.s32 $0x30, s13  }
0xd9: {  	[hbm4b:s14+s3] =	stream.linear.scatter [tilespmem:s2], [sflag:$0x6], $0x80, $0x38;
	[tilespmem:$0x16C00] =	vst v63  }
0xda: {  	s2 =	sadd.s32 $0x10820, s7;
	s14 =	sadd.s32 $0x40, s13  }
0xdb: {  	[hbm4b:s14+s3] =	stream.linear.scatter [tilespmem:s2], [sflag:$0x6], $0x80, $0x38;
	[tilespmem:$0x16C00] =	vst v63  }
.Ltmp3:
0xdc: {  	s2 =	sadd.s32 $0x108A8, s7;
	s14 =	sadd.s32 $0x50, s13;
	(pc) =	sbr.rel @p0 .LBB2_8-.Ltmp3, $4  }
0xdd: {  	[hbm4b:s14+s3] =	stream.linear.scatter [tilespmem:s2], [sflag:$0x6], $0x80, $0x38;
	[tilespmem:$0x16C00] =	vst v63  }
0xde: {  	s2 =	sadd.s32 $0x10930, s7;
	s14 =	sadd.s32 $0x60, s13;
	s7 =	sadd.s32 $0x109B8, s7  }
0xdf: {  	[hbm4b:s14+s3] =	stream.linear.scatter [tilespmem:s2], [sflag:$0x6], $0x80, $0x38;
	[tilespmem:$0x16C00] =	vst v63  }
0xe0: {  	s14 =	sadd.s32 $0x70, s13;
	s13 =	sadd.s32 $0x1000, s13;
	s2 =	smov.u32 s15  }
0xe1: {  	[hbm4b:s14+s3] =	stream.linear.scatter [tilespmem:s7], [sflag:$0x6], $0x80, $0x38;
	[tilespmem:$0x16C00] =	vst v63  }
0xe2: {  	s2 =	sadd.s32 $0x10600, s12  }
0xe3: {  	[hbm4b:s13+s3] =	stream.linear.scatter [tilespmem:s2], [sflag:$0x6], $0x80, $0x38;
	[tilespmem:$0x16C00] =	vst v63  }
0xe4: {  	s15 =	sadd.s32 $0x10688, s12;
	s16 =	sadd.s32 $0x10, s13  }
0xe5: {  	[hbm4b:s16+s3] =	stream.linear.scatter [tilespmem:s15], [sflag:$0x6], $0x80, $0x38;
	[tilespmem:$0x16C00] =	vst v63  }
0xe6: {  	s17 =	sadd.s32 $0x10710, s12;
	s21 =	sadd.s32 $0x20, s13  }
0xe7: {  	[hbm4b:s21+s3] =	stream.linear.scatter [tilespmem:s17], [sflag:$0x6], $0x80, $0x38;
	[tilespmem:$0x16C00] =	vst v63  }
0xe8: {  	s7 =	sadd.s32 $0x10798, s12;
	s14 =	sadd.s32 $0x30, s13  }
0xe9: {  	[hbm4b:s14+s3] =	stream.linear.scatter [tilespmem:s7], [sflag:$0x6], $0x80, $0x38;
	[tilespmem:$0x16C00] =	vst v63  }
0xea: {  	s15 =	sadd.s32 $0x10820, s12;
	s16 =	sadd.s32 $0x40, s13  }
0xeb: {  	[hbm4b:s16+s3] =	stream.linear.scatter [tilespmem:s15], [sflag:$0x6], $0x80, $0x38;
	[tilespmem:$0x16C00] =	vst v63  }
0xec: {  	s17 =	sadd.s32 $0x108A8, s12;
	s21 =	sadd.s32 $0x50, s13  }
0xed: {  	[hbm4b:s21+s3] =	stream.linear.scatter [tilespmem:s17], [sflag:$0x6], $0x80, $0x38;
	[tilespmem:$0x16C00] =	vst v63  }
0xee: {  	s14 =	sadd.s32 $0x10930, s12;
	s15 =	sadd.s32 $0x60, s13  }
0xef: {  	[hbm4b:s15+s3] =	stream.linear.scatter [tilespmem:s14], [sflag:$0x6], $0x80, $0x38;
	[tilespmem:$0x16C00] =	vst v63  }
0xf0: {  	s16 =	sadd.s32 $0x109B8, s12;
	s17 =	sadd.s32 $0x70, s13  }
0xf1: {  	[hbm4b:s17+s3] =	stream.linear.scatter [tilespmem:s16], [sflag:$0x6], $0x80, $0x38;
	[tilespmem:$0x16C00] =	vst v63  }
0xf2: {  	s21 =	simm.s32 $0x280  }
0xf3: {  	[tilespmem:s22], [sflag:$0x2] =	stream.indirect.gather [hbm4b:s4+s20], $0x40, s21, s20, $0xb8;
	[tilespmem:$0x16C00] =	vst v63  }
0xf4: {  	s7 =	simm.s32 $0x1;
	_ =	swait.ge [sflag:s23], $0x2000  }
0xf5: {  	v4 =	vmov s7;
	s12 =	simm.s32 $0x0;
	[sflag:s23] =	ssyncset.done $0x0  }
0xf6: {  	v8 =	vand.u32 $0x7F, v4;
	v5 =	vmov s12;
	s13 =	simm.s32 $0xA440;
	[sflag:s23] =	ssyncadd.s32 $0xFFFFE000  }
0xf7: {  	v11 =	vand.u32 $0x7E, v5;
	v5 =	vadd.s32 v0, v8;
	v4 =	vld [tilespmem:s13+$0x0]  }
0xf8: {  	v7 =	vadd.s32 v0, v11;
	v6 =	vld [tilespmem:s13+$0xFFFFFFC0];
	_ =	sdelay $0x3  }
0xf9: {  	s15 =	simm.s32 $0x3;
	[tilespmem:v5+s25+$0x0] =	vst.idx.msk $0xffff, v4  }
0xfa: {  	s16 =	simm.s32 $0x2;
	v4 =	vmov s15;
	[tilespmem:v7+s25+$0x0] =	vst.idx.msk $0xffff, v6;
	v7 =	vadd.s32 v1, v8;
	v6 =	vld [tilespmem:s13+$0x10]  }
0xfb: {  	s12 =	simm.s32 $0xA4C0;
	v10 =	vadd.s32 v1, v11;
	v5 =	vmov s16;
	v4 =	vand.u32 $0x7F, v4;
	v9 =	vld [tilespmem:s13+$0xFFFFFFD0]  }
0xfc: {  	v12 =	vld [tilespmem:s12+$0x0];
	v5 =	vand.u32 $0x7E, v5;
	v13 =	vadd.s32 v0, v4  }
0xfd: {  	v14 =	vld [tilespmem:s12+$0xFFFFFFC0];
	v15 =	vadd.s32 v0, v5;
	_ =	sdelay $0x1  }
0xfe: {  	[tilespmem:v7+s25+$0x0] =	vst.idx.msk $0xffff, v6  }
0xff: {  	[tilespmem:v10+s25+$0x0] =	vst.idx.msk $0xffff, v9;
	v9 =	vadd.s32 v2, v8;
	v7 =	vld [tilespmem:s13+$0x20]  }
0x100: {  	[tilespmem:v13+s25+$0x0] =	vst.idx.msk $0xffff, v12;
	v10 =	vld [tilespmem:s13+$0xFFFFFFE0];
	v12 =	vadd.s32 v2, v11  }
0x101: {  	s17 =	simm.s32 $0x5;
	[tilespmem:v15+s25+$0x0] =	vst.idx.msk $0xffff, v14;
	v14 =	vadd.s32 v1, v4;
	v13 =	vld [tilespmem:s12+$0x10]  }
0x102: {  	s21 =	simm.s32 $0x4;
	v6 =	vmov s17  }
0x103: {  	s14 =	simm.s32 $0xA540;
	v17 =	vmov s21;
	v18 =	vadd.s32 v1, v5;
	v6 =	vand.u32 $0x7F, v6;
	v15 =	vld [tilespmem:s12+$0xFFFFFFD0]  }
0x104: {  	v19 =	vld [tilespmem:s14+$0x0];
	v20 =	vadd.s32 v0, v6;
	[tilespmem:v9+s25+$0x0] =	vst.idx.msk $0xffff, v7;
	v7 =	vand.u32 $0x7E, v17  }
0x105: {  	v16 =	vld [tilespmem:s14+$0xFFFFFFC0];
	[tilespmem:v12+s25+$0x0] =	vst.idx.msk $0xffff, v10;
	v17 =	vadd.s32 v0, v7  }
0x106: {  	v9 =	vld [tilespmem:s13+$0x30];
	[tilespmem:v14+s25+$0x0] =	vst.idx.msk $0xffff, v13;
	v14 =	vadd.s32 v3, v8  }
0x107: {  	v12 =	vadd.s32 v3, v11;
	v10 =	vld [tilespmem:s13+$0xFFFFFFF0]  }
0x108: {  	s2 =	simm.s32 $0x7;
	v11 =	vadd.s32 v2, v4;
	[tilespmem:v18+s25+$0x0] =	vst.idx.msk $0xffff, v15;
	v8 =	vld [tilespmem:s12+$0x20]  }
0x109: {  	s7 =	simm.s32 $0x8;
	s15 =	simm.s32 $0x6;
	[tilespmem:v20+s25+$0x0] =	vst.idx.msk $0xffff, v19;
	v15 =	vadd.s32 v2, v5;
	s13 =	simm.s32 $0xA540;
	v13 =	vld [tilespmem:s12+$0xFFFFFFE0]  }
.LBB2_10:
0x10a: {  	p0 =	slt.u32 s7, $0x7E;
	v18 =	vmov s2;
	[tilespmem:v17+s25+$0x0] =	vst.idx.msk $0xffff, v16;
	v19 =	vld [tilespmem:s14+$0x10];
	v20 =	vadd.s32 v1, v6  }
0x10b: {  	v16 =	vmov s15;
	v22 =	vadd.s32 v1, v7;
	s14 =	sadd.s32 $0x80, s14;
	s15 =	smov.u32 s7;
	v18 =	vand.u32 $0x7F, v18;
	v21 =	vld [tilespmem:s13+$0xFFFFFFD0];
	[tilespmem:v14+s25+$0x0] =	vst.idx.msk $0xffff, v9  }
0x10c: {  	v23 =	vand.u32 $0x7E, v16;
	v24 =	vld [tilespmem:s14+$0x0];
	v25 =	vadd.s32 v0, v18;
	[tilespmem:v12+s25+$0x0] =	vst.idx.msk $0xffff, v10  }
.Ltmp4:
0x10d: {  	v17 =	vadd.s32 v0, v23;
	v16 =	vld [tilespmem:s14+$0xFFFFFFC0];
	[tilespmem:v11+s25+$0x0] =	vst.idx.msk $0xffff, v8;
	(pc) =	sbr.rel @p0 .LBB2_10-.Ltmp4, $4  }
0x10e: {  	v14 =	vadd.s32 v3, v4;
	v4 =	vmov v6;
	v6 =	vmov v18;
	[tilespmem:v15+s25+$0x0] =	vst.idx.msk $0xffff, v13;
	v9 =	vld [tilespmem:s12+$0x30]  }
0x10f: {  	v12 =	vadd.s32 v3, v5;
	v5 =	vmov v7;
	v7 =	vmov v23;
	[tilespmem:v20+s25+$0x0] =	vst.idx.msk $0xffff, v19;
	v10 =	vld [tilespmem:s12+$0xFFFFFFF0];
	s12 =	smov.u32 s13;
	s13 =	smov.u32 s14  }
0x110: {  	v11 =	vadd.s32 v2, v4;
	[tilespmem:v22+s25+$0x0] =	vst.idx.msk $0xffff, v21;
	v8 =	vld [tilespmem:s12+$0x20]  }
0x111: {  	s7 =	sadd.s32 $0x2, s7;
	s2 =	sadd.s32 $0x1, s15;
	v15 =	vadd.s32 v2, v5;
	[tilespmem:v25+s25+$0x0] =	vst.idx.msk $0xffff, v24;
	v13 =	vld [tilespmem:s12+$0xFFFFFFE0]  }
0x112: {  	v18 =	vmov s2  }
0x113: {  	v19 =	vmov s15;
	s7 =	sadd.s32 $0x80, s14;
	v18 =	vand.u32 $0x7F, v18  }
0x114: {  	v19 =	vand.u32 $0x7E, v19;
	v20 =	vld [tilespmem:s7+$0x0];
	v21 =	vadd.s32 v0, v18  }
0x115: {  	v22 =	vld [tilespmem:s7+$0xFFFFFFC0];
	v23 =	vadd.s32 v0, v19;
	_ =	sdelay $0x2  }
0x116: {  	[tilespmem:v17+s25+$0x0] =	vst.idx.msk $0xffff, v16;
	v41 =	vld [tilespmem:s14+$0x10];
	v42 =	vadd.s32 v1, v6  }
0x117: {  	v44 =	vadd.s32 v1, v7;
	v43 =	vld [tilespmem:s13+$0xFFFFFFD0];
	[tilespmem:v21+s25+$0x0] =	vst.idx.msk $0xffff, v20  }
0x118: {  	v46 =	vadd.s32 v1, v18;
	[tilespmem:v23+s25+$0x0] =	vst.idx.msk $0xffff, v22;
	v45 =	vld [tilespmem:s7+$0x10]  }
0x119: {  	[tilespmem:v14+s25+$0x0] =	vst.idx.msk $0xffff, v9;
	v48 =	vadd.s32 v1, v19;
	v47 =	vld [tilespmem:s7+$0xFFFFFFD0]  }
0x11a: {  	[tilespmem:v12+s25+$0x0] =	vst.idx.msk $0xffff, v10  }
0x11b: {  	[tilespmem:v42+s25+$0x0] =	vst.idx.msk $0xffff, v41  }
0x11c: {  	v50 =	vadd.s32 v2, v6;
	[tilespmem:v44+s25+$0x0] =	vst.idx.msk $0xffff, v43;
	v49 =	vld [tilespmem:s13+$0x20]  }
0x11d: {  	v52 =	vadd.s32 v2, v7;
	v51 =	vld [tilespmem:s13+$0xFFFFFFE0];
	[tilespmem:v46+s25+$0x0] =	vst.idx.msk $0xffff, v45  }
0x11e: {  	v54 =	vadd.s32 v2, v18;
	[tilespmem:v48+s25+$0x0] =	vst.idx.msk $0xffff, v47;
	v53 =	vld [tilespmem:s7+$0x20]  }
0x11f: {  	v56 =	vadd.s32 v2, v19;
	[tilespmem:v11+s25+$0x0] =	vst.idx.msk $0xffff, v8;
	v55 =	vld [tilespmem:s7+$0xFFFFFFE0]  }
0x120: {  	v4 =	vadd.s32 v3, v4;
	[tilespmem:v15+s25+$0x0] =	vst.idx.msk $0xffff, v13;
	v57 =	vld [tilespmem:s12+$0x30]  }
0x121: {  	v5 =	vadd.s32 v3, v5;
	v15 =	vld [tilespmem:s12+$0xFFFFFFF0];
	[tilespmem:v50+s25+$0x0] =	vst.idx.msk $0xffff, v49  }
0x122: {  	v58 =	vadd.s32 v3, v6;
	[tilespmem:v52+s25+$0x0] =	vst.idx.msk $0xffff, v51;
	v10 =	vld [tilespmem:s13+$0x30]  }
0x123: {  	v60 =	vadd.s32 v3, v7;
	v59 =	vld [tilespmem:s13+$0xFFFFFFF0];
	[tilespmem:v54+s25+$0x0] =	vst.idx.msk $0xffff, v53  }
0x124: {  	v62 =	vadd.s32 v3, v18;
	[tilespmem:v56+s25+$0x0] =	vst.idx.msk $0xffff, v55;
	v61 =	vld [tilespmem:s7+$0x30]  }
0x125: {  	v63 =	vadd.s32 v3, v19;
	[tilespmem:v4+s25+$0x0] =	vst.idx.msk $0xffff, v57;
	v4 =	vld [tilespmem:s7+$0xFFFFFFF0]  }
0x126: {  	[tilespmem:v5+s25+$0x0] =	vst.idx.msk $0xffff, v15  }
0x127: {  	[tilespmem:v58+s25+$0x0] =	vst.idx.msk $0xffff, v10  }
0x128: {  	[tilespmem:v60+s25+$0x0] =	vst.idx.msk $0xffff, v59  }
0x129: {  	[tilespmem:v62+s25+$0x0] =	vst.idx.msk $0xffff, v61  }
0x12a: {  	[tilespmem:v63+s25+$0x0] =	vst.idx.msk $0xffff, v4  }
0x12b: {  	s12 =	simm.s32 $0x12800;
	s13 =	rddreg [dreg:$0x6]  }
0x12c: {  	[hbm4b:s13+s3] =	stream.linear.scatter [tilespmem:s12], [sflag:$0x7], $0x80, $0x38;
	[tilespmem:$0x16C00] =	vst v63  }
0x12d: {  	s14 =	simm.s32 $0x12888;
	s7 =	sadd.s32 $0x10, s13  }
0x12e: {  	[hbm4b:s7+s3] =	stream.linear.scatter [tilespmem:s14], [sflag:$0x7], $0x80, $0x38;
	[tilespmem:$0x16C00] =	vst v63  }
0x12f: {  	s15 =	simm.s32 $0x12910;
	s17 =	simm.s32 $0x12998;
	s16 =	sadd.s32 $0x20, s13  }
0x130: {  	[hbm4b:s16+s3] =	stream.linear.scatter [tilespmem:s15], [sflag:$0x7], $0x80, $0x38;
	[tilespmem:$0x16C00] =	vst v63  }
0x131: {  	s2 =	simm.s32 $0x2200;
	s21 =	sadd.s32 $0x30, s13;
	s12 =	simm.s32 $0x12A20  }
0x132: {  	[hbm4b:s21+s3] =	stream.linear.scatter [tilespmem:s17], [sflag:$0x7], $0x80, $0x38;
	[tilespmem:$0x16C00] =	vst v63  }
0x133: {  	s14 =	sadd.s32 $0x40, s13;
	s7 =	simm.s32 $0x12BB8;
	s15 =	simm.s32 $0x12AA8  }
0x134: {  	[hbm4b:s14+s3] =	stream.linear.scatter [tilespmem:s12], [sflag:$0x7], $0x80, $0x38;
	[tilespmem:$0x16C00] =	vst v63  }
0x135: {  	s16 =	sadd.s32 $0x50, s13;
	s17 =	simm.s32 $0x12B30;
	s21 =	sadd.s32 $0x60, s13  }
0x136: {  	[hbm4b:s16+s3] =	stream.linear.scatter [tilespmem:s15], [sflag:$0x7], $0x80, $0x38;
	[tilespmem:$0x16C00] =	vst v63  }
0x137: {  	s12 =	simm.s32 $0x440;
	s14 =	sadd.s32 $0x70, s13;
	s13 =	sadd.s32 $0x1000, s13  }
0x138: {  	[hbm4b:s21+s3] =	stream.linear.scatter [tilespmem:s17], [sflag:$0x7], $0x80, $0x38;
	[tilespmem:$0x16C00] =	vst v63  }
.LBB2_12:
0x139: {  	[hbm4b:s14+s3] =	stream.linear.scatter [tilespmem:s7], [sflag:$0x7], $0x80, $0x38;
	[tilespmem:$0x16C00] =	vst v63  }
0x13a: {  	s7 =	smov.u32 s12;
	s12 =	smov.u32 s2  }
0x13b: {  	s15 =	sadd.s32 $0x1100, s2;
	s12 =	sshra.s32 s12, $0x2;
	s14 =	sadd.s32 $0x12800, s7  }
0x13c: {  	[hbm4b:s13+s3] =	stream.linear.scatter [tilespmem:s14], [sflag:$0x7], $0x80, $0x38;
	[tilespmem:$0x16C00] =	vst v63  }
0x13d: {  	p0 =	sne.s32 s2, $0x7700;
	s2 =	sadd.s32 $0x12888, s7;
	s14 =	sadd.s32 $0x10, s13  }
0x13e: {  	[hbm4b:s14+s3] =	stream.linear.scatter [tilespmem:s2], [sflag:$0x7], $0x80, $0x38;
	[tilespmem:$0x16C00] =	vst v63  }
0x13f: {  	s2 =	sadd.s32 $0x12910, s7;
	s14 =	sadd.s32 $0x20, s13  }
0x140: {  	[hbm4b:s14+s3] =	stream.linear.scatter [tilespmem:s2], [sflag:$0x7], $0x80, $0x38;
	[tilespmem:$0x16C00] =	vst v63  }
0x141: {  	s2 =	sadd.s32 $0x12998, s7;
	s14 =	sadd.s32 $0x30, s13  }
0x142: {  	[hbm4b:s14+s3] =	stream.linear.scatter [tilespmem:s2], [sflag:$0x7], $0x80, $0x38;
	[tilespmem:$0x16C00] =	vst v63  }
0x143: {  	s2 =	sadd.s32 $0x12A20, s7;
	s14 =	sadd.s32 $0x40, s13  }
0x144: {  	[hbm4b:s14+s3] =	stream.linear.scatter [tilespmem:s2], [sflag:$0x7], $0x80, $0x38;
	[tilespmem:$0x16C00] =	vst v63  }
.Ltmp5:
0x145: {  	s2 =	sadd.s32 $0x12AA8, s7;
	s14 =	sadd.s32 $0x50, s13;
	(pc) =	sbr.rel @p0 .LBB2_12-.Ltmp5, $4  }
0x146: {  	[hbm4b:s14+s3] =	stream.linear.scatter [tilespmem:s2], [sflag:$0x7], $0x80, $0x38;
	[tilespmem:$0x16C00] =	vst v63  }
0x147: {  	s2 =	sadd.s32 $0x12B30, s7;
	s14 =	sadd.s32 $0x60, s13;
	s7 =	sadd.s32 $0x12BB8, s7  }
0x148: {  	[hbm4b:s14+s3] =	stream.linear.scatter [tilespmem:s2], [sflag:$0x7], $0x80, $0x38;
	[tilespmem:$0x16C00] =	vst v63  }
0x149: {  	s14 =	sadd.s32 $0x70, s13;
	s13 =	sadd.s32 $0x1000, s13;
	s2 =	smov.u32 s15  }
0x14a: {  	[hbm4b:s14+s3] =	stream.linear.scatter [tilespmem:s7], [sflag:$0x7], $0x80, $0x38;
	[tilespmem:$0x16C00] =	vst v63  }
0x14b: {  	s2 =	sadd.s32 $0x12800, s12  }
0x14c: {  	[hbm4b:s13+s3] =	stream.linear.scatter [tilespmem:s2], [sflag:$0x7], $0x80, $0x38;
	[tilespmem:$0x16C00] =	vst v63  }
0x14d: {  	s15 =	sadd.s32 $0x12888, s12;
	s16 =	sadd.s32 $0x10, s13  }
0x14e: {  	[hbm4b:s16+s3] =	stream.linear.scatter [tilespmem:s15], [sflag:$0x7], $0x80, $0x38;
	[tilespmem:$0x16C00] =	vst v63  }
0x14f: {  	s17 =	sadd.s32 $0x12910, s12;
	s21 =	sadd.s32 $0x20, s13  }
0x150: {  	[hbm4b:s21+s3] =	stream.linear.scatter [tilespmem:s17], [sflag:$0x7], $0x80, $0x38;
	[tilespmem:$0x16C00] =	vst v63  }
0x151: {  	s7 =	sadd.s32 $0x12998, s12;
	s14 =	sadd.s32 $0x30, s13  }
0x152: {  	[hbm4b:s14+s3] =	stream.linear.scatter [tilespmem:s7], [sflag:$0x7], $0x80, $0x38;
	[tilespmem:$0x16C00] =	vst v63  }
0x153: {  	s15 =	sadd.s32 $0x12A20, s12;
	s16 =	sadd.s32 $0x40, s13  }
0x154: {  	[hbm4b:s16+s3] =	stream.linear.scatter [tilespmem:s15], [sflag:$0x7], $0x80, $0x38;
	[tilespmem:$0x16C00] =	vst v63  }
0x155: {  	s17 =	sadd.s32 $0x12AA8, s12;
	s21 =	sadd.s32 $0x50, s13  }
0x156: {  	[hbm4b:s21+s3] =	stream.linear.scatter [tilespmem:s17], [sflag:$0x7], $0x80, $0x38;
	[tilespmem:$0x16C00] =	vst v63  }
0x157: {  	s14 =	sadd.s32 $0x12B30, s12;
	s15 =	sadd.s32 $0x60, s13  }
0x158: {  	[hbm4b:s15+s3] =	stream.linear.scatter [tilespmem:s14], [sflag:$0x7], $0x80, $0x38;
	[tilespmem:$0x16C00] =	vst v63  }
0x159: {  	s16 =	sadd.s32 $0x12BB8, s12;
	s17 =	sadd.s32 $0x70, s13  }
0x15a: {  	[hbm4b:s17+s3] =	stream.linear.scatter [tilespmem:s16], [sflag:$0x7], $0x80, $0x38;
	[tilespmem:$0x16C00] =	vst v63  }
0x15b: {  	s21 =	simm.s32 $0x300  }
0x15c: {  	[tilespmem:s24], [sflag:$0x3] =	stream.indirect.gather [hbm4b:s4+s20], $0x40, s21, s20, $0xb8;
	[tilespmem:$0x16C00] =	vst v63  }
0x15d: {  	s7 =	simm.s32 $0x1;
	_ =	swait.ge [sflag:s0], $0x2000  }
0x15e: {  	v4 =	vmov s7;
	s12 =	simm.s32 $0x0;
	[sflag:s0] =	ssyncset.done $0x0  }
0x15f: {  	v8 =	vand.u32 $0x7F, v4;
	v5 =	vmov s12;
	s13 =	simm.s32 $0xC440;
	[sflag:s0] =	ssyncadd.s32 $0xFFFFE000  }
0x160: {  	v11 =	vand.u32 $0x7E, v5;
	v5 =	vadd.s32 v0, v8;
	v4 =	vld [tilespmem:s13+$0x0]  }
0x161: {  	v7 =	vadd.s32 v0, v11;
	v6 =	vld [tilespmem:s13+$0xFFFFFFC0];
	_ =	sdelay $0x3  }
0x162: {  	s15 =	simm.s32 $0x3;
	[tilespmem:v5+s30+$0x0] =	vst.idx.msk $0xffff, v4  }
0x163: {  	s16 =	simm.s32 $0x2;
	v4 =	vmov s15;
	[tilespmem:v7+s30+$0x0] =	vst.idx.msk $0xffff, v6;
	v7 =	vadd.s32 v1, v8;
	v6 =	vld [tilespmem:s13+$0x10]  }
0x164: {  	s12 =	simm.s32 $0xC4C0;
	v10 =	vadd.s32 v1, v11;
	v5 =	vmov s16;
	v4 =	vand.u32 $0x7F, v4;
	v9 =	vld [tilespmem:s13+$0xFFFFFFD0]  }
0x165: {  	v12 =	vld [tilespmem:s12+$0x0];
	v5 =	vand.u32 $0x7E, v5;
	v13 =	vadd.s32 v0, v4  }
0x166: {  	v14 =	vld [tilespmem:s12+$0xFFFFFFC0];
	v15 =	vadd.s32 v0, v5;
	_ =	sdelay $0x1  }
0x167: {  	[tilespmem:v7+s30+$0x0] =	vst.idx.msk $0xffff, v6  }
0x168: {  	[tilespmem:v10+s30+$0x0] =	vst.idx.msk $0xffff, v9;
	v9 =	vadd.s32 v2, v8;
	v7 =	vld [tilespmem:s13+$0x20]  }
0x169: {  	[tilespmem:v13+s30+$0x0] =	vst.idx.msk $0xffff, v12;
	v10 =	vld [tilespmem:s13+$0xFFFFFFE0];
	v12 =	vadd.s32 v2, v11  }
0x16a: {  	s17 =	simm.s32 $0x5;
	[tilespmem:v15+s30+$0x0] =	vst.idx.msk $0xffff, v14;
	v14 =	vadd.s32 v1, v4;
	v13 =	vld [tilespmem:s12+$0x10]  }
0x16b: {  	s21 =	simm.s32 $0x4;
	v6 =	vmov s17  }
0x16c: {  	s14 =	simm.s32 $0xC540;
	v17 =	vmov s21;
	v18 =	vadd.s32 v1, v5;
	v6 =	vand.u32 $0x7F, v6;
	v15 =	vld [tilespmem:s12+$0xFFFFFFD0]  }
0x16d: {  	v19 =	vld [tilespmem:s14+$0x0];
	v20 =	vadd.s32 v0, v6;
	[tilespmem:v9+s30+$0x0] =	vst.idx.msk $0xffff, v7;
	v7 =	vand.u32 $0x7E, v17  }
0x16e: {  	v16 =	vld [tilespmem:s14+$0xFFFFFFC0];
	[tilespmem:v12+s30+$0x0] =	vst.idx.msk $0xffff, v10;
	v17 =	vadd.s32 v0, v7  }
0x16f: {  	v9 =	vld [tilespmem:s13+$0x30];
	[tilespmem:v14+s30+$0x0] =	vst.idx.msk $0xffff, v13;
	v14 =	vadd.s32 v3, v8  }
0x170: {  	v12 =	vadd.s32 v3, v11;
	v10 =	vld [tilespmem:s13+$0xFFFFFFF0]  }
0x171: {  	s2 =	simm.s32 $0x7;
	v11 =	vadd.s32 v2, v4;
	[tilespmem:v18+s30+$0x0] =	vst.idx.msk $0xffff, v15;
	v8 =	vld [tilespmem:s12+$0x20]  }
0x172: {  	s7 =	simm.s32 $0x8;
	s15 =	simm.s32 $0x6;
	[tilespmem:v20+s30+$0x0] =	vst.idx.msk $0xffff, v19;
	v15 =	vadd.s32 v2, v5;
	s13 =	simm.s32 $0xC540;
	v13 =	vld [tilespmem:s12+$0xFFFFFFE0]  }
.LBB2_14:
0x173: {  	p0 =	slt.u32 s7, $0x7E;
	v18 =	vmov s2;
	[tilespmem:v17+s30+$0x0] =	vst.idx.msk $0xffff, v16;
	v19 =	vld [tilespmem:s14+$0x10];
	v20 =	vadd.s32 v1, v6  }
0x174: {  	v16 =	vmov s15;
	v22 =	vadd.s32 v1, v7;
	s14 =	sadd.s32 $0x80, s14;
	s15 =	smov.u32 s7;
	v18 =	vand.u32 $0x7F, v18;
	v21 =	vld [tilespmem:s13+$0xFFFFFFD0];
	[tilespmem:v14+s30+$0x0] =	vst.idx.msk $0xffff, v9  }
0x175: {  	v23 =	vand.u32 $0x7E, v16;
	v24 =	vld [tilespmem:s14+$0x0];
	v25 =	vadd.s32 v0, v18;
	[tilespmem:v12+s30+$0x0] =	vst.idx.msk $0xffff, v10  }
.Ltmp6:
0x176: {  	v17 =	vadd.s32 v0, v23;
	v16 =	vld [tilespmem:s14+$0xFFFFFFC0];
	[tilespmem:v11+s30+$0x0] =	vst.idx.msk $0xffff, v8;
	(pc) =	sbr.rel @p0 .LBB2_14-.Ltmp6, $4  }
0x177: {  	v14 =	vadd.s32 v3, v4;
	v4 =	vmov v6;
	v6 =	vmov v18;
	[tilespmem:v15+s30+$0x0] =	vst.idx.msk $0xffff, v13;
	v9 =	vld [tilespmem:s12+$0x30]  }
0x178: {  	v12 =	vadd.s32 v3, v5;
	v5 =	vmov v7;
	v7 =	vmov v23;
	[tilespmem:v20+s30+$0x0] =	vst.idx.msk $0xffff, v19;
	v10 =	vld [tilespmem:s12+$0xFFFFFFF0];
	s12 =	smov.u32 s13;
	s13 =	smov.u32 s14  }
0x179: {  	v11 =	vadd.s32 v2, v4;
	[tilespmem:v22+s30+$0x0] =	vst.idx.msk $0xffff, v21;
	v8 =	vld [tilespmem:s12+$0x20]  }
0x17a: {  	s7 =	sadd.s32 $0x2, s7;
	s2 =	sadd.s32 $0x1, s15;
	v15 =	vadd.s32 v2, v5;
	[tilespmem:v25+s30+$0x0] =	vst.idx.msk $0xffff, v24;
	v13 =	vld [tilespmem:s12+$0xFFFFFFE0]  }
0x17b: {  	v18 =	vmov s2  }
0x17c: {  	v19 =	vmov s15;
	s7 =	sadd.s32 $0x80, s14;
	v18 =	vand.u32 $0x7F, v18  }
0x17d: {  	v19 =	vand.u32 $0x7E, v19;
	v20 =	vld [tilespmem:s7+$0x0];
	v21 =	vadd.s32 v0, v18  }
0x17e: {  	v22 =	vld [tilespmem:s7+$0xFFFFFFC0];
	v23 =	vadd.s32 v0, v19;
	_ =	sdelay $0x2  }
0x17f: {  	[tilespmem:v17+s30+$0x0] =	vst.idx.msk $0xffff, v16;
	v41 =	vld [tilespmem:s14+$0x10];
	v42 =	vadd.s32 v1, v6  }
0x180: {  	v44 =	vadd.s32 v1, v7;
	v43 =	vld [tilespmem:s13+$0xFFFFFFD0];
	[tilespmem:v21+s30+$0x0] =	vst.idx.msk $0xffff, v20  }
0x181: {  	v46 =	vadd.s32 v1, v18;
	[tilespmem:v23+s30+$0x0] =	vst.idx.msk $0xffff, v22;
	v45 =	vld [tilespmem:s7+$0x10]  }
0x182: {  	[tilespmem:v14+s30+$0x0] =	vst.idx.msk $0xffff, v9;
	v48 =	vadd.s32 v1, v19;
	v47 =	vld [tilespmem:s7+$0xFFFFFFD0]  }
0x183: {  	[tilespmem:v12+s30+$0x0] =	vst.idx.msk $0xffff, v10  }
0x184: {  	[tilespmem:v42+s30+$0x0] =	vst.idx.msk $0xffff, v41  }
0x185: {  	v50 =	vadd.s32 v2, v6;
	[tilespmem:v44+s30+$0x0] =	vst.idx.msk $0xffff, v43;
	v49 =	vld [tilespmem:s13+$0x20]  }
0x186: {  	v52 =	vadd.s32 v2, v7;
	v51 =	vld [tilespmem:s13+$0xFFFFFFE0];
	[tilespmem:v46+s30+$0x0] =	vst.idx.msk $0xffff, v45  }
0x187: {  	v54 =	vadd.s32 v2, v18;
	[tilespmem:v48+s30+$0x0] =	vst.idx.msk $0xffff, v47;
	v53 =	vld [tilespmem:s7+$0x20]  }
0x188: {  	v56 =	vadd.s32 v2, v19;
	[tilespmem:v11+s30+$0x0] =	vst.idx.msk $0xffff, v8;
	v55 =	vld [tilespmem:s7+$0xFFFFFFE0]  }
0x189: {  	v4 =	vadd.s32 v3, v4;
	[tilespmem:v15+s30+$0x0] =	vst.idx.msk $0xffff, v13;
	v57 =	vld [tilespmem:s12+$0x30]  }
0x18a: {  	v5 =	vadd.s32 v3, v5;
	v15 =	vld [tilespmem:s12+$0xFFFFFFF0];
	[tilespmem:v50+s30+$0x0] =	vst.idx.msk $0xffff, v49  }
0x18b: {  	v58 =	vadd.s32 v3, v6;
	[tilespmem:v52+s30+$0x0] =	vst.idx.msk $0xffff, v51;
	v10 =	vld [tilespmem:s13+$0x30]  }
0x18c: {  	v60 =	vadd.s32 v3, v7;
	v59 =	vld [tilespmem:s13+$0xFFFFFFF0];
	[tilespmem:v54+s30+$0x0] =	vst.idx.msk $0xffff, v53  }
0x18d: {  	v62 =	vadd.s32 v3, v18;
	[tilespmem:v56+s30+$0x0] =	vst.idx.msk $0xffff, v55;
	v61 =	vld [tilespmem:s7+$0x30]  }
0x18e: {  	v63 =	vadd.s32 v3, v19;
	[tilespmem:v4+s30+$0x0] =	vst.idx.msk $0xffff, v57;
	v4 =	vld [tilespmem:s7+$0xFFFFFFF0]  }
0x18f: {  	[tilespmem:v5+s30+$0x0] =	vst.idx.msk $0xffff, v15  }
0x190: {  	[tilespmem:v58+s30+$0x0] =	vst.idx.msk $0xffff, v10  }
0x191: {  	[tilespmem:v60+s30+$0x0] =	vst.idx.msk $0xffff, v59  }
0x192: {  	[tilespmem:v62+s30+$0x0] =	vst.idx.msk $0xffff, v61  }
0x193: {  	[tilespmem:v63+s30+$0x0] =	vst.idx.msk $0xffff, v4  }
0x194: {  	s12 =	simm.s32 $0x14A00;
	s13 =	rddreg [dreg:$0x7]  }
0x195: {  	[hbm4b:s13+s3] =	stream.linear.scatter [tilespmem:s12], [sflag:$0x8], $0x80, $0x38;
	[tilespmem:$0x16C00] =	vst v63  }
0x196: {  	s14 =	simm.s32 $0x14A88;
	s7 =	sadd.s32 $0x10, s13  }
0x197: {  	[hbm4b:s7+s3] =	stream.linear.scatter [tilespmem:s14], [sflag:$0x8], $0x80, $0x38;
	[tilespmem:$0x16C00] =	vst v63  }
0x198: {  	s15 =	simm.s32 $0x14B10;
	s17 =	simm.s32 $0x14B98;
	s16 =	sadd.s32 $0x20, s13  }
0x199: {  	[hbm4b:s16+s3] =	stream.linear.scatter [tilespmem:s15], [sflag:$0x8], $0x80, $0x38;
	[tilespmem:$0x16C00] =	vst v63  }
0x19a: {  	s2 =	simm.s32 $0x2200;
	s21 =	sadd.s32 $0x30, s13;
	s12 =	simm.s32 $0x14C20  }
0x19b: {  	[hbm4b:s21+s3] =	stream.linear.scatter [tilespmem:s17], [sflag:$0x8], $0x80, $0x38;
	[tilespmem:$0x16C00] =	vst v63  }
0x19c: {  	s14 =	sadd.s32 $0x40, s13;
	s7 =	simm.s32 $0x14DB8;
	s15 =	simm.s32 $0x14CA8  }
0x19d: {  	[hbm4b:s14+s3] =	stream.linear.scatter [tilespmem:s12], [sflag:$0x8], $0x80, $0x38;
	[tilespmem:$0x16C00] =	vst v63  }
0x19e: {  	s16 =	sadd.s32 $0x50, s13;
	s17 =	simm.s32 $0x14D30;
	s21 =	sadd.s32 $0x60, s13  }
0x19f: {  	[hbm4b:s16+s3] =	stream.linear.scatter [tilespmem:s15], [sflag:$0x8], $0x80, $0x38;
	[tilespmem:$0x16C00] =	vst v63  }
0x1a0: {  	s12 =	simm.s32 $0x440;
	s14 =	sadd.s32 $0x70, s13;
	s13 =	sadd.s32 $0x1000, s13  }
0x1a1: {  	[hbm4b:s21+s3] =	stream.linear.scatter [tilespmem:s17], [sflag:$0x8], $0x80, $0x38;
	[tilespmem:$0x16C00] =	vst v63  }
.LBB2_16:
0x1a2: {  	[hbm4b:s14+s3] =	stream.linear.scatter [tilespmem:s7], [sflag:$0x8], $0x80, $0x38;
	[tilespmem:$0x16C00] =	vst v63  }
0x1a3: {  	s7 =	smov.u32 s12;
	s12 =	smov.u32 s2  }
0x1a4: {  	s15 =	sadd.s32 $0x1100, s2;
	s12 =	sshra.s32 s12, $0x2;
	s14 =	sadd.s32 $0x14A00, s7  }
0x1a5: {  	[hbm4b:s13+s3] =	stream.linear.scatter [tilespmem:s14], [sflag:$0x8], $0x80, $0x38;
	[tilespmem:$0x16C00] =	vst v63  }
0x1a6: {  	p0 =	sne.s32 s2, $0x7700;
	s2 =	sadd.s32 $0x14A88, s7;
	s14 =	sadd.s32 $0x10, s13  }
0x1a7: {  	[hbm4b:s14+s3] =	stream.linear.scatter [tilespmem:s2], [sflag:$0x8], $0x80, $0x38;
	[tilespmem:$0x16C00] =	vst v63  }
0x1a8: {  	s2 =	sadd.s32 $0x14B10, s7;
	s14 =	sadd.s32 $0x20, s13  }
0x1a9: {  	[hbm4b:s14+s3] =	stream.linear.scatter [tilespmem:s2], [sflag:$0x8], $0x80, $0x38;
	[tilespmem:$0x16C00] =	vst v63  }
0x1aa: {  	s2 =	sadd.s32 $0x14B98, s7;
	s14 =	sadd.s32 $0x30, s13  }
0x1ab: {  	[hbm4b:s14+s3] =	stream.linear.scatter [tilespmem:s2], [sflag:$0x8], $0x80, $0x38;
	[tilespmem:$0x16C00] =	vst v63  }
0x1ac: {  	s2 =	sadd.s32 $0x14C20, s7;
	s14 =	sadd.s32 $0x40, s13  }
0x1ad: {  	[hbm4b:s14+s3] =	stream.linear.scatter [tilespmem:s2], [sflag:$0x8], $0x80, $0x38;
	[tilespmem:$0x16C00] =	vst v63  }
.Ltmp7:
0x1ae: {  	s2 =	sadd.s32 $0x14CA8, s7;
	s14 =	sadd.s32 $0x50, s13;
	(pc) =	sbr.rel @p0 .LBB2_16-.Ltmp7, $4  }
0x1af: {  	[hbm4b:s14+s3] =	stream.linear.scatter [tilespmem:s2], [sflag:$0x8], $0x80, $0x38;
	[tilespmem:$0x16C00] =	vst v63  }
0x1b0: {  	s2 =	sadd.s32 $0x14D30, s7;
	s14 =	sadd.s32 $0x60, s13;
	s7 =	sadd.s32 $0x14DB8, s7  }
0x1b1: {  	[hbm4b:s14+s3] =	stream.linear.scatter [tilespmem:s2], [sflag:$0x8], $0x80, $0x38;
	[tilespmem:$0x16C00] =	vst v63  }
0x1b2: {  	s14 =	sadd.s32 $0x70, s13;
	s13 =	sadd.s32 $0x1000, s13;
	s2 =	smov.u32 s15  }
0x1b3: {  	[hbm4b:s14+s3] =	stream.linear.scatter [tilespmem:s7], [sflag:$0x8], $0x80, $0x38;
	[tilespmem:$0x16C00] =	vst v63  }
0x1b4: {  	s2 =	sadd.s32 $0x14A00, s12  }
0x1b5: {  	[hbm4b:s13+s3] =	stream.linear.scatter [tilespmem:s2], [sflag:$0x8], $0x80, $0x38;
	[tilespmem:$0x16C00] =	vst v63  }
0x1b6: {  	s15 =	sadd.s32 $0x14A88, s12;
	s16 =	sadd.s32 $0x10, s13  }
0x1b7: {  	[hbm4b:s16+s3] =	stream.linear.scatter [tilespmem:s15], [sflag:$0x8], $0x80, $0x38;
	[tilespmem:$0x16C00] =	vst v63  }
0x1b8: {  	s17 =	sadd.s32 $0x14B10, s12;
	s21 =	sadd.s32 $0x20, s13  }
0x1b9: {  	[hbm4b:s21+s3] =	stream.linear.scatter [tilespmem:s17], [sflag:$0x8], $0x80, $0x38;
	[tilespmem:$0x16C00] =	vst v63  }
0x1ba: {  	s7 =	sadd.s32 $0x14B98, s12;
	s14 =	sadd.s32 $0x30, s13  }
0x1bb: {  	[hbm4b:s14+s3] =	stream.linear.scatter [tilespmem:s7], [sflag:$0x8], $0x80, $0x38;
	[tilespmem:$0x16C00] =	vst v63  }
0x1bc: {  	s15 =	sadd.s32 $0x14C20, s12;
	s16 =	sadd.s32 $0x40, s13  }
0x1bd: {  	[hbm4b:s16+s3] =	stream.linear.scatter [tilespmem:s15], [sflag:$0x8], $0x80, $0x38;
	[tilespmem:$0x16C00] =	vst v63  }
0x1be: {  	s17 =	sadd.s32 $0x14CA8, s12;
	s21 =	sadd.s32 $0x50, s13  }
0x1bf: {  	[hbm4b:s21+s3] =	stream.linear.scatter [tilespmem:s17], [sflag:$0x8], $0x80, $0x38;
	[tilespmem:$0x16C00] =	vst v63  }
0x1c0: {  	s14 =	sadd.s32 $0x14D30, s12;
	s15 =	sadd.s32 $0x60, s13  }
0x1c1: {  	[hbm4b:s15+s3] =	stream.linear.scatter [tilespmem:s14], [sflag:$0x8], $0x80, $0x38;
	[tilespmem:$0x16C00] =	vst v63  }
0x1c2: {  	s16 =	sadd.s32 $0x14DB8, s12;
	s17 =	sadd.s32 $0x70, s13  }
0x1c3: {  	[hbm4b:s17+s3] =	stream.linear.scatter [tilespmem:s16], [sflag:$0x8], $0x80, $0x38;
	[tilespmem:$0x16C00] =	vst v63  }
0x1c4: {  	s12 =	simm.s32 $0x1;
	s21 =	simm.s32 $0x380  }
0x1c5: {  	[tilespmem:s26], [sflag:$0x4] =	stream.indirect.gather [hbm4b:s4+s20], $0x40, s21, s20, $0xb8;
	[tilespmem:$0x16C00] =	vst v63  }
.LBB2_18:
0x1c6: {  	_ =	swait.ge [sflag:s28], $0x2000  }
0x1c7: {  	[sflag:s28] =	ssyncset.done $0x0  }
0x1c8: {  	[sflag:s28] =	ssyncadd.s32 $0xFFFFE000  }
0x1c9: {  	s2 =	simm.s32 $0x1;
	_ =	swait.ge [sflag:s6], $0x2000  }
0x1ca: {  	s7 =	simm.s32 $0x0;
	v4 =	vmov s2;
	[sflag:s6] =	ssyncset.done $0x0  }
0x1cb: {  	s14 =	simm.s32 $0x6440;
	v5 =	vmov s7;
	v8 =	vand.u32 $0x7F, v4;
	[sflag:s6] =	ssyncadd.s32 $0xFFFFE000  }
0x1cc: {  	v11 =	vand.u32 $0x7E, v5;
	v5 =	vadd.s32 v0, v8;
	v4 =	vld [tilespmem:s14+$0x0]  }
0x1cd: {  	v7 =	vadd.s32 v0, v11;
	v6 =	vld [tilespmem:s14+$0xFFFFFFC0];
	_ =	sdelay $0x3  }
0x1ce: {  	s16 =	simm.s32 $0x3;
	[tilespmem:v5+s29+$0x0] =	vst.idx.msk $0xffff, v4  }
0x1cf: {  	s13 =	simm.s32 $0x2;
	v4 =	vmov s16;
	[tilespmem:v7+s29+$0x0] =	vst.idx.msk $0xffff, v6;
	v7 =	vadd.s32 v1, v8;
	v6 =	vld [tilespmem:s14+$0x10]  }
0x1d0: {  	v10 =	vadd.s32 v1, v11;
	v5 =	vmov s13;
	s13 =	simm.s32 $0x64C0;
	v4 =	vand.u32 $0x7F, v4;
	v9 =	vld [tilespmem:s14+$0xFFFFFFD0]  }
0x1d1: {  	v5 =	vand.u32 $0x7E, v5;
	v12 =	vld [tilespmem:s13+$0x0];
	v13 =	vadd.s32 v0, v4  }
0x1d2: {  	v14 =	vld [tilespmem:s13+$0xFFFFFFC0];
	v15 =	vadd.s32 v0, v5;
	_ =	sdelay $0x1  }
0x1d3: {  	[tilespmem:v7+s29+$0x0] =	vst.idx.msk $0xffff, v6  }
0x1d4: {  	[tilespmem:v10+s29+$0x0] =	vst.idx.msk $0xffff, v9;
	v9 =	vadd.s32 v2, v8;
	v7 =	vld [tilespmem:s14+$0x20]  }
0x1d5: {  	[tilespmem:v13+s29+$0x0] =	vst.idx.msk $0xffff, v12;
	v10 =	vld [tilespmem:s14+$0xFFFFFFE0];
	v12 =	vadd.s32 v2, v11  }
0x1d6: {  	s17 =	simm.s32 $0x5;
	[tilespmem:v15+s29+$0x0] =	vst.idx.msk $0xffff, v14;
	v14 =	vadd.s32 v1, v4;
	v13 =	vld [tilespmem:s13+$0x10]  }
0x1d7: {  	s21 =	simm.s32 $0x4;
	v6 =	vmov s17  }
0x1d8: {  	s15 =	simm.s32 $0x6540;
	v17 =	vmov s21;
	v18 =	vadd.s32 v1, v5;
	v6 =	vand.u32 $0x7F, v6;
	v15 =	vld [tilespmem:s13+$0xFFFFFFD0]  }
0x1d9: {  	v19 =	vld [tilespmem:s15+$0x0];
	v20 =	vadd.s32 v0, v6;
	[tilespmem:v9+s29+$0x0] =	vst.idx.msk $0xffff, v7;
	v7 =	vand.u32 $0x7E, v17  }
0x1da: {  	v16 =	vld [tilespmem:s15+$0xFFFFFFC0];
	[tilespmem:v12+s29+$0x0] =	vst.idx.msk $0xffff, v10;
	v17 =	vadd.s32 v0, v7  }
0x1db: {  	v9 =	vld [tilespmem:s14+$0x30];
	[tilespmem:v14+s29+$0x0] =	vst.idx.msk $0xffff, v13;
	v14 =	vadd.s32 v3, v8  }
0x1dc: {  	v12 =	vadd.s32 v3, v11;
	v10 =	vld [tilespmem:s14+$0xFFFFFFF0]  }
0x1dd: {  	s2 =	simm.s32 $0x7;
	v11 =	vadd.s32 v2, v4;
	[tilespmem:v18+s29+$0x0] =	vst.idx.msk $0xffff, v15;
	v8 =	vld [tilespmem:s13+$0x20]  }
0x1de: {  	s7 =	simm.s32 $0x8;
	s16 =	simm.s32 $0x6;
	[tilespmem:v20+s29+$0x0] =	vst.idx.msk $0xffff, v19;
	v15 =	vadd.s32 v2, v5;
	s14 =	simm.s32 $0x6540;
	v13 =	vld [tilespmem:s13+$0xFFFFFFE0]  }
.LBB2_19:
0x1df: {  	p0 =	slt.u32 s7, $0x7E;
	v18 =	vmov s2;
	[tilespmem:v17+s29+$0x0] =	vst.idx.msk $0xffff, v16;
	v19 =	vld [tilespmem:s15+$0x10];
	v20 =	vadd.s32 v1, v6  }
0x1e0: {  	v16 =	vmov s16;
	v22 =	vadd.s32 v1, v7;
	s15 =	sadd.s32 $0x80, s15;
	s16 =	smov.u32 s7;
	v18 =	vand.u32 $0x7F, v18;
	v21 =	vld [tilespmem:s14+$0xFFFFFFD0];
	[tilespmem:v14+s29+$0x0] =	vst.idx.msk $0xffff, v9  }
0x1e1: {  	v23 =	vand.u32 $0x7E, v16;
	v24 =	vld [tilespmem:s15+$0x0];
	v25 =	vadd.s32 v0, v18;
	[tilespmem:v12+s29+$0x0] =	vst.idx.msk $0xffff, v10  }
.Ltmp8:
0x1e2: {  	v17 =	vadd.s32 v0, v23;
	v16 =	vld [tilespmem:s15+$0xFFFFFFC0];
	[tilespmem:v11+s29+$0x0] =	vst.idx.msk $0xffff, v8;
	(pc) =	sbr.rel @p0 .LBB2_19-.Ltmp8, $4  }
0x1e3: {  	v14 =	vadd.s32 v3, v4;
	v4 =	vmov v6;
	v6 =	vmov v18;
	[tilespmem:v15+s29+$0x0] =	vst.idx.msk $0xffff, v13;
	v9 =	vld [tilespmem:s13+$0x30]  }
0x1e4: {  	v12 =	vadd.s32 v3, v5;
	v5 =	vmov v7;
	v7 =	vmov v23;
	[tilespmem:v20+s29+$0x0] =	vst.idx.msk $0xffff, v19;
	v10 =	vld [tilespmem:s13+$0xFFFFFFF0];
	s13 =	smov.u32 s14;
	s14 =	smov.u32 s15  }
0x1e5: {  	v11 =	vadd.s32 v2, v4;
	[tilespmem:v22+s29+$0x0] =	vst.idx.msk $0xffff, v21;
	v8 =	vld [tilespmem:s13+$0x20]  }
0x1e6: {  	s7 =	sadd.s32 $0x2, s7;
	s2 =	sadd.s32 $0x1, s16;
	v15 =	vadd.s32 v2, v5;
	[tilespmem:v25+s29+$0x0] =	vst.idx.msk $0xffff, v24;
	v13 =	vld [tilespmem:s13+$0xFFFFFFE0]  }
0x1e7: {  	v18 =	vmov s2  }
0x1e8: {  	v19 =	vmov s16;
	s17 =	sadd.s32 $0x80, s15;
	v18 =	vand.u32 $0x7F, v18  }
0x1e9: {  	v19 =	vand.u32 $0x7E, v19;
	v20 =	vld [tilespmem:s17+$0x0];
	v21 =	vadd.s32 v0, v18  }
0x1ea: {  	v22 =	vld [tilespmem:s17+$0xFFFFFFC0];
	v23 =	vadd.s32 v0, v19;
	_ =	sdelay $0x2  }
0x1eb: {  	[tilespmem:v17+s29+$0x0] =	vst.idx.msk $0xffff, v16;
	v41 =	vld [tilespmem:s15+$0x10];
	v42 =	vadd.s32 v1, v6  }
0x1ec: {  	v44 =	vadd.s32 v1, v7;
	v43 =	vld [tilespmem:s14+$0xFFFFFFD0];
	[tilespmem:v21+s29+$0x0] =	vst.idx.msk $0xffff, v20  }
0x1ed: {  	v46 =	vadd.s32 v1, v18;
	[tilespmem:v23+s29+$0x0] =	vst.idx.msk $0xffff, v22;
	v45 =	vld [tilespmem:s17+$0x10]  }
0x1ee: {  	[tilespmem:v14+s29+$0x0] =	vst.idx.msk $0xffff, v9;
	v48 =	vadd.s32 v1, v19;
	v47 =	vld [tilespmem:s17+$0xFFFFFFD0]  }
0x1ef: {  	[tilespmem:v12+s29+$0x0] =	vst.idx.msk $0xffff, v10  }
0x1f0: {  	[tilespmem:v42+s29+$0x0] =	vst.idx.msk $0xffff, v41  }
0x1f1: {  	v50 =	vadd.s32 v2, v6;
	[tilespmem:v44+s29+$0x0] =	vst.idx.msk $0xffff, v43;
	v49 =	vld [tilespmem:s14+$0x20]  }
0x1f2: {  	v52 =	vadd.s32 v2, v7;
	v51 =	vld [tilespmem:s14+$0xFFFFFFE0];
	[tilespmem:v46+s29+$0x0] =	vst.idx.msk $0xffff, v45  }
0x1f3: {  	v54 =	vadd.s32 v2, v18;
	[tilespmem:v48+s29+$0x0] =	vst.idx.msk $0xffff, v47;
	v53 =	vld [tilespmem:s17+$0x20]  }
0x1f4: {  	v56 =	vadd.s32 v2, v19;
	[tilespmem:v11+s29+$0x0] =	vst.idx.msk $0xffff, v8;
	v55 =	vld [tilespmem:s17+$0xFFFFFFE0]  }
0x1f5: {  	v4 =	vadd.s32 v3, v4;
	[tilespmem:v15+s29+$0x0] =	vst.idx.msk $0xffff, v13;
	v57 =	vld [tilespmem:s13+$0x30]  }
0x1f6: {  	v5 =	vadd.s32 v3, v5;
	v15 =	vld [tilespmem:s13+$0xFFFFFFF0];
	[tilespmem:v50+s29+$0x0] =	vst.idx.msk $0xffff, v49  }
0x1f7: {  	v58 =	vadd.s32 v3, v6;
	[tilespmem:v52+s29+$0x0] =	vst.idx.msk $0xffff, v51;
	v10 =	vld [tilespmem:s14+$0x30]  }
0x1f8: {  	v60 =	vadd.s32 v3, v7;
	v59 =	vld [tilespmem:s14+$0xFFFFFFF0];
	[tilespmem:v54+s29+$0x0] =	vst.idx.msk $0xffff, v53  }
0x1f9: {  	v62 =	vadd.s32 v3, v18;
	[tilespmem:v56+s29+$0x0] =	vst.idx.msk $0xffff, v55;
	v61 =	vld [tilespmem:s17+$0x30]  }
0x1fa: {  	v63 =	vadd.s32 v3, v19;
	[tilespmem:v4+s29+$0x0] =	vst.idx.msk $0xffff, v57;
	v4 =	vld [tilespmem:s17+$0xFFFFFFF0]  }
0x1fb: {  	[tilespmem:v5+s29+$0x0] =	vst.idx.msk $0xffff, v15  }
0x1fc: {  	[tilespmem:v58+s29+$0x0] =	vst.idx.msk $0xffff, v10  }
0x1fd: {  	s21 =	sshll.u32 s12, $0x11;
	[tilespmem:v60+s29+$0x0] =	vst.idx.msk $0xffff, v59  }
0x1fe: {  	s7 =	rddreg [dreg:$0x1];
	s13 =	sor.u32 s5, s21;
	[tilespmem:v62+s29+$0x0] =	vst.idx.msk $0xffff, v61  }
0x1ff: {  	s15 =	sadd.s32 s7, s13;
	s14 =	simm.s32 $0xE400;
	[tilespmem:v63+s29+$0x0] =	vst.idx.msk $0xffff, v4  }
0x200: {  	[hbm4b:s15+s3] =	stream.linear.scatter [tilespmem:s14], [sflag:$0x5], $0x80, $0x38;
	[tilespmem:$0x16C00] =	vst v63  }
0x201: {  	s16 =	simm.s32 $0xE488;
	s7 =	sadd.s32 $0x10, s15  }
0x202: {  	[hbm4b:s7+s3] =	stream.linear.scatter [tilespmem:s16], [sflag:$0x5], $0x80, $0x38;
	[tilespmem:$0x16C00] =	vst v63  }
0x203: {  	s2 =	simm.s32 $0x2200;
	s21 =	sadd.s32 $0x20, s15;
	s17 =	simm.s32 $0xE510  }
0x204: {  	[hbm4b:s21+s3] =	stream.linear.scatter [tilespmem:s17], [sflag:$0x5], $0x80, $0x38;
	[tilespmem:$0x16C00] =	vst v63  }
0x205: {  	s14 =	simm.s32 $0xE598;
	s16 =	sadd.s32 $0x30, s15;
	s7 =	simm.s32 $0xE7B8  }
0x206: {  	[hbm4b:s16+s3] =	stream.linear.scatter [tilespmem:s14], [sflag:$0x5], $0x80, $0x38;
	[tilespmem:$0x16C00] =	vst v63  }
0x207: {  	s17 =	simm.s32 $0xE620;
	s21 =	sadd.s32 $0x40, s15;
	s14 =	simm.s32 $0xE6A8  }
0x208: {  	[hbm4b:s21+s3] =	stream.linear.scatter [tilespmem:s17], [sflag:$0x5], $0x80, $0x38;
	[tilespmem:$0x16C00] =	vst v63  }
0x209: {  	s16 =	sadd.s32 $0x50, s15;
	s17 =	simm.s32 $0xE730;
	s21 =	sadd.s32 $0x60, s15  }
0x20a: {  	[hbm4b:s16+s3] =	stream.linear.scatter [tilespmem:s14], [sflag:$0x5], $0x80, $0x38;
	[tilespmem:$0x16C00] =	vst v63  }
0x20b: {  	s14 =	simm.s32 $0x440;
	s16 =	sadd.s32 $0x70, s15;
	s15 =	sadd.s32 $0x1000, s15  }
0x20c: {  	[hbm4b:s21+s3] =	stream.linear.scatter [tilespmem:s17], [sflag:$0x5], $0x80, $0x38;
	[tilespmem:$0x16C00] =	vst v63  }
.LBB2_21:
0x20d: {  	[hbm4b:s16+s3] =	stream.linear.scatter [tilespmem:s7], [sflag:$0x5], $0x80, $0x38;
	[tilespmem:$0x16C00] =	vst v63  }
0x20e: {  	s7 =	smov.u32 s14;
	s14 =	smov.u32 s2  }
0x20f: {  	s17 =	sadd.s32 $0x1100, s2;
	s14 =	sshra.s32 s14, $0x2;
	s16 =	sadd.s32 $0xE400, s7  }
0x210: {  	[hbm4b:s15+s3] =	stream.linear.scatter [tilespmem:s16], [sflag:$0x5], $0x80, $0x38;
	[tilespmem:$0x16C00] =	vst v63  }
0x211: {  	p0 =	sne.s32 s2, $0x7700;
	s2 =	sadd.s32 $0xE488, s7;
	s16 =	sadd.s32 $0x10, s15  }
0x212: {  	[hbm4b:s16+s3] =	stream.linear.scatter [tilespmem:s2], [sflag:$0x5], $0x80, $0x38;
	[tilespmem:$0x16C00] =	vst v63  }
0x213: {  	s2 =	sadd.s32 $0xE510, s7;
	s16 =	sadd.s32 $0x20, s15  }
0x214: {  	[hbm4b:s16+s3] =	stream.linear.scatter [tilespmem:s2], [sflag:$0x5], $0x80, $0x38;
	[tilespmem:$0x16C00] =	vst v63  }
0x215: {  	s2 =	sadd.s32 $0xE598, s7;
	s16 =	sadd.s32 $0x30, s15  }
0x216: {  	[hbm4b:s16+s3] =	stream.linear.scatter [tilespmem:s2], [sflag:$0x5], $0x80, $0x38;
	[tilespmem:$0x16C00] =	vst v63  }
0x217: {  	s2 =	sadd.s32 $0xE620, s7;
	s16 =	sadd.s32 $0x40, s15  }
0x218: {  	[hbm4b:s16+s3] =	stream.linear.scatter [tilespmem:s2], [sflag:$0x5], $0x80, $0x38;
	[tilespmem:$0x16C00] =	vst v63  }
.Ltmp9:
0x219: {  	s2 =	sadd.s32 $0xE6A8, s7;
	s16 =	sadd.s32 $0x50, s15;
	(pc) =	sbr.rel @p0 .LBB2_21-.Ltmp9, $4  }
0x21a: {  	[hbm4b:s16+s3] =	stream.linear.scatter [tilespmem:s2], [sflag:$0x5], $0x80, $0x38;
	[tilespmem:$0x16C00] =	vst v63  }
0x21b: {  	s2 =	sadd.s32 $0xE730, s7;
	s16 =	sadd.s32 $0x60, s15;
	s7 =	sadd.s32 $0xE7B8, s7  }
0x21c: {  	[hbm4b:s16+s3] =	stream.linear.scatter [tilespmem:s2], [sflag:$0x5], $0x80, $0x38;
	[tilespmem:$0x16C00] =	vst v63  }
0x21d: {  	s16 =	sadd.s32 $0x70, s15;
	s15 =	sadd.s32 $0x1000, s15;
	s2 =	smov.u32 s17  }
0x21e: {  	[hbm4b:s16+s3] =	stream.linear.scatter [tilespmem:s7], [sflag:$0x5], $0x80, $0x38;
	[tilespmem:$0x16C00] =	vst v63  }
0x21f: {  	s2 =	sadd.s32 $0xE400, s14  }
0x220: {  	[hbm4b:s15+s3] =	stream.linear.scatter [tilespmem:s2], [sflag:$0x5], $0x80, $0x38;
	[tilespmem:$0x16C00] =	vst v63  }
0x221: {  	s7 =	sadd.s32 $0xE488, s14;
	s16 =	sadd.s32 $0x10, s15  }
0x222: {  	[hbm4b:s16+s3] =	stream.linear.scatter [tilespmem:s7], [sflag:$0x5], $0x80, $0x38;
	[tilespmem:$0x16C00] =	vst v63  }
0x223: {  	s17 =	sadd.s32 $0xE510, s14;
	s21 =	sadd.s32 $0x20, s15  }
0x224: {  	[hbm4b:s21+s3] =	stream.linear.scatter [tilespmem:s17], [sflag:$0x5], $0x80, $0x38;
	[tilespmem:$0x16C00] =	vst v63  }
0x225: {  	s7 =	sadd.s32 $0xE598, s14;
	s16 =	sadd.s32 $0x30, s15  }
0x226: {  	[hbm4b:s16+s3] =	stream.linear.scatter [tilespmem:s7], [sflag:$0x5], $0x80, $0x38;
	[tilespmem:$0x16C00] =	vst v63  }
0x227: {  	s17 =	sadd.s32 $0xE620, s14;
	s21 =	sadd.s32 $0x40, s15  }
0x228: {  	[hbm4b:s21+s3] =	stream.linear.scatter [tilespmem:s17], [sflag:$0x5], $0x80, $0x38;
	[tilespmem:$0x16C00] =	vst v63  }
0x229: {  	s7 =	sadd.s32 $0xE6A8, s14;
	s16 =	sadd.s32 $0x50, s15  }
0x22a: {  	[hbm4b:s16+s3] =	stream.linear.scatter [tilespmem:s7], [sflag:$0x5], $0x80, $0x38;
	[tilespmem:$0x16C00] =	vst v63  }
0x22b: {  	s17 =	sadd.s32 $0xE730, s14;
	s21 =	sadd.s32 $0x60, s15  }
0x22c: {  	[hbm4b:s21+s3] =	stream.linear.scatter [tilespmem:s17], [sflag:$0x5], $0x80, $0x38;
	[tilespmem:$0x16C00] =	vst v63  }
0x22d: {  	s7 =	sadd.s32 $0xE7B8, s14;
	s14 =	sadd.s32 $0x70, s15;
	s15 =	sshll.u32 s12, $0x9  }
0x22e: {  	[hbm4b:s14+s3] =	stream.linear.scatter [tilespmem:s7], [sflag:$0x5], $0x80, $0x38;
	[tilespmem:$0x16C00] =	vst v63  }
0x22f: {  	s14 =	sand.u32 $0x3FFFFE00, s15  }
0x230: {  	s16 =	simm.s32 $0x6400;
	s2 =	sadd.s32 $0x200, s14  }
0x231: {  	[tilespmem:s16], [sflag:$0x1] =	stream.indirect.gather [hbm4b:s4+s20], $0x40, s2, s20, $0xb8;
	[tilespmem:$0x16C00] =	vst v63  }
0x232: {  	_ =	swait.ge [sflag:s31], $0x2000  }
0x233: {  	[sflag:s31] =	ssyncset.done $0x0  }
0x234: {  	[sflag:s31] =	ssyncadd.s32 $0xFFFFE000  }
0x235: {  	s17 =	simm.s32 $0x1;
	_ =	swait.ge [sflag:s18], $0x2000  }
0x236: {  	s21 =	simm.s32 $0x0;
	v4 =	vmov s17;
	[sflag:s18] =	ssyncset.done $0x0  }
0x237: {  	v5 =	vmov s21;
	v8 =	vand.u32 $0x7F, v4;
	s2 =	simm.s32 $0x8440;
	[sflag:s18] =	ssyncadd.s32 $0xFFFFE000  }
0x238: {  	v11 =	vand.u32 $0x7E, v5;
	v5 =	vadd.s32 v0, v8;
	v4 =	vld [tilespmem:s2+$0x0]  }
0x239: {  	v7 =	vadd.s32 v0, v11;
	v6 =	vld [tilespmem:s2+$0xFFFFFFC0];
	_ =	sdelay $0x3  }
0x23a: {  	s15 =	simm.s32 $0x3;
	[tilespmem:v5+s1+$0x0] =	vst.idx.msk $0xffff, v4  }
0x23b: {  	s16 =	simm.s32 $0x2;
	v4 =	vmov s15;
	[tilespmem:v7+s1+$0x0] =	vst.idx.msk $0xffff, v6;
	v7 =	vadd.s32 v1, v8;
	v6 =	vld [tilespmem:s2+$0x10]  }
0x23c: {  	v10 =	vadd.s32 v1, v11;
	v5 =	vmov s16;
	s15 =	simm.s32 $0x84C0;
	v4 =	vand.u32 $0x7F, v4;
	v9 =	vld [tilespmem:s2+$0xFFFFFFD0]  }
0x23d: {  	v5 =	vand.u32 $0x7E, v5;
	v12 =	vld [tilespmem:s15+$0x0];
	v13 =	vadd.s32 v0, v4  }
0x23e: {  	v14 =	vld [tilespmem:s15+$0xFFFFFFC0];
	v15 =	vadd.s32 v0, v5;
	_ =	sdelay $0x1  }
0x23f: {  	[tilespmem:v7+s1+$0x0] =	vst.idx.msk $0xffff, v6  }
0x240: {  	[tilespmem:v10+s1+$0x0] =	vst.idx.msk $0xffff, v9;
	v9 =	vadd.s32 v2, v8;
	v7 =	vld [tilespmem:s2+$0x20]  }
0x241: {  	[tilespmem:v13+s1+$0x0] =	vst.idx.msk $0xffff, v12;
	v10 =	vld [tilespmem:s2+$0xFFFFFFE0];
	v12 =	vadd.s32 v2, v11  }
0x242: {  	s17 =	simm.s32 $0x5;
	[tilespmem:v15+s1+$0x0] =	vst.idx.msk $0xffff, v14;
	v14 =	vadd.s32 v1, v4;
	v13 =	vld [tilespmem:s15+$0x10]  }
0x243: {  	s21 =	simm.s32 $0x4;
	v6 =	vmov s17  }
0x244: {  	v17 =	vmov s21;
	v18 =	vadd.s32 v1, v5;
	s17 =	simm.s32 $0x8540;
	v6 =	vand.u32 $0x7F, v6;
	v15 =	vld [tilespmem:s15+$0xFFFFFFD0]  }
0x245: {  	v19 =	vld [tilespmem:s17+$0x0];
	v20 =	vadd.s32 v0, v6;
	[tilespmem:v9+s1+$0x0] =	vst.idx.msk $0xffff, v7;
	v7 =	vand.u32 $0x7E, v17  }
0x246: {  	v16 =	vld [tilespmem:s17+$0xFFFFFFC0];
	[tilespmem:v12+s1+$0x0] =	vst.idx.msk $0xffff, v10;
	v17 =	vadd.s32 v0, v7  }
0x247: {  	v9 =	vld [tilespmem:s2+$0x30];
	[tilespmem:v14+s1+$0x0] =	vst.idx.msk $0xffff, v13;
	v14 =	vadd.s32 v3, v8  }
0x248: {  	v12 =	vadd.s32 v3, v11;
	v10 =	vld [tilespmem:s2+$0xFFFFFFF0]  }
0x249: {  	s7 =	simm.s32 $0x6;
	v11 =	vadd.s32 v2, v4;
	[tilespmem:v18+s1+$0x0] =	vst.idx.msk $0xffff, v15;
	v8 =	vld [tilespmem:s15+$0x20]  }
0x24a: {  	s21 =	simm.s32 $0x7;
	s16 =	simm.s32 $0x8540;
	s2 =	simm.s32 $0x8;
	[tilespmem:v20+s1+$0x0] =	vst.idx.msk $0xffff, v19;
	v15 =	vadd.s32 v2, v5;
	v13 =	vld [tilespmem:s15+$0xFFFFFFE0]  }
.LBB2_23:
0x24b: {  	p0 =	slt.u32 s2, $0x7E;
	v18 =	vmov s21;
	[tilespmem:v17+s1+$0x0] =	vst.idx.msk $0xffff, v16;
	v19 =	vld [tilespmem:s17+$0x10];
	v20 =	vadd.s32 v1, v6  }
0x24c: {  	v16 =	vmov s7;
	v22 =	vadd.s32 v1, v7;
	s17 =	sadd.s32 $0x80, s17;
	s7 =	smov.u32 s2;
	v18 =	vand.u32 $0x7F, v18;
	v21 =	vld [tilespmem:s16+$0xFFFFFFD0];
	[tilespmem:v14+s1+$0x0] =	vst.idx.msk $0xffff, v9  }
0x24d: {  	v23 =	vand.u32 $0x7E, v16;
	v24 =	vld [tilespmem:s17+$0x0];
	v25 =	vadd.s32 v0, v18;
	[tilespmem:v12+s1+$0x0] =	vst.idx.msk $0xffff, v10  }
.Ltmp10:
0x24e: {  	v17 =	vadd.s32 v0, v23;
	v16 =	vld [tilespmem:s17+$0xFFFFFFC0];
	[tilespmem:v11+s1+$0x0] =	vst.idx.msk $0xffff, v8;
	(pc) =	sbr.rel @p0 .LBB2_23-.Ltmp10, $4  }
0x24f: {  	v14 =	vadd.s32 v3, v4;
	v4 =	vmov v6;
	v6 =	vmov v18;
	[tilespmem:v15+s1+$0x0] =	vst.idx.msk $0xffff, v13;
	v9 =	vld [tilespmem:s15+$0x30]  }
0x250: {  	v12 =	vadd.s32 v3, v5;
	v5 =	vmov v7;
	v7 =	vmov v23;
	[tilespmem:v20+s1+$0x0] =	vst.idx.msk $0xffff, v19;
	v10 =	vld [tilespmem:s15+$0xFFFFFFF0];
	s15 =	smov.u32 s16;
	s16 =	smov.u32 s17  }
0x251: {  	v11 =	vadd.s32 v2, v4;
	[tilespmem:v22+s1+$0x0] =	vst.idx.msk $0xffff, v21;
	v8 =	vld [tilespmem:s15+$0x20]  }
0x252: {  	s2 =	sadd.s32 $0x2, s2;
	s21 =	sadd.s32 $0x1, s7;
	v15 =	vadd.s32 v2, v5;
	[tilespmem:v25+s1+$0x0] =	vst.idx.msk $0xffff, v24;
	v13 =	vld [tilespmem:s15+$0xFFFFFFE0]  }
0x253: {  	v18 =	vmov s21  }
0x254: {  	v19 =	vmov s7;
	s2 =	sadd.s32 $0x80, s17;
	v18 =	vand.u32 $0x7F, v18  }
0x255: {  	v19 =	vand.u32 $0x7E, v19;
	v20 =	vld [tilespmem:s2+$0x0];
	v21 =	vadd.s32 v0, v18  }
0x256: {  	v22 =	vld [tilespmem:s2+$0xFFFFFFC0];
	v23 =	vadd.s32 v0, v19;
	_ =	sdelay $0x2  }
0x257: {  	[tilespmem:v17+s1+$0x0] =	vst.idx.msk $0xffff, v16;
	v41 =	vld [tilespmem:s17+$0x10];
	v42 =	vadd.s32 v1, v6  }
0x258: {  	v44 =	vadd.s32 v1, v7;
	v43 =	vld [tilespmem:s16+$0xFFFFFFD0];
	[tilespmem:v21+s1+$0x0] =	vst.idx.msk $0xffff, v20  }
0x259: {  	v46 =	vadd.s32 v1, v18;
	[tilespmem:v23+s1+$0x0] =	vst.idx.msk $0xffff, v22;
	v45 =	vld [tilespmem:s2+$0x10]  }
0x25a: {  	[tilespmem:v14+s1+$0x0] =	vst.idx.msk $0xffff, v9;
	v48 =	vadd.s32 v1, v19;
	v47 =	vld [tilespmem:s2+$0xFFFFFFD0]  }
0x25b: {  	[tilespmem:v12+s1+$0x0] =	vst.idx.msk $0xffff, v10  }
0x25c: {  	[tilespmem:v42+s1+$0x0] =	vst.idx.msk $0xffff, v41  }
0x25d: {  	v50 =	vadd.s32 v2, v6;
	[tilespmem:v44+s1+$0x0] =	vst.idx.msk $0xffff, v43;
	v49 =	vld [tilespmem:s16+$0x20]  }
0x25e: {  	v52 =	vadd.s32 v2, v7;
	v51 =	vld [tilespmem:s16+$0xFFFFFFE0];
	[tilespmem:v46+s1+$0x0] =	vst.idx.msk $0xffff, v45  }
0x25f: {  	v54 =	vadd.s32 v2, v18;
	[tilespmem:v48+s1+$0x0] =	vst.idx.msk $0xffff, v47;
	v53 =	vld [tilespmem:s2+$0x20]  }
0x260: {  	v56 =	vadd.s32 v2, v19;
	[tilespmem:v11+s1+$0x0] =	vst.idx.msk $0xffff, v8;
	v55 =	vld [tilespmem:s2+$0xFFFFFFE0]  }
0x261: {  	v4 =	vadd.s32 v3, v4;
	[tilespmem:v15+s1+$0x0] =	vst.idx.msk $0xffff, v13;
	v57 =	vld [tilespmem:s15+$0x30]  }
0x262: {  	v5 =	vadd.s32 v3, v5;
	v15 =	vld [tilespmem:s15+$0xFFFFFFF0];
	[tilespmem:v50+s1+$0x0] =	vst.idx.msk $0xffff, v49  }
0x263: {  	v58 =	vadd.s32 v3, v6;
	[tilespmem:v52+s1+$0x0] =	vst.idx.msk $0xffff, v51;
	v10 =	vld [tilespmem:s16+$0x30]  }
0x264: {  	v60 =	vadd.s32 v3, v7;
	v59 =	vld [tilespmem:s16+$0xFFFFFFF0];
	[tilespmem:v54+s1+$0x0] =	vst.idx.msk $0xffff, v53  }
0x265: {  	v62 =	vadd.s32 v3, v18;
	[tilespmem:v56+s1+$0x0] =	vst.idx.msk $0xffff, v55;
	v61 =	vld [tilespmem:s2+$0x30]  }
0x266: {  	v63 =	vadd.s32 v3, v19;
	[tilespmem:v4+s1+$0x0] =	vst.idx.msk $0xffff, v57;
	v4 =	vld [tilespmem:s2+$0xFFFFFFF0]  }
0x267: {  	[tilespmem:v5+s1+$0x0] =	vst.idx.msk $0xffff, v15  }
0x268: {  	[tilespmem:v58+s1+$0x0] =	vst.idx.msk $0xffff, v10  }
0x269: {  	[tilespmem:v60+s1+$0x0] =	vst.idx.msk $0xffff, v59  }
0x26a: {  	[tilespmem:v62+s1+$0x0] =	vst.idx.msk $0xffff, v61  }
0x26b: {  	s21 =	simm.s32 $0x10600;
	s16 =	sadd.s32 s13, s8;
	[tilespmem:v63+s1+$0x0] =	vst.idx.msk $0xffff, v4  }
0x26c: {  	[hbm4b:s16+s3] =	stream.linear.scatter [tilespmem:s21], [sflag:$0x6], $0x80, $0x38;
	[tilespmem:$0x16C00] =	vst v63  }
0x26d: {  	s7 =	simm.s32 $0x10688;
	s15 =	sadd.s32 $0x10, s16  }
0x26e: {  	[hbm4b:s15+s3] =	stream.linear.scatter [tilespmem:s7], [sflag:$0x6], $0x80, $0x38;
	[tilespmem:$0x16C00] =	vst v63  }
0x26f: {  	s17 =	simm.s32 $0x10710;
	s21 =	sadd.s32 $0x20, s16  }
0x270: {  	[hbm4b:s21+s3] =	stream.linear.scatter [tilespmem:s17], [sflag:$0x6], $0x80, $0x38;
	[tilespmem:$0x16C00] =	vst v63  }
0x271: {  	s7 =	simm.s32 $0x10798;
	s15 =	sadd.s32 $0x30, s16  }
0x272: {  	[hbm4b:s15+s3] =	stream.linear.scatter [tilespmem:s7], [sflag:$0x6], $0x80, $0x38;
	[tilespmem:$0x16C00] =	vst v63  }
0x273: {  	s17 =	simm.s32 $0x10820;
	s21 =	sadd.s32 $0x40, s16  }
0x274: {  	[hbm4b:s21+s3] =	stream.linear.scatter [tilespmem:s17], [sflag:$0x6], $0x80, $0x38;
	[tilespmem:$0x16C00] =	vst v63  }
0x275: {  	s2 =	simm.s32 $0x2200;
	s7 =	simm.s32 $0x108A8;
	s15 =	sadd.s32 $0x50, s16  }
0x276: {  	[hbm4b:s15+s3] =	stream.linear.scatter [tilespmem:s7], [sflag:$0x6], $0x80, $0x38;
	[tilespmem:$0x16C00] =	vst v63  }
0x277: {  	s17 =	simm.s32 $0x10930;
	s21 =	sadd.s32 $0x60, s16;
	s15 =	simm.s32 $0x440  }
0x278: {  	[hbm4b:s21+s3] =	stream.linear.scatter [tilespmem:s17], [sflag:$0x6], $0x80, $0x38;
	[tilespmem:$0x16C00] =	vst v63  }
0x279: {  	s7 =	simm.s32 $0x109B8;
	s17 =	sadd.s32 $0x70, s16;
	s16 =	sadd.s32 $0x1000, s16  }
.LBB2_25:
0x27a: {  	[hbm4b:s17+s3] =	stream.linear.scatter [tilespmem:s7], [sflag:$0x6], $0x80, $0x38;
	[tilespmem:$0x16C00] =	vst v63  }
0x27b: {  	s7 =	smov.u32 s15;
	s15 =	smov.u32 s2  }
0x27c: {  	s21 =	sadd.s32 $0x1100, s2;
	s15 =	sshra.s32 s15, $0x2;
	s17 =	sadd.s32 $0x10600, s7  }
0x27d: {  	[hbm4b:s16+s3] =	stream.linear.scatter [tilespmem:s17], [sflag:$0x6], $0x80, $0x38;
	[tilespmem:$0x16C00] =	vst v63  }
0x27e: {  	p0 =	sne.s32 s2, $0x7700;
	s2 =	sadd.s32 $0x10688, s7;
	s17 =	sadd.s32 $0x10, s16  }
0x27f: {  	[hbm4b:s17+s3] =	stream.linear.scatter [tilespmem:s2], [sflag:$0x6], $0x80, $0x38;
	[tilespmem:$0x16C00] =	vst v63  }
0x280: {  	s2 =	sadd.s32 $0x10710, s7;
	s17 =	sadd.s32 $0x20, s16  }
0x281: {  	[hbm4b:s17+s3] =	stream.linear.scatter [tilespmem:s2], [sflag:$0x6], $0x80, $0x38;
	[tilespmem:$0x16C00] =	vst v63  }
0x282: {  	s2 =	sadd.s32 $0x10798, s7;
	s17 =	sadd.s32 $0x30, s16  }
0x283: {  	[hbm4b:s17+s3] =	stream.linear.scatter [tilespmem:s2], [sflag:$0x6], $0x80, $0x38;
	[tilespmem:$0x16C00] =	vst v63  }
0x284: {  	s2 =	sadd.s32 $0x10820, s7;
	s17 =	sadd.s32 $0x40, s16  }
0x285: {  	[hbm4b:s17+s3] =	stream.linear.scatter [tilespmem:s2], [sflag:$0x6], $0x80, $0x38;
	[tilespmem:$0x16C00] =	vst v63  }
.Ltmp11:
0x286: {  	s2 =	sadd.s32 $0x108A8, s7;
	s17 =	sadd.s32 $0x50, s16;
	(pc) =	sbr.rel @p0 .LBB2_25-.Ltmp11, $4  }
0x287: {  	[hbm4b:s17+s3] =	stream.linear.scatter [tilespmem:s2], [sflag:$0x6], $0x80, $0x38;
	[tilespmem:$0x16C00] =	vst v63  }
0x288: {  	s2 =	sadd.s32 $0x10930, s7;
	s17 =	sadd.s32 $0x60, s16;
	s7 =	sadd.s32 $0x109B8, s7  }
0x289: {  	[hbm4b:s17+s3] =	stream.linear.scatter [tilespmem:s2], [sflag:$0x6], $0x80, $0x38;
	[tilespmem:$0x16C00] =	vst v63  }
0x28a: {  	s17 =	sadd.s32 $0x70, s16;
	s16 =	sadd.s32 $0x1000, s16;
	s2 =	smov.u32 s21  }
0x28b: {  	[hbm4b:s17+s3] =	stream.linear.scatter [tilespmem:s7], [sflag:$0x6], $0x80, $0x38;
	[tilespmem:$0x16C00] =	vst v63  }
0x28c: {  	s2 =	sadd.s32 $0x10600, s15  }
0x28d: {  	[hbm4b:s16+s3] =	stream.linear.scatter [tilespmem:s2], [sflag:$0x6], $0x80, $0x38;
	[tilespmem:$0x16C00] =	vst v63  }
0x28e: {  	s17 =	sadd.s32 $0x10688, s15;
	s21 =	sadd.s32 $0x10, s16  }
0x28f: {  	[hbm4b:s21+s3] =	stream.linear.scatter [tilespmem:s17], [sflag:$0x6], $0x80, $0x38;
	[tilespmem:$0x16C00] =	vst v63  }
0x290: {  	s17 =	sadd.s32 $0x10710, s15;
	s21 =	sadd.s32 $0x20, s16  }
0x291: {  	[hbm4b:s21+s3] =	stream.linear.scatter [tilespmem:s17], [sflag:$0x6], $0x80, $0x38;
	[tilespmem:$0x16C00] =	vst v63  }
0x292: {  	s17 =	sadd.s32 $0x10798, s15;
	s21 =	sadd.s32 $0x30, s16  }
0x293: {  	[hbm4b:s21+s3] =	stream.linear.scatter [tilespmem:s17], [sflag:$0x6], $0x80, $0x38;
	[tilespmem:$0x16C00] =	vst v63  }
0x294: {  	s17 =	sadd.s32 $0x10820, s15;
	s21 =	sadd.s32 $0x40, s16  }
0x295: {  	[hbm4b:s21+s3] =	stream.linear.scatter [tilespmem:s17], [sflag:$0x6], $0x80, $0x38;
	[tilespmem:$0x16C00] =	vst v63  }
0x296: {  	s17 =	sadd.s32 $0x108A8, s15;
	s21 =	sadd.s32 $0x50, s16  }
0x297: {  	[hbm4b:s21+s3] =	stream.linear.scatter [tilespmem:s17], [sflag:$0x6], $0x80, $0x38;
	[tilespmem:$0x16C00] =	vst v63  }
0x298: {  	s17 =	sadd.s32 $0x10930, s15;
	s21 =	sadd.s32 $0x60, s16  }
0x299: {  	[hbm4b:s21+s3] =	stream.linear.scatter [tilespmem:s17], [sflag:$0x6], $0x80, $0x38;
	[tilespmem:$0x16C00] =	vst v63  }
0x29a: {  	s7 =	sadd.s32 $0x109B8, s15;
	s15 =	sadd.s32 $0x70, s16  }
0x29b: {  	[hbm4b:s15+s3] =	stream.linear.scatter [tilespmem:s7], [sflag:$0x6], $0x80, $0x38;
	[tilespmem:$0x16C00] =	vst v63  }
0x29c: {  	s16 =	sadd.s32 $0x280, s14  }
0x29d: {  	[tilespmem:s22], [sflag:$0x2] =	stream.indirect.gather [hbm4b:s4+s20], $0x40, s16, s20, $0xb8;
	[tilespmem:$0x16C00] =	vst v63  }
0x29e: {  	_ =	swait.ge [sflag:s23], $0x2000  }
0x29f: {  	[sflag:s23] =	ssyncset.done $0x0  }
0x2a0: {  	[sflag:s23] =	ssyncadd.s32 $0xFFFFE000  }
0x2a1: {  	s17 =	simm.s32 $0x1;
	_ =	swait.ge [sflag:s19], $0x2000  }
0x2a2: {  	s21 =	simm.s32 $0x0;
	v4 =	vmov s17;
	[sflag:s19] =	ssyncset.done $0x0  }
0x2a3: {  	s2 =	simm.s32 $0xA440;
	v5 =	vmov s21;
	v8 =	vand.u32 $0x7F, v4;
	[sflag:s19] =	ssyncadd.s32 $0xFFFFE000  }
0x2a4: {  	v11 =	vand.u32 $0x7E, v5;
	v5 =	vadd.s32 v0, v8;
	v4 =	vld [tilespmem:s2+$0x0]  }
0x2a5: {  	v7 =	vadd.s32 v0, v11;
	v6 =	vld [tilespmem:s2+$0xFFFFFFC0];
	_ =	sdelay $0x3  }
0x2a6: {  	s15 =	simm.s32 $0x3;
	[tilespmem:v5+s25+$0x0] =	vst.idx.msk $0xffff, v4  }
0x2a7: {  	s16 =	simm.s32 $0x2;
	v4 =	vmov s15;
	[tilespmem:v7+s25+$0x0] =	vst.idx.msk $0xffff, v6;
	v7 =	vadd.s32 v1, v8;
	v6 =	vld [tilespmem:s2+$0x10]  }
0x2a8: {  	v10 =	vadd.s32 v1, v11;
	v5 =	vmov s16;
	s15 =	simm.s32 $0xA4C0;
	v4 =	vand.u32 $0x7F, v4;
	v9 =	vld [tilespmem:s2+$0xFFFFFFD0]  }
0x2a9: {  	v5 =	vand.u32 $0x7E, v5;
	v12 =	vld [tilespmem:s15+$0x0];
	v13 =	vadd.s32 v0, v4  }
0x2aa: {  	v14 =	vld [tilespmem:s15+$0xFFFFFFC0];
	v15 =	vadd.s32 v0, v5;
	_ =	sdelay $0x1  }
0x2ab: {  	[tilespmem:v7+s25+$0x0] =	vst.idx.msk $0xffff, v6  }
0x2ac: {  	[tilespmem:v10+s25+$0x0] =	vst.idx.msk $0xffff, v9;
	v9 =	vadd.s32 v2, v8;
	v7 =	vld [tilespmem:s2+$0x20]  }
0x2ad: {  	[tilespmem:v13+s25+$0x0] =	vst.idx.msk $0xffff, v12;
	v10 =	vld [tilespmem:s2+$0xFFFFFFE0];
	v12 =	vadd.s32 v2, v11  }
0x2ae: {  	s17 =	simm.s32 $0x5;
	[tilespmem:v15+s25+$0x0] =	vst.idx.msk $0xffff, v14;
	v14 =	vadd.s32 v1, v4;
	v13 =	vld [tilespmem:s15+$0x10]  }
0x2af: {  	s21 =	simm.s32 $0x4;
	v6 =	vmov s17  }
0x2b0: {  	v17 =	vmov s21;
	v18 =	vadd.s32 v1, v5;
	s17 =	simm.s32 $0xA540;
	v6 =	vand.u32 $0x7F, v6;
	v15 =	vld [tilespmem:s15+$0xFFFFFFD0]  }
0x2b1: {  	v19 =	vld [tilespmem:s17+$0x0];
	v20 =	vadd.s32 v0, v6;
	[tilespmem:v9+s25+$0x0] =	vst.idx.msk $0xffff, v7;
	v7 =	vand.u32 $0x7E, v17  }
0x2b2: {  	v16 =	vld [tilespmem:s17+$0xFFFFFFC0];
	[tilespmem:v12+s25+$0x0] =	vst.idx.msk $0xffff, v10;
	v17 =	vadd.s32 v0, v7  }
0x2b3: {  	v9 =	vld [tilespmem:s2+$0x30];
	[tilespmem:v14+s25+$0x0] =	vst.idx.msk $0xffff, v13;
	v14 =	vadd.s32 v3, v8  }
0x2b4: {  	v12 =	vadd.s32 v3, v11;
	v10 =	vld [tilespmem:s2+$0xFFFFFFF0]  }
0x2b5: {  	s7 =	simm.s32 $0x6;
	v11 =	vadd.s32 v2, v4;
	[tilespmem:v18+s25+$0x0] =	vst.idx.msk $0xffff, v15;
	v8 =	vld [tilespmem:s15+$0x20]  }
0x2b6: {  	s21 =	simm.s32 $0x7;
	s16 =	simm.s32 $0xA540;
	s2 =	simm.s32 $0x8;
	[tilespmem:v20+s25+$0x0] =	vst.idx.msk $0xffff, v19;
	v15 =	vadd.s32 v2, v5;
	v13 =	vld [tilespmem:s15+$0xFFFFFFE0]  }
.LBB2_27:
0x2b7: {  	p0 =	slt.u32 s2, $0x7E;
	v18 =	vmov s21;
	[tilespmem:v17+s25+$0x0] =	vst.idx.msk $0xffff, v16;
	v19 =	vld [tilespmem:s17+$0x10];
	v20 =	vadd.s32 v1, v6  }
0x2b8: {  	v16 =	vmov s7;
	v22 =	vadd.s32 v1, v7;
	s17 =	sadd.s32 $0x80, s17;
	s7 =	smov.u32 s2;
	v18 =	vand.u32 $0x7F, v18;
	v21 =	vld [tilespmem:s16+$0xFFFFFFD0];
	[tilespmem:v14+s25+$0x0] =	vst.idx.msk $0xffff, v9  }
0x2b9: {  	v23 =	vand.u32 $0x7E, v16;
	v24 =	vld [tilespmem:s17+$0x0];
	v25 =	vadd.s32 v0, v18;
	[tilespmem:v12+s25+$0x0] =	vst.idx.msk $0xffff, v10  }
.Ltmp12:
0x2ba: {  	v17 =	vadd.s32 v0, v23;
	v16 =	vld [tilespmem:s17+$0xFFFFFFC0];
	[tilespmem:v11+s25+$0x0] =	vst.idx.msk $0xffff, v8;
	(pc) =	sbr.rel @p0 .LBB2_27-.Ltmp12, $4  }
0x2bb: {  	v14 =	vadd.s32 v3, v4;
	v4 =	vmov v6;
	v6 =	vmov v18;
	[tilespmem:v15+s25+$0x0] =	vst.idx.msk $0xffff, v13;
	v9 =	vld [tilespmem:s15+$0x30]  }
0x2bc: {  	v12 =	vadd.s32 v3, v5;
	v5 =	vmov v7;
	v7 =	vmov v23;
	[tilespmem:v20+s25+$0x0] =	vst.idx.msk $0xffff, v19;
	v10 =	vld [tilespmem:s15+$0xFFFFFFF0];
	s15 =	smov.u32 s16;
	s16 =	smov.u32 s17  }
0x2bd: {  	v11 =	vadd.s32 v2, v4;
	[tilespmem:v22+s25+$0x0] =	vst.idx.msk $0xffff, v21;
	v8 =	vld [tilespmem:s15+$0x20]  }
0x2be: {  	s2 =	sadd.s32 $0x2, s2;
	s21 =	sadd.s32 $0x1, s7;
	v15 =	vadd.s32 v2, v5;
	[tilespmem:v25+s25+$0x0] =	vst.idx.msk $0xffff, v24;
	v13 =	vld [tilespmem:s15+$0xFFFFFFE0]  }
0x2bf: {  	v18 =	vmov s21  }
0x2c0: {  	v19 =	vmov s7;
	s2 =	sadd.s32 $0x80, s17;
	v18 =	vand.u32 $0x7F, v18  }
0x2c1: {  	v19 =	vand.u32 $0x7E, v19;
	v20 =	vld [tilespmem:s2+$0x0];
	v21 =	vadd.s32 v0, v18  }
0x2c2: {  	v22 =	vld [tilespmem:s2+$0xFFFFFFC0];
	v23 =	vadd.s32 v0, v19;
	_ =	sdelay $0x2  }
0x2c3: {  	[tilespmem:v17+s25+$0x0] =	vst.idx.msk $0xffff, v16;
	v41 =	vld [tilespmem:s17+$0x10];
	v42 =	vadd.s32 v1, v6  }
0x2c4: {  	v44 =	vadd.s32 v1, v7;
	v43 =	vld [tilespmem:s16+$0xFFFFFFD0];
	[tilespmem:v21+s25+$0x0] =	vst.idx.msk $0xffff, v20  }
0x2c5: {  	v46 =	vadd.s32 v1, v18;
	[tilespmem:v23+s25+$0x0] =	vst.idx.msk $0xffff, v22;
	v45 =	vld [tilespmem:s2+$0x10]  }
0x2c6: {  	[tilespmem:v14+s25+$0x0] =	vst.idx.msk $0xffff, v9;
	v48 =	vadd.s32 v1, v19;
	v47 =	vld [tilespmem:s2+$0xFFFFFFD0]  }
0x2c7: {  	[tilespmem:v12+s25+$0x0] =	vst.idx.msk $0xffff, v10  }
0x2c8: {  	[tilespmem:v42+s25+$0x0] =	vst.idx.msk $0xffff, v41  }
0x2c9: {  	v50 =	vadd.s32 v2, v6;
	[tilespmem:v44+s25+$0x0] =	vst.idx.msk $0xffff, v43;
	v49 =	vld [tilespmem:s16+$0x20]  }
0x2ca: {  	v52 =	vadd.s32 v2, v7;
	v51 =	vld [tilespmem:s16+$0xFFFFFFE0];
	[tilespmem:v46+s25+$0x0] =	vst.idx.msk $0xffff, v45  }
0x2cb: {  	v54 =	vadd.s32 v2, v18;
	[tilespmem:v48+s25+$0x0] =	vst.idx.msk $0xffff, v47;
	v53 =	vld [tilespmem:s2+$0x20]  }
0x2cc: {  	v56 =	vadd.s32 v2, v19;
	[tilespmem:v11+s25+$0x0] =	vst.idx.msk $0xffff, v8;
	v55 =	vld [tilespmem:s2+$0xFFFFFFE0]  }
0x2cd: {  	v4 =	vadd.s32 v3, v4;
	[tilespmem:v15+s25+$0x0] =	vst.idx.msk $0xffff, v13;
	v57 =	vld [tilespmem:s15+$0x30]  }
0x2ce: {  	v5 =	vadd.s32 v3, v5;
	v15 =	vld [tilespmem:s15+$0xFFFFFFF0];
	[tilespmem:v50+s25+$0x0] =	vst.idx.msk $0xffff, v49  }
0x2cf: {  	v58 =	vadd.s32 v3, v6;
	[tilespmem:v52+s25+$0x0] =	vst.idx.msk $0xffff, v51;
	v10 =	vld [tilespmem:s16+$0x30]  }
0x2d0: {  	v60 =	vadd.s32 v3, v7;
	v59 =	vld [tilespmem:s16+$0xFFFFFFF0];
	[tilespmem:v54+s25+$0x0] =	vst.idx.msk $0xffff, v53  }
0x2d1: {  	v62 =	vadd.s32 v3, v18;
	[tilespmem:v56+s25+$0x0] =	vst.idx.msk $0xffff, v55;
	v61 =	vld [tilespmem:s2+$0x30]  }
0x2d2: {  	v63 =	vadd.s32 v3, v19;
	[tilespmem:v4+s25+$0x0] =	vst.idx.msk $0xffff, v57;
	v4 =	vld [tilespmem:s2+$0xFFFFFFF0]  }
0x2d3: {  	[tilespmem:v5+s25+$0x0] =	vst.idx.msk $0xffff, v15  }
0x2d4: {  	[tilespmem:v58+s25+$0x0] =	vst.idx.msk $0xffff, v10  }
0x2d5: {  	[tilespmem:v60+s25+$0x0] =	vst.idx.msk $0xffff, v59  }
0x2d6: {  	[tilespmem:v62+s25+$0x0] =	vst.idx.msk $0xffff, v61  }
0x2d7: {  	s21 =	simm.s32 $0x12800;
	s16 =	sadd.s32 s13, s9;
	[tilespmem:v63+s25+$0x0] =	vst.idx.msk $0xffff, v4  }
0x2d8: {  	[hbm4b:s16+s3] =	stream.linear.scatter [tilespmem:s21], [sflag:$0x7], $0x80, $0x38;
	[tilespmem:$0x16C00] =	vst v63  }
0x2d9: {  	s7 =	simm.s32 $0x12888;
	s15 =	sadd.s32 $0x10, s16  }
0x2da: {  	[hbm4b:s15+s3] =	stream.linear.scatter [tilespmem:s7], [sflag:$0x7], $0x80, $0x38;
	[tilespmem:$0x16C00] =	vst v63  }
0x2db: {  	s17 =	simm.s32 $0x12910;
	s21 =	sadd.s32 $0x20, s16  }
0x2dc: {  	[hbm4b:s21+s3] =	stream.linear.scatter [tilespmem:s17], [sflag:$0x7], $0x80, $0x38;
	[tilespmem:$0x16C00] =	vst v63  }
0x2dd: {  	s7 =	simm.s32 $0x12998;
	s15 =	sadd.s32 $0x30, s16  }
0x2de: {  	[hbm4b:s15+s3] =	stream.linear.scatter [tilespmem:s7], [sflag:$0x7], $0x80, $0x38;
	[tilespmem:$0x16C00] =	vst v63  }
0x2df: {  	s17 =	simm.s32 $0x12A20;
	s21 =	sadd.s32 $0x40, s16  }
0x2e0: {  	[hbm4b:s21+s3] =	stream.linear.scatter [tilespmem:s17], [sflag:$0x7], $0x80, $0x38;
	[tilespmem:$0x16C00] =	vst v63  }
0x2e1: {  	s2 =	simm.s32 $0x2200;
	s7 =	simm.s32 $0x12AA8;
	s15 =	sadd.s32 $0x50, s16  }
0x2e2: {  	[hbm4b:s15+s3] =	stream.linear.scatter [tilespmem:s7], [sflag:$0x7], $0x80, $0x38;
	[tilespmem:$0x16C00] =	vst v63  }
0x2e3: {  	s17 =	simm.s32 $0x12B30;
	s21 =	sadd.s32 $0x60, s16;
	s15 =	simm.s32 $0x440  }
0x2e4: {  	[hbm4b:s21+s3] =	stream.linear.scatter [tilespmem:s17], [sflag:$0x7], $0x80, $0x38;
	[tilespmem:$0x16C00] =	vst v63  }
0x2e5: {  	s7 =	simm.s32 $0x12BB8;
	s17 =	sadd.s32 $0x70, s16;
	s16 =	sadd.s32 $0x1000, s16  }
.LBB2_29:
0x2e6: {  	[hbm4b:s17+s3] =	stream.linear.scatter [tilespmem:s7], [sflag:$0x7], $0x80, $0x38;
	[tilespmem:$0x16C00] =	vst v63  }
0x2e7: {  	s7 =	smov.u32 s15;
	s15 =	smov.u32 s2  }
0x2e8: {  	s21 =	sadd.s32 $0x1100, s2;
	s15 =	sshra.s32 s15, $0x2;
	s17 =	sadd.s32 $0x12800, s7  }
0x2e9: {  	[hbm4b:s16+s3] =	stream.linear.scatter [tilespmem:s17], [sflag:$0x7], $0x80, $0x38;
	[tilespmem:$0x16C00] =	vst v63  }
0x2ea: {  	p0 =	sne.s32 s2, $0x7700;
	s2 =	sadd.s32 $0x12888, s7;
	s17 =	sadd.s32 $0x10, s16  }
0x2eb: {  	[hbm4b:s17+s3] =	stream.linear.scatter [tilespmem:s2], [sflag:$0x7], $0x80, $0x38;
	[tilespmem:$0x16C00] =	vst v63  }
0x2ec: {  	s2 =	sadd.s32 $0x12910, s7;
	s17 =	sadd.s32 $0x20, s16  }
0x2ed: {  	[hbm4b:s17+s3] =	stream.linear.scatter [tilespmem:s2], [sflag:$0x7], $0x80, $0x38;
	[tilespmem:$0x16C00] =	vst v63  }
0x2ee: {  	s2 =	sadd.s32 $0x12998, s7;
	s17 =	sadd.s32 $0x30, s16  }
0x2ef: {  	[hbm4b:s17+s3] =	stream.linear.scatter [tilespmem:s2], [sflag:$0x7], $0x80, $0x38;
	[tilespmem:$0x16C00] =	vst v63  }
0x2f0: {  	s2 =	sadd.s32 $0x12A20, s7;
	s17 =	sadd.s32 $0x40, s16  }
0x2f1: {  	[hbm4b:s17+s3] =	stream.linear.scatter [tilespmem:s2], [sflag:$0x7], $0x80, $0x38;
	[tilespmem:$0x16C00] =	vst v63  }
.Ltmp13:
0x2f2: {  	s2 =	sadd.s32 $0x12AA8, s7;
	s17 =	sadd.s32 $0x50, s16;
	(pc) =	sbr.rel @p0 .LBB2_29-.Ltmp13, $4  }
0x2f3: {  	[hbm4b:s17+s3] =	stream.linear.scatter [tilespmem:s2], [sflag:$0x7], $0x80, $0x38;
	[tilespmem:$0x16C00] =	vst v63  }
0x2f4: {  	s2 =	sadd.s32 $0x12B30, s7;
	s17 =	sadd.s32 $0x60, s16;
	s7 =	sadd.s32 $0x12BB8, s7  }
0x2f5: {  	[hbm4b:s17+s3] =	stream.linear.scatter [tilespmem:s2], [sflag:$0x7], $0x80, $0x38;
	[tilespmem:$0x16C00] =	vst v63  }
0x2f6: {  	s17 =	sadd.s32 $0x70, s16;
	s16 =	sadd.s32 $0x1000, s16;
	s2 =	smov.u32 s21  }
0x2f7: {  	[hbm4b:s17+s3] =	stream.linear.scatter [tilespmem:s7], [sflag:$0x7], $0x80, $0x38;
	[tilespmem:$0x16C00] =	vst v63  }
0x2f8: {  	s2 =	sadd.s32 $0x12800, s15  }
0x2f9: {  	[hbm4b:s16+s3] =	stream.linear.scatter [tilespmem:s2], [sflag:$0x7], $0x80, $0x38;
	[tilespmem:$0x16C00] =	vst v63  }
0x2fa: {  	s17 =	sadd.s32 $0x12888, s15;
	s21 =	sadd.s32 $0x10, s16  }
0x2fb: {  	[hbm4b:s21+s3] =	stream.linear.scatter [tilespmem:s17], [sflag:$0x7], $0x80, $0x38;
	[tilespmem:$0x16C00] =	vst v63  }
0x2fc: {  	s17 =	sadd.s32 $0x12910, s15;
	s21 =	sadd.s32 $0x20, s16  }
0x2fd: {  	[hbm4b:s21+s3] =	stream.linear.scatter [tilespmem:s17], [sflag:$0x7], $0x80, $0x38;
	[tilespmem:$0x16C00] =	vst v63  }
0x2fe: {  	s17 =	sadd.s32 $0x12998, s15;
	s21 =	sadd.s32 $0x30, s16  }
0x2ff: {  	[hbm4b:s21+s3] =	stream.linear.scatter [tilespmem:s17], [sflag:$0x7], $0x80, $0x38;
	[tilespmem:$0x16C00] =	vst v63  }
0x300: {  	s17 =	sadd.s32 $0x12A20, s15;
	s21 =	sadd.s32 $0x40, s16  }
0x301: {  	[hbm4b:s21+s3] =	stream.linear.scatter [tilespmem:s17], [sflag:$0x7], $0x80, $0x38;
	[tilespmem:$0x16C00] =	vst v63  }
0x302: {  	s17 =	sadd.s32 $0x12AA8, s15;
	s21 =	sadd.s32 $0x50, s16  }
0x303: {  	[hbm4b:s21+s3] =	stream.linear.scatter [tilespmem:s17], [sflag:$0x7], $0x80, $0x38;
	[tilespmem:$0x16C00] =	vst v63  }
0x304: {  	s17 =	sadd.s32 $0x12B30, s15;
	s21 =	sadd.s32 $0x60, s16  }
0x305: {  	[hbm4b:s21+s3] =	stream.linear.scatter [tilespmem:s17], [sflag:$0x7], $0x80, $0x38;
	[tilespmem:$0x16C00] =	vst v63  }
0x306: {  	s7 =	sadd.s32 $0x12BB8, s15;
	s15 =	sadd.s32 $0x70, s16  }
0x307: {  	[hbm4b:s15+s3] =	stream.linear.scatter [tilespmem:s7], [sflag:$0x7], $0x80, $0x38;
	[tilespmem:$0x16C00] =	vst v63  }
0x308: {  	s16 =	sadd.s32 $0x300, s14  }
0x309: {  	[tilespmem:s24], [sflag:$0x3] =	stream.indirect.gather [hbm4b:s4+s20], $0x40, s16, s20, $0xb8;
	[tilespmem:$0x16C00] =	vst v63  }
0x30a: {  	_ =	swait.ge [sflag:s0], $0x2000  }
0x30b: {  	[sflag:s0] =	ssyncset.done $0x0  }
0x30c: {  	[sflag:s0] =	ssyncadd.s32 $0xFFFFE000  }
0x30d: {  	s17 =	simm.s32 $0x1;
	_ =	swait.ge [sflag:s11], $0x2000  }
0x30e: {  	s21 =	simm.s32 $0x0;
	v4 =	vmov s17;
	[sflag:s11] =	ssyncset.done $0x0  }
0x30f: {  	s2 =	simm.s32 $0xC440;
	v5 =	vmov s21;
	v8 =	vand.u32 $0x7F, v4;
	[sflag:s11] =	ssyncadd.s32 $0xFFFFE000  }
0x310: {  	v11 =	vand.u32 $0x7E, v5;
	v5 =	vadd.s32 v0, v8;
	v4 =	vld [tilespmem:s2+$0x0]  }
0x311: {  	v7 =	vadd.s32 v0, v11;
	v6 =	vld [tilespmem:s2+$0xFFFFFFC0];
	_ =	sdelay $0x3  }
0x312: {  	s15 =	simm.s32 $0x3;
	[tilespmem:v5+s30+$0x0] =	vst.idx.msk $0xffff, v4  }
0x313: {  	s16 =	simm.s32 $0x2;
	v4 =	vmov s15;
	[tilespmem:v7+s30+$0x0] =	vst.idx.msk $0xffff, v6;
	v7 =	vadd.s32 v1, v8;
	v6 =	vld [tilespmem:s2+$0x10]  }
0x314: {  	v10 =	vadd.s32 v1, v11;
	v5 =	vmov s16;
	s15 =	simm.s32 $0xC4C0;
	v4 =	vand.u32 $0x7F, v4;
	v9 =	vld [tilespmem:s2+$0xFFFFFFD0]  }
0x315: {  	v5 =	vand.u32 $0x7E, v5;
	v12 =	vld [tilespmem:s15+$0x0];
	v13 =	vadd.s32 v0, v4  }
0x316: {  	v14 =	vld [tilespmem:s15+$0xFFFFFFC0];
	v15 =	vadd.s32 v0, v5;
	_ =	sdelay $0x1  }
0x317: {  	[tilespmem:v7+s30+$0x0] =	vst.idx.msk $0xffff, v6  }
0x318: {  	[tilespmem:v10+s30+$0x0] =	vst.idx.msk $0xffff, v9;
	v9 =	vadd.s32 v2, v8;
	v7 =	vld [tilespmem:s2+$0x20]  }
0x319: {  	[tilespmem:v13+s30+$0x0] =	vst.idx.msk $0xffff, v12;
	v10 =	vld [tilespmem:s2+$0xFFFFFFE0];
	v12 =	vadd.s32 v2, v11  }
0x31a: {  	s17 =	simm.s32 $0x5;
	[tilespmem:v15+s30+$0x0] =	vst.idx.msk $0xffff, v14;
	v14 =	vadd.s32 v1, v4;
	v13 =	vld [tilespmem:s15+$0x10]  }
0x31b: {  	s21 =	simm.s32 $0x4;
	v6 =	vmov s17  }
0x31c: {  	v17 =	vmov s21;
	v18 =	vadd.s32 v1, v5;
	s17 =	simm.s32 $0xC540;
	v6 =	vand.u32 $0x7F, v6;
	v15 =	vld [tilespmem:s15+$0xFFFFFFD0]  }
0x31d: {  	v19 =	vld [tilespmem:s17+$0x0];
	v20 =	vadd.s32 v0, v6;
	[tilespmem:v9+s30+$0x0] =	vst.idx.msk $0xffff, v7;
	v7 =	vand.u32 $0x7E, v17  }
0x31e: {  	v16 =	vld [tilespmem:s17+$0xFFFFFFC0];
	[tilespmem:v12+s30+$0x0] =	vst.idx.msk $0xffff, v10;
	v17 =	vadd.s32 v0, v7  }
0x31f: {  	v9 =	vld [tilespmem:s2+$0x30];
	[tilespmem:v14+s30+$0x0] =	vst.idx.msk $0xffff, v13;
	v14 =	vadd.s32 v3, v8  }
0x320: {  	v12 =	vadd.s32 v3, v11;
	v10 =	vld [tilespmem:s2+$0xFFFFFFF0]  }
0x321: {  	s7 =	simm.s32 $0x6;
	v11 =	vadd.s32 v2, v4;
	[tilespmem:v18+s30+$0x0] =	vst.idx.msk $0xffff, v15;
	v8 =	vld [tilespmem:s15+$0x20]  }
0x322: {  	s21 =	simm.s32 $0x7;
	s16 =	simm.s32 $0xC540;
	s2 =	simm.s32 $0x8;
	[tilespmem:v20+s30+$0x0] =	vst.idx.msk $0xffff, v19;
	v15 =	vadd.s32 v2, v5;
	v13 =	vld [tilespmem:s15+$0xFFFFFFE0]  }
.LBB2_31:
0x323: {  	p0 =	slt.u32 s2, $0x7E;
	v18 =	vmov s21;
	[tilespmem:v17+s30+$0x0] =	vst.idx.msk $0xffff, v16;
	v19 =	vld [tilespmem:s17+$0x10];
	v20 =	vadd.s32 v1, v6  }
0x324: {  	v16 =	vmov s7;
	v22 =	vadd.s32 v1, v7;
	s17 =	sadd.s32 $0x80, s17;
	s7 =	smov.u32 s2;
	v18 =	vand.u32 $0x7F, v18;
	v21 =	vld [tilespmem:s16+$0xFFFFFFD0];
	[tilespmem:v14+s30+$0x0] =	vst.idx.msk $0xffff, v9  }
0x325: {  	v23 =	vand.u32 $0x7E, v16;
	v24 =	vld [tilespmem:s17+$0x0];
	v25 =	vadd.s32 v0, v18;
	[tilespmem:v12+s30+$0x0] =	vst.idx.msk $0xffff, v10  }
.Ltmp14:
0x326: {  	v17 =	vadd.s32 v0, v23;
	v16 =	vld [tilespmem:s17+$0xFFFFFFC0];
	[tilespmem:v11+s30+$0x0] =	vst.idx.msk $0xffff, v8;
	(pc) =	sbr.rel @p0 .LBB2_31-.Ltmp14, $4  }
0x327: {  	v14 =	vadd.s32 v3, v4;
	v4 =	vmov v6;
	v6 =	vmov v18;
	[tilespmem:v15+s30+$0x0] =	vst.idx.msk $0xffff, v13;
	v9 =	vld [tilespmem:s15+$0x30]  }
0x328: {  	v12 =	vadd.s32 v3, v5;
	v5 =	vmov v7;
	v7 =	vmov v23;
	[tilespmem:v20+s30+$0x0] =	vst.idx.msk $0xffff, v19;
	v10 =	vld [tilespmem:s15+$0xFFFFFFF0];
	s15 =	smov.u32 s16;
	s16 =	smov.u32 s17  }
0x329: {  	v11 =	vadd.s32 v2, v4;
	[tilespmem:v22+s30+$0x0] =	vst.idx.msk $0xffff, v21;
	v8 =	vld [tilespmem:s15+$0x20]  }
0x32a: {  	s2 =	sadd.s32 $0x2, s2;
	s21 =	sadd.s32 $0x1, s7;
	v15 =	vadd.s32 v2, v5;
	[tilespmem:v25+s30+$0x0] =	vst.idx.msk $0xffff, v24;
	v13 =	vld [tilespmem:s15+$0xFFFFFFE0]  }
0x32b: {  	v18 =	vmov s21  }
0x32c: {  	v19 =	vmov s7;
	s2 =	sadd.s32 $0x80, s17;
	v18 =	vand.u32 $0x7F, v18  }
0x32d: {  	v19 =	vand.u32 $0x7E, v19;
	v20 =	vld [tilespmem:s2+$0x0];
	v21 =	vadd.s32 v0, v18  }
0x32e: {  	v22 =	vld [tilespmem:s2+$0xFFFFFFC0];
	v23 =	vadd.s32 v0, v19;
	_ =	sdelay $0x2  }
0x32f: {  	[tilespmem:v17+s30+$0x0] =	vst.idx.msk $0xffff, v16;
	v41 =	vld [tilespmem:s17+$0x10];
	v42 =	vadd.s32 v1, v6  }
0x330: {  	v44 =	vadd.s32 v1, v7;
	v43 =	vld [tilespmem:s16+$0xFFFFFFD0];
	[tilespmem:v21+s30+$0x0] =	vst.idx.msk $0xffff, v20  }
0x331: {  	v46 =	vadd.s32 v1, v18;
	[tilespmem:v23+s30+$0x0] =	vst.idx.msk $0xffff, v22;
	v45 =	vld [tilespmem:s2+$0x10]  }
0x332: {  	[tilespmem:v14+s30+$0x0] =	vst.idx.msk $0xffff, v9;
	v48 =	vadd.s32 v1, v19;
	v47 =	vld [tilespmem:s2+$0xFFFFFFD0]  }
0x333: {  	[tilespmem:v12+s30+$0x0] =	vst.idx.msk $0xffff, v10  }
0x334: {  	[tilespmem:v42+s30+$0x0] =	vst.idx.msk $0xffff, v41  }
0x335: {  	v50 =	vadd.s32 v2, v6;
	[tilespmem:v44+s30+$0x0] =	vst.idx.msk $0xffff, v43;
	v49 =	vld [tilespmem:s16+$0x20]  }
0x336: {  	v52 =	vadd.s32 v2, v7;
	v51 =	vld [tilespmem:s16+$0xFFFFFFE0];
	[tilespmem:v46+s30+$0x0] =	vst.idx.msk $0xffff, v45  }
0x337: {  	v54 =	vadd.s32 v2, v18;
	[tilespmem:v48+s30+$0x0] =	vst.idx.msk $0xffff, v47;
	v53 =	vld [tilespmem:s2+$0x20]  }
0x338: {  	v56 =	vadd.s32 v2, v19;
	[tilespmem:v11+s30+$0x0] =	vst.idx.msk $0xffff, v8;
	v55 =	vld [tilespmem:s2+$0xFFFFFFE0]  }
0x339: {  	v4 =	vadd.s32 v3, v4;
	[tilespmem:v15+s30+$0x0] =	vst.idx.msk $0xffff, v13;
	v57 =	vld [tilespmem:s15+$0x30]  }
0x33a: {  	v5 =	vadd.s32 v3, v5;
	v15 =	vld [tilespmem:s15+$0xFFFFFFF0];
	[tilespmem:v50+s30+$0x0] =	vst.idx.msk $0xffff, v49  }
0x33b: {  	v58 =	vadd.s32 v3, v6;
	[tilespmem:v52+s30+$0x0] =	vst.idx.msk $0xffff, v51;
	v10 =	vld [tilespmem:s16+$0x30]  }
0x33c: {  	v60 =	vadd.s32 v3, v7;
	v59 =	vld [tilespmem:s16+$0xFFFFFFF0];
	[tilespmem:v54+s30+$0x0] =	vst.idx.msk $0xffff, v53  }
0x33d: {  	v62 =	vadd.s32 v3, v18;
	[tilespmem:v56+s30+$0x0] =	vst.idx.msk $0xffff, v55;
	v61 =	vld [tilespmem:s2+$0x30]  }
0x33e: {  	v63 =	vadd.s32 v3, v19;
	[tilespmem:v4+s30+$0x0] =	vst.idx.msk $0xffff, v57;
	v4 =	vld [tilespmem:s2+$0xFFFFFFF0]  }
0x33f: {  	[tilespmem:v5+s30+$0x0] =	vst.idx.msk $0xffff, v15  }
0x340: {  	[tilespmem:v58+s30+$0x0] =	vst.idx.msk $0xffff, v10  }
0x341: {  	[tilespmem:v60+s30+$0x0] =	vst.idx.msk $0xffff, v59  }
0x342: {  	[tilespmem:v62+s30+$0x0] =	vst.idx.msk $0xffff, v61  }
0x343: {  	s7 =	simm.s32 $0x14A00;
	s15 =	sadd.s32 s13, s10;
	[tilespmem:v63+s30+$0x0] =	vst.idx.msk $0xffff, v4  }
0x344: {  	[hbm4b:s15+s3] =	stream.linear.scatter [tilespmem:s7], [sflag:$0x8], $0x80, $0x38;
	[tilespmem:$0x16C00] =	vst v63  }
0x345: {  	s13 =	simm.s32 $0x14A88;
	s16 =	sadd.s32 $0x10, s15  }
0x346: {  	[hbm4b:s16+s3] =	stream.linear.scatter [tilespmem:s13], [sflag:$0x8], $0x80, $0x38;
	[tilespmem:$0x16C00] =	vst v63  }
0x347: {  	s17 =	simm.s32 $0x14B10;
	s21 =	sadd.s32 $0x20, s15;
	s2 =	simm.s32 $0x2200  }
0x348: {  	[hbm4b:s21+s3] =	stream.linear.scatter [tilespmem:s17], [sflag:$0x8], $0x80, $0x38;
	[tilespmem:$0x16C00] =	vst v63  }
0x349: {  	s7 =	simm.s32 $0x14DB8;
	s13 =	simm.s32 $0x14B98;
	s16 =	sadd.s32 $0x30, s15  }
0x34a: {  	[hbm4b:s16+s3] =	stream.linear.scatter [tilespmem:s13], [sflag:$0x8], $0x80, $0x38;
	[tilespmem:$0x16C00] =	vst v63  }
0x34b: {  	s17 =	simm.s32 $0x14C20;
	s21 =	sadd.s32 $0x40, s15;
	s13 =	simm.s32 $0x14CA8  }
0x34c: {  	[hbm4b:s21+s3] =	stream.linear.scatter [tilespmem:s17], [sflag:$0x8], $0x80, $0x38;
	[tilespmem:$0x16C00] =	vst v63  }
0x34d: {  	s16 =	sadd.s32 $0x50, s15;
	s17 =	simm.s32 $0x14D30;
	s21 =	sadd.s32 $0x60, s15  }
0x34e: {  	[hbm4b:s16+s3] =	stream.linear.scatter [tilespmem:s13], [sflag:$0x8], $0x80, $0x38;
	[tilespmem:$0x16C00] =	vst v63  }
0x34f: {  	s13 =	simm.s32 $0x440;
	s16 =	sadd.s32 $0x70, s15;
	s15 =	sadd.s32 $0x1000, s15  }
0x350: {  	[hbm4b:s21+s3] =	stream.linear.scatter [tilespmem:s17], [sflag:$0x8], $0x80, $0x38;
	[tilespmem:$0x16C00] =	vst v63  }
.LBB2_33:
0x351: {  	[hbm4b:s16+s3] =	stream.linear.scatter [tilespmem:s7], [sflag:$0x8], $0x80, $0x38;
	[tilespmem:$0x16C00] =	vst v63  }
0x352: {  	s7 =	smov.u32 s13;
	s13 =	smov.u32 s2  }
0x353: {  	s17 =	sadd.s32 $0x1100, s2;
	s13 =	sshra.s32 s13, $0x2;
	s16 =	sadd.s32 $0x14A00, s7  }
0x354: {  	[hbm4b:s15+s3] =	stream.linear.scatter [tilespmem:s16], [sflag:$0x8], $0x80, $0x38;
	[tilespmem:$0x16C00] =	vst v63  }
0x355: {  	p0 =	sne.s32 s2, $0x7700;
	s2 =	sadd.s32 $0x14A88, s7;
	s16 =	sadd.s32 $0x10, s15  }
0x356: {  	[hbm4b:s16+s3] =	stream.linear.scatter [tilespmem:s2], [sflag:$0x8], $0x80, $0x38;
	[tilespmem:$0x16C00] =	vst v63  }
0x357: {  	s2 =	sadd.s32 $0x14B10, s7;
	s16 =	sadd.s32 $0x20, s15  }
0x358: {  	[hbm4b:s16+s3] =	stream.linear.scatter [tilespmem:s2], [sflag:$0x8], $0x80, $0x38;
	[tilespmem:$0x16C00] =	vst v63  }
0x359: {  	s2 =	sadd.s32 $0x14B98, s7;
	s16 =	sadd.s32 $0x30, s15  }
0x35a: {  	[hbm4b:s16+s3] =	stream.linear.scatter [tilespmem:s2], [sflag:$0x8], $0x80, $0x38;
	[tilespmem:$0x16C00] =	vst v63  }
0x35b: {  	s2 =	sadd.s32 $0x14C20, s7;
	s16 =	sadd.s32 $0x40, s15  }
0x35c: {  	[hbm4b:s16+s3] =	stream.linear.scatter [tilespmem:s2], [sflag:$0x8], $0x80, $0x38;
	[tilespmem:$0x16C00] =	vst v63  }
.Ltmp15:
0x35d: {  	s2 =	sadd.s32 $0x14CA8, s7;
	s16 =	sadd.s32 $0x50, s15;
	(pc) =	sbr.rel @p0 .LBB2_33-.Ltmp15, $4  }
0x35e: {  	[hbm4b:s16+s3] =	stream.linear.scatter [tilespmem:s2], [sflag:$0x8], $0x80, $0x38;
	[tilespmem:$0x16C00] =	vst v63  }
0x35f: {  	s2 =	sadd.s32 $0x14D30, s7;
	s16 =	sadd.s32 $0x60, s15;
	s7 =	sadd.s32 $0x14DB8, s7  }
0x360: {  	[hbm4b:s16+s3] =	stream.linear.scatter [tilespmem:s2], [sflag:$0x8], $0x80, $0x38;
	[tilespmem:$0x16C00] =	vst v63  }
0x361: {  	s16 =	sadd.s32 $0x70, s15;
	s15 =	sadd.s32 $0x1000, s15;
	s2 =	smov.u32 s17  }
0x362: {  	[hbm4b:s16+s3] =	stream.linear.scatter [tilespmem:s7], [sflag:$0x8], $0x80, $0x38;
	[tilespmem:$0x16C00] =	vst v63  }
0x363: {  	s2 =	sadd.s32 $0x14A00, s13  }
0x364: {  	[hbm4b:s15+s3] =	stream.linear.scatter [tilespmem:s2], [sflag:$0x8], $0x80, $0x38;
	[tilespmem:$0x16C00] =	vst v63  }
0x365: {  	s7 =	sadd.s32 $0x14A88, s13;
	s16 =	sadd.s32 $0x10, s15  }
0x366: {  	[hbm4b:s16+s3] =	stream.linear.scatter [tilespmem:s7], [sflag:$0x8], $0x80, $0x38;
	[tilespmem:$0x16C00] =	vst v63  }
0x367: {  	s17 =	sadd.s32 $0x14B10, s13;
	s21 =	sadd.s32 $0x20, s15  }
0x368: {  	[hbm4b:s21+s3] =	stream.linear.scatter [tilespmem:s17], [sflag:$0x8], $0x80, $0x38;
	[tilespmem:$0x16C00] =	vst v63  }
0x369: {  	s7 =	sadd.s32 $0x14B98, s13;
	s16 =	sadd.s32 $0x30, s15  }
0x36a: {  	[hbm4b:s16+s3] =	stream.linear.scatter [tilespmem:s7], [sflag:$0x8], $0x80, $0x38;
	[tilespmem:$0x16C00] =	vst v63  }
0x36b: {  	s17 =	sadd.s32 $0x14C20, s13;
	s21 =	sadd.s32 $0x40, s15  }
0x36c: {  	[hbm4b:s21+s3] =	stream.linear.scatter [tilespmem:s17], [sflag:$0x8], $0x80, $0x38;
	[tilespmem:$0x16C00] =	vst v63  }
0x36d: {  	s12 =	sadd.s32 $0x1, s12;
	s7 =	sadd.s32 $0x14CA8, s13;
	s16 =	sadd.s32 $0x50, s15  }
0x36e: {  	[hbm4b:s16+s3] =	stream.linear.scatter [tilespmem:s7], [sflag:$0x8], $0x80, $0x38;
	[tilespmem:$0x16C00] =	vst v63  }
0x36f: {  	p0 =	sne.s32 s12, $0x31;
	s17 =	sadd.s32 $0x14D30, s13;
	s21 =	sadd.s32 $0x60, s15  }
0x370: {  	[hbm4b:s21+s3] =	stream.linear.scatter [tilespmem:s17], [sflag:$0x8], $0x80, $0x38;
	[tilespmem:$0x16C00] =	vst v63  }
.Ltmp16:
0x371: {  	_ = 	snop;
	(pc) =	sbr.rel @p0 .LBB2_18-.Ltmp16, $4  }
0x372: {  	s16 =	sadd.s32 $0x14DB8, s13;
	s17 =	sadd.s32 $0x70, s15  }
0x373: {  	[hbm4b:s17+s3] =	stream.linear.scatter [tilespmem:s16], [sflag:$0x8], $0x80, $0x38;
	[tilespmem:$0x16C00] =	vst v63  }
0x374: {  	s21 =	sadd.s32 $0x380, s14  }
0x375: {  	[tilespmem:s26], [sflag:$0x4] =	stream.indirect.gather [hbm4b:s4+s20], $0x40, s21, s20, $0xb8;
	[tilespmem:$0x16C00] =	vst v63  }
0x376: {  	_ =	swait.ge [sflag:s28], $0x2000  }
0x377: {  	[sflag:s28] =	ssyncset.done $0x0  }
0x378: {  	[sflag:s28] =	ssyncadd.s32 $0xFFFFE000  }
0x379: {  	s2 =	simm.s32 $0x1;
	_ =	swait.ge [sflag:s6], $0x2000  }
0x37a: {  	s7 =	simm.s32 $0x0;
	v4 =	vmov s2;
	[sflag:s6] =	ssyncset.done $0x0  }
0x37b: {  	s15 =	simm.s32 $0x6440;
	v5 =	vmov s7;
	v8 =	vand.u32 $0x7F, v4;
	[sflag:s6] =	ssyncadd.s32 $0xFFFFE000  }
0x37c: {  	v11 =	vand.u32 $0x7E, v5;
	v5 =	vadd.s32 v0, v8;
	v4 =	vld [tilespmem:s15+$0x0]  }
0x37d: {  	v7 =	vadd.s32 v0, v11;
	v6 =	vld [tilespmem:s15+$0xFFFFFFC0];
	_ =	sdelay $0x3  }
0x37e: {  	s16 =	simm.s32 $0x3;
	[tilespmem:v5+s29+$0x0] =	vst.idx.msk $0xffff, v4  }
0x37f: {  	s12 =	simm.s32 $0x2;
	v4 =	vmov s16;
	[tilespmem:v7+s29+$0x0] =	vst.idx.msk $0xffff, v6;
	v7 =	vadd.s32 v1, v8;
	v6 =	vld [tilespmem:s15+$0x10]  }
0x380: {  	v10 =	vadd.s32 v1, v11;
	v5 =	vmov s12;
	s12 =	simm.s32 $0x64C0;
	v4 =	vand.u32 $0x7F, v4;
	v9 =	vld [tilespmem:s15+$0xFFFFFFD0]  }
0x381: {  	v5 =	vand.u32 $0x7E, v5;
	v12 =	vld [tilespmem:s12+$0x0];
	v13 =	vadd.s32 v0, v4  }
0x382: {  	v14 =	vld [tilespmem:s12+$0xFFFFFFC0];
	v15 =	vadd.s32 v0, v5;
	_ =	sdelay $0x1  }
0x383: {  	[tilespmem:v7+s29+$0x0] =	vst.idx.msk $0xffff, v6  }
0x384: {  	[tilespmem:v10+s29+$0x0] =	vst.idx.msk $0xffff, v9;
	v9 =	vadd.s32 v2, v8;
	v7 =	vld [tilespmem:s15+$0x20]  }
0x385: {  	[tilespmem:v13+s29+$0x0] =	vst.idx.msk $0xffff, v12;
	v10 =	vld [tilespmem:s15+$0xFFFFFFE0];
	v12 =	vadd.s32 v2, v11  }
0x386: {  	s17 =	simm.s32 $0x5;
	[tilespmem:v15+s29+$0x0] =	vst.idx.msk $0xffff, v14;
	v14 =	vadd.s32 v1, v4;
	v13 =	vld [tilespmem:s12+$0x10]  }
0x387: {  	s21 =	simm.s32 $0x4;
	v6 =	vmov s17  }
0x388: {  	s14 =	simm.s32 $0x6540;
	v17 =	vmov s21;
	v18 =	vadd.s32 v1, v5;
	v6 =	vand.u32 $0x7F, v6;
	v15 =	vld [tilespmem:s12+$0xFFFFFFD0]  }
0x389: {  	v19 =	vld [tilespmem:s14+$0x0];
	v20 =	vadd.s32 v0, v6;
	[tilespmem:v9+s29+$0x0] =	vst.idx.msk $0xffff, v7;
	v7 =	vand.u32 $0x7E, v17  }
0x38a: {  	v16 =	vld [tilespmem:s14+$0xFFFFFFC0];
	[tilespmem:v12+s29+$0x0] =	vst.idx.msk $0xffff, v10;
	v17 =	vadd.s32 v0, v7  }
0x38b: {  	v9 =	vld [tilespmem:s15+$0x30];
	[tilespmem:v14+s29+$0x0] =	vst.idx.msk $0xffff, v13;
	v14 =	vadd.s32 v3, v8  }
0x38c: {  	v12 =	vadd.s32 v3, v11;
	v10 =	vld [tilespmem:s15+$0xFFFFFFF0]  }
0x38d: {  	s13 =	simm.s32 $0x6540;
	v11 =	vadd.s32 v2, v4;
	[tilespmem:v18+s29+$0x0] =	vst.idx.msk $0xffff, v15;
	v8 =	vld [tilespmem:s12+$0x20]  }
0x38e: {  	s7 =	simm.s32 $0x6;
	s2 =	simm.s32 $0x8;
	s15 =	simm.s32 $0x7;
	[tilespmem:v20+s29+$0x0] =	vst.idx.msk $0xffff, v19;
	v15 =	vadd.s32 v2, v5;
	v13 =	vld [tilespmem:s12+$0xFFFFFFE0]  }
.LBB2_36:
0x38f: {  	p0 =	slt.u32 s2, $0x7E;
	v18 =	vmov s15;
	[tilespmem:v17+s29+$0x0] =	vst.idx.msk $0xffff, v16;
	v19 =	vld [tilespmem:s14+$0x10];
	v20 =	vadd.s32 v1, v6  }
0x390: {  	v16 =	vmov s7;
	v22 =	vadd.s32 v1, v7;
	s14 =	sadd.s32 $0x80, s14;
	s7 =	smov.u32 s2;
	v18 =	vand.u32 $0x7F, v18;
	v21 =	vld [tilespmem:s13+$0xFFFFFFD0];
	[tilespmem:v14+s29+$0x0] =	vst.idx.msk $0xffff, v9  }
0x391: {  	v23 =	vand.u32 $0x7E, v16;
	v24 =	vld [tilespmem:s14+$0x0];
	v25 =	vadd.s32 v0, v18;
	[tilespmem:v12+s29+$0x0] =	vst.idx.msk $0xffff, v10  }
.Ltmp17:
0x392: {  	v17 =	vadd.s32 v0, v23;
	v16 =	vld [tilespmem:s14+$0xFFFFFFC0];
	[tilespmem:v11+s29+$0x0] =	vst.idx.msk $0xffff, v8;
	(pc) =	sbr.rel @p0 .LBB2_36-.Ltmp17, $4  }
0x393: {  	v14 =	vadd.s32 v3, v4;
	v4 =	vmov v6;
	v6 =	vmov v18;
	[tilespmem:v15+s29+$0x0] =	vst.idx.msk $0xffff, v13;
	v9 =	vld [tilespmem:s12+$0x30]  }
0x394: {  	v12 =	vadd.s32 v3, v5;
	v5 =	vmov v7;
	v7 =	vmov v23;
	[tilespmem:v20+s29+$0x0] =	vst.idx.msk $0xffff, v19;
	v10 =	vld [tilespmem:s12+$0xFFFFFFF0];
	s12 =	smov.u32 s13;
	s13 =	smov.u32 s14  }
0x395: {  	v11 =	vadd.s32 v2, v4;
	[tilespmem:v22+s29+$0x0] =	vst.idx.msk $0xffff, v21;
	v8 =	vld [tilespmem:s12+$0x20]  }
0x396: {  	s2 =	sadd.s32 $0x2, s2;
	s15 =	sadd.s32 $0x1, s7;
	v15 =	vadd.s32 v2, v5;
	[tilespmem:v25+s29+$0x0] =	vst.idx.msk $0xffff, v24;
	v13 =	vld [tilespmem:s12+$0xFFFFFFE0]  }
0x397: {  	v18 =	vmov s15  }
0x398: {  	v19 =	vmov s7;
	s2 =	sadd.s32 $0x80, s14;
	v18 =	vand.u32 $0x7F, v18  }
0x399: {  	v19 =	vand.u32 $0x7E, v19;
	v20 =	vld [tilespmem:s2+$0x0];
	v21 =	vadd.s32 v0, v18  }
0x39a: {  	v22 =	vld [tilespmem:s2+$0xFFFFFFC0];
	v23 =	vadd.s32 v0, v19;
	_ =	sdelay $0x2  }
0x39b: {  	[tilespmem:v17+s29+$0x0] =	vst.idx.msk $0xffff, v16;
	v41 =	vld [tilespmem:s14+$0x10];
	v42 =	vadd.s32 v1, v6  }
0x39c: {  	v44 =	vadd.s32 v1, v7;
	v43 =	vld [tilespmem:s13+$0xFFFFFFD0];
	[tilespmem:v21+s29+$0x0] =	vst.idx.msk $0xffff, v20  }
0x39d: {  	v46 =	vadd.s32 v1, v18;
	[tilespmem:v23+s29+$0x0] =	vst.idx.msk $0xffff, v22;
	v45 =	vld [tilespmem:s2+$0x10]  }
0x39e: {  	[tilespmem:v14+s29+$0x0] =	vst.idx.msk $0xffff, v9;
	v48 =	vadd.s32 v1, v19;
	v47 =	vld [tilespmem:s2+$0xFFFFFFD0]  }
0x39f: {  	[tilespmem:v12+s29+$0x0] =	vst.idx.msk $0xffff, v10  }
0x3a0: {  	[tilespmem:v42+s29+$0x0] =	vst.idx.msk $0xffff, v41  }
0x3a1: {  	v50 =	vadd.s32 v2, v6;
	[tilespmem:v44+s29+$0x0] =	vst.idx.msk $0xffff, v43;
	v49 =	vld [tilespmem:s13+$0x20]  }
0x3a2: {  	v52 =	vadd.s32 v2, v7;
	v51 =	vld [tilespmem:s13+$0xFFFFFFE0];
	[tilespmem:v46+s29+$0x0] =	vst.idx.msk $0xffff, v45  }
0x3a3: {  	v54 =	vadd.s32 v2, v18;
	[tilespmem:v48+s29+$0x0] =	vst.idx.msk $0xffff, v47;
	v53 =	vld [tilespmem:s2+$0x20]  }
0x3a4: {  	v56 =	vadd.s32 v2, v19;
	[tilespmem:v11+s29+$0x0] =	vst.idx.msk $0xffff, v8;
	v55 =	vld [tilespmem:s2+$0xFFFFFFE0]  }
0x3a5: {  	v4 =	vadd.s32 v3, v4;
	[tilespmem:v15+s29+$0x0] =	vst.idx.msk $0xffff, v13;
	v57 =	vld [tilespmem:s12+$0x30]  }
0x3a6: {  	v5 =	vadd.s32 v3, v5;
	v15 =	vld [tilespmem:s12+$0xFFFFFFF0];
	[tilespmem:v50+s29+$0x0] =	vst.idx.msk $0xffff, v49  }
0x3a7: {  	v58 =	vadd.s32 v3, v6;
	[tilespmem:v52+s29+$0x0] =	vst.idx.msk $0xffff, v51;
	v10 =	vld [tilespmem:s13+$0x30]  }
0x3a8: {  	v60 =	vadd.s32 v3, v7;
	v59 =	vld [tilespmem:s13+$0xFFFFFFF0];
	[tilespmem:v54+s29+$0x0] =	vst.idx.msk $0xffff, v53  }
0x3a9: {  	v62 =	vadd.s32 v3, v18;
	[tilespmem:v56+s29+$0x0] =	vst.idx.msk $0xffff, v55;
	v61 =	vld [tilespmem:s2+$0x30]  }
0x3aa: {  	v63 =	vadd.s32 v3, v19;
	[tilespmem:v4+s29+$0x0] =	vst.idx.msk $0xffff, v57;
	v4 =	vld [tilespmem:s2+$0xFFFFFFF0]  }
0x3ab: {  	[tilespmem:v5+s29+$0x0] =	vst.idx.msk $0xffff, v15  }
0x3ac: {  	[tilespmem:v58+s29+$0x0] =	vst.idx.msk $0xffff, v10  }
0x3ad: {  	[tilespmem:v60+s29+$0x0] =	vst.idx.msk $0xffff, v59  }
0x3ae: {  	[tilespmem:v62+s29+$0x0] =	vst.idx.msk $0xffff, v61  }
0x3af: {  	[tilespmem:v63+s29+$0x0] =	vst.idx.msk $0xffff, v4  }
0x3b0: {  	s7 =	simm.s32 $0xE400;
	s13 =	rddreg [dreg:$0x8]  }
0x3b1: {  	[hbm4b:s13+s3] =	stream.linear.scatter [tilespmem:s7], [sflag:$0x5], $0x80, $0x38;
	[tilespmem:$0x16C00] =	vst v63  }
0x3b2: {  	s12 =	simm.s32 $0xE488;
	s14 =	sadd.s32 $0x10, s13  }
0x3b3: {  	[hbm4b:s14+s3] =	stream.linear.scatter [tilespmem:s12], [sflag:$0x5], $0x80, $0x38;
	[tilespmem:$0x16C00] =	vst v63  }
0x3b4: {  	s15 =	simm.s32 $0xE510;
	s17 =	simm.s32 $0xE598;
	s16 =	sadd.s32 $0x20, s13  }
0x3b5: {  	[hbm4b:s16+s3] =	stream.linear.scatter [tilespmem:s15], [sflag:$0x5], $0x80, $0x38;
	[tilespmem:$0x16C00] =	vst v63  }
0x3b6: {  	s2 =	simm.s32 $0x2200;
	s21 =	sadd.s32 $0x30, s13;
	s7 =	simm.s32 $0xE7B8  }
0x3b7: {  	[hbm4b:s21+s3] =	stream.linear.scatter [tilespmem:s17], [sflag:$0x5], $0x80, $0x38;
	[tilespmem:$0x16C00] =	vst v63  }
0x3b8: {  	s12 =	simm.s32 $0xE620;
	s14 =	sadd.s32 $0x40, s13;
	s15 =	simm.s32 $0xE6A8  }
0x3b9: {  	[hbm4b:s14+s3] =	stream.linear.scatter [tilespmem:s12], [sflag:$0x5], $0x80, $0x38;
	[tilespmem:$0x16C00] =	vst v63  }
0x3ba: {  	s16 =	sadd.s32 $0x50, s13;
	s17 =	simm.s32 $0xE730;
	s21 =	sadd.s32 $0x60, s13  }
0x3bb: {  	[hbm4b:s16+s3] =	stream.linear.scatter [tilespmem:s15], [sflag:$0x5], $0x80, $0x38;
	[tilespmem:$0x16C00] =	vst v63  }
0x3bc: {  	s12 =	simm.s32 $0x440;
	s14 =	sadd.s32 $0x70, s13;
	s13 =	sadd.s32 $0x1000, s13  }
0x3bd: {  	[hbm4b:s21+s3] =	stream.linear.scatter [tilespmem:s17], [sflag:$0x5], $0x80, $0x38;
	[tilespmem:$0x16C00] =	vst v63  }
.LBB2_38:
0x3be: {  	[hbm4b:s14+s3] =	stream.linear.scatter [tilespmem:s7], [sflag:$0x5], $0x80, $0x38;
	[tilespmem:$0x16C00] =	vst v63  }
0x3bf: {  	s7 =	smov.u32 s12;
	s12 =	smov.u32 s2  }
0x3c0: {  	s15 =	sadd.s32 $0x1100, s2;
	s12 =	sshra.s32 s12, $0x2;
	s14 =	sadd.s32 $0xE400, s7  }
0x3c1: {  	[hbm4b:s13+s3] =	stream.linear.scatter [tilespmem:s14], [sflag:$0x5], $0x80, $0x38;
	[tilespmem:$0x16C00] =	vst v63  }
0x3c2: {  	p0 =	sne.s32 s2, $0x7700;
	s2 =	sadd.s32 $0xE488, s7;
	s14 =	sadd.s32 $0x10, s13  }
0x3c3: {  	[hbm4b:s14+s3] =	stream.linear.scatter [tilespmem:s2], [sflag:$0x5], $0x80, $0x38;
	[tilespmem:$0x16C00] =	vst v63  }
0x3c4: {  	s2 =	sadd.s32 $0xE510, s7;
	s14 =	sadd.s32 $0x20, s13  }
0x3c5: {  	[hbm4b:s14+s3] =	stream.linear.scatter [tilespmem:s2], [sflag:$0x5], $0x80, $0x38;
	[tilespmem:$0x16C00] =	vst v63  }
0x3c6: {  	s2 =	sadd.s32 $0xE598, s7;
	s14 =	sadd.s32 $0x30, s13  }
0x3c7: {  	[hbm4b:s14+s3] =	stream.linear.scatter [tilespmem:s2], [sflag:$0x5], $0x80, $0x38;
	[tilespmem:$0x16C00] =	vst v63  }
0x3c8: {  	s2 =	sadd.s32 $0xE620, s7;
	s14 =	sadd.s32 $0x40, s13  }
0x3c9: {  	[hbm4b:s14+s3] =	stream.linear.scatter [tilespmem:s2], [sflag:$0x5], $0x80, $0x38;
	[tilespmem:$0x16C00] =	vst v63  }
.Ltmp18:
0x3ca: {  	s2 =	sadd.s32 $0xE6A8, s7;
	s14 =	sadd.s32 $0x50, s13;
	(pc) =	sbr.rel @p0 .LBB2_38-.Ltmp18, $4  }
0x3cb: {  	[hbm4b:s14+s3] =	stream.linear.scatter [tilespmem:s2], [sflag:$0x5], $0x80, $0x38;
	[tilespmem:$0x16C00] =	vst v63  }
0x3cc: {  	s2 =	sadd.s32 $0xE730, s7;
	s14 =	sadd.s32 $0x60, s13;
	s7 =	sadd.s32 $0xE7B8, s7  }
0x3cd: {  	[hbm4b:s14+s3] =	stream.linear.scatter [tilespmem:s2], [sflag:$0x5], $0x80, $0x38;
	[tilespmem:$0x16C00] =	vst v63  }
0x3ce: {  	s14 =	sadd.s32 $0x70, s13;
	s13 =	sadd.s32 $0x1000, s13;
	s2 =	smov.u32 s15  }
0x3cf: {  	[hbm4b:s14+s3] =	stream.linear.scatter [tilespmem:s7], [sflag:$0x5], $0x80, $0x38;
	[tilespmem:$0x16C00] =	vst v63  }
0x3d0: {  	s2 =	sadd.s32 $0xE400, s12  }
0x3d1: {  	[hbm4b:s13+s3] =	stream.linear.scatter [tilespmem:s2], [sflag:$0x5], $0x80, $0x38;
	[tilespmem:$0x16C00] =	vst v63  }
0x3d2: {  	s17 =	sadd.s32 $0xE488, s12;
	s21 =	sadd.s32 $0x10, s13  }
0x3d3: {  	[hbm4b:s21+s3] =	stream.linear.scatter [tilespmem:s17], [sflag:$0x5], $0x80, $0x38;
	[tilespmem:$0x16C00] =	vst v63  }
0x3d4: {  	s7 =	sadd.s32 $0xE510, s12;
	s14 =	sadd.s32 $0x20, s13  }
0x3d5: {  	[hbm4b:s14+s3] =	stream.linear.scatter [tilespmem:s7], [sflag:$0x5], $0x80, $0x38;
	[tilespmem:$0x16C00] =	vst v63  }
0x3d6: {  	s15 =	sadd.s32 $0xE598, s12;
	s16 =	sadd.s32 $0x30, s13  }
0x3d7: {  	[hbm4b:s16+s3] =	stream.linear.scatter [tilespmem:s15], [sflag:$0x5], $0x80, $0x38;
	[tilespmem:$0x16C00] =	vst v63  }
0x3d8: {  	s17 =	sadd.s32 $0xE620, s12;
	s21 =	sadd.s32 $0x40, s13  }
0x3d9: {  	[hbm4b:s21+s3] =	stream.linear.scatter [tilespmem:s17], [sflag:$0x5], $0x80, $0x38;
	[tilespmem:$0x16C00] =	vst v63  }
0x3da: {  	s7 =	sadd.s32 $0xE6A8, s12;
	s14 =	sadd.s32 $0x50, s13  }
0x3db: {  	[hbm4b:s14+s3] =	stream.linear.scatter [tilespmem:s7], [sflag:$0x5], $0x80, $0x38;
	[tilespmem:$0x16C00] =	vst v63  }
0x3dc: {  	s15 =	sadd.s32 $0xE730, s12;
	s16 =	sadd.s32 $0x60, s13  }
0x3dd: {  	[hbm4b:s16+s3] =	stream.linear.scatter [tilespmem:s15], [sflag:$0x5], $0x80, $0x38;
	[tilespmem:$0x16C00] =	vst v63  }
0x3de: {  	s17 =	sadd.s32 $0xE7B8, s12;
	s21 =	sadd.s32 $0x70, s13  }
0x3df: {  	[hbm4b:s21+s3] =	stream.linear.scatter [tilespmem:s17], [sflag:$0x5], $0x80, $0x38;
	[tilespmem:$0x16C00] =	vst v63  }
0x3e0: {  	_ =	swait.ge [sflag:s31], $0x2000  }
0x3e1: {  	[sflag:s31] =	ssyncset.done $0x0  }
0x3e2: {  	[sflag:s31] =	ssyncadd.s32 $0xFFFFE000  }
0x3e3: {  	s7 =	simm.s32 $0x1;
	_ =	swait.ge [sflag:s18], $0x2000  }
0x3e4: {  	s12 =	simm.s32 $0x0;
	v4 =	vmov s7;
	[sflag:s18] =	ssyncset.done $0x0  }
0x3e5: {  	s13 =	simm.s32 $0x8440;
	v5 =	vmov s12;
	v8 =	vand.u32 $0x7F, v4;
	[sflag:s18] =	ssyncadd.s32 $0xFFFFE000  }
0x3e6: {  	v11 =	vand.u32 $0x7E, v5;
	v5 =	vadd.s32 v0, v8;
	v4 =	vld [tilespmem:s13+$0x0]  }
0x3e7: {  	v7 =	vadd.s32 v0, v11;
	v6 =	vld [tilespmem:s13+$0xFFFFFFC0];
	_ =	sdelay $0x3  }
0x3e8: {  	s15 =	simm.s32 $0x3;
	[tilespmem:v5+s1+$0x0] =	vst.idx.msk $0xffff, v4  }
0x3e9: {  	s16 =	simm.s32 $0x2;
	v4 =	vmov s15;
	[tilespmem:v7+s1+$0x0] =	vst.idx.msk $0xffff, v6;
	v7 =	vadd.s32 v1, v8;
	v6 =	vld [tilespmem:s13+$0x10]  }
0x3ea: {  	s12 =	simm.s32 $0x84C0;
	v10 =	vadd.s32 v1, v11;
	v5 =	vmov s16;
	v4 =	vand.u32 $0x7F, v4;
	v9 =	vld [tilespmem:s13+$0xFFFFFFD0]  }
0x3eb: {  	v12 =	vld [tilespmem:s12+$0x0];
	v5 =	vand.u32 $0x7E, v5;
	v13 =	vadd.s32 v0, v4  }
0x3ec: {  	v14 =	vld [tilespmem:s12+$0xFFFFFFC0];
	v15 =	vadd.s32 v0, v5;
	_ =	sdelay $0x1  }
0x3ed: {  	[tilespmem:v7+s1+$0x0] =	vst.idx.msk $0xffff, v6  }
0x3ee: {  	[tilespmem:v10+s1+$0x0] =	vst.idx.msk $0xffff, v9;
	v9 =	vadd.s32 v2, v8;
	v7 =	vld [tilespmem:s13+$0x20]  }
0x3ef: {  	[tilespmem:v13+s1+$0x0] =	vst.idx.msk $0xffff, v12;
	v10 =	vld [tilespmem:s13+$0xFFFFFFE0];
	v12 =	vadd.s32 v2, v11  }
0x3f0: {  	s17 =	simm.s32 $0x5;
	[tilespmem:v15+s1+$0x0] =	vst.idx.msk $0xffff, v14;
	v14 =	vadd.s32 v1, v4;
	v13 =	vld [tilespmem:s12+$0x10]  }
0x3f1: {  	s21 =	simm.s32 $0x4;
	v6 =	vmov s17  }
0x3f2: {  	s14 =	simm.s32 $0x8540;
	v17 =	vmov s21;
	v18 =	vadd.s32 v1, v5;
	v6 =	vand.u32 $0x7F, v6;
	v15 =	vld [tilespmem:s12+$0xFFFFFFD0]  }
0x3f3: {  	v19 =	vld [tilespmem:s14+$0x0];
	v20 =	vadd.s32 v0, v6;
	[tilespmem:v9+s1+$0x0] =	vst.idx.msk $0xffff, v7;
	v7 =	vand.u32 $0x7E, v17  }
0x3f4: {  	v16 =	vld [tilespmem:s14+$0xFFFFFFC0];
	[tilespmem:v12+s1+$0x0] =	vst.idx.msk $0xffff, v10;
	v17 =	vadd.s32 v0, v7  }
0x3f5: {  	v9 =	vld [tilespmem:s13+$0x30];
	[tilespmem:v14+s1+$0x0] =	vst.idx.msk $0xffff, v13;
	v14 =	vadd.s32 v3, v8  }
0x3f6: {  	v12 =	vadd.s32 v3, v11;
	v10 =	vld [tilespmem:s13+$0xFFFFFFF0]  }
0x3f7: {  	s2 =	simm.s32 $0x8;
	v11 =	vadd.s32 v2, v4;
	[tilespmem:v18+s1+$0x0] =	vst.idx.msk $0xffff, v15;
	v8 =	vld [tilespmem:s12+$0x20]  }
0x3f8: {  	s7 =	simm.s32 $0x6;
	s15 =	simm.s32 $0x7;
	[tilespmem:v20+s1+$0x0] =	vst.idx.msk $0xffff, v19;
	v15 =	vadd.s32 v2, v5;
	s13 =	simm.s32 $0x8540;
	v13 =	vld [tilespmem:s12+$0xFFFFFFE0]  }
.LBB2_40:
0x3f9: {  	p0 =	slt.u32 s2, $0x7E;
	v18 =	vmov s15;
	[tilespmem:v17+s1+$0x0] =	vst.idx.msk $0xffff, v16;
	v19 =	vld [tilespmem:s14+$0x10];
	v20 =	vadd.s32 v1, v6  }
0x3fa: {  	v16 =	vmov s7;
	v22 =	vadd.s32 v1, v7;
	s14 =	sadd.s32 $0x80, s14;
	s7 =	smov.u32 s2;
	v18 =	vand.u32 $0x7F, v18;
	v21 =	vld [tilespmem:s13+$0xFFFFFFD0];
	[tilespmem:v14+s1+$0x0] =	vst.idx.msk $0xffff, v9  }
0x3fb: {  	v23 =	vand.u32 $0x7E, v16;
	v24 =	vld [tilespmem:s14+$0x0];
	v25 =	vadd.s32 v0, v18;
	[tilespmem:v12+s1+$0x0] =	vst.idx.msk $0xffff, v10  }
.Ltmp19:
0x3fc: {  	v17 =	vadd.s32 v0, v23;
	v16 =	vld [tilespmem:s14+$0xFFFFFFC0];
	[tilespmem:v11+s1+$0x0] =	vst.idx.msk $0xffff, v8;
	(pc) =	sbr.rel @p0 .LBB2_40-.Ltmp19, $4  }
0x3fd: {  	v14 =	vadd.s32 v3, v4;
	v4 =	vmov v6;
	v6 =	vmov v18;
	[tilespmem:v15+s1+$0x0] =	vst.idx.msk $0xffff, v13;
	v9 =	vld [tilespmem:s12+$0x30]  }
0x3fe: {  	v12 =	vadd.s32 v3, v5;
	v5 =	vmov v7;
	v7 =	vmov v23;
	[tilespmem:v20+s1+$0x0] =	vst.idx.msk $0xffff, v19;
	v10 =	vld [tilespmem:s12+$0xFFFFFFF0];
	s12 =	smov.u32 s13;
	s13 =	smov.u32 s14  }
0x3ff: {  	v11 =	vadd.s32 v2, v4;
	[tilespmem:v22+s1+$0x0] =	vst.idx.msk $0xffff, v21;
	v8 =	vld [tilespmem:s12+$0x20]  }
0x400: {  	s2 =	sadd.s32 $0x2, s2;
	s15 =	sadd.s32 $0x1, s7;
	v15 =	vadd.s32 v2, v5;
	[tilespmem:v25+s1+$0x0] =	vst.idx.msk $0xffff, v24;
	v13 =	vld [tilespmem:s12+$0xFFFFFFE0]  }
0x401: {  	v18 =	vmov s15  }
0x402: {  	v19 =	vmov s7;
	s2 =	sadd.s32 $0x80, s14;
	v18 =	vand.u32 $0x7F, v18  }
0x403: {  	v19 =	vand.u32 $0x7E, v19;
	v20 =	vld [tilespmem:s2+$0x0];
	v21 =	vadd.s32 v0, v18  }
0x404: {  	v22 =	vld [tilespmem:s2+$0xFFFFFFC0];
	v23 =	vadd.s32 v0, v19;
	_ =	sdelay $0x2  }
0x405: {  	[tilespmem:v17+s1+$0x0] =	vst.idx.msk $0xffff, v16;
	v41 =	vld [tilespmem:s14+$0x10];
	v42 =	vadd.s32 v1, v6  }
0x406: {  	v44 =	vadd.s32 v1, v7;
	v43 =	vld [tilespmem:s13+$0xFFFFFFD0];
	[tilespmem:v21+s1+$0x0] =	vst.idx.msk $0xffff, v20  }
0x407: {  	v46 =	vadd.s32 v1, v18;
	[tilespmem:v23+s1+$0x0] =	vst.idx.msk $0xffff, v22;
	v45 =	vld [tilespmem:s2+$0x10]  }
0x408: {  	[tilespmem:v14+s1+$0x0] =	vst.idx.msk $0xffff, v9;
	v48 =	vadd.s32 v1, v19;
	v47 =	vld [tilespmem:s2+$0xFFFFFFD0]  }
0x409: {  	[tilespmem:v12+s1+$0x0] =	vst.idx.msk $0xffff, v10  }
0x40a: {  	[tilespmem:v42+s1+$0x0] =	vst.idx.msk $0xffff, v41  }
0x40b: {  	v50 =	vadd.s32 v2, v6;
	[tilespmem:v44+s1+$0x0] =	vst.idx.msk $0xffff, v43;
	v49 =	vld [tilespmem:s13+$0x20]  }
0x40c: {  	v52 =	vadd.s32 v2, v7;
	v51 =	vld [tilespmem:s13+$0xFFFFFFE0];
	[tilespmem:v46+s1+$0x0] =	vst.idx.msk $0xffff, v45  }
0x40d: {  	v54 =	vadd.s32 v2, v18;
	[tilespmem:v48+s1+$0x0] =	vst.idx.msk $0xffff, v47;
	v53 =	vld [tilespmem:s2+$0x20]  }
0x40e: {  	v56 =	vadd.s32 v2, v19;
	[tilespmem:v11+s1+$0x0] =	vst.idx.msk $0xffff, v8;
	v55 =	vld [tilespmem:s2+$0xFFFFFFE0]  }
0x40f: {  	v4 =	vadd.s32 v3, v4;
	[tilespmem:v15+s1+$0x0] =	vst.idx.msk $0xffff, v13;
	v57 =	vld [tilespmem:s12+$0x30]  }
0x410: {  	v5 =	vadd.s32 v3, v5;
	v15 =	vld [tilespmem:s12+$0xFFFFFFF0];
	[tilespmem:v50+s1+$0x0] =	vst.idx.msk $0xffff, v49  }
0x411: {  	v58 =	vadd.s32 v3, v6;
	[tilespmem:v52+s1+$0x0] =	vst.idx.msk $0xffff, v51;
	v10 =	vld [tilespmem:s13+$0x30]  }
0x412: {  	v60 =	vadd.s32 v3, v7;
	v59 =	vld [tilespmem:s13+$0xFFFFFFF0];
	[tilespmem:v54+s1+$0x0] =	vst.idx.msk $0xffff, v53  }
0x413: {  	v62 =	vadd.s32 v3, v18;
	[tilespmem:v56+s1+$0x0] =	vst.idx.msk $0xffff, v55;
	v61 =	vld [tilespmem:s2+$0x30]  }
0x414: {  	v63 =	vadd.s32 v3, v19;
	[tilespmem:v4+s1+$0x0] =	vst.idx.msk $0xffff, v57;
	v4 =	vld [tilespmem:s2+$0xFFFFFFF0]  }
0x415: {  	[tilespmem:v5+s1+$0x0] =	vst.idx.msk $0xffff, v15  }
0x416: {  	[tilespmem:v58+s1+$0x0] =	vst.idx.msk $0xffff, v10  }
0x417: {  	[tilespmem:v60+s1+$0x0] =	vst.idx.msk $0xffff, v59  }
0x418: {  	[tilespmem:v62+s1+$0x0] =	vst.idx.msk $0xffff, v61  }
0x419: {  	[tilespmem:v63+s1+$0x0] =	vst.idx.msk $0xffff, v4  }
0x41a: {  	s7 =	simm.s32 $0x10600;
	s13 =	rddreg [dreg:$0x9]  }
0x41b: {  	[hbm4b:s13+s3] =	stream.linear.scatter [tilespmem:s7], [sflag:$0x6], $0x80, $0x38;
	[tilespmem:$0x16C00] =	vst v63  }
0x41c: {  	s12 =	simm.s32 $0x10688;
	s14 =	sadd.s32 $0x10, s13  }
0x41d: {  	[hbm4b:s14+s3] =	stream.linear.scatter [tilespmem:s12], [sflag:$0x6], $0x80, $0x38;
	[tilespmem:$0x16C00] =	vst v63  }
0x41e: {  	s15 =	simm.s32 $0x10710;
	s17 =	simm.s32 $0x10798;
	s16 =	sadd.s32 $0x20, s13  }
0x41f: {  	[hbm4b:s16+s3] =	stream.linear.scatter [tilespmem:s15], [sflag:$0x6], $0x80, $0x38;
	[tilespmem:$0x16C00] =	vst v63  }
0x420: {  	s2 =	simm.s32 $0x2200;
	s21 =	sadd.s32 $0x30, s13;
	s7 =	simm.s32 $0x109B8  }
0x421: {  	[hbm4b:s21+s3] =	stream.linear.scatter [tilespmem:s17], [sflag:$0x6], $0x80, $0x38;
	[tilespmem:$0x16C00] =	vst v63  }
0x422: {  	s12 =	simm.s32 $0x10820;
	s14 =	sadd.s32 $0x40, s13;
	s15 =	simm.s32 $0x108A8  }
0x423: {  	[hbm4b:s14+s3] =	stream.linear.scatter [tilespmem:s12], [sflag:$0x6], $0x80, $0x38;
	[tilespmem:$0x16C00] =	vst v63  }
0x424: {  	s16 =	sadd.s32 $0x50, s13;
	s17 =	simm.s32 $0x10930;
	s21 =	sadd.s32 $0x60, s13  }
0x425: {  	[hbm4b:s16+s3] =	stream.linear.scatter [tilespmem:s15], [sflag:$0x6], $0x80, $0x38;
	[tilespmem:$0x16C00] =	vst v63  }
0x426: {  	s12 =	simm.s32 $0x440;
	s14 =	sadd.s32 $0x70, s13;
	s13 =	sadd.s32 $0x1000, s13  }
0x427: {  	[hbm4b:s21+s3] =	stream.linear.scatter [tilespmem:s17], [sflag:$0x6], $0x80, $0x38;
	[tilespmem:$0x16C00] =	vst v63  }
.LBB2_42:
0x428: {  	[hbm4b:s14+s3] =	stream.linear.scatter [tilespmem:s7], [sflag:$0x6], $0x80, $0x38;
	[tilespmem:$0x16C00] =	vst v63  }
0x429: {  	s7 =	smov.u32 s12;
	s12 =	smov.u32 s2  }
0x42a: {  	s15 =	sadd.s32 $0x1100, s2;
	s12 =	sshra.s32 s12, $0x2;
	s14 =	sadd.s32 $0x10600, s7  }
0x42b: {  	[hbm4b:s13+s3] =	stream.linear.scatter [tilespmem:s14], [sflag:$0x6], $0x80, $0x38;
	[tilespmem:$0x16C00] =	vst v63  }
0x42c: {  	p0 =	sne.s32 s2, $0x7700;
	s2 =	sadd.s32 $0x10688, s7;
	s14 =	sadd.s32 $0x10, s13  }
0x42d: {  	[hbm4b:s14+s3] =	stream.linear.scatter [tilespmem:s2], [sflag:$0x6], $0x80, $0x38;
	[tilespmem:$0x16C00] =	vst v63  }
0x42e: {  	s2 =	sadd.s32 $0x10710, s7;
	s14 =	sadd.s32 $0x20, s13  }
0x42f: {  	[hbm4b:s14+s3] =	stream.linear.scatter [tilespmem:s2], [sflag:$0x6], $0x80, $0x38;
	[tilespmem:$0x16C00] =	vst v63  }
0x430: {  	s2 =	sadd.s32 $0x10798, s7;
	s14 =	sadd.s32 $0x30, s13  }
0x431: {  	[hbm4b:s14+s3] =	stream.linear.scatter [tilespmem:s2], [sflag:$0x6], $0x80, $0x38;
	[tilespmem:$0x16C00] =	vst v63  }
0x432: {  	s2 =	sadd.s32 $0x10820, s7;
	s14 =	sadd.s32 $0x40, s13  }
0x433: {  	[hbm4b:s14+s3] =	stream.linear.scatter [tilespmem:s2], [sflag:$0x6], $0x80, $0x38;
	[tilespmem:$0x16C00] =	vst v63  }
.Ltmp20:
0x434: {  	s2 =	sadd.s32 $0x108A8, s7;
	s14 =	sadd.s32 $0x50, s13;
	(pc) =	sbr.rel @p0 .LBB2_42-.Ltmp20, $4  }
0x435: {  	[hbm4b:s14+s3] =	stream.linear.scatter [tilespmem:s2], [sflag:$0x6], $0x80, $0x38;
	[tilespmem:$0x16C00] =	vst v63  }
0x436: {  	s2 =	sadd.s32 $0x10930, s7;
	s14 =	sadd.s32 $0x60, s13;
	s7 =	sadd.s32 $0x109B8, s7  }
0x437: {  	[hbm4b:s14+s3] =	stream.linear.scatter [tilespmem:s2], [sflag:$0x6], $0x80, $0x38;
	[tilespmem:$0x16C00] =	vst v63  }
0x438: {  	s14 =	sadd.s32 $0x70, s13;
	s13 =	sadd.s32 $0x1000, s13;
	s2 =	smov.u32 s15  }
0x439: {  	[hbm4b:s14+s3] =	stream.linear.scatter [tilespmem:s7], [sflag:$0x6], $0x80, $0x38;
	[tilespmem:$0x16C00] =	vst v63  }
0x43a: {  	s2 =	sadd.s32 $0x10600, s12  }
0x43b: {  	[hbm4b:s13+s3] =	stream.linear.scatter [tilespmem:s2], [sflag:$0x6], $0x80, $0x38;
	[tilespmem:$0x16C00] =	vst v63  }
0x43c: {  	s17 =	sadd.s32 $0x10688, s12;
	s21 =	sadd.s32 $0x10, s13  }
0x43d: {  	[hbm4b:s21+s3] =	stream.linear.scatter [tilespmem:s17], [sflag:$0x6], $0x80, $0x38;
	[tilespmem:$0x16C00] =	vst v63  }
0x43e: {  	s7 =	sadd.s32 $0x10710, s12;
	s14 =	sadd.s32 $0x20, s13  }
0x43f: {  	[hbm4b:s14+s3] =	stream.linear.scatter [tilespmem:s7], [sflag:$0x6], $0x80, $0x38;
	[tilespmem:$0x16C00] =	vst v63  }
0x440: {  	s15 =	sadd.s32 $0x10798, s12;
	s16 =	sadd.s32 $0x30, s13  }
0x441: {  	[hbm4b:s16+s3] =	stream.linear.scatter [tilespmem:s15], [sflag:$0x6], $0x80, $0x38;
	[tilespmem:$0x16C00] =	vst v63  }
0x442: {  	s17 =	sadd.s32 $0x10820, s12;
	s21 =	sadd.s32 $0x40, s13  }
0x443: {  	[hbm4b:s21+s3] =	stream.linear.scatter [tilespmem:s17], [sflag:$0x6], $0x80, $0x38;
	[tilespmem:$0x16C00] =	vst v63  }
0x444: {  	s7 =	sadd.s32 $0x108A8, s12;
	s14 =	sadd.s32 $0x50, s13  }
0x445: {  	[hbm4b:s14+s3] =	stream.linear.scatter [tilespmem:s7], [sflag:$0x6], $0x80, $0x38;
	[tilespmem:$0x16C00] =	vst v63  }
0x446: {  	s15 =	sadd.s32 $0x10930, s12;
	s16 =	sadd.s32 $0x60, s13  }
0x447: {  	[hbm4b:s16+s3] =	stream.linear.scatter [tilespmem:s15], [sflag:$0x6], $0x80, $0x38;
	[tilespmem:$0x16C00] =	vst v63  }
0x448: {  	s17 =	sadd.s32 $0x109B8, s12;
	s21 =	sadd.s32 $0x70, s13  }
0x449: {  	[hbm4b:s21+s3] =	stream.linear.scatter [tilespmem:s17], [sflag:$0x6], $0x80, $0x38;
	[tilespmem:$0x16C00] =	vst v63  }
0x44a: {  	_ =	swait.ge [sflag:s23], $0x2000  }
0x44b: {  	[sflag:s23] =	ssyncset.done $0x0  }
0x44c: {  	[sflag:s23] =	ssyncadd.s32 $0xFFFFE000  }
0x44d: {  	s7 =	simm.s32 $0x1;
	_ =	swait.ge [sflag:s19], $0x2000  }
0x44e: {  	s12 =	simm.s32 $0x0;
	v4 =	vmov s7;
	[sflag:s19] =	ssyncset.done $0x0  }
0x44f: {  	s13 =	simm.s32 $0xA440;
	v5 =	vmov s12;
	v8 =	vand.u32 $0x7F, v4;
	[sflag:s19] =	ssyncadd.s32 $0xFFFFE000  }
0x450: {  	v11 =	vand.u32 $0x7E, v5;
	v5 =	vadd.s32 v0, v8;
	v4 =	vld [tilespmem:s13+$0x0]  }
0x451: {  	v7 =	vadd.s32 v0, v11;
	v6 =	vld [tilespmem:s13+$0xFFFFFFC0];
	_ =	sdelay $0x3  }
0x452: {  	s15 =	simm.s32 $0x3;
	[tilespmem:v5+s25+$0x0] =	vst.idx.msk $0xffff, v4  }
0x453: {  	s16 =	simm.s32 $0x2;
	v4 =	vmov s15;
	[tilespmem:v7+s25+$0x0] =	vst.idx.msk $0xffff, v6;
	v7 =	vadd.s32 v1, v8;
	v6 =	vld [tilespmem:s13+$0x10]  }
0x454: {  	s12 =	simm.s32 $0xA4C0;
	v10 =	vadd.s32 v1, v11;
	v5 =	vmov s16;
	v4 =	vand.u32 $0x7F, v4;
	v9 =	vld [tilespmem:s13+$0xFFFFFFD0]  }
0x455: {  	v12 =	vld [tilespmem:s12+$0x0];
	v5 =	vand.u32 $0x7E, v5;
	v13 =	vadd.s32 v0, v4  }
0x456: {  	v14 =	vld [tilespmem:s12+$0xFFFFFFC0];
	v15 =	vadd.s32 v0, v5;
	_ =	sdelay $0x1  }
0x457: {  	[tilespmem:v7+s25+$0x0] =	vst.idx.msk $0xffff, v6  }
0x458: {  	[tilespmem:v10+s25+$0x0] =	vst.idx.msk $0xffff, v9;
	v9 =	vadd.s32 v2, v8;
	v7 =	vld [tilespmem:s13+$0x20]  }
0x459: {  	[tilespmem:v13+s25+$0x0] =	vst.idx.msk $0xffff, v12;
	v10 =	vld [tilespmem:s13+$0xFFFFFFE0];
	v12 =	vadd.s32 v2, v11  }
0x45a: {  	s17 =	simm.s32 $0x5;
	[tilespmem:v15+s25+$0x0] =	vst.idx.msk $0xffff, v14;
	v14 =	vadd.s32 v1, v4;
	v13 =	vld [tilespmem:s12+$0x10]  }
0x45b: {  	s21 =	simm.s32 $0x4;
	v6 =	vmov s17  }
0x45c: {  	s14 =	simm.s32 $0xA540;
	v17 =	vmov s21;
	v18 =	vadd.s32 v1, v5;
	v6 =	vand.u32 $0x7F, v6;
	v15 =	vld [tilespmem:s12+$0xFFFFFFD0]  }
0x45d: {  	v19 =	vld [tilespmem:s14+$0x0];
	v20 =	vadd.s32 v0, v6;
	[tilespmem:v9+s25+$0x0] =	vst.idx.msk $0xffff, v7;
	v7 =	vand.u32 $0x7E, v17  }
0x45e: {  	v16 =	vld [tilespmem:s14+$0xFFFFFFC0];
	[tilespmem:v12+s25+$0x0] =	vst.idx.msk $0xffff, v10;
	v17 =	vadd.s32 v0, v7  }
0x45f: {  	v9 =	vld [tilespmem:s13+$0x30];
	[tilespmem:v14+s25+$0x0] =	vst.idx.msk $0xffff, v13;
	v14 =	vadd.s32 v3, v8  }
0x460: {  	v12 =	vadd.s32 v3, v11;
	v10 =	vld [tilespmem:s13+$0xFFFFFFF0]  }
0x461: {  	s2 =	simm.s32 $0x8;
	v11 =	vadd.s32 v2, v4;
	[tilespmem:v18+s25+$0x0] =	vst.idx.msk $0xffff, v15;
	v8 =	vld [tilespmem:s12+$0x20]  }
0x462: {  	s7 =	simm.s32 $0x6;
	s15 =	simm.s32 $0x7;
	[tilespmem:v20+s25+$0x0] =	vst.idx.msk $0xffff, v19;
	v15 =	vadd.s32 v2, v5;
	s13 =	simm.s32 $0xA540;
	v13 =	vld [tilespmem:s12+$0xFFFFFFE0]  }
.LBB2_44:
0x463: {  	p0 =	slt.u32 s2, $0x7E;
	v18 =	vmov s15;
	[tilespmem:v17+s25+$0x0] =	vst.idx.msk $0xffff, v16;
	v19 =	vld [tilespmem:s14+$0x10];
	v20 =	vadd.s32 v1, v6  }
0x464: {  	v16 =	vmov s7;
	v22 =	vadd.s32 v1, v7;
	s14 =	sadd.s32 $0x80, s14;
	s7 =	smov.u32 s2;
	v18 =	vand.u32 $0x7F, v18;
	v21 =	vld [tilespmem:s13+$0xFFFFFFD0];
	[tilespmem:v14+s25+$0x0] =	vst.idx.msk $0xffff, v9  }
0x465: {  	v23 =	vand.u32 $0x7E, v16;
	v24 =	vld [tilespmem:s14+$0x0];
	v25 =	vadd.s32 v0, v18;
	[tilespmem:v12+s25+$0x0] =	vst.idx.msk $0xffff, v10  }
.Ltmp21:
0x466: {  	v17 =	vadd.s32 v0, v23;
	v16 =	vld [tilespmem:s14+$0xFFFFFFC0];
	[tilespmem:v11+s25+$0x0] =	vst.idx.msk $0xffff, v8;
	(pc) =	sbr.rel @p0 .LBB2_44-.Ltmp21, $4  }
0x467: {  	v14 =	vadd.s32 v3, v4;
	v4 =	vmov v6;
	v6 =	vmov v18;
	[tilespmem:v15+s25+$0x0] =	vst.idx.msk $0xffff, v13;
	v9 =	vld [tilespmem:s12+$0x30]  }
0x468: {  	v12 =	vadd.s32 v3, v5;
	v5 =	vmov v7;
	v7 =	vmov v23;
	[tilespmem:v20+s25+$0x0] =	vst.idx.msk $0xffff, v19;
	v10 =	vld [tilespmem:s12+$0xFFFFFFF0];
	s12 =	smov.u32 s13;
	s13 =	smov.u32 s14  }
0x469: {  	v11 =	vadd.s32 v2, v4;
	[tilespmem:v22+s25+$0x0] =	vst.idx.msk $0xffff, v21;
	v8 =	vld [tilespmem:s12+$0x20]  }
0x46a: {  	s2 =	sadd.s32 $0x2, s2;
	s15 =	sadd.s32 $0x1, s7;
	v15 =	vadd.s32 v2, v5;
	[tilespmem:v25+s25+$0x0] =	vst.idx.msk $0xffff, v24;
	v13 =	vld [tilespmem:s12+$0xFFFFFFE0]  }
0x46b: {  	v18 =	vmov s15  }
0x46c: {  	v19 =	vmov s7;
	s2 =	sadd.s32 $0x80, s14;
	v18 =	vand.u32 $0x7F, v18  }
0x46d: {  	v19 =	vand.u32 $0x7E, v19;
	v20 =	vld [tilespmem:s2+$0x0];
	v21 =	vadd.s32 v0, v18  }
0x46e: {  	v22 =	vld [tilespmem:s2+$0xFFFFFFC0];
	v23 =	vadd.s32 v0, v19;
	_ =	sdelay $0x2  }
0x46f: {  	[tilespmem:v17+s25+$0x0] =	vst.idx.msk $0xffff, v16;
	v41 =	vld [tilespmem:s14+$0x10];
	v42 =	vadd.s32 v1, v6  }
0x470: {  	v44 =	vadd.s32 v1, v7;
	v43 =	vld [tilespmem:s13+$0xFFFFFFD0];
	[tilespmem:v21+s25+$0x0] =	vst.idx.msk $0xffff, v20  }
0x471: {  	v46 =	vadd.s32 v1, v18;
	[tilespmem:v23+s25+$0x0] =	vst.idx.msk $0xffff, v22;
	v45 =	vld [tilespmem:s2+$0x10]  }
0x472: {  	[tilespmem:v14+s25+$0x0] =	vst.idx.msk $0xffff, v9;
	v48 =	vadd.s32 v1, v19;
	v47 =	vld [tilespmem:s2+$0xFFFFFFD0]  }
0x473: {  	[tilespmem:v12+s25+$0x0] =	vst.idx.msk $0xffff, v10  }
0x474: {  	[tilespmem:v42+s25+$0x0] =	vst.idx.msk $0xffff, v41  }
0x475: {  	v50 =	vadd.s32 v2, v6;
	[tilespmem:v44+s25+$0x0] =	vst.idx.msk $0xffff, v43;
	v49 =	vld [tilespmem:s13+$0x20]  }
0x476: {  	v52 =	vadd.s32 v2, v7;
	v51 =	vld [tilespmem:s13+$0xFFFFFFE0];
	[tilespmem:v46+s25+$0x0] =	vst.idx.msk $0xffff, v45  }
0x477: {  	v54 =	vadd.s32 v2, v18;
	[tilespmem:v48+s25+$0x0] =	vst.idx.msk $0xffff, v47;
	v53 =	vld [tilespmem:s2+$0x20]  }
0x478: {  	v56 =	vadd.s32 v2, v19;
	[tilespmem:v11+s25+$0x0] =	vst.idx.msk $0xffff, v8;
	v55 =	vld [tilespmem:s2+$0xFFFFFFE0]  }
0x479: {  	v4 =	vadd.s32 v3, v4;
	[tilespmem:v15+s25+$0x0] =	vst.idx.msk $0xffff, v13;
	v57 =	vld [tilespmem:s12+$0x30]  }
0x47a: {  	v5 =	vadd.s32 v3, v5;
	v15 =	vld [tilespmem:s12+$0xFFFFFFF0];
	[tilespmem:v50+s25+$0x0] =	vst.idx.msk $0xffff, v49  }
0x47b: {  	v58 =	vadd.s32 v3, v6;
	[tilespmem:v52+s25+$0x0] =	vst.idx.msk $0xffff, v51;
	v10 =	vld [tilespmem:s13+$0x30]  }
0x47c: {  	v60 =	vadd.s32 v3, v7;
	v59 =	vld [tilespmem:s13+$0xFFFFFFF0];
	[tilespmem:v54+s25+$0x0] =	vst.idx.msk $0xffff, v53  }
0x47d: {  	v62 =	vadd.s32 v3, v18;
	[tilespmem:v56+s25+$0x0] =	vst.idx.msk $0xffff, v55;
	v61 =	vld [tilespmem:s2+$0x30]  }
0x47e: {  	v63 =	vadd.s32 v3, v19;
	[tilespmem:v4+s25+$0x0] =	vst.idx.msk $0xffff, v57;
	v4 =	vld [tilespmem:s2+$0xFFFFFFF0]  }
0x47f: {  	[tilespmem:v5+s25+$0x0] =	vst.idx.msk $0xffff, v15  }
0x480: {  	[tilespmem:v58+s25+$0x0] =	vst.idx.msk $0xffff, v10  }
0x481: {  	[tilespmem:v60+s25+$0x0] =	vst.idx.msk $0xffff, v59  }
0x482: {  	[tilespmem:v62+s25+$0x0] =	vst.idx.msk $0xffff, v61  }
0x483: {  	[tilespmem:v63+s25+$0x0] =	vst.idx.msk $0xffff, v4  }
0x484: {  	s7 =	simm.s32 $0x12800;
	s13 =	rddreg [dreg:$0xa]  }
0x485: {  	[hbm4b:s13+s3] =	stream.linear.scatter [tilespmem:s7], [sflag:$0x7], $0x80, $0x38;
	[tilespmem:$0x16C00] =	vst v63  }
0x486: {  	s12 =	simm.s32 $0x12888;
	s14 =	sadd.s32 $0x10, s13  }
0x487: {  	[hbm4b:s14+s3] =	stream.linear.scatter [tilespmem:s12], [sflag:$0x7], $0x80, $0x38;
	[tilespmem:$0x16C00] =	vst v63  }
0x488: {  	s15 =	simm.s32 $0x12910;
	s17 =	simm.s32 $0x12998;
	s16 =	sadd.s32 $0x20, s13  }
0x489: {  	[hbm4b:s16+s3] =	stream.linear.scatter [tilespmem:s15], [sflag:$0x7], $0x80, $0x38;
	[tilespmem:$0x16C00] =	vst v63  }
0x48a: {  	s2 =	simm.s32 $0x2200;
	s21 =	sadd.s32 $0x30, s13;
	s7 =	simm.s32 $0x12BB8  }
0x48b: {  	[hbm4b:s21+s3] =	stream.linear.scatter [tilespmem:s17], [sflag:$0x7], $0x80, $0x38;
	[tilespmem:$0x16C00] =	vst v63  }
0x48c: {  	s12 =	simm.s32 $0x12A20;
	s14 =	sadd.s32 $0x40, s13;
	s15 =	simm.s32 $0x12AA8  }
0x48d: {  	[hbm4b:s14+s3] =	stream.linear.scatter [tilespmem:s12], [sflag:$0x7], $0x80, $0x38;
	[tilespmem:$0x16C00] =	vst v63  }
0x48e: {  	s16 =	sadd.s32 $0x50, s13;
	s17 =	simm.s32 $0x12B30;
	s21 =	sadd.s32 $0x60, s13  }
0x48f: {  	[hbm4b:s16+s3] =	stream.linear.scatter [tilespmem:s15], [sflag:$0x7], $0x80, $0x38;
	[tilespmem:$0x16C00] =	vst v63  }
0x490: {  	s12 =	simm.s32 $0x440;
	s14 =	sadd.s32 $0x70, s13;
	s13 =	sadd.s32 $0x1000, s13  }
0x491: {  	[hbm4b:s21+s3] =	stream.linear.scatter [tilespmem:s17], [sflag:$0x7], $0x80, $0x38;
	[tilespmem:$0x16C00] =	vst v63  }
.LBB2_46:
0x492: {  	[hbm4b:s14+s3] =	stream.linear.scatter [tilespmem:s7], [sflag:$0x7], $0x80, $0x38;
	[tilespmem:$0x16C00] =	vst v63  }
0x493: {  	s7 =	smov.u32 s12;
	s12 =	smov.u32 s2  }
0x494: {  	s15 =	sadd.s32 $0x1100, s2;
	s12 =	sshra.s32 s12, $0x2;
	s14 =	sadd.s32 $0x12800, s7  }
0x495: {  	[hbm4b:s13+s3] =	stream.linear.scatter [tilespmem:s14], [sflag:$0x7], $0x80, $0x38;
	[tilespmem:$0x16C00] =	vst v63  }
0x496: {  	p0 =	sne.s32 s2, $0x7700;
	s2 =	sadd.s32 $0x12888, s7;
	s14 =	sadd.s32 $0x10, s13  }
0x497: {  	[hbm4b:s14+s3] =	stream.linear.scatter [tilespmem:s2], [sflag:$0x7], $0x80, $0x38;
	[tilespmem:$0x16C00] =	vst v63  }
0x498: {  	s2 =	sadd.s32 $0x12910, s7;
	s14 =	sadd.s32 $0x20, s13  }
0x499: {  	[hbm4b:s14+s3] =	stream.linear.scatter [tilespmem:s2], [sflag:$0x7], $0x80, $0x38;
	[tilespmem:$0x16C00] =	vst v63  }
0x49a: {  	s2 =	sadd.s32 $0x12998, s7;
	s14 =	sadd.s32 $0x30, s13  }
0x49b: {  	[hbm4b:s14+s3] =	stream.linear.scatter [tilespmem:s2], [sflag:$0x7], $0x80, $0x38;
	[tilespmem:$0x16C00] =	vst v63  }
0x49c: {  	s2 =	sadd.s32 $0x12A20, s7;
	s14 =	sadd.s32 $0x40, s13  }
0x49d: {  	[hbm4b:s14+s3] =	stream.linear.scatter [tilespmem:s2], [sflag:$0x7], $0x80, $0x38;
	[tilespmem:$0x16C00] =	vst v63  }
.Ltmp22:
0x49e: {  	s2 =	sadd.s32 $0x12AA8, s7;
	s14 =	sadd.s32 $0x50, s13;
	(pc) =	sbr.rel @p0 .LBB2_46-.Ltmp22, $4  }
0x49f: {  	[hbm4b:s14+s3] =	stream.linear.scatter [tilespmem:s2], [sflag:$0x7], $0x80, $0x38;
	[tilespmem:$0x16C00] =	vst v63  }
0x4a0: {  	s2 =	sadd.s32 $0x12B30, s7;
	s14 =	sadd.s32 $0x60, s13;
	s7 =	sadd.s32 $0x12BB8, s7  }
0x4a1: {  	[hbm4b:s14+s3] =	stream.linear.scatter [tilespmem:s2], [sflag:$0x7], $0x80, $0x38;
	[tilespmem:$0x16C00] =	vst v63  }
0x4a2: {  	s14 =	sadd.s32 $0x70, s13;
	s13 =	sadd.s32 $0x1000, s13;
	s2 =	smov.u32 s15  }
0x4a3: {  	[hbm4b:s14+s3] =	stream.linear.scatter [tilespmem:s7], [sflag:$0x7], $0x80, $0x38;
	[tilespmem:$0x16C00] =	vst v63  }
0x4a4: {  	s2 =	sadd.s32 $0x12800, s12  }
0x4a5: {  	[hbm4b:s13+s3] =	stream.linear.scatter [tilespmem:s2], [sflag:$0x7], $0x80, $0x38;
	[tilespmem:$0x16C00] =	vst v63  }
0x4a6: {  	s17 =	sadd.s32 $0x12888, s12;
	s21 =	sadd.s32 $0x10, s13  }
0x4a7: {  	[hbm4b:s21+s3] =	stream.linear.scatter [tilespmem:s17], [sflag:$0x7], $0x80, $0x38;
	[tilespmem:$0x16C00] =	vst v63  }
0x4a8: {  	s7 =	sadd.s32 $0x12910, s12;
	s14 =	sadd.s32 $0x20, s13  }
0x4a9: {  	[hbm4b:s14+s3] =	stream.linear.scatter [tilespmem:s7], [sflag:$0x7], $0x80, $0x38;
	[tilespmem:$0x16C00] =	vst v63  }
0x4aa: {  	s15 =	sadd.s32 $0x12998, s12;
	s16 =	sadd.s32 $0x30, s13  }
0x4ab: {  	[hbm4b:s16+s3] =	stream.linear.scatter [tilespmem:s15], [sflag:$0x7], $0x80, $0x38;
	[tilespmem:$0x16C00] =	vst v63  }
0x4ac: {  	s17 =	sadd.s32 $0x12A20, s12;
	s21 =	sadd.s32 $0x40, s13  }
0x4ad: {  	[hbm4b:s21+s3] =	stream.linear.scatter [tilespmem:s17], [sflag:$0x7], $0x80, $0x38;
	[tilespmem:$0x16C00] =	vst v63  }
0x4ae: {  	s7 =	sadd.s32 $0x12AA8, s12;
	s14 =	sadd.s32 $0x50, s13  }
0x4af: {  	[hbm4b:s14+s3] =	stream.linear.scatter [tilespmem:s7], [sflag:$0x7], $0x80, $0x38;
	[tilespmem:$0x16C00] =	vst v63  }
0x4b0: {  	s15 =	sadd.s32 $0x12B30, s12;
	s16 =	sadd.s32 $0x60, s13  }
0x4b1: {  	[hbm4b:s16+s3] =	stream.linear.scatter [tilespmem:s15], [sflag:$0x7], $0x80, $0x38;
	[tilespmem:$0x16C00] =	vst v63  }
0x4b2: {  	s17 =	sadd.s32 $0x12BB8, s12;
	s21 =	sadd.s32 $0x70, s13  }
0x4b3: {  	[hbm4b:s21+s3] =	stream.linear.scatter [tilespmem:s17], [sflag:$0x7], $0x80, $0x38;
	[tilespmem:$0x16C00] =	vst v63  }
0x4b4: {  	_ =	swait.ge [sflag:s0], $0x2000  }
0x4b5: {  	[sflag:s0] =	ssyncset.done $0x0  }
0x4b6: {  	[sflag:s0] =	ssyncadd.s32 $0xFFFFE000  }
0x4b7: {  	s7 =	simm.s32 $0x1;
	_ =	swait.ge [sflag:s11], $0x2000  }
0x4b8: {  	s12 =	simm.s32 $0x0;
	v4 =	vmov s7;
	[sflag:s11] =	ssyncset.done $0x0  }
0x4b9: {  	s13 =	simm.s32 $0xC440;
	v5 =	vmov s12;
	v8 =	vand.u32 $0x7F, v4;
	[sflag:s11] =	ssyncadd.s32 $0xFFFFE000  }
0x4ba: {  	v11 =	vand.u32 $0x7E, v5;
	v5 =	vadd.s32 v0, v8;
	v4 =	vld [tilespmem:s13+$0x0]  }
0x4bb: {  	v7 =	vadd.s32 v0, v11;
	v6 =	vld [tilespmem:s13+$0xFFFFFFC0];
	_ =	sdelay $0x3  }
0x4bc: {  	s15 =	simm.s32 $0x3;
	[tilespmem:v5+s30+$0x0] =	vst.idx.msk $0xffff, v4  }
0x4bd: {  	s16 =	simm.s32 $0x2;
	v4 =	vmov s15;
	[tilespmem:v7+s30+$0x0] =	vst.idx.msk $0xffff, v6;
	v7 =	vadd.s32 v1, v8;
	v6 =	vld [tilespmem:s13+$0x10]  }
0x4be: {  	s12 =	simm.s32 $0xC4C0;
	v10 =	vadd.s32 v1, v11;
	v5 =	vmov s16;
	v4 =	vand.u32 $0x7F, v4;
	v9 =	vld [tilespmem:s13+$0xFFFFFFD0]  }
0x4bf: {  	v12 =	vld [tilespmem:s12+$0x0];
	v5 =	vand.u32 $0x7E, v5;
	v13 =	vadd.s32 v0, v4  }
0x4c0: {  	v14 =	vld [tilespmem:s12+$0xFFFFFFC0];
	v15 =	vadd.s32 v0, v5;
	_ =	sdelay $0x1  }
0x4c1: {  	[tilespmem:v7+s30+$0x0] =	vst.idx.msk $0xffff, v6  }
0x4c2: {  	[tilespmem:v10+s30+$0x0] =	vst.idx.msk $0xffff, v9;
	v9 =	vadd.s32 v2, v8;
	v7 =	vld [tilespmem:s13+$0x20]  }
0x4c3: {  	[tilespmem:v13+s30+$0x0] =	vst.idx.msk $0xffff, v12;
	v10 =	vld [tilespmem:s13+$0xFFFFFFE0];
	v12 =	vadd.s32 v2, v11  }
0x4c4: {  	s17 =	simm.s32 $0x5;
	[tilespmem:v15+s30+$0x0] =	vst.idx.msk $0xffff, v14;
	v14 =	vadd.s32 v1, v4;
	v13 =	vld [tilespmem:s12+$0x10]  }
0x4c5: {  	s21 =	simm.s32 $0x4;
	v6 =	vmov s17  }
0x4c6: {  	s14 =	simm.s32 $0xC540;
	v17 =	vmov s21;
	v18 =	vadd.s32 v1, v5;
	v6 =	vand.u32 $0x7F, v6;
	v15 =	vld [tilespmem:s12+$0xFFFFFFD0]  }
0x4c7: {  	v19 =	vld [tilespmem:s14+$0x0];
	v20 =	vadd.s32 v0, v6;
	[tilespmem:v9+s30+$0x0] =	vst.idx.msk $0xffff, v7;
	v7 =	vand.u32 $0x7E, v17  }
0x4c8: {  	v16 =	vld [tilespmem:s14+$0xFFFFFFC0];
	[tilespmem:v12+s30+$0x0] =	vst.idx.msk $0xffff, v10;
	v17 =	vadd.s32 v0, v7  }
0x4c9: {  	v9 =	vld [tilespmem:s13+$0x30];
	[tilespmem:v14+s30+$0x0] =	vst.idx.msk $0xffff, v13;
	v14 =	vadd.s32 v3, v8  }
0x4ca: {  	v12 =	vadd.s32 v3, v11;
	v10 =	vld [tilespmem:s13+$0xFFFFFFF0]  }
0x4cb: {  	s2 =	simm.s32 $0x8;
	v11 =	vadd.s32 v2, v4;
	[tilespmem:v18+s30+$0x0] =	vst.idx.msk $0xffff, v15;
	v8 =	vld [tilespmem:s12+$0x20]  }
0x4cc: {  	s7 =	simm.s32 $0x6;
	s15 =	simm.s32 $0x7;
	[tilespmem:v20+s30+$0x0] =	vst.idx.msk $0xffff, v19;
	v15 =	vadd.s32 v2, v5;
	s13 =	simm.s32 $0xC540;
	v13 =	vld [tilespmem:s12+$0xFFFFFFE0]  }
.LBB2_48:
0x4cd: {  	p0 =	slt.u32 s2, $0x7E;
	v18 =	vmov s15;
	[tilespmem:v17+s30+$0x0] =	vst.idx.msk $0xffff, v16;
	v19 =	vld [tilespmem:s14+$0x10];
	v20 =	vadd.s32 v1, v6  }
0x4ce: {  	v16 =	vmov s7;
	v22 =	vadd.s32 v1, v7;
	s14 =	sadd.s32 $0x80, s14;
	s7 =	smov.u32 s2;
	v18 =	vand.u32 $0x7F, v18;
	v21 =	vld [tilespmem:s13+$0xFFFFFFD0];
	[tilespmem:v14+s30+$0x0] =	vst.idx.msk $0xffff, v9  }
0x4cf: {  	v23 =	vand.u32 $0x7E, v16;
	v24 =	vld [tilespmem:s14+$0x0];
	v25 =	vadd.s32 v0, v18;
	[tilespmem:v12+s30+$0x0] =	vst.idx.msk $0xffff, v10  }
.Ltmp23:
0x4d0: {  	v17 =	vadd.s32 v0, v23;
	v16 =	vld [tilespmem:s14+$0xFFFFFFC0];
	[tilespmem:v11+s30+$0x0] =	vst.idx.msk $0xffff, v8;
	(pc) =	sbr.rel @p0 .LBB2_48-.Ltmp23, $4  }
0x4d1: {  	v14 =	vadd.s32 v3, v4;
	v4 =	vmov v6;
	v6 =	vmov v18;
	[tilespmem:v15+s30+$0x0] =	vst.idx.msk $0xffff, v13;
	v9 =	vld [tilespmem:s12+$0x30]  }
0x4d2: {  	v12 =	vadd.s32 v3, v5;
	v5 =	vmov v7;
	v7 =	vmov v23;
	[tilespmem:v20+s30+$0x0] =	vst.idx.msk $0xffff, v19;
	v10 =	vld [tilespmem:s12+$0xFFFFFFF0];
	s12 =	smov.u32 s13;
	s13 =	smov.u32 s14  }
0x4d3: {  	v11 =	vadd.s32 v2, v4;
	[tilespmem:v22+s30+$0x0] =	vst.idx.msk $0xffff, v21;
	v8 =	vld [tilespmem:s12+$0x20]  }
0x4d4: {  	s2 =	sadd.s32 $0x2, s2;
	s15 =	sadd.s32 $0x1, s7;
	v15 =	vadd.s32 v2, v5;
	[tilespmem:v25+s30+$0x0] =	vst.idx.msk $0xffff, v24;
	v13 =	vld [tilespmem:s12+$0xFFFFFFE0]  }
0x4d5: {  	v18 =	vmov s15  }
0x4d6: {  	v19 =	vmov s7;
	s2 =	sadd.s32 $0x80, s14;
	v18 =	vand.u32 $0x7F, v18  }
0x4d7: {  	v19 =	vand.u32 $0x7E, v19;
	v20 =	vld [tilespmem:s2+$0x0];
	v21 =	vadd.s32 v0, v18  }
0x4d8: {  	v22 =	vld [tilespmem:s2+$0xFFFFFFC0];
	v23 =	vadd.s32 v0, v19;
	_ =	sdelay $0x2  }
0x4d9: {  	[tilespmem:v17+s30+$0x0] =	vst.idx.msk $0xffff, v16;
	v41 =	vld [tilespmem:s14+$0x10];
	v42 =	vadd.s32 v1, v6  }
0x4da: {  	v44 =	vadd.s32 v1, v7;
	v43 =	vld [tilespmem:s13+$0xFFFFFFD0];
	[tilespmem:v21+s30+$0x0] =	vst.idx.msk $0xffff, v20  }
0x4db: {  	v46 =	vadd.s32 v1, v18;
	[tilespmem:v23+s30+$0x0] =	vst.idx.msk $0xffff, v22;
	v45 =	vld [tilespmem:s2+$0x10]  }
0x4dc: {  	[tilespmem:v14+s30+$0x0] =	vst.idx.msk $0xffff, v9;
	v48 =	vadd.s32 v1, v19;
	v47 =	vld [tilespmem:s2+$0xFFFFFFD0]  }
0x4dd: {  	[tilespmem:v12+s30+$0x0] =	vst.idx.msk $0xffff, v10  }
0x4de: {  	[tilespmem:v42+s30+$0x0] =	vst.idx.msk $0xffff, v41  }
0x4df: {  	v50 =	vadd.s32 v2, v6;
	[tilespmem:v44+s30+$0x0] =	vst.idx.msk $0xffff, v43;
	v49 =	vld [tilespmem:s13+$0x20]  }
0x4e0: {  	v52 =	vadd.s32 v2, v7;
	v51 =	vld [tilespmem:s13+$0xFFFFFFE0];
	[tilespmem:v46+s30+$0x0] =	vst.idx.msk $0xffff, v45  }
0x4e1: {  	v54 =	vadd.s32 v2, v18;
	[tilespmem:v48+s30+$0x0] =	vst.idx.msk $0xffff, v47;
	v53 =	vld [tilespmem:s2+$0x20]  }
0x4e2: {  	v56 =	vadd.s32 v2, v19;
	[tilespmem:v11+s30+$0x0] =	vst.idx.msk $0xffff, v8;
	v55 =	vld [tilespmem:s2+$0xFFFFFFE0]  }
0x4e3: {  	v4 =	vadd.s32 v3, v4;
	[tilespmem:v15+s30+$0x0] =	vst.idx.msk $0xffff, v13;
	v57 =	vld [tilespmem:s12+$0x30]  }
0x4e4: {  	v5 =	vadd.s32 v3, v5;
	v15 =	vld [tilespmem:s12+$0xFFFFFFF0];
	[tilespmem:v50+s30+$0x0] =	vst.idx.msk $0xffff, v49  }
0x4e5: {  	v58 =	vadd.s32 v3, v6;
	[tilespmem:v52+s30+$0x0] =	vst.idx.msk $0xffff, v51;
	v10 =	vld [tilespmem:s13+$0x30]  }
0x4e6: {  	v60 =	vadd.s32 v3, v7;
	v59 =	vld [tilespmem:s13+$0xFFFFFFF0];
	[tilespmem:v54+s30+$0x0] =	vst.idx.msk $0xffff, v53  }
0x4e7: {  	v62 =	vadd.s32 v3, v18;
	[tilespmem:v56+s30+$0x0] =	vst.idx.msk $0xffff, v55;
	v61 =	vld [tilespmem:s2+$0x30]  }
0x4e8: {  	v63 =	vadd.s32 v3, v19;
	[tilespmem:v4+s30+$0x0] =	vst.idx.msk $0xffff, v57;
	v4 =	vld [tilespmem:s2+$0xFFFFFFF0]  }
0x4e9: {  	[tilespmem:v5+s30+$0x0] =	vst.idx.msk $0xffff, v15  }
0x4ea: {  	[tilespmem:v58+s30+$0x0] =	vst.idx.msk $0xffff, v10  }
0x4eb: {  	[tilespmem:v60+s30+$0x0] =	vst.idx.msk $0xffff, v59  }
0x4ec: {  	[tilespmem:v62+s30+$0x0] =	vst.idx.msk $0xffff, v61  }
0x4ed: {  	[tilespmem:v63+s30+$0x0] =	vst.idx.msk $0xffff, v4  }
0x4ee: {  	s7 =	simm.s32 $0x14A00;
	s13 =	rddreg [dreg:$0xb]  }
0x4ef: {  	[hbm4b:s13+s3] =	stream.linear.scatter [tilespmem:s7], [sflag:$0x8], $0x80, $0x38;
	[tilespmem:$0x16C00] =	vst v63  }
0x4f0: {  	s12 =	simm.s32 $0x14A88;
	s14 =	sadd.s32 $0x10, s13  }
0x4f1: {  	[hbm4b:s14+s3] =	stream.linear.scatter [tilespmem:s12], [sflag:$0x8], $0x80, $0x38;
	[tilespmem:$0x16C00] =	vst v63  }
0x4f2: {  	s15 =	simm.s32 $0x14B10;
	s17 =	simm.s32 $0x14B98;
	s16 =	sadd.s32 $0x20, s13  }
0x4f3: {  	[hbm4b:s16+s3] =	stream.linear.scatter [tilespmem:s15], [sflag:$0x8], $0x80, $0x38;
	[tilespmem:$0x16C00] =	vst v63  }
0x4f4: {  	s2 =	simm.s32 $0x2200;
	s21 =	sadd.s32 $0x30, s13;
	s7 =	simm.s32 $0x14DB8  }
0x4f5: {  	[hbm4b:s21+s3] =	stream.linear.scatter [tilespmem:s17], [sflag:$0x8], $0x80, $0x38;
	[tilespmem:$0x16C00] =	vst v63  }
0x4f6: {  	s12 =	simm.s32 $0x14C20;
	s14 =	sadd.s32 $0x40, s13;
	s15 =	simm.s32 $0x14CA8  }
0x4f7: {  	[hbm4b:s14+s3] =	stream.linear.scatter [tilespmem:s12], [sflag:$0x8], $0x80, $0x38;
	[tilespmem:$0x16C00] =	vst v63  }
0x4f8: {  	s16 =	sadd.s32 $0x50, s13;
	s17 =	simm.s32 $0x14D30;
	s21 =	sadd.s32 $0x60, s13  }
0x4f9: {  	[hbm4b:s16+s3] =	stream.linear.scatter [tilespmem:s15], [sflag:$0x8], $0x80, $0x38;
	[tilespmem:$0x16C00] =	vst v63  }
0x4fa: {  	s12 =	simm.s32 $0x440;
	s14 =	sadd.s32 $0x70, s13;
	s13 =	sadd.s32 $0x1000, s13  }
0x4fb: {  	[hbm4b:s21+s3] =	stream.linear.scatter [tilespmem:s17], [sflag:$0x8], $0x80, $0x38;
	[tilespmem:$0x16C00] =	vst v63  }
.LBB2_50:
0x4fc: {  	[hbm4b:s14+s3] =	stream.linear.scatter [tilespmem:s7], [sflag:$0x8], $0x80, $0x38;
	[tilespmem:$0x16C00] =	vst v63  }
0x4fd: {  	s7 =	smov.u32 s12;
	s12 =	smov.u32 s2  }
0x4fe: {  	s15 =	sadd.s32 $0x1100, s2;
	s12 =	sshra.s32 s12, $0x2;
	s14 =	sadd.s32 $0x14A00, s7  }
0x4ff: {  	[hbm4b:s13+s3] =	stream.linear.scatter [tilespmem:s14], [sflag:$0x8], $0x80, $0x38;
	[tilespmem:$0x16C00] =	vst v63  }
0x500: {  	p0 =	sne.s32 s2, $0x7700;
	s2 =	sadd.s32 $0x14A88, s7;
	s14 =	sadd.s32 $0x10, s13  }
0x501: {  	[hbm4b:s14+s3] =	stream.linear.scatter [tilespmem:s2], [sflag:$0x8], $0x80, $0x38;
	[tilespmem:$0x16C00] =	vst v63  }
0x502: {  	s2 =	sadd.s32 $0x14B10, s7;
	s14 =	sadd.s32 $0x20, s13  }
0x503: {  	[hbm4b:s14+s3] =	stream.linear.scatter [tilespmem:s2], [sflag:$0x8], $0x80, $0x38;
	[tilespmem:$0x16C00] =	vst v63  }
0x504: {  	s2 =	sadd.s32 $0x14B98, s7;
	s14 =	sadd.s32 $0x30, s13  }
0x505: {  	[hbm4b:s14+s3] =	stream.linear.scatter [tilespmem:s2], [sflag:$0x8], $0x80, $0x38;
	[tilespmem:$0x16C00] =	vst v63  }
0x506: {  	s2 =	sadd.s32 $0x14C20, s7;
	s14 =	sadd.s32 $0x40, s13  }
0x507: {  	[hbm4b:s14+s3] =	stream.linear.scatter [tilespmem:s2], [sflag:$0x8], $0x80, $0x38;
	[tilespmem:$0x16C00] =	vst v63  }
.Ltmp24:
0x508: {  	s2 =	sadd.s32 $0x14CA8, s7;
	s14 =	sadd.s32 $0x50, s13;
	(pc) =	sbr.rel @p0 .LBB2_50-.Ltmp24, $4  }
0x509: {  	[hbm4b:s14+s3] =	stream.linear.scatter [tilespmem:s2], [sflag:$0x8], $0x80, $0x38;
	[tilespmem:$0x16C00] =	vst v63  }
0x50a: {  	s2 =	sadd.s32 $0x14D30, s7;
	s14 =	sadd.s32 $0x60, s13;
	s7 =	sadd.s32 $0x14DB8, s7  }
0x50b: {  	[hbm4b:s14+s3] =	stream.linear.scatter [tilespmem:s2], [sflag:$0x8], $0x80, $0x38;
	[tilespmem:$0x16C00] =	vst v63  }
0x50c: {  	s14 =	sadd.s32 $0x70, s13;
	s13 =	sadd.s32 $0x1000, s13;
	s2 =	smov.u32 s15  }
0x50d: {  	[hbm4b:s14+s3] =	stream.linear.scatter [tilespmem:s7], [sflag:$0x8], $0x80, $0x38;
	[tilespmem:$0x16C00] =	vst v63  }
0x50e: {  	s2 =	sadd.s32 $0x14A00, s12  }
0x50f: {  	[hbm4b:s13+s3] =	stream.linear.scatter [tilespmem:s2], [sflag:$0x8], $0x80, $0x38;
	[tilespmem:$0x16C00] =	vst v63  }
0x510: {  	s15 =	sadd.s32 $0x14A88, s12;
	s16 =	sadd.s32 $0x10, s13  }
0x511: {  	[hbm4b:s16+s3] =	stream.linear.scatter [tilespmem:s15], [sflag:$0x8], $0x80, $0x38;
	[tilespmem:$0x16C00] =	vst v63  }
0x512: {  	s17 =	sadd.s32 $0x14B10, s12;
	s21 =	sadd.s32 $0x20, s13  }
0x513: {  	[hbm4b:s21+s3] =	stream.linear.scatter [tilespmem:s17], [sflag:$0x8], $0x80, $0x38;
	[tilespmem:$0x16C00] =	vst v63  }
0x514: {  	s7 =	sadd.s32 $0x14B98, s12;
	s14 =	sadd.s32 $0x30, s13  }
0x515: {  	[hbm4b:s14+s3] =	stream.linear.scatter [tilespmem:s7], [sflag:$0x8], $0x80, $0x38;
	[tilespmem:$0x16C00] =	vst v63  }
0x516: {  	s15 =	sadd.s32 $0x14C20, s12;
	s16 =	sadd.s32 $0x40, s13  }
0x517: {  	[hbm4b:s16+s3] =	stream.linear.scatter [tilespmem:s15], [sflag:$0x8], $0x80, $0x38;
	[tilespmem:$0x16C00] =	vst v63  }
0x518: {  	s17 =	sadd.s32 $0x14CA8, s12;
	s21 =	sadd.s32 $0x50, s13  }
0x519: {  	[hbm4b:s21+s3] =	stream.linear.scatter [tilespmem:s17], [sflag:$0x8], $0x80, $0x38;
	[tilespmem:$0x16C00] =	vst v63  }
0x51a: {  	s7 =	sadd.s32 $0x14D30, s12;
	s14 =	sadd.s32 $0x60, s13  }
0x51b: {  	[hbm4b:s14+s3] =	stream.linear.scatter [tilespmem:s7], [sflag:$0x8], $0x80, $0x38;
	[tilespmem:$0x16C00] =	vst v63  }
0x51c: {  	s15 =	sadd.s32 $0x14DB8, s12;
	s16 =	sadd.s32 $0x70, s13  }
0x51d: {  	[hbm4b:s16+s3] =	stream.linear.scatter [tilespmem:s15], [sflag:$0x8], $0x80, $0x38;
	[tilespmem:$0x16C00] =	vst v63  }
0x51e: {  	_ =	swait.ge [sflag:s6], $0x2000  }
0x51f: {  	[sflag:s6] =	ssyncset.done $0x0  }
0x520: {  	[sflag:s6] =	ssyncadd.s32 $0xFFFFE000  }
0x521: {  	_ =	swait.ge [sflag:s18], $0x2000  }
0x522: {  	[sflag:s18] =	ssyncset.done $0x0  }
0x523: {  	[sflag:s18] =	ssyncadd.s32 $0xFFFFE000  }
0x524: {  	_ =	swait.ge [sflag:s19], $0x2000  }
0x525: {  	[sflag:s19] =	ssyncset.done $0x0  }
0x526: {  	[sflag:s19] =	ssyncadd.s32 $0xFFFFE000  }
0x527: {  	_ =	swait.ge [sflag:s11], $0x2000  }
0x528: {  	s17 =	rddreg [dreg:$0xd]  }
0x529: {  	s21 =	rddreg [dreg:$0xc];
	s7 =	sadd.s32 $0x1, s17  }
0x52a: {  	p0 =	sne.s32 s7, s21  }
.Ltmp25:
0x52b: {  	_ = 	snop;
	(pc) =	sbr.rel @p0 .LBB2_1-.Ltmp25, $3  }
0x52c: {  	_ =	sdelay $0x1  }
0x52d: {  	[sflag:s11] =	ssyncset.done $0x0  }
0x52e: {  	[sflag:s11] =	ssyncadd.s32 $0xFFFFE000  }
0x52f: {  	_ =	sfence.sel $0x180000  }
0x530: {  	[bflag:$0x0] =	sbarrier.arrive $0xFFFF  }
0x531: {  	_ =	strace $0x90000047  }
0x532: {  	s0 =	stileid.u32;
	[bflag:$0x2] =	sbarrier.arrive $0xFFFF  }
0x533: {  	p0 =	sne.s32 s0, $0x0;
	s0 =	rddreg [dreg:$0x2]  }
0x534: {  	s0 =	sadd.s32 @!p0 $0x100000, s0  }
0x535: {  	[sflag:s0] =	ssyncadd.tile.s32 @!p0 $0x1;
	_ =	shalt  }
.Lfunc_end2:
_tile_overlayer_lowered:
.L_overlay_start_2:
0x536: {  	(tag) =	ssettag $0x2  }
0x537: {  	s0 =	rddreg [dreg:$0x0];
	s2 =	stileid.u32  }
0x538: {  	s1 =	rddreg [dreg:$0x1];
	p0 =	sne.s32 s2, $0x0  }
0x539: {  	s3 =	rddreg [dreg:$0x2];
	[bflag:$0x3] =	sbarrier.arrive $0xFFFF;
	s2 =	simm.s32 @!p0 $0x1C09  }
0x53a: {  	[timem:s3], [sflag:s2] =	dma.local @!p0 [hbm:s0], s1  }
0x53b: {  	s0 =	simm.s32 @!p0 $0x9  }
0x53c: {  	_ =	swait.ge @!p0 [sflag:s0], s1  }
0x53d: {  	s1 =	ssub.s32 @!p0 $0x0, s1;
	[sflag:s0] =	ssyncset.done @!p0 $0x0  }
0x53e: {  	[sflag:s0] =	ssyncadd.s32 @!p0 s1  }
0x53f: {  	[bflag:$0x3] =	sbarrier.arrive $0xFFFF  }
0x540: {  	_ =	shalt  }

</sc_bundles>
